<compile_context>
chip_gen: v7x
topology: tpu7x:2x2x1
jax: 0.10.2.dev20260603
libtpu: 0.0.44.dev20260713+nightly
codegen_flags: <defaults>
</compile_context>

<pallas_src>
import jax
import jax.numpy as jnp
from jax import lax
from jax.experimental import pallas as pl
from jax.experimental.pallas import tpu as pltpu
from jax.experimental.pallas import tpu_sc as plsc

NC = 2
NS = 16
L = 16
NW = NC * NS

B = 16384
K = 32
BPW = B // NW
GRP = 16
NB = 4
NGRP = BPW // GRP


def _body(ut_hbm, it_hbm, uids_hbm, iids_hbm, out_hbm,
          uidsv, iidsv, uwins, iwins, outv, sem0, sem1):
  c = lax.axis_index("c")
  s = lax.axis_index("s")
  w = s * NC + c

  pltpu.sync_copy(uids_hbm.at[w], uidsv)
  pltpu.sync_copy(iids_hbm.at[w], iidsv)

  lanes = lax.iota(jnp.int32, L)
  sems = (sem0, sem1)

  def fire(u16, i16, t, p):
    for j in range(NB):
      jj = t * NB + j
      ublk = (u16[jj] // 128) * 128
      iblk = (i16[jj] // 128) * 128
      pltpu.async_copy(ut_hbm.at[:, pl.ds(ublk, 128)],
                       uwins.at[p, j], sems[p])
      pltpu.async_copy(it_hbm.at[:, pl.ds(iblk, 128)],
                       iwins.at[p, j], sems[p])

  def drain(p):
    for j in range(NB):
      pltpu.make_async_copy(ut_hbm.at[:, pl.ds(0, 128)],
                            uwins.at[p, j], sems[p]).wait()
      pltpu.make_async_copy(it_hbm.at[:, pl.ds(0, 128)],
                            iwins.at[p, j], sems[p]).wait()

  def ids_at(g):
    return (uidsv[pl.ds(g * GRP, GRP)], iidsv[pl.ds(g * GRP, GRP)])

  u0_16, i0_16 = ids_at(0)
  fire(u0_16, i0_16, 0, 0)

  def group(g, carry):
    u16, i16 = ids_at(g)
    gn = jnp.minimum(g + 1, NGRP - 1)
    un16, in16 = ids_at(gn)
    acc = jnp.zeros((L,), jnp.float32)
    for t in range(GRP // NB):
      p = t % 2
      if t < GRP // NB - 1:
        fire(u16, i16, t + 1, 1 - p)
      else:
        fire(un16, in16, 0, 1 - p)
      drain(p)
      for j in range(NB):
        jj = t * NB + j
        ulane = jnp.full((L,), u16[jj] % 128, jnp.int32)
        ilane = jnp.full((L,), i16[jj] % 128, jnp.int32)
        pfull = jnp.full((L,), p, jnp.int32)
        jfull = jnp.full((L,), j, jnp.int32)
        u0 = plsc.load_gather(uwins, [pfull, jfull, lanes, ulane])
        u1 = plsc.load_gather(uwins, [pfull, jfull, lanes + L, ulane])
        v0 = plsc.load_gather(iwins, [pfull, jfull, lanes, ilane])
        v1 = plsc.load_gather(iwins, [pfull, jfull, lanes + L, ilane])
        part = u0 * v0 + u1 * v1
        tot = lax.reduce_sum_p.bind(part, axes=(0,))
        acc = jnp.where(lanes == jj, tot, acc)
    outv[pl.ds(g * GRP, GRP)] = acc
    return carry

  lax.fori_loop(0, NGRP, group, 0)

  drain(0)

  pltpu.sync_copy(outv, out_hbm.at[pl.ds(w * BPW, BPW)])


@jax.jit
def _mf(ut, it, uids, iids):
  mesh = plsc.VectorSubcoreMesh(core_axis_name="c", subcore_axis_name="s",
                                num_cores=NC, num_subcores=NS)
  f = pl.kernel(
      _body,
      out_type=jax.ShapeDtypeStruct((B,), jnp.float32),
      mesh=mesh,
      scratch_types=[
          pltpu.VMEM((BPW,), jnp.int32),
          pltpu.VMEM((BPW,), jnp.int32),
          pltpu.VMEM((2, NB, K, 128), jnp.float32),
          pltpu.VMEM((2, NB, K, 128), jnp.float32),
          pltpu.VMEM((BPW,), jnp.float32),
          pltpu.SemaphoreType.DMA,
          pltpu.SemaphoreType.DMA,
      ],
      compiler_params=pltpu.CompilerParams(needs_layout_passes=False,
                                           use_tc_tiling_on_sc=True),
  )
  return f(ut, it, uids, iids)


def kernel(x, user_m, item_m):
  ut = user_m.T
  it = item_m.T
  uids = x[:, 0].astype(jnp.int32).reshape(NW, BPW)
  iids = x[:, 1].astype(jnp.int32).reshape(NW, BPW)
  return _mf(ut, it, uids, iids)

# --- scband reference (transcript-rebuilt; emitter-appended) ---
"""Pipeline reference for scband-mf-65566970741203 (READ-ONLY COPY).

The authoritative reference and input builder live on the scoring server;
editing this copy changes nothing except your own understanding.
"""

import jax, jax.numpy as jnp
import numpy as np

N_USERS = 1000000
N_ITEMS = 1000000
K = 32
BATCH = 16384

def setup_inputs(seed: int = 0) -> dict:
    key = jax.random.key(seed)
    k1, k2, k3 = jax.random.split(key, 3)
    x = jax.random.randint(k1, (BATCH, 2), 0, N_USERS, dtype=jnp.int64 if jax.config.jax_enable_x64 else jnp.int32)
    user_m = jax.random.normal(k2, (N_USERS, K), dtype=jnp.float32) * 0.01
    item_m = jax.random.normal(k3, (N_ITEMS, K), dtype=jnp.float32) * 0.01
    return {"x": x, "user_m": user_m, "item_m": item_m}

def reference(x, user_m, item_m):
    # MF.forward: dropout p=0 is identity in eval/train, so omitted.
    user_ids = x[:, 0]
    item_ids = x[:, 1]
    user_embeds = jnp.take(user_m, user_ids, axis=0)
    item_embeds = jnp.take(item_m, item_ids, axis=0)
    prod = user_embeds * item_embeds
    out = jnp.sum(prod, axis=1)
    return out

if __name__ == "__main__":
    import jax
    _d = setup_inputs()
    print(jax.jit(kernel)(*tuple(_d.values())))

</pallas_src>

<mosaic_0001>
#map = affine_map<(d0, d1) -> (0, 0)>
#map1 = affine_map<(d0, d1) -> (0)>
module attributes {stable_mosaic.version = 14 : i64} {
  func.func @_body(%arg0: i32, %arg1: i32, %arg2: memref<32x1000000xf32, #tpu.memory_space<hbm>>, %arg3: memref<32x1000000xf32, #tpu.memory_space<hbm>>, %arg4: memref<32x512xi32, #tpu.memory_space<hbm>>, %arg5: memref<32x512xi32, #tpu.memory_space<hbm>>, %arg6: memref<16384xf32, #tpu.memory_space<hbm>>, %arg7: memref<512xi32, #tpu.memory_space<vmem>>, %arg8: memref<512xi32, #tpu.memory_space<vmem>>, %arg9: memref<2x4x32x128xf32, #tpu.memory_space<vmem>>, %arg10: memref<2x4x32x128xf32, #tpu.memory_space<vmem>>, %arg11: memref<512xf32, #tpu.memory_space<vmem>>, %arg12: memref<!tpu.dma_semaphore, #tpu.memory_space<semaphore_mem>>, %arg13: memref<!tpu.dma_semaphore, #tpu.memory_space<semaphore_mem>>) attributes {dimension_semantics = [#tpu.dimension_semantics<core_parallel>, #tpu.dimension_semantics<subcore_parallel>], iteration_bounds = array<i64: 2, 16>, scalar_prefetch = 0 : i64, scratch_operands = 7 : i64, tpu.core_type = #tpu.core_type<sc_vector_subcore>, window_params = [{transform_indices = #map}, {transform_indices = #map}, {transform_indices = #map}, {transform_indices = #map}, {transform_indices = #map1}]} {
    %mul3A = arith.constant 2 : i32
    %mul3A_0 = arith.muli %arg1, %mul3A : i32
    %add3A = arith.addi %mul3A_0, %arg0 : i32
    "tpu.region"() ({
      %run_scoped3A = tpu.sem_alloc : memref<!tpu.dma_semaphore, #tpu.memory_space<semaphore_mem>>
      %dma_start3A_463 = arith.constant 0 : i32
      %dma_start3A_464 = tpu.memref_slice %arg4[%add3A, %dma_start3A_463] : memref<32x512xi32, #tpu.memory_space<hbm>> -> memref<1x512xi32, #tpu.memory_space<hbm>>
      %dma_start3A_465 = tpu.memref_squeeze %dma_start3A_464 : memref<1x512xi32, #tpu.memory_space<hbm>> -> memref<512xi32, #tpu.memory_space<hbm>>
      %dma_start3A_466 = arith.constant 0 : i32
      %dma_start3A_467 = tpu.memref_slice %arg4[%add3A, %dma_start3A_466] : memref<32x512xi32, #tpu.memory_space<hbm>> -> memref<1x512xi32, #tpu.memory_space<hbm>>
      %dma_start3A_468 = tpu.memref_squeeze %dma_start3A_467 : memref<1x512xi32, #tpu.memory_space<hbm>> -> memref<512xi32, #tpu.memory_space<hbm>>
      tpu.enqueue_dma source(%dma_start3A_468 : memref<512xi32, #tpu.memory_space<hbm>>) target(%arg7 : memref<512xi32, #tpu.memory_space<vmem>>) target_semaphore(%run_scoped3A : memref<!tpu.dma_semaphore, #tpu.memory_space<semaphore_mem>>)
      %dma_wait3A_469 = arith.constant 0 : i32
      %dma_wait3A_470 = tpu.memref_slice %arg4[%add3A, %dma_wait3A_469] : memref<32x512xi32, #tpu.memory_space<hbm>> -> memref<1x512xi32, #tpu.memory_space<hbm>>
      %dma_wait3A_471 = tpu.memref_squeeze %dma_wait3A_470 : memref<1x512xi32, #tpu.memory_space<hbm>> -> memref<512xi32, #tpu.memory_space<hbm>>
      %dma_wait3A_472 = arith.constant 0 : i32
      %dma_wait3A_473 = tpu.memref_slice %arg4[%add3A, %dma_wait3A_472] : memref<32x512xi32, #tpu.memory_space<hbm>> -> memref<1x512xi32, #tpu.memory_space<hbm>>
      %dma_wait3A_474 = tpu.memref_squeeze %dma_wait3A_473 : memref<1x512xi32, #tpu.memory_space<hbm>> -> memref<512xi32, #tpu.memory_space<hbm>>
      tpu.wait_dma2 semaphore(%run_scoped3A : memref<!tpu.dma_semaphore, #tpu.memory_space<semaphore_mem>>) src(%dma_wait3A_474 : memref<512xi32, #tpu.memory_space<hbm>>) dst(%arg7 : memref<512xi32, #tpu.memory_space<vmem>>)
      tpu.yield
    }) : () -> ()
    "tpu.region"() ({
      %run_scoped3A = tpu.sem_alloc : memref<!tpu.dma_semaphore, #tpu.memory_space<semaphore_mem>>
      %dma_start3A_463 = arith.constant 0 : i32
      %dma_start3A_464 = tpu.memref_slice %arg5[%add3A, %dma_start3A_463] : memref<32x512xi32, #tpu.memory_space<hbm>> -> memref<1x512xi32, #tpu.memory_space<hbm>>
      %dma_start3A_465 = tpu.memref_squeeze %dma_start3A_464 : memref<1x512xi32, #tpu.memory_space<hbm>> -> memref<512xi32, #tpu.memory_space<hbm>>
      %dma_start3A_466 = arith.constant 0 : i32
      %dma_start3A_467 = tpu.memref_slice %arg5[%add3A, %dma_start3A_466] : memref<32x512xi32, #tpu.memory_space<hbm>> -> memref<1x512xi32, #tpu.memory_space<hbm>>
      %dma_start3A_468 = tpu.memref_squeeze %dma_start3A_467 : memref<1x512xi32, #tpu.memory_space<hbm>> -> memref<512xi32, #tpu.memory_space<hbm>>
      tpu.enqueue_dma source(%dma_start3A_468 : memref<512xi32, #tpu.memory_space<hbm>>) target(%arg8 : memref<512xi32, #tpu.memory_space<vmem>>) target_semaphore(%run_scoped3A : memref<!tpu.dma_semaphore, #tpu.memory_space<semaphore_mem>>)
      %dma_wait3A_469 = arith.constant 0 : i32
      %dma_wait3A_470 = tpu.memref_slice %arg5[%add3A, %dma_wait3A_469] : memref<32x512xi32, #tpu.memory_space<hbm>> -> memref<1x512xi32, #tpu.memory_space<hbm>>
      %dma_wait3A_471 = tpu.memref_squeeze %dma_wait3A_470 : memref<1x512xi32, #tpu.memory_space<hbm>> -> memref<512xi32, #tpu.memory_space<hbm>>
      %dma_wait3A_472 = arith.constant 0 : i32
      %dma_wait3A_473 = tpu.memref_slice %arg5[%add3A, %dma_wait3A_472] : memref<32x512xi32, #tpu.memory_space<hbm>> -> memref<1x512xi32, #tpu.memory_space<hbm>>
      %dma_wait3A_474 = tpu.memref_squeeze %dma_wait3A_473 : memref<1x512xi32, #tpu.memory_space<hbm>> -> memref<512xi32, #tpu.memory_space<hbm>>
      tpu.wait_dma2 semaphore(%run_scoped3A : memref<!tpu.dma_semaphore, #tpu.memory_space<semaphore_mem>>) src(%dma_wait3A_474 : memref<512xi32, #tpu.memory_space<hbm>>) dst(%arg8 : memref<512xi32, #tpu.memory_space<vmem>>)
      tpu.yield
    }) : () -> ()
    %iota3A = tpu.iota {dimensions = array<i32: 0>} : vector<16xi32>
    %get3A = arith.constant 0 : index
    %get3A_1 = tpu.vector_load %arg7[%get3A] {strides = array<i32>} : memref<512xi32, #tpu.memory_space<vmem>>, vector<16xi32>,
    %get3A_2 = arith.constant 0 : index
    %get3A_3 = tpu.vector_load %arg8[%get3A_2] {strides = array<i32>} : memref<512xi32, #tpu.memory_space<vmem>>, vector<16xi32>,
    %slice3A = vector.extract_strided_slice %get3A_1 {offsets = [0], sizes = [1], strides = [1]} : vector<16xi32> to vector<1xi32>
    %squeeze3A = vector.extract %slice3A[0] : i32 from vector<1xi32>
    %jit3A = arith.constant 128 : i32
    %div3A = arith.divsi %squeeze3A, %jit3A : i32
    %sign3A = arith.constant 0 : i32
    %sign3A_4 = arith.cmpi sgt, %squeeze3A, %sign3A : i32
    %sign3A_5 = arith.extui %sign3A_4 : i1 to i32
    %sign3A_6 = arith.constant 0 : i32
    %sign3A_7 = arith.cmpi slt, %squeeze3A, %sign3A_6 : i32
    %sign3A_8 = arith.extui %sign3A_7 : i1 to i32
    %sign3A_9 = arith.subi %sign3A_5, %sign3A_8 : i32
    %sign3A_10 = arith.constant 0 : i32
    %sign3A_11 = arith.cmpi sgt, %jit3A, %sign3A_10 : i32
    %sign3A_12 = arith.extui %sign3A_11 : i1 to i32
    %sign3A_13 = arith.constant 0 : i32
    %sign3A_14 = arith.cmpi slt, %jit3A, %sign3A_13 : i32
    %sign3A_15 = arith.extui %sign3A_14 : i1 to i32
    %sign3A_16 = arith.subi %sign3A_12, %sign3A_15 : i32
    %ne3A = arith.cmpi ne, %sign3A_9, %sign3A_16 : i32
    %rem3A = arith.remsi %squeeze3A, %jit3A : i32
    %ne3A_17 = arith.constant 0 : i32
    %ne3A_18 = arith.cmpi ne, %rem3A, %ne3A_17 : i32
    %and3A = arith.andi %ne3A, %ne3A_18 : i1
    %sub3A = arith.constant 1 : i32
    %sub3A_19 = arith.subi %div3A, %sub3A : i32
    %select_n3A = arith.select %and3A, %sub3A_19, %div3A : i32
    %mul3A_20 = arith.constant 128 : i32
    %mul3A_21 = arith.muli %select_n3A, %mul3A_20 : i32
    %slice3A_22 = vector.extract_strided_slice %get3A_3 {offsets = [0], sizes = [1], strides = [1]} : vector<16xi32> to vector<1xi32>
    %squeeze3A_23 = vector.extract %slice3A_22[0] : i32 from vector<1xi32>
    %jit3A_24 = arith.constant 128 : i32
    %div3A_25 = arith.divsi %squeeze3A_23, %jit3A_24 : i32
    %sign3A_26 = arith.constant 0 : i32
    %sign3A_27 = arith.cmpi sgt, %squeeze3A_23, %sign3A_26 : i32
    %sign3A_28 = arith.extui %sign3A_27 : i1 to i32
    %sign3A_29 = arith.constant 0 : i32
    %sign3A_30 = arith.cmpi slt, %squeeze3A_23, %sign3A_29 : i32
    %sign3A_31 = arith.extui %sign3A_30 : i1 to i32
    %sign3A_32 = arith.subi %sign3A_28, %sign3A_31 : i32
    %sign3A_33 = arith.constant 0 : i32
    %sign3A_34 = arith.cmpi sgt, %jit3A_24, %sign3A_33 : i32
    %sign3A_35 = arith.extui %sign3A_34 : i1 to i32
    %sign3A_36 = arith.constant 0 : i32
    %sign3A_37 = arith.cmpi slt, %jit3A_24, %sign3A_36 : i32
    %sign3A_38 = arith.extui %sign3A_37 : i1 to i32
    %sign3A_39 = arith.subi %sign3A_35, %sign3A_38 : i32
    %ne3A_40 = arith.cmpi ne, %sign3A_32, %sign3A_39 : i32
    %rem3A_41 = arith.remsi %squeeze3A_23, %jit3A_24 : i32
    %ne3A_42 = arith.constant 0 : i32
    %ne3A_43 = arith.cmpi ne, %rem3A_41, %ne3A_42 : i32
    %and3A_44 = arith.andi %ne3A_40, %ne3A_43 : i1
    %sub3A_45 = arith.constant 1 : i32
    %sub3A_46 = arith.subi %div3A_25, %sub3A_45 : i32
    %select_n3A_47 = arith.select %and3A_44, %sub3A_46, %div3A_25 : i32
    %mul3A_48 = arith.constant 128 : i32
    %mul3A_49 = arith.muli %select_n3A_47, %mul3A_48 : i32
    %dma_start3A = arith.constant 0 : i32
    %dma_start3A_50 = arith.constant 0 : i32
    %dma_start3A_51 = arith.constant 0 : i32
    %dma_start3A_52 = arith.constant 0 : i32
    %dma_start3A_53 = tpu.memref_slice %arg9[%dma_start3A, %dma_start3A_50, %dma_start3A_51, %dma_start3A_52] : memref<2x4x32x128xf32, #tpu.memory_space<vmem>> -> memref<1x1x32x128xf32, #tpu.memory_space<vmem>>
    %dma_start3A_54 = tpu.memref_squeeze %dma_start3A_53 : memref<1x1x32x128xf32, #tpu.memory_space<vmem>> -> memref<32x128xf32, #tpu.memory_space<vmem>>
    %dma_start3A_55 = arith.constant 0 : i32
    %dma_start3A_56 = tpu.memref_slice %arg2[%dma_start3A_55, %mul3A_21] : memref<32x1000000xf32, #tpu.memory_space<hbm>> -> memref<32x128xf32, #tpu.memory_space<hbm>>
    %dma_start3A_57 = arith.constant 0 : i32
    %dma_start3A_58 = arith.constant 0 : i32
    %dma_start3A_59 = tpu.memref_slice %arg9[%dma_start3A, %dma_start3A_50, %dma_start3A_57, %dma_start3A_58] : memref<2x4x32x128xf32, #tpu.memory_space<vmem>> -> memref<1x1x32x128xf32, #tpu.memory_space<vmem>>
    %dma_start3A_60 = tpu.memref_squeeze %dma_start3A_59 : memref<1x1x32x128xf32, #tpu.memory_space<vmem>> -> memref<32x128xf32, #tpu.memory_space<vmem>>
    %dma_start3A_61 = arith.constant 0 : i32
    %dma_start3A_62 = tpu.memref_slice %arg2[%dma_start3A_61, %mul3A_21] : memref<32x1000000xf32, #tpu.memory_space<hbm>> -> memref<32x128xf32, #tpu.memory_space<hbm>>
    tpu.enqueue_dma source(%dma_start3A_62 : memref<32x128xf32, #tpu.memory_space<hbm>>) target(%dma_start3A_60 : memref<32x128xf32, #tpu.memory_space<vmem>>) target_semaphore(%arg12 : memref<!tpu.dma_semaphore, #tpu.memory_space<semaphore_mem>>)
    %dma_start3A_63 = arith.constant 0 : i32
    %dma_start3A_64 = arith.constant 0 : i32
    %dma_start3A_65 = arith.constant 0 : i32
    %dma_start3A_66 = arith.constant 0 : i32
    %dma_start3A_67 = tpu.memref_slice %arg10[%dma_start3A_63, %dma_start3A_64, %dma_start3A_65, %dma_start3A_66] : memref<2x4x32x128xf32, #tpu.memory_space<vmem>> -> memref<1x1x32x128xf32, #tpu.memory_space<vmem>>
    %dma_start3A_68 = tpu.memref_squeeze %dma_start3A_67 : memref<1x1x32x128xf32, #tpu.memory_space<vmem>> -> memref<32x128xf32, #tpu.memory_space<vmem>>
    %dma_start3A_69 = arith.constant 0 : i32
    %dma_start3A_70 = tpu.memref_slice %arg3[%dma_start3A_69, %mul3A_49] : memref<32x1000000xf32, #tpu.memory_space<hbm>> -> memref<32x128xf32, #tpu.memory_space<hbm>>
    %dma_start3A_71 = arith.constant 0 : i32
    %dma_start3A_72 = arith.constant 0 : i32
    %dma_start3A_73 = tpu.memref_slice %arg10[%dma_start3A_63, %dma_start3A_64, %dma_start3A_71, %dma_start3A_72] : memref<2x4x32x128xf32, #tpu.memory_space<vmem>> -> memref<1x1x32x128xf32, #tpu.memory_space<vmem>>
    %dma_start3A_74 = tpu.memref_squeeze %dma_start3A_73 : memref<1x1x32x128xf32, #tpu.memory_space<vmem>> -> memref<32x128xf32, #tpu.memory_space<vmem>>
    %dma_start3A_75 = arith.constant 0 : i32
    %dma_start3A_76 = tpu.memref_slice %arg3[%dma_start3A_75, %mul3A_49] : memref<32x1000000xf32, #tpu.memory_space<hbm>> -> memref<32x128xf32, #tpu.memory_space<hbm>>
    tpu.enqueue_dma source(%dma_start3A_76 : memref<32x128xf32, #tpu.memory_space<hbm>>) target(%dma_start3A_74 : memref<32x128xf32, #tpu.memory_space<vmem>>) target_semaphore(%arg12 : memref<!tpu.dma_semaphore, #tpu.memory_space<semaphore_mem>>)
    %slice3A_77 = vector.extract_strided_slice %get3A_1 {offsets = [1], sizes = [1], strides = [1]} : vector<16xi32> to vector<1xi32>
    %squeeze3A_78 = vector.extract %slice3A_77[0] : i32 from vector<1xi32>
    %jit3A_79 = arith.constant 128 : i32
    %div3A_80 = arith.divsi %squeeze3A_78, %jit3A_79 : i32
    %sign3A_81 = arith.constant 0 : i32
    %sign3A_82 = arith.cmpi sgt, %squeeze3A_78, %sign3A_81 : i32
    %sign3A_83 = arith.extui %sign3A_82 : i1 to i32
    %sign3A_84 = arith.constant 0 : i32
    %sign3A_85 = arith.cmpi slt, %squeeze3A_78, %sign3A_84 : i32
    %sign3A_86 = arith.extui %sign3A_85 : i1 to i32
    %sign3A_87 = arith.subi %sign3A_83, %sign3A_86 : i32
    %sign3A_88 = arith.constant 0 : i32
    %sign3A_89 = arith.cmpi sgt, %jit3A_79, %sign3A_88 : i32
    %sign3A_90 = arith.extui %sign3A_89 : i1 to i32
    %sign3A_91 = arith.constant 0 : i32
    %sign3A_92 = arith.cmpi slt, %jit3A_79, %sign3A_91 : i32
    %sign3A_93 = arith.extui %sign3A_92 : i1 to i32
    %sign3A_94 = arith.subi %sign3A_90, %sign3A_93 : i32
    %ne3A_95 = arith.cmpi ne, %sign3A_87, %sign3A_94 : i32
    %rem3A_96 = arith.remsi %squeeze3A_78, %jit3A_79 : i32
    %ne3A_97 = arith.constant 0 : i32
    %ne3A_98 = arith.cmpi ne, %rem3A_96, %ne3A_97 : i32
    %and3A_99 = arith.andi %ne3A_95, %ne3A_98 : i1
    %sub3A_100 = arith.constant 1 : i32
    %sub3A_101 = arith.subi %div3A_80, %sub3A_100 : i32
    %select_n3A_102 = arith.select %and3A_99, %sub3A_101, %div3A_80 : i32
    %mul3A_103 = arith.constant 128 : i32
    %mul3A_104 = arith.muli %select_n3A_102, %mul3A_103 : i32
    %slice3A_105 = vector.extract_strided_slice %get3A_3 {offsets = [1], sizes = [1], strides = [1]} : vector<16xi32> to vector<1xi32>
    %squeeze3A_106 = vector.extract %slice3A_105[0] : i32 from vector<1xi32>
    %jit3A_107 = arith.constant 128 : i32
    %div3A_108 = arith.divsi %squeeze3A_106, %jit3A_107 : i32
    %sign3A_109 = arith.constant 0 : i32
    %sign3A_110 = arith.cmpi sgt, %squeeze3A_106, %sign3A_109 : i32
    %sign3A_111 = arith.extui %sign3A_110 : i1 to i32
    %sign3A_112 = arith.constant 0 : i32
    %sign3A_113 = arith.cmpi slt, %squeeze3A_106, %sign3A_112 : i32
    %sign3A_114 = arith.extui %sign3A_113 : i1 to i32
    %sign3A_115 = arith.subi %sign3A_111, %sign3A_114 : i32
    %sign3A_116 = arith.constant 0 : i32
    %sign3A_117 = arith.cmpi sgt, %jit3A_107, %sign3A_116 : i32
    %sign3A_118 = arith.extui %sign3A_117 : i1 to i32
    %sign3A_119 = arith.constant 0 : i32
    %sign3A_120 = arith.cmpi slt, %jit3A_107, %sign3A_119 : i32
    %sign3A_121 = arith.extui %sign3A_120 : i1 to i32
    %sign3A_122 = arith.subi %sign3A_118, %sign3A_121 : i32
    %ne3A_123 = arith.cmpi ne, %sign3A_115, %sign3A_122 : i32
    %rem3A_124 = arith.remsi %squeeze3A_106, %jit3A_107 : i32
    %ne3A_125 = arith.constant 0 : i32
    %ne3A_126 = arith.cmpi ne, %rem3A_124, %ne3A_125 : i32
    %and3A_127 = arith.andi %ne3A_123, %ne3A_126 : i1
    %sub3A_128 = arith.constant 1 : i32
    %sub3A_129 = arith.subi %div3A_108, %sub3A_128 : i32
    %select_n3A_130 = arith.select %and3A_127, %sub3A_129, %div3A_108 : i32
    %mul3A_131 = arith.constant 128 : i32
    %mul3A_132 = arith.muli %select_n3A_130, %mul3A_131 : i32
    %dma_start3A_133 = arith.constant 0 : i32
    %dma_start3A_134 = arith.constant 1 : i32
    %dma_start3A_135 = arith.constant 0 : i32
    %dma_start3A_136 = arith.constant 0 : i32
    %dma_start3A_137 = tpu.memref_slice %arg9[%dma_start3A_133, %dma_start3A_134, %dma_start3A_135, %dma_start3A_136] : memref<2x4x32x128xf32, #tpu.memory_space<vmem>> -> memref<1x1x32x128xf32, #tpu.memory_space<vmem>>
    %dma_start3A_138 = tpu.memref_squeeze %dma_start3A_137 : memref<1x1x32x128xf32, #tpu.memory_space<vmem>> -> memref<32x128xf32, #tpu.memory_space<vmem>>
    %dma_start3A_139 = arith.constant 0 : i32
    %dma_start3A_140 = tpu.memref_slice %arg2[%dma_start3A_139, %mul3A_104] : memref<32x1000000xf32, #tpu.memory_space<hbm>> -> memref<32x128xf32, #tpu.memory_space<hbm>>
    %dma_start3A_141 = arith.constant 0 : i32
    %dma_start3A_142 = arith.constant 0 : i32
    %dma_start3A_143 = tpu.memref_slice %arg9[%dma_start3A_133, %dma_start3A_134, %dma_start3A_141, %dma_start3A_142] : memref<2x4x32x128xf32, #tpu.memory_space<vmem>> -> memref<1x1x32x128xf32, #tpu.memory_space<vmem>>
    %dma_start3A_144 = tpu.memref_squeeze %dma_start3A_143 : memref<1x1x32x128xf32, #tpu.memory_space<vmem>> -> memref<32x128xf32, #tpu.memory_space<vmem>>
    %dma_start3A_145 = arith.constant 0 : i32
    %dma_start3A_146 = tpu.memref_slice %arg2[%dma_start3A_145, %mul3A_104] : memref<32x1000000xf32, #tpu.memory_space<hbm>> -> memref<32x128xf32, #tpu.memory_space<hbm>>
    tpu.enqueue_dma source(%dma_start3A_146 : memref<32x128xf32, #tpu.memory_space<hbm>>) target(%dma_start3A_144 : memref<32x128xf32, #tpu.memory_space<vmem>>) target_semaphore(%arg12 : memref<!tpu.dma_semaphore, #tpu.memory_space<semaphore_mem>>)
    %dma_start3A_147 = arith.constant 0 : i32
    %dma_start3A_148 = arith.constant 1 : i32
    %dma_start3A_149 = arith.constant 0 : i32
    %dma_start3A_150 = arith.constant 0 : i32
    %dma_start3A_151 = tpu.memref_slice %arg10[%dma_start3A_147, %dma_start3A_148, %dma_start3A_149, %dma_start3A_150] : memref<2x4x32x128xf32, #tpu.memory_space<vmem>> -> memref<1x1x32x128xf32, #tpu.memory_space<vmem>>
    %dma_start3A_152 = tpu.memref_squeeze %dma_start3A_151 : memref<1x1x32x128xf32, #tpu.memory_space<vmem>> -> memref<32x128xf32, #tpu.memory_space<vmem>>
    %dma_start3A_153 = arith.constant 0 : i32
    %dma_start3A_154 = tpu.memref_slice %arg3[%dma_start3A_153, %mul3A_132] : memref<32x1000000xf32, #tpu.memory_space<hbm>> -> memref<32x128xf32, #tpu.memory_space<hbm>>
    %dma_start3A_155 = arith.constant 0 : i32
    %dma_start3A_156 = arith.constant 0 : i32
    %dma_start3A_157 = tpu.memref_slice %arg10[%dma_start3A_147, %dma_start3A_148, %dma_start3A_155, %dma_start3A_156] : memref<2x4x32x128xf32, #tpu.memory_space<vmem>> -> memref<1x1x32x128xf32, #tpu.memory_space<vmem>>
    %dma_start3A_158 = tpu.memref_squeeze %dma_start3A_157 : memref<1x1x32x128xf32, #tpu.memory_space<vmem>> -> memref<32x128xf32, #tpu.memory_space<vmem>>
    %dma_start3A_159 = arith.constant 0 : i32
    %dma_start3A_160 = tpu.memref_slice %arg3[%dma_start3A_159, %mul3A_132] : memref<32x1000000xf32, #tpu.memory_space<hbm>> -> memref<32x128xf32, #tpu.memory_space<hbm>>
    tpu.enqueue_dma source(%dma_start3A_160 : memref<32x128xf32, #tpu.memory_space<hbm>>) target(%dma_start3A_158 : memref<32x128xf32, #tpu.memory_space<vmem>>) target_semaphore(%arg12 : memref<!tpu.dma_semaphore, #tpu.memory_space<semaphore_mem>>)
    %slice3A_161 = vector.extract_strided_slice %get3A_1 {offsets = [2], sizes = [1], strides = [1]} : vector<16xi32> to vector<1xi32>
    %squeeze3A_162 = vector.extract %slice3A_161[0] : i32 from vector<1xi32>
    %jit3A_163 = arith.constant 128 : i32
    %div3A_164 = arith.divsi %squeeze3A_162, %jit3A_163 : i32
    %sign3A_165 = arith.constant 0 : i32
    %sign3A_166 = arith.cmpi sgt, %squeeze3A_162, %sign3A_165 : i32
    %sign3A_167 = arith.extui %sign3A_166 : i1 to i32
    %sign3A_168 = arith.constant 0 : i32
    %sign3A_169 = arith.cmpi slt, %squeeze3A_162, %sign3A_168 : i32
    %sign3A_170 = arith.extui %sign3A_169 : i1 to i32
    %sign3A_171 = arith.subi %sign3A_167, %sign3A_170 : i32
    %sign3A_172 = arith.constant 0 : i32
    %sign3A_173 = arith.cmpi sgt, %jit3A_163, %sign3A_172 : i32
    %sign3A_174 = arith.extui %sign3A_173 : i1 to i32
    %sign3A_175 = arith.constant 0 : i32
    %sign3A_176 = arith.cmpi slt, %jit3A_163, %sign3A_175 : i32
    %sign3A_177 = arith.extui %sign3A_176 : i1 to i32
    %sign3A_178 = arith.subi %sign3A_174, %sign3A_177 : i32
    %ne3A_179 = arith.cmpi ne, %sign3A_171, %sign3A_178 : i32
    %rem3A_180 = arith.remsi %squeeze3A_162, %jit3A_163 : i32
    %ne3A_181 = arith.constant 0 : i32
    %ne3A_182 = arith.cmpi ne, %rem3A_180, %ne3A_181 : i32
    %and3A_183 = arith.andi %ne3A_179, %ne3A_182 : i1
    %sub3A_184 = arith.constant 1 : i32
    %sub3A_185 = arith.subi %div3A_164, %sub3A_184 : i32
    %select_n3A_186 = arith.select %and3A_183, %sub3A_185, %div3A_164 : i32
    %mul3A_187 = arith.constant 128 : i32
    %mul3A_188 = arith.muli %select_n3A_186, %mul3A_187 : i32
    %slice3A_189 = vector.extract_strided_slice %get3A_3 {offsets = [2], sizes = [1], strides = [1]} : vector<16xi32> to vector<1xi32>
    %squeeze3A_190 = vector.extract %slice3A_189[0] : i32 from vector<1xi32>
    %jit3A_191 = arith.constant 128 : i32
    %div3A_192 = arith.divsi %squeeze3A_190, %jit3A_191 : i32
    %sign3A_193 = arith.constant 0 : i32
    %sign3A_194 = arith.cmpi sgt, %squeeze3A_190, %sign3A_193 : i32
    %sign3A_195 = arith.extui %sign3A_194 : i1 to i32
    %sign3A_196 = arith.constant 0 : i32
    %sign3A_197 = arith.cmpi slt, %squeeze3A_190, %sign3A_196 : i32
    %sign3A_198 = arith.extui %sign3A_197 : i1 to i32
    %sign3A_199 = arith.subi %sign3A_195, %sign3A_198 : i32
    %sign3A_200 = arith.constant 0 : i32
    %sign3A_201 = arith.cmpi sgt, %jit3A_191, %sign3A_200 : i32
    %sign3A_202 = arith.extui %sign3A_201 : i1 to i32
    %sign3A_203 = arith.constant 0 : i32
    %sign3A_204 = arith.cmpi slt, %jit3A_191, %sign3A_203 : i32
    %sign3A_205 = arith.extui %sign3A_204 : i1 to i32
    %sign3A_206 = arith.subi %sign3A_202, %sign3A_205 : i32
    %ne3A_207 = arith.cmpi ne, %sign3A_199, %sign3A_206 : i32
    %rem3A_208 = arith.remsi %squeeze3A_190, %jit3A_191 : i32
    %ne3A_209 = arith.constant 0 : i32
    %ne3A_210 = arith.cmpi ne, %rem3A_208, %ne3A_209 : i32
    %and3A_211 = arith.andi %ne3A_207, %ne3A_210 : i1
    %sub3A_212 = arith.constant 1 : i32
    %sub3A_213 = arith.subi %div3A_192, %sub3A_212 : i32
    %select_n3A_214 = arith.select %and3A_211, %sub3A_213, %div3A_192 : i32
    %mul3A_215 = arith.constant 128 : i32
    %mul3A_216 = arith.muli %select_n3A_214, %mul3A_215 : i32
    %dma_start3A_217 = arith.constant 0 : i32
    %dma_start3A_218 = arith.constant 2 : i32
    %dma_start3A_219 = arith.constant 0 : i32
    %dma_start3A_220 = arith.constant 0 : i32
    %dma_start3A_221 = tpu.memref_slice %arg9[%dma_start3A_217, %dma_start3A_218, %dma_start3A_219, %dma_start3A_220] : memref<2x4x32x128xf32, #tpu.memory_space<vmem>> -> memref<1x1x32x128xf32, #tpu.memory_space<vmem>>
    %dma_start3A_222 = tpu.memref_squeeze %dma_start3A_221 : memref<1x1x32x128xf32, #tpu.memory_space<vmem>> -> memref<32x128xf32, #tpu.memory_space<vmem>>
    %dma_start3A_223 = arith.constant 0 : i32
    %dma_start3A_224 = tpu.memref_slice %arg2[%dma_start3A_223, %mul3A_188] : memref<32x1000000xf32, #tpu.memory_space<hbm>> -> memref<32x128xf32, #tpu.memory_space<hbm>>
    %dma_start3A_225 = arith.constant 0 : i32
    %dma_start3A_226 = arith.constant 0 : i32
    %dma_start3A_227 = tpu.memref_slice %arg9[%dma_start3A_217, %dma_start3A_218, %dma_start3A_225, %dma_start3A_226] : memref<2x4x32x128xf32, #tpu.memory_space<vmem>> -> memref<1x1x32x128xf32, #tpu.memory_space<vmem>>
    %dma_start3A_228 = tpu.memref_squeeze %dma_start3A_227 : memref<1x1x32x128xf32, #tpu.memory_space<vmem>> -> memref<32x128xf32, #tpu.memory_space<vmem>>
    %dma_start3A_229 = arith.constant 0 : i32
    %dma_start3A_230 = tpu.memref_slice %arg2[%dma_start3A_229, %mul3A_188] : memref<32x1000000xf32, #tpu.memory_space<hbm>> -> memref<32x128xf32, #tpu.memory_space<hbm>>
    tpu.enqueue_dma source(%dma_start3A_230 : memref<32x128xf32, #tpu.memory_space<hbm>>) target(%dma_start3A_228 : memref<32x128xf32, #tpu.memory_space<vmem>>) target_semaphore(%arg12 : memref<!tpu.dma_semaphore, #tpu.memory_space<semaphore_mem>>)
    %dma_start3A_231 = arith.constant 0 : i32
    %dma_start3A_232 = arith.constant 2 : i32
    %dma_start3A_233 = arith.constant 0 : i32
    %dma_start3A_234 = arith.constant 0 : i32
    %dma_start3A_235 = tpu.memref_slice %arg10[%dma_start3A_231, %dma_start3A_232, %dma_start3A_233, %dma_start3A_234] : memref<2x4x32x128xf32, #tpu.memory_space<vmem>> -> memref<1x1x32x128xf32, #tpu.memory_space<vmem>>
    %dma_start3A_236 = tpu.memref_squeeze %dma_start3A_235 : memref<1x1x32x128xf32, #tpu.memory_space<vmem>> -> memref<32x128xf32, #tpu.memory_space<vmem>>
    %dma_start3A_237 = arith.constant 0 : i32
    %dma_start3A_238 = tpu.memref_slice %arg3[%dma_start3A_237, %mul3A_216] : memref<32x1000000xf32, #tpu.memory_space<hbm>> -> memref<32x128xf32, #tpu.memory_space<hbm>>
    %dma_start3A_239 = arith.constant 0 : i32
    %dma_start3A_240 = arith.constant 0 : i32
    %dma_start3A_241 = tpu.memref_slice %arg10[%dma_start3A_231, %dma_start3A_232, %dma_start3A_239, %dma_start3A_240] : memref<2x4x32x128xf32, #tpu.memory_space<vmem>> -> memref<1x1x32x128xf32, #tpu.memory_space<vmem>>
    %dma_start3A_242 = tpu.memref_squeeze %dma_start3A_241 : memref<1x1x32x128xf32, #tpu.memory_space<vmem>> -> memref<32x128xf32, #tpu.memory_space<vmem>>
    %dma_start3A_243 = arith.constant 0 : i32
    %dma_start3A_244 = tpu.memref_slice %arg3[%dma_start3A_243, %mul3A_216] : memref<32x1000000xf32, #tpu.memory_space<hbm>> -> memref<32x128xf32, #tpu.memory_space<hbm>>
    tpu.enqueue_dma source(%dma_start3A_244 : memref<32x128xf32, #tpu.memory_space<hbm>>) target(%dma_start3A_242 : memref<32x128xf32, #tpu.memory_space<vmem>>) target_semaphore(%arg12 : memref<!tpu.dma_semaphore, #tpu.memory_space<semaphore_mem>>)
    %slice3A_245 = vector.extract_strided_slice %get3A_1 {offsets = [3], sizes = [1], strides = [1]} : vector<16xi32> to vector<1xi32>
    %squeeze3A_246 = vector.extract %slice3A_245[0] : i32 from vector<1xi32>
    %jit3A_247 = arith.constant 128 : i32
    %div3A_248 = arith.divsi %squeeze3A_246, %jit3A_247 : i32
    %sign3A_249 = arith.constant 0 : i32
    %sign3A_250 = arith.cmpi sgt, %squeeze3A_246, %sign3A_249 : i32
    %sign3A_251 = arith.extui %sign3A_250 : i1 to i32
    %sign3A_252 = arith.constant 0 : i32
    %sign3A_253 = arith.cmpi slt, %squeeze3A_246, %sign3A_252 : i32
    %sign3A_254 = arith.extui %sign3A_253 : i1 to i32
    %sign3A_255 = arith.subi %sign3A_251, %sign3A_254 : i32
    %sign3A_256 = arith.constant 0 : i32
    %sign3A_257 = arith.cmpi sgt, %jit3A_247, %sign3A_256 : i32
    %sign3A_258 = arith.extui %sign3A_257 : i1 to i32
    %sign3A_259 = arith.constant 0 : i32
    %sign3A_260 = arith.cmpi slt, %jit3A_247, %sign3A_259 : i32
    %sign3A_261 = arith.extui %sign3A_260 : i1 to i32
    %sign3A_262 = arith.subi %sign3A_258, %sign3A_261 : i32
    %ne3A_263 = arith.cmpi ne, %sign3A_255, %sign3A_262 : i32
    %rem3A_264 = arith.remsi %squeeze3A_246, %jit3A_247 : i32
    %ne3A_265 = arith.constant 0 : i32
    %ne3A_266 = arith.cmpi ne, %rem3A_264, %ne3A_265 : i32
    %and3A_267 = arith.andi %ne3A_263, %ne3A_266 : i1
    %sub3A_268 = arith.constant 1 : i32
    %sub3A_269 = arith.subi %div3A_248, %sub3A_268 : i32
    %select_n3A_270 = arith.select %and3A_267, %sub3A_269, %div3A_248 : i32
    %mul3A_271 = arith.constant 128 : i32
    %mul3A_272 = arith.muli %select_n3A_270, %mul3A_271 : i32
    %slice3A_273 = vector.extract_strided_slice %get3A_3 {offsets = [3], sizes = [1], strides = [1]} : vector<16xi32> to vector<1xi32>
    %squeeze3A_274 = vector.extract %slice3A_273[0] : i32 from vector<1xi32>
    %jit3A_275 = arith.constant 128 : i32
    %div3A_276 = arith.divsi %squeeze3A_274, %jit3A_275 : i32
    %sign3A_277 = arith.constant 0 : i32
    %sign3A_278 = arith.cmpi sgt, %squeeze3A_274, %sign3A_277 : i32
    %sign3A_279 = arith.extui %sign3A_278 : i1 to i32
    %sign3A_280 = arith.constant 0 : i32
    %sign3A_281 = arith.cmpi slt, %squeeze3A_274, %sign3A_280 : i32
    %sign3A_282 = arith.extui %sign3A_281 : i1 to i32
    %sign3A_283 = arith.subi %sign3A_279, %sign3A_282 : i32
    %sign3A_284 = arith.constant 0 : i32
    %sign3A_285 = arith.cmpi sgt, %jit3A_275, %sign3A_284 : i32
    %sign3A_286 = arith.extui %sign3A_285 : i1 to i32
    %sign3A_287 = arith.constant 0 : i32
    %sign3A_288 = arith.cmpi slt, %jit3A_275, %sign3A_287 : i32
    %sign3A_289 = arith.extui %sign3A_288 : i1 to i32
    %sign3A_290 = arith.subi %sign3A_286, %sign3A_289 : i32
    %ne3A_291 = arith.cmpi ne, %sign3A_283, %sign3A_290 : i32
    %rem3A_292 = arith.remsi %squeeze3A_274, %jit3A_275 : i32
    %ne3A_293 = arith.constant 0 : i32
    %ne3A_294 = arith.cmpi ne, %rem3A_292, %ne3A_293 : i32
    %and3A_295 = arith.andi %ne3A_291, %ne3A_294 : i1
    %sub3A_296 = arith.constant 1 : i32
    %sub3A_297 = arith.subi %div3A_276, %sub3A_296 : i32
    %select_n3A_298 = arith.select %and3A_295, %sub3A_297, %div3A_276 : i32
    %mul3A_299 = arith.constant 128 : i32
    %mul3A_300 = arith.muli %select_n3A_298, %mul3A_299 : i32
    %dma_start3A_301 = arith.constant 0 : i32
    %dma_start3A_302 = arith.constant 3 : i32
    %dma_start3A_303 = arith.constant 0 : i32
    %dma_start3A_304 = arith.constant 0 : i32
    %dma_start3A_305 = tpu.memref_slice %arg9[%dma_start3A_301, %dma_start3A_302, %dma_start3A_303, %dma_start3A_304] : memref<2x4x32x128xf32, #tpu.memory_space<vmem>> -> memref<1x1x32x128xf32, #tpu.memory_space<vmem>>
    %dma_start3A_306 = tpu.memref_squeeze %dma_start3A_305 : memref<1x1x32x128xf32, #tpu.memory_space<vmem>> -> memref<32x128xf32, #tpu.memory_space<vmem>>
    %dma_start3A_307 = arith.constant 0 : i32
    %dma_start3A_308 = tpu.memref_slice %arg2[%dma_start3A_307, %mul3A_272] : memref<32x1000000xf32, #tpu.memory_space<hbm>> -> memref<32x128xf32, #tpu.memory_space<hbm>>
    %dma_start3A_309 = arith.constant 0 : i32
    %dma_start3A_310 = arith.constant 0 : i32
    %dma_start3A_311 = tpu.memref_slice %arg9[%dma_start3A_301, %dma_start3A_302, %dma_start3A_309, %dma_start3A_310] : memref<2x4x32x128xf32, #tpu.memory_space<vmem>> -> memref<1x1x32x128xf32, #tpu.memory_space<vmem>>
    %dma_start3A_312 = tpu.memref_squeeze %dma_start3A_311 : memref<1x1x32x128xf32, #tpu.memory_space<vmem>> -> memref<32x128xf32, #tpu.memory_space<vmem>>
    %dma_start3A_313 = arith.constant 0 : i32
    %dma_start3A_314 = tpu.memref_slice %arg2[%dma_start3A_313, %mul3A_272] : memref<32x1000000xf32, #tpu.memory_space<hbm>> -> memref<32x128xf32, #tpu.memory_space<hbm>>
    tpu.enqueue_dma source(%dma_start3A_314 : memref<32x128xf32, #tpu.memory_space<hbm>>) target(%dma_start3A_312 : memref<32x128xf32, #tpu.memory_space<vmem>>) target_semaphore(%arg12 : memref<!tpu.dma_semaphore, #tpu.memory_space<semaphore_mem>>)
    %dma_start3A_315 = arith.constant 0 : i32
    %dma_start3A_316 = arith.constant 3 : i32
    %dma_start3A_317 = arith.constant 0 : i32
    %dma_start3A_318 = arith.constant 0 : i32
    %dma_start3A_319 = tpu.memref_slice %arg10[%dma_start3A_315, %dma_start3A_316, %dma_start3A_317, %dma_start3A_318] : memref<2x4x32x128xf32, #tpu.memory_space<vmem>> -> memref<1x1x32x128xf32, #tpu.memory_space<vmem>>
    %dma_start3A_320 = tpu.memref_squeeze %dma_start3A_319 : memref<1x1x32x128xf32, #tpu.memory_space<vmem>> -> memref<32x128xf32, #tpu.memory_space<vmem>>
    %dma_start3A_321 = arith.constant 0 : i32
    %dma_start3A_322 = tpu.memref_slice %arg3[%dma_start3A_321, %mul3A_300] : memref<32x1000000xf32, #tpu.memory_space<hbm>> -> memref<32x128xf32, #tpu.memory_space<hbm>>
    %dma_start3A_323 = arith.constant 0 : i32
    %dma_start3A_324 = arith.constant 0 : i32
    %dma_start3A_325 = tpu.memref_slice %arg10[%dma_start3A_315, %dma_start3A_316, %dma_start3A_323, %dma_start3A_324] : memref<2x4x32x128xf32, #tpu.memory_space<vmem>> -> memref<1x1x32x128xf32, #tpu.memory_space<vmem>>
    %dma_start3A_326 = tpu.memref_squeeze %dma_start3A_325 : memref<1x1x32x128xf32, #tpu.memory_space<vmem>> -> memref<32x128xf32, #tpu.memory_space<vmem>>
    %dma_start3A_327 = arith.constant 0 : i32
    %dma_start3A_328 = tpu.memref_slice %arg3[%dma_start3A_327, %mul3A_300] : memref<32x1000000xf32, #tpu.memory_space<hbm>> -> memref<32x128xf32, #tpu.memory_space<hbm>>
    tpu.enqueue_dma source(%dma_start3A_328 : memref<32x128xf32, #tpu.memory_space<hbm>>) target(%dma_start3A_326 : memref<32x128xf32, #tpu.memory_space<vmem>>) target_semaphore(%arg12 : memref<!tpu.dma_semaphore, #tpu.memory_space<semaphore_mem>>)
    %scan3A = arith.constant 0 : i32
    %scan3A_329 = arith.constant 0 : i32
    %scan3A_330 = arith.constant 32 : i32
    %scan3A_331 = arith.addi %scan3A_329, %scan3A_330 : i32
    %scan3A_332 = arith.constant 1 : i32
    scf.for %scan3A_463 = %scan3A_329 to %scan3A_331 step %scan3A_332  : i32 {
      %mul3A_464 = arith.constant 16 : i32
      %mul3A_465 = arith.muli %scan3A_463, %mul3A_464 : i32
      %get3A_466 = arith.index_cast %mul3A_465 : i32 to index
      %get3A_467 = tpu.vector_load %arg7[%get3A_466] {strides = array<i32>} : memref<512xi32, #tpu.memory_space<vmem>>, vector<16xi32>,
      %mul3A_468 = arith.constant 16 : i32
      %mul3A_469 = arith.muli %scan3A_463, %mul3A_468 : i32
      %get3A_470 = arith.index_cast %mul3A_469 : i32 to index
      %get3A_471 = tpu.vector_load %arg8[%get3A_470] {strides = array<i32>} : memref<512xi32, #tpu.memory_space<vmem>>, vector<16xi32>,
      %add3A_472 = arith.constant 1 : i32
      %add3A_473 = arith.addi %scan3A_463, %add3A_472 : i32
      %min3A = arith.constant 31 : i32
      %min3A_474 = arith.minsi %add3A_473, %min3A : i32
      %mul3A_475 = arith.constant 16 : i32
      %mul3A_476 = arith.muli %min3A_474, %mul3A_475 : i32
      %get3A_477 = arith.index_cast %mul3A_476 : i32 to index
      %get3A_478 = tpu.vector_load %arg7[%get3A_477] {strides = array<i32>} : memref<512xi32, #tpu.memory_space<vmem>>, vector<16xi32>,
      %mul3A_479 = arith.constant 16 : i32
      %mul3A_480 = arith.muli %min3A_474, %mul3A_479 : i32
      %get3A_481 = arith.index_cast %mul3A_480 : i32 to index
      %get3A_482 = tpu.vector_load %arg8[%get3A_481] {strides = array<i32>} : memref<512xi32, #tpu.memory_space<vmem>>, vector<16xi32>,
      %broadcast_in_dim3A = arith.constant 0.000000e+00 : f32
      %broadcast_in_dim3A_483 = vector.broadcast %broadcast_in_dim3A : f32 to vector<16xf32>
      %slice3A_484 = vector.extract_strided_slice %get3A_467 {offsets = [4], sizes = [1], strides = [1]} : vector<16xi32> to vector<1xi32>
      %squeeze3A_485 = vector.extract %slice3A_484[0] : i32 from vector<1xi32>
      %jit3A_486 = arith.constant 128 : i32
      %div3A_487 = arith.divsi %squeeze3A_485, %jit3A_486 : i32
      %sign3A_488 = arith.constant 0 : i32
      %sign3A_489 = arith.cmpi sgt, %squeeze3A_485, %sign3A_488 : i32
      %sign3A_490 = arith.extui %sign3A_489 : i1 to i32
      %sign3A_491 = arith.constant 0 : i32
      %sign3A_492 = arith.cmpi slt, %squeeze3A_485, %sign3A_491 : i32
      %sign3A_493 = arith.extui %sign3A_492 : i1 to i32
      %sign3A_494 = arith.subi %sign3A_490, %sign3A_493 : i32
      %sign3A_495 = arith.constant 0 : i32
      %sign3A_496 = arith.cmpi sgt, %jit3A_486, %sign3A_495 : i32
      %sign3A_497 = arith.extui %sign3A_496 : i1 to i32
      %sign3A_498 = arith.constant 0 : i32
      %sign3A_499 = arith.cmpi slt, %jit3A_486, %sign3A_498 : i32
      %sign3A_500 = arith.extui %sign3A_499 : i1 to i32
      %sign3A_501 = arith.subi %sign3A_497, %sign3A_500 : i32
      %ne3A_502 = arith.cmpi ne, %sign3A_494, %sign3A_501 : i32
      %rem3A_503 = arith.remsi %squeeze3A_485, %jit3A_486 : i32
      %ne3A_504 = arith.constant 0 : i32
      %ne3A_505 = arith.cmpi ne, %rem3A_503, %ne3A_504 : i32
      %and3A_506 = arith.andi %ne3A_502, %ne3A_505 : i1
      %sub3A_507 = arith.constant 1 : i32
      %sub3A_508 = arith.subi %div3A_487, %sub3A_507 : i32
      %select_n3A_509 = arith.select %and3A_506, %sub3A_508, %div3A_487 : i32
      %mul3A_510 = arith.constant 128 : i32
      %mul3A_511 = arith.muli %select_n3A_509, %mul3A_510 : i32
      %slice3A_512 = vector.extract_strided_slice %get3A_471 {offsets = [4], sizes = [1], strides = [1]} : vector<16xi32> to vector<1xi32>
      %squeeze3A_513 = vector.extract %slice3A_512[0] : i32 from vector<1xi32>
      %jit3A_514 = arith.constant 128 : i32
      %div3A_515 = arith.divsi %squeeze3A_513, %jit3A_514 : i32
      %sign3A_516 = arith.constant 0 : i32
      %sign3A_517 = arith.cmpi sgt, %squeeze3A_513, %sign3A_516 : i32
      %sign3A_518 = arith.extui %sign3A_517 : i1 to i32
      %sign3A_519 = arith.constant 0 : i32
      %sign3A_520 = arith.cmpi slt, %squeeze3A_513, %sign3A_519 : i32
      %sign3A_521 = arith.extui %sign3A_520 : i1 to i32
      %sign3A_522 = arith.subi %sign3A_518, %sign3A_521 : i32
      %sign3A_523 = arith.constant 0 : i32
      %sign3A_524 = arith.cmpi sgt, %jit3A_514, %sign3A_523 : i32
      %sign3A_525 = arith.extui %sign3A_524 : i1 to i32
      %sign3A_526 = arith.constant 0 : i32
      %sign3A_527 = arith.cmpi slt, %jit3A_514, %sign3A_526 : i32
      %sign3A_528 = arith.extui %sign3A_527 : i1 to i32
      %sign3A_529 = arith.subi %sign3A_525, %sign3A_528 : i32
      %ne3A_530 = arith.cmpi ne, %sign3A_522, %sign3A_529 : i32
      %rem3A_531 = arith.remsi %squeeze3A_513, %jit3A_514 : i32
      %ne3A_532 = arith.constant 0 : i32
      %ne3A_533 = arith.cmpi ne, %rem3A_531, %ne3A_532 : i32
      %and3A_534 = arith.andi %ne3A_530, %ne3A_533 : i1
      %sub3A_535 = arith.constant 1 : i32
      %sub3A_536 = arith.subi %div3A_515, %sub3A_535 : i32
      %select_n3A_537 = arith.select %and3A_534, %sub3A_536, %div3A_515 : i32
      %mul3A_538 = arith.constant 128 : i32
      %mul3A_539 = arith.muli %select_n3A_537, %mul3A_538 : i32
      %dma_start3A_540 = arith.constant 1 : i32
      %dma_start3A_541 = arith.constant 0 : i32
      %dma_start3A_542 = arith.constant 0 : i32
      %dma_start3A_543 = arith.constant 0 : i32
      %dma_start3A_544 = tpu.memref_slice %arg9[%dma_start3A_540, %dma_start3A_541, %dma_start3A_542, %dma_start3A_543] : memref<2x4x32x128xf32, #tpu.memory_space<vmem>> -> memref<1x1x32x128xf32, #tpu.memory_space<vmem>>
      %dma_start3A_545 = tpu.memref_squeeze %dma_start3A_544 : memref<1x1x32x128xf32, #tpu.memory_space<vmem>> -> memref<32x128xf32, #tpu.memory_space<vmem>>
      %dma_start3A_546 = arith.constant 0 : i32
      %dma_start3A_547 = tpu.memref_slice %arg2[%dma_start3A_546, %mul3A_511] : memref<32x1000000xf32, #tpu.memory_space<hbm>> -> memref<32x128xf32, #tpu.memory_space<hbm>>
      %dma_start3A_548 = arith.constant 0 : i32
      %dma_start3A_549 = arith.constant 0 : i32
      %dma_start3A_550 = tpu.memref_slice %arg9[%dma_start3A_540, %dma_start3A_541, %dma_start3A_548, %dma_start3A_549] : memref<2x4x32x128xf32, #tpu.memory_space<vmem>> -> memref<1x1x32x128xf32, #tpu.memory_space<vmem>>
      %dma_start3A_551 = tpu.memref_squeeze %dma_start3A_550 : memref<1x1x32x128xf32, #tpu.memory_space<vmem>> -> memref<32x128xf32, #tpu.memory_space<vmem>>
      %dma_start3A_552 = arith.constant 0 : i32
      %dma_start3A_553 = tpu.memref_slice %arg2[%dma_start3A_552, %mul3A_511] : memref<32x1000000xf32, #tpu.memory_space<hbm>> -> memref<32x128xf32, #tpu.memory_space<hbm>>
      tpu.enqueue_dma source(%dma_start3A_553 : memref<32x128xf32, #tpu.memory_space<hbm>>) target(%dma_start3A_551 : memref<32x128xf32, #tpu.memory_space<vmem>>) target_semaphore(%arg13 : memref<!tpu.dma_semaphore, #tpu.memory_space<semaphore_mem>>)
      %dma_start3A_554 = arith.constant 1 : i32
      %dma_start3A_555 = arith.constant 0 : i32
      %dma_start3A_556 = arith.constant 0 : i32
      %dma_start3A_557 = arith.constant 0 : i32
      %dma_start3A_558 = tpu.memref_slice %arg10[%dma_start3A_554, %dma_start3A_555, %dma_start3A_556, %dma_start3A_557] : memref<2x4x32x128xf32, #tpu.memory_space<vmem>> -> memref<1x1x32x128xf32, #tpu.memory_space<vmem>>
      %dma_start3A_559 = tpu.memref_squeeze %dma_start3A_558 : memref<1x1x32x128xf32, #tpu.memory_space<vmem>> -> memref<32x128xf32, #tpu.memory_space<vmem>>
      %dma_start3A_560 = arith.constant 0 : i32
      %dma_start3A_561 = tpu.memref_slice %arg3[%dma_start3A_560, %mul3A_539] : memref<32x1000000xf32, #tpu.memory_space<hbm>> -> memref<32x128xf32, #tpu.memory_space<hbm>>
      %dma_start3A_562 = arith.constant 0 : i32
      %dma_start3A_563 = arith.constant 0 : i32
      %dma_start3A_564 = tpu.memref_slice %arg10[%dma_start3A_554, %dma_start3A_555, %dma_start3A_562, %dma_start3A_563] : memref<2x4x32x128xf32, #tpu.memory_space<vmem>> -> memref<1x1x32x128xf32, #tpu.memory_space<vmem>>
      %dma_start3A_565 = tpu.memref_squeeze %dma_start3A_564 : memref<1x1x32x128xf32, #tpu.memory_space<vmem>> -> memref<32x128xf32, #tpu.memory_space<vmem>>
      %dma_start3A_566 = arith.constant 0 : i32
      %dma_start3A_567 = tpu.memref_slice %arg3[%dma_start3A_566, %mul3A_539] : memref<32x1000000xf32, #tpu.memory_space<hbm>> -> memref<32x128xf32, #tpu.memory_space<hbm>>
      tpu.enqueue_dma source(%dma_start3A_567 : memref<32x128xf32, #tpu.memory_space<hbm>>) target(%dma_start3A_565 : memref<32x128xf32, #tpu.memory_space<vmem>>) target_semaphore(%arg13 : memref<!tpu.dma_semaphore, #tpu.memory_space<semaphore_mem>>)
      %slice3A_568 = vector.extract_strided_slice %get3A_467 {offsets = [5], sizes = [1], strides = [1]} : vector<16xi32> to vector<1xi32>
      %squeeze3A_569 = vector.extract %slice3A_568[0] : i32 from vector<1xi32>
      %jit3A_570 = arith.constant 128 : i32
      %div3A_571 = arith.divsi %squeeze3A_569, %jit3A_570 : i32
      %sign3A_572 = arith.constant 0 : i32
      %sign3A_573 = arith.cmpi sgt, %squeeze3A_569, %sign3A_572 : i32
      %sign3A_574 = arith.extui %sign3A_573 : i1 to i32
      %sign3A_575 = arith.constant 0 : i32
      %sign3A_576 = arith.cmpi slt, %squeeze3A_569, %sign3A_575 : i32
      %sign3A_577 = arith.extui %sign3A_576 : i1 to i32
      %sign3A_578 = arith.subi %sign3A_574, %sign3A_577 : i32
      %sign3A_579 = arith.constant 0 : i32
      %sign3A_580 = arith.cmpi sgt, %jit3A_570, %sign3A_579 : i32
      %sign3A_581 = arith.extui %sign3A_580 : i1 to i32
      %sign3A_582 = arith.constant 0 : i32
      %sign3A_583 = arith.cmpi slt, %jit3A_570, %sign3A_582 : i32
      %sign3A_584 = arith.extui %sign3A_583 : i1 to i32
      %sign3A_585 = arith.subi %sign3A_581, %sign3A_584 : i32
      %ne3A_586 = arith.cmpi ne, %sign3A_578, %sign3A_585 : i32
      %rem3A_587 = arith.remsi %squeeze3A_569, %jit3A_570 : i32
      %ne3A_588 = arith.constant 0 : i32
      %ne3A_589 = arith.cmpi ne, %rem3A_587, %ne3A_588 : i32
      %and3A_590 = arith.andi %ne3A_586, %ne3A_589 : i1
      %sub3A_591 = arith.constant 1 : i32
      %sub3A_592 = arith.subi %div3A_571, %sub3A_591 : i32
      %select_n3A_593 = arith.select %and3A_590, %sub3A_592, %div3A_571 : i32
      %mul3A_594 = arith.constant 128 : i32
      %mul3A_595 = arith.muli %select_n3A_593, %mul3A_594 : i32
      %slice3A_596 = vector.extract_strided_slice %get3A_471 {offsets = [5], sizes = [1], strides = [1]} : vector<16xi32> to vector<1xi32>
      %squeeze3A_597 = vector.extract %slice3A_596[0] : i32 from vector<1xi32>
      %jit3A_598 = arith.constant 128 : i32
      %div3A_599 = arith.divsi %squeeze3A_597, %jit3A_598 : i32
      %sign3A_600 = arith.constant 0 : i32
      %sign3A_601 = arith.cmpi sgt, %squeeze3A_597, %sign3A_600 : i32
      %sign3A_602 = arith.extui %sign3A_601 : i1 to i32
      %sign3A_603 = arith.constant 0 : i32
      %sign3A_604 = arith.cmpi slt, %squeeze3A_597, %sign3A_603 : i32
      %sign3A_605 = arith.extui %sign3A_604 : i1 to i32
      %sign3A_606 = arith.subi %sign3A_602, %sign3A_605 : i32
      %sign3A_607 = arith.constant 0 : i32
      %sign3A_608 = arith.cmpi sgt, %jit3A_598, %sign3A_607 : i32
      %sign3A_609 = arith.extui %sign3A_608 : i1 to i32
      %sign3A_610 = arith.constant 0 : i32
      %sign3A_611 = arith.cmpi slt, %jit3A_598, %sign3A_610 : i32
      %sign3A_612 = arith.extui %sign3A_611 : i1 to i32
      %sign3A_613 = arith.subi %sign3A_609, %sign3A_612 : i32
      %ne3A_614 = arith.cmpi ne, %sign3A_606, %sign3A_613 : i32
      %rem3A_615 = arith.remsi %squeeze3A_597, %jit3A_598 : i32
      %ne3A_616 = arith.constant 0 : i32
      %ne3A_617 = arith.cmpi ne, %rem3A_615, %ne3A_616 : i32
      %and3A_618 = arith.andi %ne3A_614, %ne3A_617 : i1
      %sub3A_619 = arith.constant 1 : i32
      %sub3A_620 = arith.subi %div3A_599, %sub3A_619 : i32
      %select_n3A_621 = arith.select %and3A_618, %sub3A_620, %div3A_599 : i32
      %mul3A_622 = arith.constant 128 : i32
      %mul3A_623 = arith.muli %select_n3A_621, %mul3A_622 : i32
      %dma_start3A_624 = arith.constant 1 : i32
      %dma_start3A_625 = arith.constant 1 : i32
      %dma_start3A_626 = arith.constant 0 : i32
      %dma_start3A_627 = arith.constant 0 : i32
      %dma_start3A_628 = tpu.memref_slice %arg9[%dma_start3A_624, %dma_start3A_625, %dma_start3A_626, %dma_start3A_627] : memref<2x4x32x128xf32, #tpu.memory_space<vmem>> -> memref<1x1x32x128xf32, #tpu.memory_space<vmem>>
      %dma_start3A_629 = tpu.memref_squeeze %dma_start3A_628 : memref<1x1x32x128xf32, #tpu.memory_space<vmem>> -> memref<32x128xf32, #tpu.memory_space<vmem>>
      %dma_start3A_630 = arith.constant 0 : i32
      %dma_start3A_631 = tpu.memref_slice %arg2[%dma_start3A_630, %mul3A_595] : memref<32x1000000xf32, #tpu.memory_space<hbm>> -> memref<32x128xf32, #tpu.memory_space<hbm>>
      %dma_start3A_632 = arith.constant 0 : i32
      %dma_start3A_633 = arith.constant 0 : i32
      %dma_start3A_634 = tpu.memref_slice %arg9[%dma_start3A_624, %dma_start3A_625, %dma_start3A_632, %dma_start3A_633] : memref<2x4x32x128xf32, #tpu.memory_space<vmem>> -> memref<1x1x32x128xf32, #tpu.memory_space<vmem>>
      %dma_start3A_635 = tpu.memref_squeeze %dma_start3A_634 : memref<1x1x32x128xf32, #tpu.memory_space<vmem>> -> memref<32x128xf32, #tpu.memory_space<vmem>>
      %dma_start3A_636 = arith.constant 0 : i32
      %dma_start3A_637 = tpu.memref_slice %arg2[%dma_start3A_636, %mul3A_595] : memref<32x1000000xf32, #tpu.memory_space<hbm>> -> memref<32x128xf32, #tpu.memory_space<hbm>>
      tpu.enqueue_dma source(%dma_start3A_637 : memref<32x128xf32, #tpu.memory_space<hbm>>) target(%dma_start3A_635 : memref<32x128xf32, #tpu.memory_space<vmem>>) target_semaphore(%arg13 : memref<!tpu.dma_semaphore, #tpu.memory_space<semaphore_mem>>)
      %dma_start3A_638 = arith.constant 1 : i32
      %dma_start3A_639 = arith.constant 1 : i32
      %dma_start3A_640 = arith.constant 0 : i32
      %dma_start3A_641 = arith.constant 0 : i32
      %dma_start3A_642 = tpu.memref_slice %arg10[%dma_start3A_638, %dma_start3A_639, %dma_start3A_640, %dma_start3A_641] : memref<2x4x32x128xf32, #tpu.memory_space<vmem>> -> memref<1x1x32x128xf32, #tpu.memory_space<vmem>>
      %dma_start3A_643 = tpu.memref_squeeze %dma_start3A_642 : memref<1x1x32x128xf32, #tpu.memory_space<vmem>> -> memref<32x128xf32, #tpu.memory_space<vmem>>
      %dma_start3A_644 = arith.constant 0 : i32
      %dma_start3A_645 = tpu.memref_slice %arg3[%dma_start3A_644, %mul3A_623] : memref<32x1000000xf32, #tpu.memory_space<hbm>> -> memref<32x128xf32, #tpu.memory_space<hbm>>
      %dma_start3A_646 = arith.constant 0 : i32
      %dma_start3A_647 = arith.constant 0 : i32
      %dma_start3A_648 = tpu.memref_slice %arg10[%dma_start3A_638, %dma_start3A_639, %dma_start3A_646, %dma_start3A_647] : memref<2x4x32x128xf32, #tpu.memory_space<vmem>> -> memref<1x1x32x128xf32, #tpu.memory_space<vmem>>
      %dma_start3A_649 = tpu.memref_squeeze %dma_start3A_648 : memref<1x1x32x128xf32, #tpu.memory_space<vmem>> -> memref<32x128xf32, #tpu.memory_space<vmem>>
      %dma_start3A_650 = arith.constant 0 : i32
      %dma_start3A_651 = tpu.memref_slice %arg3[%dma_start3A_650, %mul3A_623] : memref<32x1000000xf32, #tpu.memory_space<hbm>> -> memref<32x128xf32, #tpu.memory_space<hbm>>
      tpu.enqueue_dma source(%dma_start3A_651 : memref<32x128xf32, #tpu.memory_space<hbm>>) target(%dma_start3A_649 : memref<32x128xf32, #tpu.memory_space<vmem>>) target_semaphore(%arg13 : memref<!tpu.dma_semaphore, #tpu.memory_space<semaphore_mem>>)
      %slice3A_652 = vector.extract_strided_slice %get3A_467 {offsets = [6], sizes = [1], strides = [1]} : vector<16xi32> to vector<1xi32>
      %squeeze3A_653 = vector.extract %slice3A_652[0] : i32 from vector<1xi32>
      %jit3A_654 = arith.constant 128 : i32
      %div3A_655 = arith.divsi %squeeze3A_653, %jit3A_654 : i32
      %sign3A_656 = arith.constant 0 : i32
      %sign3A_657 = arith.cmpi sgt, %squeeze3A_653, %sign3A_656 : i32
      %sign3A_658 = arith.extui %sign3A_657 : i1 to i32
      %sign3A_659 = arith.constant 0 : i32
      %sign3A_660 = arith.cmpi slt, %squeeze3A_653, %sign3A_659 : i32
      %sign3A_661 = arith.extui %sign3A_660 : i1 to i32
      %sign3A_662 = arith.subi %sign3A_658, %sign3A_661 : i32
      %sign3A_663 = arith.constant 0 : i32
      %sign3A_664 = arith.cmpi sgt, %jit3A_654, %sign3A_663 : i32
      %sign3A_665 = arith.extui %sign3A_664 : i1 to i32
      %sign3A_666 = arith.constant 0 : i32
      %sign3A_667 = arith.cmpi slt, %jit3A_654, %sign3A_666 : i32
      %sign3A_668 = arith.extui %sign3A_667 : i1 to i32
      %sign3A_669 = arith.subi %sign3A_665, %sign3A_668 : i32
      %ne3A_670 = arith.cmpi ne, %sign3A_662, %sign3A_669 : i32
      %rem3A_671 = arith.remsi %squeeze3A_653, %jit3A_654 : i32
      %ne3A_672 = arith.constant 0 : i32
      %ne3A_673 = arith.cmpi ne, %rem3A_671, %ne3A_672 : i32
      %and3A_674 = arith.andi %ne3A_670, %ne3A_673 : i1
      %sub3A_675 = arith.constant 1 : i32
      %sub3A_676 = arith.subi %div3A_655, %sub3A_675 : i32
      %select_n3A_677 = arith.select %and3A_674, %sub3A_676, %div3A_655 : i32
      %mul3A_678 = arith.constant 128 : i32
      %mul3A_679 = arith.muli %select_n3A_677, %mul3A_678 : i32
      %slice3A_680 = vector.extract_strided_slice %get3A_471 {offsets = [6], sizes = [1], strides = [1]} : vector<16xi32> to vector<1xi32>
      %squeeze3A_681 = vector.extract %slice3A_680[0] : i32 from vector<1xi32>
      %jit3A_682 = arith.constant 128 : i32
      %div3A_683 = arith.divsi %squeeze3A_681, %jit3A_682 : i32
      %sign3A_684 = arith.constant 0 : i32
      %sign3A_685 = arith.cmpi sgt, %squeeze3A_681, %sign3A_684 : i32
      %sign3A_686 = arith.extui %sign3A_685 : i1 to i32
      %sign3A_687 = arith.constant 0 : i32
      %sign3A_688 = arith.cmpi slt, %squeeze3A_681, %sign3A_687 : i32
      %sign3A_689 = arith.extui %sign3A_688 : i1 to i32
      %sign3A_690 = arith.subi %sign3A_686, %sign3A_689 : i32
      %sign3A_691 = arith.constant 0 : i32
      %sign3A_692 = arith.cmpi sgt, %jit3A_682, %sign3A_691 : i32
      %sign3A_693 = arith.extui %sign3A_692 : i1 to i32
      %sign3A_694 = arith.constant 0 : i32
      %sign3A_695 = arith.cmpi slt, %jit3A_682, %sign3A_694 : i32
      %sign3A_696 = arith.extui %sign3A_695 : i1 to i32
      %sign3A_697 = arith.subi %sign3A_693, %sign3A_696 : i32
      %ne3A_698 = arith.cmpi ne, %sign3A_690, %sign3A_697 : i32
      %rem3A_699 = arith.remsi %squeeze3A_681, %jit3A_682 : i32
      %ne3A_700 = arith.constant 0 : i32
      %ne3A_701 = arith.cmpi ne, %rem3A_699, %ne3A_700 : i32
      %and3A_702 = arith.andi %ne3A_698, %ne3A_701 : i1
      %sub3A_703 = arith.constant 1 : i32
      %sub3A_704 = arith.subi %div3A_683, %sub3A_703 : i32
      %select_n3A_705 = arith.select %and3A_702, %sub3A_704, %div3A_683 : i32
      %mul3A_706 = arith.constant 128 : i32
      %mul3A_707 = arith.muli %select_n3A_705, %mul3A_706 : i32
      %dma_start3A_708 = arith.constant 1 : i32
      %dma_start3A_709 = arith.constant 2 : i32
      %dma_start3A_710 = arith.constant 0 : i32
      %dma_start3A_711 = arith.constant 0 : i32
      %dma_start3A_712 = tpu.memref_slice %arg9[%dma_start3A_708, %dma_start3A_709, %dma_start3A_710, %dma_start3A_711] : memref<2x4x32x128xf32, #tpu.memory_space<vmem>> -> memref<1x1x32x128xf32, #tpu.memory_space<vmem>>
      %dma_start3A_713 = tpu.memref_squeeze %dma_start3A_712 : memref<1x1x32x128xf32, #tpu.memory_space<vmem>> -> memref<32x128xf32, #tpu.memory_space<vmem>>
      %dma_start3A_714 = arith.constant 0 : i32
      %dma_start3A_715 = tpu.memref_slice %arg2[%dma_start3A_714, %mul3A_679] : memref<32x1000000xf32, #tpu.memory_space<hbm>> -> memref<32x128xf32, #tpu.memory_space<hbm>>
      %dma_start3A_716 = arith.constant 0 : i32
      %dma_start3A_717 = arith.constant 0 : i32
      %dma_start3A_718 = tpu.memref_slice %arg9[%dma_start3A_708, %dma_start3A_709, %dma_start3A_716, %dma_start3A_717] : memref<2x4x32x128xf32, #tpu.memory_space<vmem>> -> memref<1x1x32x128xf32, #tpu.memory_space<vmem>>
      %dma_start3A_719 = tpu.memref_squeeze %dma_start3A_718 : memref<1x1x32x128xf32, #tpu.memory_space<vmem>> -> memref<32x128xf32, #tpu.memory_space<vmem>>
      %dma_start3A_720 = arith.constant 0 : i32
      %dma_start3A_721 = tpu.memref_slice %arg2[%dma_start3A_720, %mul3A_679] : memref<32x1000000xf32, #tpu.memory_space<hbm>> -> memref<32x128xf32, #tpu.memory_space<hbm>>
      tpu.enqueue_dma source(%dma_start3A_721 : memref<32x128xf32, #tpu.memory_space<hbm>>) target(%dma_start3A_719 : memref<32x128xf32, #tpu.memory_space<vmem>>) target_semaphore(%arg13 : memref<!tpu.dma_semaphore, #tpu.memory_space<semaphore_mem>>)
      %dma_start3A_722 = arith.constant 1 : i32
      %dma_start3A_723 = arith.constant 2 : i32
      %dma_start3A_724 = arith.constant 0 : i32
      %dma_start3A_725 = arith.constant 0 : i32
      %dma_start3A_726 = tpu.memref_slice %arg10[%dma_start3A_722, %dma_start3A_723, %dma_start3A_724, %dma_start3A_725] : memref<2x4x32x128xf32, #tpu.memory_space<vmem>> -> memref<1x1x32x128xf32, #tpu.memory_space<vmem>>
      %dma_start3A_727 = tpu.memref_squeeze %dma_start3A_726 : memref<1x1x32x128xf32, #tpu.memory_space<vmem>> -> memref<32x128xf32, #tpu.memory_space<vmem>>
      %dma_start3A_728 = arith.constant 0 : i32
      %dma_start3A_729 = tpu.memref_slice %arg3[%dma_start3A_728, %mul3A_707] : memref<32x1000000xf32, #tpu.memory_space<hbm>> -> memref<32x128xf32, #tpu.memory_space<hbm>>
      %dma_start3A_730 = arith.constant 0 : i32
      %dma_start3A_731 = arith.constant 0 : i32
      %dma_start3A_732 = tpu.memref_slice %arg10[%dma_start3A_722, %dma_start3A_723, %dma_start3A_730, %dma_start3A_731] : memref<2x4x32x128xf32, #tpu.memory_space<vmem>> -> memref<1x1x32x128xf32, #tpu.memory_space<vmem>>
      %dma_start3A_733 = tpu.memref_squeeze %dma_start3A_732 : memref<1x1x32x128xf32, #tpu.memory_space<vmem>> -> memref<32x128xf32, #tpu.memory_space<vmem>>
      %dma_start3A_734 = arith.constant 0 : i32
      %dma_start3A_735 = tpu.memref_slice %arg3[%dma_start3A_734, %mul3A_707] : memref<32x1000000xf32, #tpu.memory_space<hbm>> -> memref<32x128xf32, #tpu.memory_space<hbm>>
      tpu.enqueue_dma source(%dma_start3A_735 : memref<32x128xf32, #tpu.memory_space<hbm>>) target(%dma_start3A_733 : memref<32x128xf32, #tpu.memory_space<vmem>>) target_semaphore(%arg13 : memref<!tpu.dma_semaphore, #tpu.memory_space<semaphore_mem>>)
      %slice3A_736 = vector.extract_strided_slice %get3A_467 {offsets = [7], sizes = [1], strides = [1]} : vector<16xi32> to vector<1xi32>
      %squeeze3A_737 = vector.extract %slice3A_736[0] : i32 from vector<1xi32>
      %jit3A_738 = arith.constant 128 : i32
      %div3A_739 = arith.divsi %squeeze3A_737, %jit3A_738 : i32
      %sign3A_740 = arith.constant 0 : i32
      %sign3A_741 = arith.cmpi sgt, %squeeze3A_737, %sign3A_740 : i32
      %sign3A_742 = arith.extui %sign3A_741 : i1 to i32
      %sign3A_743 = arith.constant 0 : i32
      %sign3A_744 = arith.cmpi slt, %squeeze3A_737, %sign3A_743 : i32
      %sign3A_745 = arith.extui %sign3A_744 : i1 to i32
      %sign3A_746 = arith.subi %sign3A_742, %sign3A_745 : i32
      %sign3A_747 = arith.constant 0 : i32
      %sign3A_748 = arith.cmpi sgt, %jit3A_738, %sign3A_747 : i32
      %sign3A_749 = arith.extui %sign3A_748 : i1 to i32
      %sign3A_750 = arith.constant 0 : i32
      %sign3A_751 = arith.cmpi slt, %jit3A_738, %sign3A_750 : i32
      %sign3A_752 = arith.extui %sign3A_751 : i1 to i32
      %sign3A_753 = arith.subi %sign3A_749, %sign3A_752 : i32
      %ne3A_754 = arith.cmpi ne, %sign3A_746, %sign3A_753 : i32
      %rem3A_755 = arith.remsi %squeeze3A_737, %jit3A_738 : i32
      %ne3A_756 = arith.constant 0 : i32
      %ne3A_757 = arith.cmpi ne, %rem3A_755, %ne3A_756 : i32
      %and3A_758 = arith.andi %ne3A_754, %ne3A_757 : i1
      %sub3A_759 = arith.constant 1 : i32
      %sub3A_760 = arith.subi %div3A_739, %sub3A_759 : i32
      %select_n3A_761 = arith.select %and3A_758, %sub3A_760, %div3A_739 : i32
      %mul3A_762 = arith.constant 128 : i32
      %mul3A_763 = arith.muli %select_n3A_761, %mul3A_762 : i32
      %slice3A_764 = vector.extract_strided_slice %get3A_471 {offsets = [7], sizes = [1], strides = [1]} : vector<16xi32> to vector<1xi32>
      %squeeze3A_765 = vector.extract %slice3A_764[0] : i32 from vector<1xi32>
      %jit3A_766 = arith.constant 128 : i32
      %div3A_767 = arith.divsi %squeeze3A_765, %jit3A_766 : i32
      %sign3A_768 = arith.constant 0 : i32
      %sign3A_769 = arith.cmpi sgt, %squeeze3A_765, %sign3A_768 : i32
      %sign3A_770 = arith.extui %sign3A_769 : i1 to i32
      %sign3A_771 = arith.constant 0 : i32
      %sign3A_772 = arith.cmpi slt, %squeeze3A_765, %sign3A_771 : i32
      %sign3A_773 = arith.extui %sign3A_772 : i1 to i32
      %sign3A_774 = arith.subi %sign3A_770, %sign3A_773 : i32
      %sign3A_775 = arith.constant 0 : i32
      %sign3A_776 = arith.cmpi sgt, %jit3A_766, %sign3A_775 : i32
      %sign3A_777 = arith.extui %sign3A_776 : i1 to i32
      %sign3A_778 = arith.constant 0 : i32
      %sign3A_779 = arith.cmpi slt, %jit3A_766, %sign3A_778 : i32
      %sign3A_780 = arith.extui %sign3A_779 : i1 to i32
      %sign3A_781 = arith.subi %sign3A_777, %sign3A_780 : i32
      %ne3A_782 = arith.cmpi ne, %sign3A_774, %sign3A_781 : i32
      %rem3A_783 = arith.remsi %squeeze3A_765, %jit3A_766 : i32
      %ne3A_784 = arith.constant 0 : i32
      %ne3A_785 = arith.cmpi ne, %rem3A_783, %ne3A_784 : i32
      %and3A_786 = arith.andi %ne3A_782, %ne3A_785 : i1
      %sub3A_787 = arith.constant 1 : i32
      %sub3A_788 = arith.subi %div3A_767, %sub3A_787 : i32
      %select_n3A_789 = arith.select %and3A_786, %sub3A_788, %div3A_767 : i32
      %mul3A_790 = arith.constant 128 : i32
      %mul3A_791 = arith.muli %select_n3A_789, %mul3A_790 : i32
      %dma_start3A_792 = arith.constant 1 : i32
      %dma_start3A_793 = arith.constant 3 : i32
      %dma_start3A_794 = arith.constant 0 : i32
      %dma_start3A_795 = arith.constant 0 : i32
      %dma_start3A_796 = tpu.memref_slice %arg9[%dma_start3A_792, %dma_start3A_793, %dma_start3A_794, %dma_start3A_795] : memref<2x4x32x128xf32, #tpu.memory_space<vmem>> -> memref<1x1x32x128xf32, #tpu.memory_space<vmem>>
      %dma_start3A_797 = tpu.memref_squeeze %dma_start3A_796 : memref<1x1x32x128xf32, #tpu.memory_space<vmem>> -> memref<32x128xf32, #tpu.memory_space<vmem>>
      %dma_start3A_798 = arith.constant 0 : i32
      %dma_start3A_799 = tpu.memref_slice %arg2[%dma_start3A_798, %mul3A_763] : memref<32x1000000xf32, #tpu.memory_space<hbm>> -> memref<32x128xf32, #tpu.memory_space<hbm>>
      %dma_start3A_800 = arith.constant 0 : i32
      %dma_start3A_801 = arith.constant 0 : i32
      %dma_start3A_802 = tpu.memref_slice %arg9[%dma_start3A_792, %dma_start3A_793, %dma_start3A_800, %dma_start3A_801] : memref<2x4x32x128xf32, #tpu.memory_space<vmem>> -> memref<1x1x32x128xf32, #tpu.memory_space<vmem>>
      %dma_start3A_803 = tpu.memref_squeeze %dma_start3A_802 : memref<1x1x32x128xf32, #tpu.memory_space<vmem>> -> memref<32x128xf32, #tpu.memory_space<vmem>>
      %dma_start3A_804 = arith.constant 0 : i32
      %dma_start3A_805 = tpu.memref_slice %arg2[%dma_start3A_804, %mul3A_763] : memref<32x1000000xf32, #tpu.memory_space<hbm>> -> memref<32x128xf32, #tpu.memory_space<hbm>>
      tpu.enqueue_dma source(%dma_start3A_805 : memref<32x128xf32, #tpu.memory_space<hbm>>) target(%dma_start3A_803 : memref<32x128xf32, #tpu.memory_space<vmem>>) target_semaphore(%arg13 : memref<!tpu.dma_semaphore, #tpu.memory_space<semaphore_mem>>)
      %dma_start3A_806 = arith.constant 1 : i32
      %dma_start3A_807 = arith.constant 3 : i32
      %dma_start3A_808 = arith.constant 0 : i32
      %dma_start3A_809 = arith.constant 0 : i32
      %dma_start3A_810 = tpu.memref_slice %arg10[%dma_start3A_806, %dma_start3A_807, %dma_start3A_808, %dma_start3A_809] : memref<2x4x32x128xf32, #tpu.memory_space<vmem>> -> memref<1x1x32x128xf32, #tpu.memory_space<vmem>>
      %dma_start3A_811 = tpu.memref_squeeze %dma_start3A_810 : memref<1x1x32x128xf32, #tpu.memory_space<vmem>> -> memref<32x128xf32, #tpu.memory_space<vmem>>
      %dma_start3A_812 = arith.constant 0 : i32
      %dma_start3A_813 = tpu.memref_slice %arg3[%dma_start3A_812, %mul3A_791] : memref<32x1000000xf32, #tpu.memory_space<hbm>> -> memref<32x128xf32, #tpu.memory_space<hbm>>
      %dma_start3A_814 = arith.constant 0 : i32
      %dma_start3A_815 = arith.constant 0 : i32
      %dma_start3A_816 = tpu.memref_slice %arg10[%dma_start3A_806, %dma_start3A_807, %dma_start3A_814, %dma_start3A_815] : memref<2x4x32x128xf32, #tpu.memory_space<vmem>> -> memref<1x1x32x128xf32, #tpu.memory_space<vmem>>
      %dma_start3A_817 = tpu.memref_squeeze %dma_start3A_816 : memref<1x1x32x128xf32, #tpu.memory_space<vmem>> -> memref<32x128xf32, #tpu.memory_space<vmem>>
      %dma_start3A_818 = arith.constant 0 : i32
      %dma_start3A_819 = tpu.memref_slice %arg3[%dma_start3A_818, %mul3A_791] : memref<32x1000000xf32, #tpu.memory_space<hbm>> -> memref<32x128xf32, #tpu.memory_space<hbm>>
      tpu.enqueue_dma source(%dma_start3A_819 : memref<32x128xf32, #tpu.memory_space<hbm>>) target(%dma_start3A_817 : memref<32x128xf32, #tpu.memory_space<vmem>>) target_semaphore(%arg13 : memref<!tpu.dma_semaphore, #tpu.memory_space<semaphore_mem>>)
      %dma_wait3A_820 = arith.constant 0 : i32
      %dma_wait3A_821 = arith.constant 0 : i32
      %dma_wait3A_822 = arith.constant 0 : i32
      %dma_wait3A_823 = arith.constant 0 : i32
      %dma_wait3A_824 = tpu.memref_slice %arg9[%dma_wait3A_820, %dma_wait3A_821, %dma_wait3A_822, %dma_wait3A_823] : memref<2x4x32x128xf32, #tpu.memory_space<vmem>> -> memref<1x1x32x128xf32, #tpu.memory_space<vmem>>
      %dma_wait3A_825 = tpu.memref_squeeze %dma_wait3A_824 : memref<1x1x32x128xf32, #tpu.memory_space<vmem>> -> memref<32x128xf32, #tpu.memory_space<vmem>>
      %dma_wait3A_826 = arith.constant 0 : i32
      %dma_wait3A_827 = arith.constant 0 : i32
      %dma_wait3A_828 = tpu.memref_slice %arg2[%dma_wait3A_826, %dma_wait3A_827] : memref<32x1000000xf32, #tpu.memory_space<hbm>> -> memref<32x128xf32, #tpu.memory_space<hbm>>
      %dma_wait3A_829 = arith.constant 0 : i32
      %dma_wait3A_830 = arith.constant 0 : i32
      %dma_wait3A_831 = tpu.memref_slice %arg9[%dma_wait3A_820, %dma_wait3A_821, %dma_wait3A_829, %dma_wait3A_830] : memref<2x4x32x128xf32, #tpu.memory_space<vmem>> -> memref<1x1x32x128xf32, #tpu.memory_space<vmem>>
      %dma_wait3A_832 = tpu.memref_squeeze %dma_wait3A_831 : memref<1x1x32x128xf32, #tpu.memory_space<vmem>> -> memref<32x128xf32, #tpu.memory_space<vmem>>
      %dma_wait3A_833 = arith.constant 0 : i32
      %dma_wait3A_834 = arith.constant 0 : i32
      %dma_wait3A_835 = tpu.memref_slice %arg2[%dma_wait3A_833, %dma_wait3A_834] : memref<32x1000000xf32, #tpu.memory_space<hbm>> -> memref<32x128xf32, #tpu.memory_space<hbm>>
      tpu.wait_dma2 semaphore(%arg12 : memref<!tpu.dma_semaphore, #tpu.memory_space<semaphore_mem>>) src(%dma_wait3A_835 : memref<32x128xf32, #tpu.memory_space<hbm>>) dst(%dma_wait3A_832 : memref<32x128xf32, #tpu.memory_space<vmem>>)
      %dma_wait3A_836 = arith.constant 0 : i32
      %dma_wait3A_837 = arith.constant 0 : i32
      %dma_wait3A_838 = arith.constant 0 : i32
      %dma_wait3A_839 = arith.constant 0 : i32
      %dma_wait3A_840 = tpu.memref_slice %arg10[%dma_wait3A_836, %dma_wait3A_837, %dma_wait3A_838, %dma_wait3A_839] : memref<2x4x32x128xf32, #tpu.memory_space<vmem>> -> memref<1x1x32x128xf32, #tpu.memory_space<vmem>>
      %dma_wait3A_841 = tpu.memref_squeeze %dma_wait3A_840 : memref<1x1x32x128xf32, #tpu.memory_space<vmem>> -> memref<32x128xf32, #tpu.memory_space<vmem>>
      %dma_wait3A_842 = arith.constant 0 : i32
      %dma_wait3A_843 = arith.constant 0 : i32
      %dma_wait3A_844 = tpu.memref_slice %arg3[%dma_wait3A_842, %dma_wait3A_843] : memref<32x1000000xf32, #tpu.memory_space<hbm>> -> memref<32x128xf32, #tpu.memory_space<hbm>>
      %dma_wait3A_845 = arith.constant 0 : i32
      %dma_wait3A_846 = arith.constant 0 : i32
      %dma_wait3A_847 = tpu.memref_slice %arg10[%dma_wait3A_836, %dma_wait3A_837, %dma_wait3A_845, %dma_wait3A_846] : memref<2x4x32x128xf32, #tpu.memory_space<vmem>> -> memref<1x1x32x128xf32, #tpu.memory_space<vmem>>
      %dma_wait3A_848 = tpu.memref_squeeze %dma_wait3A_847 : memref<1x1x32x128xf32, #tpu.memory_space<vmem>> -> memref<32x128xf32, #tpu.memory_space<vmem>>
      %dma_wait3A_849 = arith.constant 0 : i32
      %dma_wait3A_850 = arith.constant 0 : i32
      %dma_wait3A_851 = tpu.memref_slice %arg3[%dma_wait3A_849, %dma_wait3A_850] : memref<32x1000000xf32, #tpu.memory_space<hbm>> -> memref<32x128xf32, #tpu.memory_space<hbm>>
      tpu.wait_dma2 semaphore(%arg12 : memref<!tpu.dma_semaphore, #tpu.memory_space<semaphore_mem>>) src(%dma_wait3A_851 : memref<32x128xf32, #tpu.memory_space<hbm>>) dst(%dma_wait3A_848 : memref<32x128xf32, #tpu.memory_space<vmem>>)
      %dma_wait3A_852 = arith.constant 0 : i32
      %dma_wait3A_853 = arith.constant 1 : i32
      %dma_wait3A_854 = arith.constant 0 : i32
      %dma_wait3A_855 = arith.constant 0 : i32
      %dma_wait3A_856 = tpu.memref_slice %arg9[%dma_wait3A_852, %dma_wait3A_853, %dma_wait3A_854, %dma_wait3A_855] : memref<2x4x32x128xf32, #tpu.memory_space<vmem>> -> memref<1x1x32x128xf32, #tpu.memory_space<vmem>>
      %dma_wait3A_857 = tpu.memref_squeeze %dma_wait3A_856 : memref<1x1x32x128xf32, #tpu.memory_space<vmem>> -> memref<32x128xf32, #tpu.memory_space<vmem>>
      %dma_wait3A_858 = arith.constant 0 : i32
      %dma_wait3A_859 = arith.constant 0 : i32
      %dma_wait3A_860 = tpu.memref_slice %arg2[%dma_wait3A_858, %dma_wait3A_859] : memref<32x1000000xf32, #tpu.memory_space<hbm>> -> memref<32x128xf32, #tpu.memory_space<hbm>>
      %dma_wait3A_861 = arith.constant 0 : i32
      %dma_wait3A_862 = arith.constant 0 : i32
      %dma_wait3A_863 = tpu.memref_slice %arg9[%dma_wait3A_852, %dma_wait3A_853, %dma_wait3A_861, %dma_wait3A_862] : memref<2x4x32x128xf32, #tpu.memory_space<vmem>> -> memref<1x1x32x128xf32, #tpu.memory_space<vmem>>
      %dma_wait3A_864 = tpu.memref_squeeze %dma_wait3A_863 : memref<1x1x32x128xf32, #tpu.memory_space<vmem>> -> memref<32x128xf32, #tpu.memory_space<vmem>>
      %dma_wait3A_865 = arith.constant 0 : i32
      %dma_wait3A_866 = arith.constant 0 : i32
      %dma_wait3A_867 = tpu.memref_slice %arg2[%dma_wait3A_865, %dma_wait3A_866] : memref<32x1000000xf32, #tpu.memory_space<hbm>> -> memref<32x128xf32, #tpu.memory_space<hbm>>
      tpu.wait_dma2 semaphore(%arg12 : memref<!tpu.dma_semaphore, #tpu.memory_space<semaphore_mem>>) src(%dma_wait3A_867 : memref<32x128xf32, #tpu.memory_space<hbm>>) dst(%dma_wait3A_864 : memref<32x128xf32, #tpu.memory_space<vmem>>)
      %dma_wait3A_868 = arith.constant 0 : i32
      %dma_wait3A_869 = arith.constant 1 : i32
      %dma_wait3A_870 = arith.constant 0 : i32
      %dma_wait3A_871 = arith.constant 0 : i32
      %dma_wait3A_872 = tpu.memref_slice %arg10[%dma_wait3A_868, %dma_wait3A_869, %dma_wait3A_870, %dma_wait3A_871] : memref<2x4x32x128xf32, #tpu.memory_space<vmem>> -> memref<1x1x32x128xf32, #tpu.memory_space<vmem>>
      %dma_wait3A_873 = tpu.memref_squeeze %dma_wait3A_872 : memref<1x1x32x128xf32, #tpu.memory_space<vmem>> -> memref<32x128xf32, #tpu.memory_space<vmem>>
      %dma_wait3A_874 = arith.constant 0 : i32
      %dma_wait3A_875 = arith.constant 0 : i32
      %dma_wait3A_876 = tpu.memref_slice %arg3[%dma_wait3A_874, %dma_wait3A_875] : memref<32x1000000xf32, #tpu.memory_space<hbm>> -> memref<32x128xf32, #tpu.memory_space<hbm>>
      %dma_wait3A_877 = arith.constant 0 : i32
      %dma_wait3A_878 = arith.constant 0 : i32
      %dma_wait3A_879 = tpu.memref_slice %arg10[%dma_wait3A_868, %dma_wait3A_869, %dma_wait3A_877, %dma_wait3A_878] : memref<2x4x32x128xf32, #tpu.memory_space<vmem>> -> memref<1x1x32x128xf32, #tpu.memory_space<vmem>>
      %dma_wait3A_880 = tpu.memref_squeeze %dma_wait3A_879 : memref<1x1x32x128xf32, #tpu.memory_space<vmem>> -> memref<32x128xf32, #tpu.memory_space<vmem>>
      %dma_wait3A_881 = arith.constant 0 : i32
      %dma_wait3A_882 = arith.constant 0 : i32
      %dma_wait3A_883 = tpu.memref_slice %arg3[%dma_wait3A_881, %dma_wait3A_882] : memref<32x1000000xf32, #tpu.memory_space<hbm>> -> memref<32x128xf32, #tpu.memory_space<hbm>>
      tpu.wait_dma2 semaphore(%arg12 : memref<!tpu.dma_semaphore, #tpu.memory_space<semaphore_mem>>) src(%dma_wait3A_883 : memref<32x128xf32, #tpu.memory_space<hbm>>) dst(%dma_wait3A_880 : memref<32x128xf32, #tpu.memory_space<vmem>>)
      %dma_wait3A_884 = arith.constant 0 : i32
      %dma_wait3A_885 = arith.constant 2 : i32
      %dma_wait3A_886 = arith.constant 0 : i32
      %dma_wait3A_887 = arith.constant 0 : i32
      %dma_wait3A_888 = tpu.memref_slice %arg9[%dma_wait3A_884, %dma_wait3A_885, %dma_wait3A_886, %dma_wait3A_887] : memref<2x4x32x128xf32, #tpu.memory_space<vmem>> -> memref<1x1x32x128xf32, #tpu.memory_space<vmem>>
      %dma_wait3A_889 = tpu.memref_squeeze %dma_wait3A_888 : memref<1x1x32x128xf32, #tpu.memory_space<vmem>> -> memref<32x128xf32, #tpu.memory_space<vmem>>
      %dma_wait3A_890 = arith.constant 0 : i32
      %dma_wait3A_891 = arith.constant 0 : i32
      %dma_wait3A_892 = tpu.memref_slice %arg2[%dma_wait3A_890, %dma_wait3A_891] : memref<32x1000000xf32, #tpu.memory_space<hbm>> -> memref<32x128xf32, #tpu.memory_space<hbm>>
      %dma_wait3A_893 = arith.constant 0 : i32
      %dma_wait3A_894 = arith.constant 0 : i32
      %dma_wait3A_895 = tpu.memref_slice %arg9[%dma_wait3A_884, %dma_wait3A_885, %dma_wait3A_893, %dma_wait3A_894] : memref<2x4x32x128xf32, #tpu.memory_space<vmem>> -> memref<1x1x32x128xf32, #tpu.memory_space<vmem>>
      %dma_wait3A_896 = tpu.memref_squeeze %dma_wait3A_895 : memref<1x1x32x128xf32, #tpu.memory_space<vmem>> -> memref<32x128xf32, #tpu.memory_space<vmem>>
      %dma_wait3A_897 = arith.constant 0 : i32
      %dma_wait3A_898 = arith.constant 0 : i32
      %dma_wait3A_899 = tpu.memref_slice %arg2[%dma_wait3A_897, %dma_wait3A_898] : memref<32x1000000xf32, #tpu.memory_space<hbm>> -> memref<32x128xf32, #tpu.memory_space<hbm>>
      tpu.wait_dma2 semaphore(%arg12 : memref<!tpu.dma_semaphore, #tpu.memory_space<semaphore_mem>>) src(%dma_wait3A_899 : memref<32x128xf32, #tpu.memory_space<hbm>>) dst(%dma_wait3A_896 : memref<32x128xf32, #tpu.memory_space<vmem>>)
      %dma_wait3A_900 = arith.constant 0 : i32
      %dma_wait3A_901 = arith.constant 2 : i32
      %dma_wait3A_902 = arith.constant 0 : i32
      %dma_wait3A_903 = arith.constant 0 : i32
      %dma_wait3A_904 = tpu.memref_slice %arg10[%dma_wait3A_900, %dma_wait3A_901, %dma_wait3A_902, %dma_wait3A_903] : memref<2x4x32x128xf32, #tpu.memory_space<vmem>> -> memref<1x1x32x128xf32, #tpu.memory_space<vmem>>
      %dma_wait3A_905 = tpu.memref_squeeze %dma_wait3A_904 : memref<1x1x32x128xf32, #tpu.memory_space<vmem>> -> memref<32x128xf32, #tpu.memory_space<vmem>>
      %dma_wait3A_906 = arith.constant 0 : i32
      %dma_wait3A_907 = arith.constant 0 : i32
      %dma_wait3A_908 = tpu.memref_slice %arg3[%dma_wait3A_906, %dma_wait3A_907] : memref<32x1000000xf32, #tpu.memory_space<hbm>> -> memref<32x128xf32, #tpu.memory_space<hbm>>
      %dma_wait3A_909 = arith.constant 0 : i32
      %dma_wait3A_910 = arith.constant 0 : i32
      %dma_wait3A_911 = tpu.memref_slice %arg10[%dma_wait3A_900, %dma_wait3A_901, %dma_wait3A_909, %dma_wait3A_910] : memref<2x4x32x128xf32, #tpu.memory_space<vmem>> -> memref<1x1x32x128xf32, #tpu.memory_space<vmem>>
      %dma_wait3A_912 = tpu.memref_squeeze %dma_wait3A_911 : memref<1x1x32x128xf32, #tpu.memory_space<vmem>> -> memref<32x128xf32, #tpu.memory_space<vmem>>
      %dma_wait3A_913 = arith.constant 0 : i32
      %dma_wait3A_914 = arith.constant 0 : i32
      %dma_wait3A_915 = tpu.memref_slice %arg3[%dma_wait3A_913, %dma_wait3A_914] : memref<32x1000000xf32, #tpu.memory_space<hbm>> -> memref<32x128xf32, #tpu.memory_space<hbm>>
      tpu.wait_dma2 semaphore(%arg12 : memref<!tpu.dma_semaphore, #tpu.memory_space<semaphore_mem>>) src(%dma_wait3A_915 : memref<32x128xf32, #tpu.memory_space<hbm>>) dst(%dma_wait3A_912 : memref<32x128xf32, #tpu.memory_space<vmem>>)
      %dma_wait3A_916 = arith.constant 0 : i32
      %dma_wait3A_917 = arith.constant 3 : i32
      %dma_wait3A_918 = arith.constant 0 : i32
      %dma_wait3A_919 = arith.constant 0 : i32
      %dma_wait3A_920 = tpu.memref_slice %arg9[%dma_wait3A_916, %dma_wait3A_917, %dma_wait3A_918, %dma_wait3A_919] : memref<2x4x32x128xf32, #tpu.memory_space<vmem>> -> memref<1x1x32x128xf32, #tpu.memory_space<vmem>>
      %dma_wait3A_921 = tpu.memref_squeeze %dma_wait3A_920 : memref<1x1x32x128xf32, #tpu.memory_space<vmem>> -> memref<32x128xf32, #tpu.memory_space<vmem>>
      %dma_wait3A_922 = arith.constant 0 : i32
      %dma_wait3A_923 = arith.constant 0 : i32
      %dma_wait3A_924 = tpu.memref_slice %arg2[%dma_wait3A_922, %dma_wait3A_923] : memref<32x1000000xf32, #tpu.memory_space<hbm>> -> memref<32x128xf32, #tpu.memory_space<hbm>>
      %dma_wait3A_925 = arith.constant 0 : i32
      %dma_wait3A_926 = arith.constant 0 : i32
      %dma_wait3A_927 = tpu.memref_slice %arg9[%dma_wait3A_916, %dma_wait3A_917, %dma_wait3A_925, %dma_wait3A_926] : memref<2x4x32x128xf32, #tpu.memory_space<vmem>> -> memref<1x1x32x128xf32, #tpu.memory_space<vmem>>
      %dma_wait3A_928 = tpu.memref_squeeze %dma_wait3A_927 : memref<1x1x32x128xf32, #tpu.memory_space<vmem>> -> memref<32x128xf32, #tpu.memory_space<vmem>>
      %dma_wait3A_929 = arith.constant 0 : i32
      %dma_wait3A_930 = arith.constant 0 : i32
      %dma_wait3A_931 = tpu.memref_slice %arg2[%dma_wait3A_929, %dma_wait3A_930] : memref<32x1000000xf32, #tpu.memory_space<hbm>> -> memref<32x128xf32, #tpu.memory_space<hbm>>
      tpu.wait_dma2 semaphore(%arg12 : memref<!tpu.dma_semaphore, #tpu.memory_space<semaphore_mem>>) src(%dma_wait3A_931 : memref<32x128xf32, #tpu.memory_space<hbm>>) dst(%dma_wait3A_928 : memref<32x128xf32, #tpu.memory_space<vmem>>)
      %dma_wait3A_932 = arith.constant 0 : i32
      %dma_wait3A_933 = arith.constant 3 : i32
      %dma_wait3A_934 = arith.constant 0 : i32
      %dma_wait3A_935 = arith.constant 0 : i32
      %dma_wait3A_936 = tpu.memref_slice %arg10[%dma_wait3A_932, %dma_wait3A_933, %dma_wait3A_934, %dma_wait3A_935] : memref<2x4x32x128xf32, #tpu.memory_space<vmem>> -> memref<1x1x32x128xf32, #tpu.memory_space<vmem>>
      %dma_wait3A_937 = tpu.memref_squeeze %dma_wait3A_936 : memref<1x1x32x128xf32, #tpu.memory_space<vmem>> -> memref<32x128xf32, #tpu.memory_space<vmem>>
      %dma_wait3A_938 = arith.constant 0 : i32
      %dma_wait3A_939 = arith.constant 0 : i32
      %dma_wait3A_940 = tpu.memref_slice %arg3[%dma_wait3A_938, %dma_wait3A_939] : memref<32x1000000xf32, #tpu.memory_space<hbm>> -> memref<32x128xf32, #tpu.memory_space<hbm>>
      %dma_wait3A_941 = arith.constant 0 : i32
      %dma_wait3A_942 = arith.constant 0 : i32
      %dma_wait3A_943 = tpu.memref_slice %arg10[%dma_wait3A_932, %dma_wait3A_933, %dma_wait3A_941, %dma_wait3A_942] : memref<2x4x32x128xf32, #tpu.memory_space<vmem>> -> memref<1x1x32x128xf32, #tpu.memory_space<vmem>>
      %dma_wait3A_944 = tpu.memref_squeeze %dma_wait3A_943 : memref<1x1x32x128xf32, #tpu.memory_space<vmem>> -> memref<32x128xf32, #tpu.memory_space<vmem>>
      %dma_wait3A_945 = arith.constant 0 : i32
      %dma_wait3A_946 = arith.constant 0 : i32
      %dma_wait3A_947 = tpu.memref_slice %arg3[%dma_wait3A_945, %dma_wait3A_946] : memref<32x1000000xf32, #tpu.memory_space<hbm>> -> memref<32x128xf32, #tpu.memory_space<hbm>>
      tpu.wait_dma2 semaphore(%arg12 : memref<!tpu.dma_semaphore, #tpu.memory_space<semaphore_mem>>) src(%dma_wait3A_947 : memref<32x128xf32, #tpu.memory_space<hbm>>) dst(%dma_wait3A_944 : memref<32x128xf32, #tpu.memory_space<vmem>>)
      %slice3A_948 = vector.extract_strided_slice %get3A_467 {offsets = [0], sizes = [1], strides = [1]} : vector<16xi32> to vector<1xi32>
      %squeeze3A_949 = vector.extract %slice3A_948[0] : i32 from vector<1xi32>
      %jit3A_950 = arith.constant 128 : i32
      %eq3A = arith.constant 0 : i32
      %eq3A_951 = arith.cmpi eq, %jit3A_950, %eq3A : i32
      %jit3A_952 = arith.constant 1 : i32
      %select_n3A_953 = arith.select %eq3A_951, %jit3A_952, %jit3A_950 : i32
      %rem3A_954 = arith.remsi %squeeze3A_949, %select_n3A_953 : i32
      %ne3A_955 = arith.constant 0 : i32
      %ne3A_956 = arith.cmpi ne, %rem3A_954, %ne3A_955 : i32
      %lt3A = arith.constant 0 : i32
      %lt3A_957 = arith.cmpi slt, %rem3A_954, %lt3A : i32
      %lt3A_958 = arith.constant 0 : i32
      %lt3A_959 = arith.cmpi slt, %select_n3A_953, %lt3A_958 : i32
      %ne3A_960 = arith.xori %lt3A_957, %lt3A_959 : i1
      %and3A_961 = arith.andi %ne3A_960, %ne3A_956 : i1
      %add3A_962 = arith.addi %rem3A_954, %select_n3A_953 : i32
      %select_n3A_963 = arith.select %and3A_961, %add3A_962, %rem3A_954 : i32
      %broadcast_in_dim3A_964 = vector.broadcast %select_n3A_963 : i32 to vector<16xi32>
      %slice3A_965 = vector.extract_strided_slice %get3A_471 {offsets = [0], sizes = [1], strides = [1]} : vector<16xi32> to vector<1xi32>
      %squeeze3A_966 = vector.extract %slice3A_965[0] : i32 from vector<1xi32>
      %jit3A_967 = arith.constant 128 : i32
      %eq3A_968 = arith.constant 0 : i32
      %eq3A_969 = arith.cmpi eq, %jit3A_967, %eq3A_968 : i32
      %jit3A_970 = arith.constant 1 : i32
      %select_n3A_971 = arith.select %eq3A_969, %jit3A_970, %jit3A_967 : i32
      %rem3A_972 = arith.remsi %squeeze3A_966, %select_n3A_971 : i32
      %ne3A_973 = arith.constant 0 : i32
      %ne3A_974 = arith.cmpi ne, %rem3A_972, %ne3A_973 : i32
      %lt3A_975 = arith.constant 0 : i32
      %lt3A_976 = arith.cmpi slt, %rem3A_972, %lt3A_975 : i32
      %lt3A_977 = arith.constant 0 : i32
      %lt3A_978 = arith.cmpi slt, %select_n3A_971, %lt3A_977 : i32
      %ne3A_979 = arith.xori %lt3A_976, %lt3A_978 : i1
      %and3A_980 = arith.andi %ne3A_979, %ne3A_974 : i1
      %add3A_981 = arith.addi %rem3A_972, %select_n3A_971 : i32
      %select_n3A_982 = arith.select %and3A_980, %add3A_981, %rem3A_972 : i32
      %broadcast_in_dim3A_983 = vector.broadcast %select_n3A_982 : i32 to vector<16xi32>
      %broadcast_in_dim3A_984 = arith.constant 0 : i32
      %broadcast_in_dim3A_985 = vector.broadcast %broadcast_in_dim3A_984 : i32 to vector<16xi32>
      %broadcast_in_dim3A_986 = arith.constant 0 : i32
      %broadcast_in_dim3A_987 = vector.broadcast %broadcast_in_dim3A_986 : i32 to vector<16xi32>
      %gather3A = tpu.vector_load_idx %arg9[%broadcast_in_dim3A_985, %broadcast_in_dim3A_987, %iota3A, %broadcast_in_dim3A_964] : memref<2x4x32x128xf32, #tpu.memory_space<vmem>>[vector<16xi32>, vector<16xi32>, vector<16xi32>, vector<16xi32>], vector<16xf32>,
      %add3A_988 = arith.constant 16 : i32
      %add3A_989 = vector.broadcast %add3A_988 : i32 to vector<16xi32>
      %add3A_990 = arith.addi %iota3A, %add3A_989 : vector<16xi32>
      %gather3A_991 = tpu.vector_load_idx %arg9[%broadcast_in_dim3A_985, %broadcast_in_dim3A_987, %add3A_990, %broadcast_in_dim3A_964] : memref<2x4x32x128xf32, #tpu.memory_space<vmem>>[vector<16xi32>, vector<16xi32>, vector<16xi32>, vector<16xi32>], vector<16xf32>,
      %gather3A_992 = tpu.vector_load_idx %arg10[%broadcast_in_dim3A_985, %broadcast_in_dim3A_987, %iota3A, %broadcast_in_dim3A_983] : memref<2x4x32x128xf32, #tpu.memory_space<vmem>>[vector<16xi32>, vector<16xi32>, vector<16xi32>, vector<16xi32>], vector<16xf32>,
      %add3A_993 = arith.constant 16 : i32
      %add3A_994 = vector.broadcast %add3A_993 : i32 to vector<16xi32>
      %add3A_995 = arith.addi %iota3A, %add3A_994 : vector<16xi32>
      %gather3A_996 = tpu.vector_load_idx %arg10[%broadcast_in_dim3A_985, %broadcast_in_dim3A_987, %add3A_995, %broadcast_in_dim3A_983] : memref<2x4x32x128xf32, #tpu.memory_space<vmem>>[vector<16xi32>, vector<16xi32>, vector<16xi32>, vector<16xi32>], vector<16xf32>,
      %mul3A_997 = arith.mulf %gather3A, %gather3A_992 : vector<16xf32>
      %mul3A_998 = arith.mulf %gather3A_991, %gather3A_996 : vector<16xf32>
      %add3A_999 = arith.addf %mul3A_997, %mul3A_998 : vector<16xf32>
      %reduce_sum3A = arith.constant true
      %reduce_sum3A_1000 = vector.broadcast %reduce_sum3A : i1 to vector<16xi1>
      %reduce_sum3A_1001 = tpu.scan <sum>, %add3A_999 masked %reduce_sum3A_1000 : vector<16xf32>, vector<16xi1> -> vector<16xf32>
      %reduce_sum3A_1002 = vector.extract %reduce_sum3A_1001[15] : f32 from vector<16xf32>
      %eq3A_1003 = arith.constant 0 : i32
      %eq3A_1004 = vector.broadcast %eq3A_1003 : i32 to vector<16xi32>
      %eq3A_1005 = arith.cmpi eq, %iota3A, %eq3A_1004 : vector<16xi32>
      %broadcast_in_dim3A_1006 = vector.broadcast %reduce_sum3A_1002 : f32 to vector<16xf32>
      %select_n3A_1007 = arith.select %eq3A_1005, %broadcast_in_dim3A_1006, %broadcast_in_dim3A_483 : vector<16xi1>, vector<16xf32>
      %slice3A_1008 = vector.extract_strided_slice %get3A_467 {offsets = [1], sizes = [1], strides = [1]} : vector<16xi32> to vector<1xi32>
      %squeeze3A_1009 = vector.extract %slice3A_1008[0] : i32 from vector<1xi32>
      %jit3A_1010 = arith.constant 128 : i32
      %eq3A_1011 = arith.constant 0 : i32
      %eq3A_1012 = arith.cmpi eq, %jit3A_1010, %eq3A_1011 : i32
      %jit3A_1013 = arith.constant 1 : i32
      %select_n3A_1014 = arith.select %eq3A_1012, %jit3A_1013, %jit3A_1010 : i32
      %rem3A_1015 = arith.remsi %squeeze3A_1009, %select_n3A_1014 : i32
      %ne3A_1016 = arith.constant 0 : i32
      %ne3A_1017 = arith.cmpi ne, %rem3A_1015, %ne3A_1016 : i32
      %lt3A_1018 = arith.constant 0 : i32
      %lt3A_1019 = arith.cmpi slt, %rem3A_1015, %lt3A_1018 : i32
      %lt3A_1020 = arith.constant 0 : i32
      %lt3A_1021 = arith.cmpi slt, %select_n3A_1014, %lt3A_1020 : i32
      %ne3A_1022 = arith.xori %lt3A_1019, %lt3A_1021 : i1
      %and3A_1023 = arith.andi %ne3A_1022, %ne3A_1017 : i1
      %add3A_1024 = arith.addi %rem3A_1015, %select_n3A_1014 : i32
      %select_n3A_1025 = arith.select %and3A_1023, %add3A_1024, %rem3A_1015 : i32
      %broadcast_in_dim3A_1026 = vector.broadcast %select_n3A_1025 : i32 to vector<16xi32>
      %slice3A_1027 = vector.extract_strided_slice %get3A_471 {offsets = [1], sizes = [1], strides = [1]} : vector<16xi32> to vector<1xi32>
      %squeeze3A_1028 = vector.extract %slice3A_1027[0] : i32 from vector<1xi32>
      %jit3A_1029 = arith.constant 128 : i32
      %eq3A_1030 = arith.constant 0 : i32
      %eq3A_1031 = arith.cmpi eq, %jit3A_1029, %eq3A_1030 : i32
      %jit3A_1032 = arith.constant 1 : i32
      %select_n3A_1033 = arith.select %eq3A_1031, %jit3A_1032, %jit3A_1029 : i32
      %rem3A_1034 = arith.remsi %squeeze3A_1028, %select_n3A_1033 : i32
      %ne3A_1035 = arith.constant 0 : i32
      %ne3A_1036 = arith.cmpi ne, %rem3A_1034, %ne3A_1035 : i32
      %lt3A_1037 = arith.constant 0 : i32
      %lt3A_1038 = arith.cmpi slt, %rem3A_1034, %lt3A_1037 : i32
      %lt3A_1039 = arith.constant 0 : i32
      %lt3A_1040 = arith.cmpi slt, %select_n3A_1033, %lt3A_1039 : i32
      %ne3A_1041 = arith.xori %lt3A_1038, %lt3A_1040 : i1
      %and3A_1042 = arith.andi %ne3A_1041, %ne3A_1036 : i1
      %add3A_1043 = arith.addi %rem3A_1034, %select_n3A_1033 : i32
      %select_n3A_1044 = arith.select %and3A_1042, %add3A_1043, %rem3A_1034 : i32
      %broadcast_in_dim3A_1045 = vector.broadcast %select_n3A_1044 : i32 to vector<16xi32>
      %broadcast_in_dim3A_1046 = arith.constant 0 : i32
      %broadcast_in_dim3A_1047 = vector.broadcast %broadcast_in_dim3A_1046 : i32 to vector<16xi32>
      %broadcast_in_dim3A_1048 = arith.constant 1 : i32
      %broadcast_in_dim3A_1049 = vector.broadcast %broadcast_in_dim3A_1048 : i32 to vector<16xi32>
      %gather3A_1050 = tpu.vector_load_idx %arg9[%broadcast_in_dim3A_1047, %broadcast_in_dim3A_1049, %iota3A, %broadcast_in_dim3A_1026] : memref<2x4x32x128xf32, #tpu.memory_space<vmem>>[vector<16xi32>, vector<16xi32>, vector<16xi32>, vector<16xi32>], vector<16xf32>,
      %add3A_1051 = arith.constant 16 : i32
      %add3A_1052 = vector.broadcast %add3A_1051 : i32 to vector<16xi32>
      %add3A_1053 = arith.addi %iota3A, %add3A_1052 : vector<16xi32>
      %gather3A_1054 = tpu.vector_load_idx %arg9[%broadcast_in_dim3A_1047, %broadcast_in_dim3A_1049, %add3A_1053, %broadcast_in_dim3A_1026] : memref<2x4x32x128xf32, #tpu.memory_space<vmem>>[vector<16xi32>, vector<16xi32>, vector<16xi32>, vector<16xi32>], vector<16xf32>,
      %gather3A_1055 = tpu.vector_load_idx %arg10[%broadcast_in_dim3A_1047, %broadcast_in_dim3A_1049, %iota3A, %broadcast_in_dim3A_1045] : memref<2x4x32x128xf32, #tpu.memory_space<vmem>>[vector<16xi32>, vector<16xi32>, vector<16xi32>, vector<16xi32>], vector<16xf32>,
      %add3A_1056 = arith.constant 16 : i32
      %add3A_1057 = vector.broadcast %add3A_1056 : i32 to vector<16xi32>
      %add3A_1058 = arith.addi %iota3A, %add3A_1057 : vector<16xi32>
      %gather3A_1059 = tpu.vector_load_idx %arg10[%broadcast_in_dim3A_1047, %broadcast_in_dim3A_1049, %add3A_1058, %broadcast_in_dim3A_1045] : memref<2x4x32x128xf32, #tpu.memory_space<vmem>>[vector<16xi32>, vector<16xi32>, vector<16xi32>, vector<16xi32>], vector<16xf32>,
      %mul3A_1060 = arith.mulf %gather3A_1050, %gather3A_1055 : vector<16xf32>
      %mul3A_1061 = arith.mulf %gather3A_1054, %gather3A_1059 : vector<16xf32>
      %add3A_1062 = arith.addf %mul3A_1060, %mul3A_1061 : vector<16xf32>
      %reduce_sum3A_1063 = arith.constant true
      %reduce_sum3A_1064 = vector.broadcast %reduce_sum3A_1063 : i1 to vector<16xi1>
      %reduce_sum3A_1065 = tpu.scan <sum>, %add3A_1062 masked %reduce_sum3A_1064 : vector<16xf32>, vector<16xi1> -> vector<16xf32>
      %reduce_sum3A_1066 = vector.extract %reduce_sum3A_1065[15] : f32 from vector<16xf32>
      %eq3A_1067 = arith.constant 1 : i32
      %eq3A_1068 = vector.broadcast %eq3A_1067 : i32 to vector<16xi32>
      %eq3A_1069 = arith.cmpi eq, %iota3A, %eq3A_1068 : vector<16xi32>
      %broadcast_in_dim3A_1070 = vector.broadcast %reduce_sum3A_1066 : f32 to vector<16xf32>
      %select_n3A_1071 = arith.select %eq3A_1069, %broadcast_in_dim3A_1070, %select_n3A_1007 : vector<16xi1>, vector<16xf32>
      %slice3A_1072 = vector.extract_strided_slice %get3A_467 {offsets = [2], sizes = [1], strides = [1]} : vector<16xi32> to vector<1xi32>
      %squeeze3A_1073 = vector.extract %slice3A_1072[0] : i32 from vector<1xi32>
      %jit3A_1074 = arith.constant 128 : i32
      %eq3A_1075 = arith.constant 0 : i32
      %eq3A_1076 = arith.cmpi eq, %jit3A_1074, %eq3A_1075 : i32
      %jit3A_1077 = arith.constant 1 : i32
      %select_n3A_1078 = arith.select %eq3A_1076, %jit3A_1077, %jit3A_1074 : i32
      %rem3A_1079 = arith.remsi %squeeze3A_1073, %select_n3A_1078 : i32
      %ne3A_1080 = arith.constant 0 : i32
      %ne3A_1081 = arith.cmpi ne, %rem3A_1079, %ne3A_1080 : i32
      %lt3A_1082 = arith.constant 0 : i32
      %lt3A_1083 = arith.cmpi slt, %rem3A_1079, %lt3A_1082 : i32
      %lt3A_1084 = arith.constant 0 : i32
      %lt3A_1085 = arith.cmpi slt, %select_n3A_1078, %lt3A_1084 : i32
      %ne3A_1086 = arith.xori %lt3A_1083, %lt3A_1085 : i1
      %and3A_1087 = arith.andi %ne3A_1086, %ne3A_1081 : i1
      %add3A_1088 = arith.addi %rem3A_1079, %select_n3A_1078 : i32
      %select_n3A_1089 = arith.select %and3A_1087, %add3A_1088, %rem3A_1079 : i32
      %broadcast_in_dim3A_1090 = vector.broadcast %select_n3A_1089 : i32 to vector<16xi32>
      %slice3A_1091 = vector.extract_strided_slice %get3A_471 {offsets = [2], sizes = [1], strides = [1]} : vector<16xi32> to vector<1xi32>
      %squeeze3A_1092 = vector.extract %slice3A_1091[0] : i32 from vector<1xi32>
      %jit3A_1093 = arith.constant 128 : i32
      %eq3A_1094 = arith.constant 0 : i32
      %eq3A_1095 = arith.cmpi eq, %jit3A_1093, %eq3A_1094 : i32
      %jit3A_1096 = arith.constant 1 : i32
      %select_n3A_1097 = arith.select %eq3A_1095, %jit3A_1096, %jit3A_1093 : i32
      %rem3A_1098 = arith.remsi %squeeze3A_1092, %select_n3A_1097 : i32
      %ne3A_1099 = arith.constant 0 : i32
      %ne3A_1100 = arith.cmpi ne, %rem3A_1098, %ne3A_1099 : i32
      %lt3A_1101 = arith.constant 0 : i32
      %lt3A_1102 = arith.cmpi slt, %rem3A_1098, %lt3A_1101 : i32
      %lt3A_1103 = arith.constant 0 : i32
      %lt3A_1104 = arith.cmpi slt, %select_n3A_1097, %lt3A_1103 : i32
      %ne3A_1105 = arith.xori %lt3A_1102, %lt3A_1104 : i1
      %and3A_1106 = arith.andi %ne3A_1105, %ne3A_1100 : i1
      %add3A_1107 = arith.addi %rem3A_1098, %select_n3A_1097 : i32
      %select_n3A_1108 = arith.select %and3A_1106, %add3A_1107, %rem3A_1098 : i32
      %broadcast_in_dim3A_1109 = vector.broadcast %select_n3A_1108 : i32 to vector<16xi32>
      %broadcast_in_dim3A_1110 = arith.constant 0 : i32
      %broadcast_in_dim3A_1111 = vector.broadcast %broadcast_in_dim3A_1110 : i32 to vector<16xi32>
      %broadcast_in_dim3A_1112 = arith.constant 2 : i32
      %broadcast_in_dim3A_1113 = vector.broadcast %broadcast_in_dim3A_1112 : i32 to vector<16xi32>
      %gather3A_1114 = tpu.vector_load_idx %arg9[%broadcast_in_dim3A_1111, %broadcast_in_dim3A_1113, %iota3A, %broadcast_in_dim3A_1090] : memref<2x4x32x128xf32, #tpu.memory_space<vmem>>[vector<16xi32>, vector<16xi32>, vector<16xi32>, vector<16xi32>], vector<16xf32>,
      %add3A_1115 = arith.constant 16 : i32
      %add3A_1116 = vector.broadcast %add3A_1115 : i32 to vector<16xi32>
      %add3A_1117 = arith.addi %iota3A, %add3A_1116 : vector<16xi32>
      %gather3A_1118 = tpu.vector_load_idx %arg9[%broadcast_in_dim3A_1111, %broadcast_in_dim3A_1113, %add3A_1117, %broadcast_in_dim3A_1090] : memref<2x4x32x128xf32, #tpu.memory_space<vmem>>[vector<16xi32>, vector<16xi32>, vector<16xi32>, vector<16xi32>], vector<16xf32>,
      %gather3A_1119 = tpu.vector_load_idx %arg10[%broadcast_in_dim3A_1111, %broadcast_in_dim3A_1113, %iota3A, %broadcast_in_dim3A_1109] : memref<2x4x32x128xf32, #tpu.memory_space<vmem>>[vector<16xi32>, vector<16xi32>, vector<16xi32>, vector<16xi32>], vector<16xf32>,
      %add3A_1120 = arith.constant 16 : i32
      %add3A_1121 = vector.broadcast %add3A_1120 : i32 to vector<16xi32>
      %add3A_1122 = arith.addi %iota3A, %add3A_1121 : vector<16xi32>
      %gather3A_1123 = tpu.vector_load_idx %arg10[%broadcast_in_dim3A_1111, %broadcast_in_dim3A_1113, %add3A_1122, %broadcast_in_dim3A_1109] : memref<2x4x32x128xf32, #tpu.memory_space<vmem>>[vector<16xi32>, vector<16xi32>, vector<16xi32>, vector<16xi32>], vector<16xf32>,
      %mul3A_1124 = arith.mulf %gather3A_1114, %gather3A_1119 : vector<16xf32>
      %mul3A_1125 = arith.mulf %gather3A_1118, %gather3A_1123 : vector<16xf32>
      %add3A_1126 = arith.addf %mul3A_1124, %mul3A_1125 : vector<16xf32>
      %reduce_sum3A_1127 = arith.constant true
      %reduce_sum3A_1128 = vector.broadcast %reduce_sum3A_1127 : i1 to vector<16xi1>
      %reduce_sum3A_1129 = tpu.scan <sum>, %add3A_1126 masked %reduce_sum3A_1128 : vector<16xf32>, vector<16xi1> -> vector<16xf32>
      %reduce_sum3A_1130 = vector.extract %reduce_sum3A_1129[15] : f32 from vector<16xf32>
      %eq3A_1131 = arith.constant 2 : i32
      %eq3A_1132 = vector.broadcast %eq3A_1131 : i32 to vector<16xi32>
      %eq3A_1133 = arith.cmpi eq, %iota3A, %eq3A_1132 : vector<16xi32>
      %broadcast_in_dim3A_1134 = vector.broadcast %reduce_sum3A_1130 : f32 to vector<16xf32>
      %select_n3A_1135 = arith.select %eq3A_1133, %broadcast_in_dim3A_1134, %select_n3A_1071 : vector<16xi1>, vector<16xf32>
      %slice3A_1136 = vector.extract_strided_slice %get3A_467 {offsets = [3], sizes = [1], strides = [1]} : vector<16xi32> to vector<1xi32>
      %squeeze3A_1137 = vector.extract %slice3A_1136[0] : i32 from vector<1xi32>
      %jit3A_1138 = arith.constant 128 : i32
      %eq3A_1139 = arith.constant 0 : i32
      %eq3A_1140 = arith.cmpi eq, %jit3A_1138, %eq3A_1139 : i32
      %jit3A_1141 = arith.constant 1 : i32
      %select_n3A_1142 = arith.select %eq3A_1140, %jit3A_1141, %jit3A_1138 : i32
      %rem3A_1143 = arith.remsi %squeeze3A_1137, %select_n3A_1142 : i32
      %ne3A_1144 = arith.constant 0 : i32
      %ne3A_1145 = arith.cmpi ne, %rem3A_1143, %ne3A_1144 : i32
      %lt3A_1146 = arith.constant 0 : i32
      %lt3A_1147 = arith.cmpi slt, %rem3A_1143, %lt3A_1146 : i32
      %lt3A_1148 = arith.constant 0 : i32
      %lt3A_1149 = arith.cmpi slt, %select_n3A_1142, %lt3A_1148 : i32
      %ne3A_1150 = arith.xori %lt3A_1147, %lt3A_1149 : i1
      %and3A_1151 = arith.andi %ne3A_1150, %ne3A_1145 : i1
      %add3A_1152 = arith.addi %rem3A_1143, %select_n3A_1142 : i32
      %select_n3A_1153 = arith.select %and3A_1151, %add3A_1152, %rem3A_1143 : i32
      %broadcast_in_dim3A_1154 = vector.broadcast %select_n3A_1153 : i32 to vector<16xi32>
      %slice3A_1155 = vector.extract_strided_slice %get3A_471 {offsets = [3], sizes = [1], strides = [1]} : vector<16xi32> to vector<1xi32>
      %squeeze3A_1156 = vector.extract %slice3A_1155[0] : i32 from vector<1xi32>
      %jit3A_1157 = arith.constant 128 : i32
      %eq3A_1158 = arith.constant 0 : i32
      %eq3A_1159 = arith.cmpi eq, %jit3A_1157, %eq3A_1158 : i32
      %jit3A_1160 = arith.constant 1 : i32
      %select_n3A_1161 = arith.select %eq3A_1159, %jit3A_1160, %jit3A_1157 : i32
      %rem3A_1162 = arith.remsi %squeeze3A_1156, %select_n3A_1161 : i32
      %ne3A_1163 = arith.constant 0 : i32
      %ne3A_1164 = arith.cmpi ne, %rem3A_1162, %ne3A_1163 : i32
      %lt3A_1165 = arith.constant 0 : i32
      %lt3A_1166 = arith.cmpi slt, %rem3A_1162, %lt3A_1165 : i32
      %lt3A_1167 = arith.constant 0 : i32
      %lt3A_1168 = arith.cmpi slt, %select_n3A_1161, %lt3A_1167 : i32
      %ne3A_1169 = arith.xori %lt3A_1166, %lt3A_1168 : i1
      %and3A_1170 = arith.andi %ne3A_1169, %ne3A_1164 : i1
      %add3A_1171 = arith.addi %rem3A_1162, %select_n3A_1161 : i32
      %select_n3A_1172 = arith.select %and3A_1170, %add3A_1171, %rem3A_1162 : i32
      %broadcast_in_dim3A_1173 = vector.broadcast %select_n3A_1172 : i32 to vector<16xi32>
      %broadcast_in_dim3A_1174 = arith.constant 0 : i32
      %broadcast_in_dim3A_1175 = vector.broadcast %broadcast_in_dim3A_1174 : i32 to vector<16xi32>
      %broadcast_in_dim3A_1176 = arith.constant 3 : i32
      %broadcast_in_dim3A_1177 = vector.broadcast %broadcast_in_dim3A_1176 : i32 to vector<16xi32>
      %gather3A_1178 = tpu.vector_load_idx %arg9[%broadcast_in_dim3A_1175, %broadcast_in_dim3A_1177, %iota3A, %broadcast_in_dim3A_1154] : memref<2x4x32x128xf32, #tpu.memory_space<vmem>>[vector<16xi32>, vector<16xi32>, vector<16xi32>, vector<16xi32>], vector<16xf32>,
      %add3A_1179 = arith.constant 16 : i32
      %add3A_1180 = vector.broadcast %add3A_1179 : i32 to vector<16xi32>
      %add3A_1181 = arith.addi %iota3A, %add3A_1180 : vector<16xi32>
      %gather3A_1182 = tpu.vector_load_idx %arg9[%broadcast_in_dim3A_1175, %broadcast_in_dim3A_1177, %add3A_1181, %broadcast_in_dim3A_1154] : memref<2x4x32x128xf32, #tpu.memory_space<vmem>>[vector<16xi32>, vector<16xi32>, vector<16xi32>, vector<16xi32>], vector<16xf32>,
      %gather3A_1183 = tpu.vector_load_idx %arg10[%broadcast_in_dim3A_1175, %broadcast_in_dim3A_1177, %iota3A, %broadcast_in_dim3A_1173] : memref<2x4x32x128xf32, #tpu.memory_space<vmem>>[vector<16xi32>, vector<16xi32>, vector<16xi32>, vector<16xi32>], vector<16xf32>,
      %add3A_1184 = arith.constant 16 : i32
      %add3A_1185 = vector.broadcast %add3A_1184 : i32 to vector<16xi32>
      %add3A_1186 = arith.addi %iota3A, %add3A_1185 : vector<16xi32>
      %gather3A_1187 = tpu.vector_load_idx %arg10[%broadcast_in_dim3A_1175, %broadcast_in_dim3A_1177, %add3A_1186, %broadcast_in_dim3A_1173] : memref<2x4x32x128xf32, #tpu.memory_space<vmem>>[vector<16xi32>, vector<16xi32>, vector<16xi32>, vector<16xi32>], vector<16xf32>,
      %mul3A_1188 = arith.mulf %gather3A_1178, %gather3A_1183 : vector<16xf32>
      %mul3A_1189 = arith.mulf %gather3A_1182, %gather3A_1187 : vector<16xf32>
      %add3A_1190 = arith.addf %mul3A_1188, %mul3A_1189 : vector<16xf32>
      %reduce_sum3A_1191 = arith.constant true
      %reduce_sum3A_1192 = vector.broadcast %reduce_sum3A_1191 : i1 to vector<16xi1>
      %reduce_sum3A_1193 = tpu.scan <sum>, %add3A_1190 masked %reduce_sum3A_1192 : vector<16xf32>, vector<16xi1> -> vector<16xf32>
      %reduce_sum3A_1194 = vector.extract %reduce_sum3A_1193[15] : f32 from vector<16xf32>
      %eq3A_1195 = arith.constant 3 : i32
      %eq3A_1196 = vector.broadcast %eq3A_1195 : i32 to vector<16xi32>
      %eq3A_1197 = arith.cmpi eq, %iota3A, %eq3A_1196 : vector<16xi32>
      %broadcast_in_dim3A_1198 = vector.broadcast %reduce_sum3A_1194 : f32 to vector<16xf32>
      %select_n3A_1199 = arith.select %eq3A_1197, %broadcast_in_dim3A_1198, %select_n3A_1135 : vector<16xi1>, vector<16xf32>
      %slice3A_1200 = vector.extract_strided_slice %get3A_467 {offsets = [8], sizes = [1], strides = [1]} : vector<16xi32> to vector<1xi32>
      %squeeze3A_1201 = vector.extract %slice3A_1200[0] : i32 from vector<1xi32>
      %jit3A_1202 = arith.constant 128 : i32
      %div3A_1203 = arith.divsi %squeeze3A_1201, %jit3A_1202 : i32
      %sign3A_1204 = arith.constant 0 : i32
      %sign3A_1205 = arith.cmpi sgt, %squeeze3A_1201, %sign3A_1204 : i32
      %sign3A_1206 = arith.extui %sign3A_1205 : i1 to i32
      %sign3A_1207 = arith.constant 0 : i32
      %sign3A_1208 = arith.cmpi slt, %squeeze3A_1201, %sign3A_1207 : i32
      %sign3A_1209 = arith.extui %sign3A_1208 : i1 to i32
      %sign3A_1210 = arith.subi %sign3A_1206, %sign3A_1209 : i32
      %sign3A_1211 = arith.constant 0 : i32
      %sign3A_1212 = arith.cmpi sgt, %jit3A_1202, %sign3A_1211 : i32
      %sign3A_1213 = arith.extui %sign3A_1212 : i1 to i32
      %sign3A_1214 = arith.constant 0 : i32
      %sign3A_1215 = arith.cmpi slt, %jit3A_1202, %sign3A_1214 : i32
      %sign3A_1216 = arith.extui %sign3A_1215 : i1 to i32
      %sign3A_1217 = arith.subi %sign3A_1213, %sign3A_1216 : i32
      %ne3A_1218 = arith.cmpi ne, %sign3A_1210, %sign3A_1217 : i32
      %rem3A_1219 = arith.remsi %squeeze3A_1201, %jit3A_1202 : i32
      %ne3A_1220 = arith.constant 0 : i32
      %ne3A_1221 = arith.cmpi ne, %rem3A_1219, %ne3A_1220 : i32
      %and3A_1222 = arith.andi %ne3A_1218, %ne3A_1221 : i1
      %sub3A_1223 = arith.constant 1 : i32
      %sub3A_1224 = arith.subi %div3A_1203, %sub3A_1223 : i32
      %select_n3A_1225 = arith.select %and3A_1222, %sub3A_1224, %div3A_1203 : i32
      %mul3A_1226 = arith.constant 128 : i32
      %mul3A_1227 = arith.muli %select_n3A_1225, %mul3A_1226 : i32
      %slice3A_1228 = vector.extract_strided_slice %get3A_471 {offsets = [8], sizes = [1], strides = [1]} : vector<16xi32> to vector<1xi32>
      %squeeze3A_1229 = vector.extract %slice3A_1228[0] : i32 from vector<1xi32>
      %jit3A_1230 = arith.constant 128 : i32
      %div3A_1231 = arith.divsi %squeeze3A_1229, %jit3A_1230 : i32
      %sign3A_1232 = arith.constant 0 : i32
      %sign3A_1233 = arith.cmpi sgt, %squeeze3A_1229, %sign3A_1232 : i32
      %sign3A_1234 = arith.extui %sign3A_1233 : i1 to i32
      %sign3A_1235 = arith.constant 0 : i32
      %sign3A_1236 = arith.cmpi slt, %squeeze3A_1229, %sign3A_1235 : i32
      %sign3A_1237 = arith.extui %sign3A_1236 : i1 to i32
      %sign3A_1238 = arith.subi %sign3A_1234, %sign3A_1237 : i32
      %sign3A_1239 = arith.constant 0 : i32
      %sign3A_1240 = arith.cmpi sgt, %jit3A_1230, %sign3A_1239 : i32
      %sign3A_1241 = arith.extui %sign3A_1240 : i1 to i32
      %sign3A_1242 = arith.constant 0 : i32
      %sign3A_1243 = arith.cmpi slt, %jit3A_1230, %sign3A_1242 : i32
      %sign3A_1244 = arith.extui %sign3A_1243 : i1 to i32
      %sign3A_1245 = arith.subi %sign3A_1241, %sign3A_1244 : i32
      %ne3A_1246 = arith.cmpi ne, %sign3A_1238, %sign3A_1245 : i32
      %rem3A_1247 = arith.remsi %squeeze3A_1229, %jit3A_1230 : i32
      %ne3A_1248 = arith.constant 0 : i32
      %ne3A_1249 = arith.cmpi ne, %rem3A_1247, %ne3A_1248 : i32
      %and3A_1250 = arith.andi %ne3A_1246, %ne3A_1249 : i1
      %sub3A_1251 = arith.constant 1 : i32
      %sub3A_1252 = arith.subi %div3A_1231, %sub3A_1251 : i32
      %select_n3A_1253 = arith.select %and3A_1250, %sub3A_1252, %div3A_1231 : i32
      %mul3A_1254 = arith.constant 128 : i32
      %mul3A_1255 = arith.muli %select_n3A_1253, %mul3A_1254 : i32
      %dma_start3A_1256 = arith.constant 0 : i32
      %dma_start3A_1257 = arith.constant 0 : i32
      %dma_start3A_1258 = arith.constant 0 : i32
      %dma_start3A_1259 = arith.constant 0 : i32
      %dma_start3A_1260 = tpu.memref_slice %arg9[%dma_start3A_1256, %dma_start3A_1257, %dma_start3A_1258, %dma_start3A_1259] : memref<2x4x32x128xf32, #tpu.memory_space<vmem>> -> memref<1x1x32x128xf32, #tpu.memory_space<vmem>>
      %dma_start3A_1261 = tpu.memref_squeeze %dma_start3A_1260 : memref<1x1x32x128xf32, #tpu.memory_space<vmem>> -> memref<32x128xf32, #tpu.memory_space<vmem>>
      %dma_start3A_1262 = arith.constant 0 : i32
      %dma_start3A_1263 = tpu.memref_slice %arg2[%dma_start3A_1262, %mul3A_1227] : memref<32x1000000xf32, #tpu.memory_space<hbm>> -> memref<32x128xf32, #tpu.memory_space<hbm>>
      %dma_start3A_1264 = arith.constant 0 : i32
      %dma_start3A_1265 = arith.constant 0 : i32
      %dma_start3A_1266 = tpu.memref_slice %arg9[%dma_start3A_1256, %dma_start3A_1257, %dma_start3A_1264, %dma_start3A_1265] : memref<2x4x32x128xf32, #tpu.memory_space<vmem>> -> memref<1x1x32x128xf32, #tpu.memory_space<vmem>>
      %dma_start3A_1267 = tpu.memref_squeeze %dma_start3A_1266 : memref<1x1x32x128xf32, #tpu.memory_space<vmem>> -> memref<32x128xf32, #tpu.memory_space<vmem>>
      %dma_start3A_1268 = arith.constant 0 : i32
      %dma_start3A_1269 = tpu.memref_slice %arg2[%dma_start3A_1268, %mul3A_1227] : memref<32x1000000xf32, #tpu.memory_space<hbm>> -> memref<32x128xf32, #tpu.memory_space<hbm>>
      tpu.enqueue_dma source(%dma_start3A_1269 : memref<32x128xf32, #tpu.memory_space<hbm>>) target(%dma_start3A_1267 : memref<32x128xf32, #tpu.memory_space<vmem>>) target_semaphore(%arg12 : memref<!tpu.dma_semaphore, #tpu.memory_space<semaphore_mem>>)
      %dma_start3A_1270 = arith.constant 0 : i32
      %dma_start3A_1271 = arith.constant 0 : i32
      %dma_start3A_1272 = arith.constant 0 : i32
      %dma_start3A_1273 = arith.constant 0 : i32
      %dma_start3A_1274 = tpu.memref_slice %arg10[%dma_start3A_1270, %dma_start3A_1271, %dma_start3A_1272, %dma_start3A_1273] : memref<2x4x32x128xf32, #tpu.memory_space<vmem>> -> memref<1x1x32x128xf32, #tpu.memory_space<vmem>>
      %dma_start3A_1275 = tpu.memref_squeeze %dma_start3A_1274 : memref<1x1x32x128xf32, #tpu.memory_space<vmem>> -> memref<32x128xf32, #tpu.memory_space<vmem>>
      %dma_start3A_1276 = arith.constant 0 : i32
      %dma_start3A_1277 = tpu.memref_slice %arg3[%dma_start3A_1276, %mul3A_1255] : memref<32x1000000xf32, #tpu.memory_space<hbm>> -> memref<32x128xf32, #tpu.memory_space<hbm>>
      %dma_start3A_1278 = arith.constant 0 : i32
      %dma_start3A_1279 = arith.constant 0 : i32
      %dma_start3A_1280 = tpu.memref_slice %arg10[%dma_start3A_1270, %dma_start3A_1271, %dma_start3A_1278, %dma_start3A_1279] : memref<2x4x32x128xf32, #tpu.memory_space<vmem>> -> memref<1x1x32x128xf32, #tpu.memory_space<vmem>>
      %dma_start3A_1281 = tpu.memref_squeeze %dma_start3A_1280 : memref<1x1x32x128xf32, #tpu.memory_space<vmem>> -> memref<32x128xf32, #tpu.memory_space<vmem>>
      %dma_start3A_1282 = arith.constant 0 : i32
      %dma_start3A_1283 = tpu.memref_slice %arg3[%dma_start3A_1282, %mul3A_1255] : memref<32x1000000xf32, #tpu.memory_space<hbm>> -> memref<32x128xf32, #tpu.memory_space<hbm>>
      tpu.enqueue_dma source(%dma_start3A_1283 : memref<32x128xf32, #tpu.memory_space<hbm>>) target(%dma_start3A_1281 : memref<32x128xf32, #tpu.memory_space<vmem>>) target_semaphore(%arg12 : memref<!tpu.dma_semaphore, #tpu.memory_space<semaphore_mem>>)
      %slice3A_1284 = vector.extract_strided_slice %get3A_467 {offsets = [9], sizes = [1], strides = [1]} : vector<16xi32> to vector<1xi32>
      %squeeze3A_1285 = vector.extract %slice3A_1284[0] : i32 from vector<1xi32>
      %jit3A_1286 = arith.constant 128 : i32
      %div3A_1287 = arith.divsi %squeeze3A_1285, %jit3A_1286 : i32
      %sign3A_1288 = arith.constant 0 : i32
      %sign3A_1289 = arith.cmpi sgt, %squeeze3A_1285, %sign3A_1288 : i32
      %sign3A_1290 = arith.extui %sign3A_1289 : i1 to i32
      %sign3A_1291 = arith.constant 0 : i32
      %sign3A_1292 = arith.cmpi slt, %squeeze3A_1285, %sign3A_1291 : i32
      %sign3A_1293 = arith.extui %sign3A_1292 : i1 to i32
      %sign3A_1294 = arith.subi %sign3A_1290, %sign3A_1293 : i32
      %sign3A_1295 = arith.constant 0 : i32
      %sign3A_1296 = arith.cmpi sgt, %jit3A_1286, %sign3A_1295 : i32
      %sign3A_1297 = arith.extui %sign3A_1296 : i1 to i32
      %sign3A_1298 = arith.constant 0 : i32
      %sign3A_1299 = arith.cmpi slt, %jit3A_1286, %sign3A_1298 : i32
      %sign3A_1300 = arith.extui %sign3A_1299 : i1 to i32
      %sign3A_1301 = arith.subi %sign3A_1297, %sign3A_1300 : i32
      %ne3A_1302 = arith.cmpi ne, %sign3A_1294, %sign3A_1301 : i32
      %rem3A_1303 = arith.remsi %squeeze3A_1285, %jit3A_1286 : i32
      %ne3A_1304 = arith.constant 0 : i32
      %ne3A_1305 = arith.cmpi ne, %rem3A_1303, %ne3A_1304 : i32
      %and3A_1306 = arith.andi %ne3A_1302, %ne3A_1305 : i1
      %sub3A_1307 = arith.constant 1 : i32
      %sub3A_1308 = arith.subi %div3A_1287, %sub3A_1307 : i32
      %select_n3A_1309 = arith.select %and3A_1306, %sub3A_1308, %div3A_1287 : i32
      %mul3A_1310 = arith.constant 128 : i32
      %mul3A_1311 = arith.muli %select_n3A_1309, %mul3A_1310 : i32
      %slice3A_1312 = vector.extract_strided_slice %get3A_471 {offsets = [9], sizes = [1], strides = [1]} : vector<16xi32> to vector<1xi32>
      %squeeze3A_1313 = vector.extract %slice3A_1312[0] : i32 from vector<1xi32>
      %jit3A_1314 = arith.constant 128 : i32
      %div3A_1315 = arith.divsi %squeeze3A_1313, %jit3A_1314 : i32
      %sign3A_1316 = arith.constant 0 : i32
      %sign3A_1317 = arith.cmpi sgt, %squeeze3A_1313, %sign3A_1316 : i32
      %sign3A_1318 = arith.extui %sign3A_1317 : i1 to i32
      %sign3A_1319 = arith.constant 0 : i32
      %sign3A_1320 = arith.cmpi slt, %squeeze3A_1313, %sign3A_1319 : i32
      %sign3A_1321 = arith.extui %sign3A_1320 : i1 to i32
      %sign3A_1322 = arith.subi %sign3A_1318, %sign3A_1321 : i32
      %sign3A_1323 = arith.constant 0 : i32
      %sign3A_1324 = arith.cmpi sgt, %jit3A_1314, %sign3A_1323 : i32
      %sign3A_1325 = arith.extui %sign3A_1324 : i1 to i32
      %sign3A_1326 = arith.constant 0 : i32
      %sign3A_1327 = arith.cmpi slt, %jit3A_1314, %sign3A_1326 : i32
      %sign3A_1328 = arith.extui %sign3A_1327 : i1 to i32
      %sign3A_1329 = arith.subi %sign3A_1325, %sign3A_1328 : i32
      %ne3A_1330 = arith.cmpi ne, %sign3A_1322, %sign3A_1329 : i32
      %rem3A_1331 = arith.remsi %squeeze3A_1313, %jit3A_1314 : i32
      %ne3A_1332 = arith.constant 0 : i32
      %ne3A_1333 = arith.cmpi ne, %rem3A_1331, %ne3A_1332 : i32
      %and3A_1334 = arith.andi %ne3A_1330, %ne3A_1333 : i1
      %sub3A_1335 = arith.constant 1 : i32
      %sub3A_1336 = arith.subi %div3A_1315, %sub3A_1335 : i32
      %select_n3A_1337 = arith.select %and3A_1334, %sub3A_1336, %div3A_1315 : i32
      %mul3A_1338 = arith.constant 128 : i32
      %mul3A_1339 = arith.muli %select_n3A_1337, %mul3A_1338 : i32
      %dma_start3A_1340 = arith.constant 0 : i32
      %dma_start3A_1341 = arith.constant 1 : i32
      %dma_start3A_1342 = arith.constant 0 : i32
      %dma_start3A_1343 = arith.constant 0 : i32
      %dma_start3A_1344 = tpu.memref_slice %arg9[%dma_start3A_1340, %dma_start3A_1341, %dma_start3A_1342, %dma_start3A_1343] : memref<2x4x32x128xf32, #tpu.memory_space<vmem>> -> memref<1x1x32x128xf32, #tpu.memory_space<vmem>>
      %dma_start3A_1345 = tpu.memref_squeeze %dma_start3A_1344 : memref<1x1x32x128xf32, #tpu.memory_space<vmem>> -> memref<32x128xf32, #tpu.memory_space<vmem>>
      %dma_start3A_1346 = arith.constant 0 : i32
      %dma_start3A_1347 = tpu.memref_slice %arg2[%dma_start3A_1346, %mul3A_1311] : memref<32x1000000xf32, #tpu.memory_space<hbm>> -> memref<32x128xf32, #tpu.memory_space<hbm>>
      %dma_start3A_1348 = arith.constant 0 : i32
      %dma_start3A_1349 = arith.constant 0 : i32
      %dma_start3A_1350 = tpu.memref_slice %arg9[%dma_start3A_1340, %dma_start3A_1341, %dma_start3A_1348, %dma_start3A_1349] : memref<2x4x32x128xf32, #tpu.memory_space<vmem>> -> memref<1x1x32x128xf32, #tpu.memory_space<vmem>>
      %dma_start3A_1351 = tpu.memref_squeeze %dma_start3A_1350 : memref<1x1x32x128xf32, #tpu.memory_space<vmem>> -> memref<32x128xf32, #tpu.memory_space<vmem>>
      %dma_start3A_1352 = arith.constant 0 : i32
      %dma_start3A_1353 = tpu.memref_slice %arg2[%dma_start3A_1352, %mul3A_1311] : memref<32x1000000xf32, #tpu.memory_space<hbm>> -> memref<32x128xf32, #tpu.memory_space<hbm>>
      tpu.enqueue_dma source(%dma_start3A_1353 : memref<32x128xf32, #tpu.memory_space<hbm>>) target(%dma_start3A_1351 : memref<32x128xf32, #tpu.memory_space<vmem>>) target_semaphore(%arg12 : memref<!tpu.dma_semaphore, #tpu.memory_space<semaphore_mem>>)
      %dma_start3A_1354 = arith.constant 0 : i32
      %dma_start3A_1355 = arith.constant 1 : i32
      %dma_start3A_1356 = arith.constant 0 : i32
      %dma_start3A_1357 = arith.constant 0 : i32
      %dma_start3A_1358 = tpu.memref_slice %arg10[%dma_start3A_1354, %dma_start3A_1355, %dma_start3A_1356, %dma_start3A_1357] : memref<2x4x32x128xf32, #tpu.memory_space<vmem>> -> memref<1x1x32x128xf32, #tpu.memory_space<vmem>>
      %dma_start3A_1359 = tpu.memref_squeeze %dma_start3A_1358 : memref<1x1x32x128xf32, #tpu.memory_space<vmem>> -> memref<32x128xf32, #tpu.memory_space<vmem>>
      %dma_start3A_1360 = arith.constant 0 : i32
      %dma_start3A_1361 = tpu.memref_slice %arg3[%dma_start3A_1360, %mul3A_1339] : memref<32x1000000xf32, #tpu.memory_space<hbm>> -> memref<32x128xf32, #tpu.memory_space<hbm>>
      %dma_start3A_1362 = arith.constant 0 : i32
      %dma_start3A_1363 = arith.constant 0 : i32
      %dma_start3A_1364 = tpu.memref_slice %arg10[%dma_start3A_1354, %dma_start3A_1355, %dma_start3A_1362, %dma_start3A_1363] : memref<2x4x32x128xf32, #tpu.memory_space<vmem>> -> memref<1x1x32x128xf32, #tpu.memory_space<vmem>>
      %dma_start3A_1365 = tpu.memref_squeeze %dma_start3A_1364 : memref<1x1x32x128xf32, #tpu.memory_space<vmem>> -> memref<32x128xf32, #tpu.memory_space<vmem>>
      %dma_start3A_1366 = arith.constant 0 : i32
      %dma_start3A_1367 = tpu.memref_slice %arg3[%dma_start3A_1366, %mul3A_1339] : memref<32x1000000xf32, #tpu.memory_space<hbm>> -> memref<32x128xf32, #tpu.memory_space<hbm>>
      tpu.enqueue_dma source(%dma_start3A_1367 : memref<32x128xf32, #tpu.memory_space<hbm>>) target(%dma_start3A_1365 : memref<32x128xf32, #tpu.memory_space<vmem>>) target_semaphore(%arg12 : memref<!tpu.dma_semaphore, #tpu.memory_space<semaphore_mem>>)
      %slice3A_1368 = vector.extract_strided_slice %get3A_467 {offsets = [10], sizes = [1], strides = [1]} : vector<16xi32> to vector<1xi32>
      %squeeze3A_1369 = vector.extract %slice3A_1368[0] : i32 from vector<1xi32>
      %jit3A_1370 = arith.constant 128 : i32
      %div3A_1371 = arith.divsi %squeeze3A_1369, %jit3A_1370 : i32
      %sign3A_1372 = arith.constant 0 : i32
      %sign3A_1373 = arith.cmpi sgt, %squeeze3A_1369, %sign3A_1372 : i32
      %sign3A_1374 = arith.extui %sign3A_1373 : i1 to i32
      %sign3A_1375 = arith.constant 0 : i32
      %sign3A_1376 = arith.cmpi slt, %squeeze3A_1369, %sign3A_1375 : i32
      %sign3A_1377 = arith.extui %sign3A_1376 : i1 to i32
      %sign3A_1378 = arith.subi %sign3A_1374, %sign3A_1377 : i32
      %sign3A_1379 = arith.constant 0 : i32
      %sign3A_1380 = arith.cmpi sgt, %jit3A_1370, %sign3A_1379 : i32
      %sign3A_1381 = arith.extui %sign3A_1380 : i1 to i32
      %sign3A_1382 = arith.constant 0 : i32
      %sign3A_1383 = arith.cmpi slt, %jit3A_1370, %sign3A_1382 : i32
      %sign3A_1384 = arith.extui %sign3A_1383 : i1 to i32
      %sign3A_1385 = arith.subi %sign3A_1381, %sign3A_1384 : i32
      %ne3A_1386 = arith.cmpi ne, %sign3A_1378, %sign3A_1385 : i32
      %rem3A_1387 = arith.remsi %squeeze3A_1369, %jit3A_1370 : i32
      %ne3A_1388 = arith.constant 0 : i32
      %ne3A_1389 = arith.cmpi ne, %rem3A_1387, %ne3A_1388 : i32
      %and3A_1390 = arith.andi %ne3A_1386, %ne3A_1389 : i1
      %sub3A_1391 = arith.constant 1 : i32
      %sub3A_1392 = arith.subi %div3A_1371, %sub3A_1391 : i32
      %select_n3A_1393 = arith.select %and3A_1390, %sub3A_1392, %div3A_1371 : i32
      %mul3A_1394 = arith.constant 128 : i32
      %mul3A_1395 = arith.muli %select_n3A_1393, %mul3A_1394 : i32
      %slice3A_1396 = vector.extract_strided_slice %get3A_471 {offsets = [10], sizes = [1], strides = [1]} : vector<16xi32> to vector<1xi32>
      %squeeze3A_1397 = vector.extract %slice3A_1396[0] : i32 from vector<1xi32>
      %jit3A_1398 = arith.constant 128 : i32
      %div3A_1399 = arith.divsi %squeeze3A_1397, %jit3A_1398 : i32
      %sign3A_1400 = arith.constant 0 : i32
      %sign3A_1401 = arith.cmpi sgt, %squeeze3A_1397, %sign3A_1400 : i32
      %sign3A_1402 = arith.extui %sign3A_1401 : i1 to i32
      %sign3A_1403 = arith.constant 0 : i32
      %sign3A_1404 = arith.cmpi slt, %squeeze3A_1397, %sign3A_1403 : i32
      %sign3A_1405 = arith.extui %sign3A_1404 : i1 to i32
      %sign3A_1406 = arith.subi %sign3A_1402, %sign3A_1405 : i32
      %sign3A_1407 = arith.constant 0 : i32
      %sign3A_1408 = arith.cmpi sgt, %jit3A_1398, %sign3A_1407 : i32
      %sign3A_1409 = arith.extui %sign3A_1408 : i1 to i32
      %sign3A_1410 = arith.constant 0 : i32
      %sign3A_1411 = arith.cmpi slt, %jit3A_1398, %sign3A_1410 : i32
      %sign3A_1412 = arith.extui %sign3A_1411 : i1 to i32
      %sign3A_1413 = arith.subi %sign3A_1409, %sign3A_1412 : i32
      %ne3A_1414 = arith.cmpi ne, %sign3A_1406, %sign3A_1413 : i32
      %rem3A_1415 = arith.remsi %squeeze3A_1397, %jit3A_1398 : i32
      %ne3A_1416 = arith.constant 0 : i32
      %ne3A_1417 = arith.cmpi ne, %rem3A_1415, %ne3A_1416 : i32
      %and3A_1418 = arith.andi %ne3A_1414, %ne3A_1417 : i1
      %sub3A_1419 = arith.constant 1 : i32
      %sub3A_1420 = arith.subi %div3A_1399, %sub3A_1419 : i32
      %select_n3A_1421 = arith.select %and3A_1418, %sub3A_1420, %div3A_1399 : i32
      %mul3A_1422 = arith.constant 128 : i32
      %mul3A_1423 = arith.muli %select_n3A_1421, %mul3A_1422 : i32
      %dma_start3A_1424 = arith.constant 0 : i32
      %dma_start3A_1425 = arith.constant 2 : i32
      %dma_start3A_1426 = arith.constant 0 : i32
      %dma_start3A_1427 = arith.constant 0 : i32
      %dma_start3A_1428 = tpu.memref_slice %arg9[%dma_start3A_1424, %dma_start3A_1425, %dma_start3A_1426, %dma_start3A_1427] : memref<2x4x32x128xf32, #tpu.memory_space<vmem>> -> memref<1x1x32x128xf32, #tpu.memory_space<vmem>>
      %dma_start3A_1429 = tpu.memref_squeeze %dma_start3A_1428 : memref<1x1x32x128xf32, #tpu.memory_space<vmem>> -> memref<32x128xf32, #tpu.memory_space<vmem>>
      %dma_start3A_1430 = arith.constant 0 : i32
      %dma_start3A_1431 = tpu.memref_slice %arg2[%dma_start3A_1430, %mul3A_1395] : memref<32x1000000xf32, #tpu.memory_space<hbm>> -> memref<32x128xf32, #tpu.memory_space<hbm>>
      %dma_start3A_1432 = arith.constant 0 : i32
      %dma_start3A_1433 = arith.constant 0 : i32
      %dma_start3A_1434 = tpu.memref_slice %arg9[%dma_start3A_1424, %dma_start3A_1425, %dma_start3A_1432, %dma_start3A_1433] : memref<2x4x32x128xf32, #tpu.memory_space<vmem>> -> memref<1x1x32x128xf32, #tpu.memory_space<vmem>>
      %dma_start3A_1435 = tpu.memref_squeeze %dma_start3A_1434 : memref<1x1x32x128xf32, #tpu.memory_space<vmem>> -> memref<32x128xf32, #tpu.memory_space<vmem>>
      %dma_start3A_1436 = arith.constant 0 : i32
      %dma_start3A_1437 = tpu.memref_slice %arg2[%dma_start3A_1436, %mul3A_1395] : memref<32x1000000xf32, #tpu.memory_space<hbm>> -> memref<32x128xf32, #tpu.memory_space<hbm>>
      tpu.enqueue_dma source(%dma_start3A_1437 : memref<32x128xf32, #tpu.memory_space<hbm>>) target(%dma_start3A_1435 : memref<32x128xf32, #tpu.memory_space<vmem>>) target_semaphore(%arg12 : memref<!tpu.dma_semaphore, #tpu.memory_space<semaphore_mem>>)
      %dma_start3A_1438 = arith.constant 0 : i32
      %dma_start3A_1439 = arith.constant 2 : i32
      %dma_start3A_1440 = arith.constant 0 : i32
      %dma_start3A_1441 = arith.constant 0 : i32
      %dma_start3A_1442 = tpu.memref_slice %arg10[%dma_start3A_1438, %dma_start3A_1439, %dma_start3A_1440, %dma_start3A_1441] : memref<2x4x32x128xf32, #tpu.memory_space<vmem>> -> memref<1x1x32x128xf32, #tpu.memory_space<vmem>>
      %dma_start3A_1443 = tpu.memref_squeeze %dma_start3A_1442 : memref<1x1x32x128xf32, #tpu.memory_space<vmem>> -> memref<32x128xf32, #tpu.memory_space<vmem>>
      %dma_start3A_1444 = arith.constant 0 : i32
      %dma_start3A_1445 = tpu.memref_slice %arg3[%dma_start3A_1444, %mul3A_1423] : memref<32x1000000xf32, #tpu.memory_space<hbm>> -> memref<32x128xf32, #tpu.memory_space<hbm>>
      %dma_start3A_1446 = arith.constant 0 : i32
      %dma_start3A_1447 = arith.constant 0 : i32
      %dma_start3A_1448 = tpu.memref_slice %arg10[%dma_start3A_1438, %dma_start3A_1439, %dma_start3A_1446, %dma_start3A_1447] : memref<2x4x32x128xf32, #tpu.memory_space<vmem>> -> memref<1x1x32x128xf32, #tpu.memory_space<vmem>>
      %dma_start3A_1449 = tpu.memref_squeeze %dma_start3A_1448 : memref<1x1x32x128xf32, #tpu.memory_space<vmem>> -> memref<32x128xf32, #tpu.memory_space<vmem>>
      %dma_start3A_1450 = arith.constant 0 : i32
      %dma_start3A_1451 = tpu.memref_slice %arg3[%dma_start3A_1450, %mul3A_1423] : memref<32x1000000xf32, #tpu.memory_space<hbm>> -> memref<32x128xf32, #tpu.memory_space<hbm>>
      tpu.enqueue_dma source(%dma_start3A_1451 : memref<32x128xf32, #tpu.memory_space<hbm>>) target(%dma_start3A_1449 : memref<32x128xf32, #tpu.memory_space<vmem>>) target_semaphore(%arg12 : memref<!tpu.dma_semaphore, #tpu.memory_space<semaphore_mem>>)
      %slice3A_1452 = vector.extract_strided_slice %get3A_467 {offsets = [11], sizes = [1], strides = [1]} : vector<16xi32> to vector<1xi32>
      %squeeze3A_1453 = vector.extract %slice3A_1452[0] : i32 from vector<1xi32>
      %jit3A_1454 = arith.constant 128 : i32
      %div3A_1455 = arith.divsi %squeeze3A_1453, %jit3A_1454 : i32
      %sign3A_1456 = arith.constant 0 : i32
      %sign3A_1457 = arith.cmpi sgt, %squeeze3A_1453, %sign3A_1456 : i32
      %sign3A_1458 = arith.extui %sign3A_1457 : i1 to i32
      %sign3A_1459 = arith.constant 0 : i32
      %sign3A_1460 = arith.cmpi slt, %squeeze3A_1453, %sign3A_1459 : i32
      %sign3A_1461 = arith.extui %sign3A_1460 : i1 to i32
      %sign3A_1462 = arith.subi %sign3A_1458, %sign3A_1461 : i32
      %sign3A_1463 = arith.constant 0 : i32
      %sign3A_1464 = arith.cmpi sgt, %jit3A_1454, %sign3A_1463 : i32
      %sign3A_1465 = arith.extui %sign3A_1464 : i1 to i32
      %sign3A_1466 = arith.constant 0 : i32
      %sign3A_1467 = arith.cmpi slt, %jit3A_1454, %sign3A_1466 : i32
      %sign3A_1468 = arith.extui %sign3A_1467 : i1 to i32
      %sign3A_1469 = arith.subi %sign3A_1465, %sign3A_1468 : i32
      %ne3A_1470 = arith.cmpi ne, %sign3A_1462, %sign3A_1469 : i32
      %rem3A_1471 = arith.remsi %squeeze3A_1453, %jit3A_1454 : i32
      %ne3A_1472 = arith.constant 0 : i32
      %ne3A_1473 = arith.cmpi ne, %rem3A_1471, %ne3A_1472 : i32
      %and3A_1474 = arith.andi %ne3A_1470, %ne3A_1473 : i1
      %sub3A_1475 = arith.constant 1 : i32
      %sub3A_1476 = arith.subi %div3A_1455, %sub3A_1475 : i32
      %select_n3A_1477 = arith.select %and3A_1474, %sub3A_1476, %div3A_1455 : i32
      %mul3A_1478 = arith.constant 128 : i32
      %mul3A_1479 = arith.muli %select_n3A_1477, %mul3A_1478 : i32
      %slice3A_1480 = vector.extract_strided_slice %get3A_471 {offsets = [11], sizes = [1], strides = [1]} : vector<16xi32> to vector<1xi32>
      %squeeze3A_1481 = vector.extract %slice3A_1480[0] : i32 from vector<1xi32>
      %jit3A_1482 = arith.constant 128 : i32
      %div3A_1483 = arith.divsi %squeeze3A_1481, %jit3A_1482 : i32
      %sign3A_1484 = arith.constant 0 : i32
      %sign3A_1485 = arith.cmpi sgt, %squeeze3A_1481, %sign3A_1484 : i32
      %sign3A_1486 = arith.extui %sign3A_1485 : i1 to i32
      %sign3A_1487 = arith.constant 0 : i32
      %sign3A_1488 = arith.cmpi slt, %squeeze3A_1481, %sign3A_1487 : i32
      %sign3A_1489 = arith.extui %sign3A_1488 : i1 to i32
      %sign3A_1490 = arith.subi %sign3A_1486, %sign3A_1489 : i32
      %sign3A_1491 = arith.constant 0 : i32
      %sign3A_1492 = arith.cmpi sgt, %jit3A_1482, %sign3A_1491 : i32
      %sign3A_1493 = arith.extui %sign3A_1492 : i1 to i32
      %sign3A_1494 = arith.constant 0 : i32
      %sign3A_1495 = arith.cmpi slt, %jit3A_1482, %sign3A_1494 : i32
      %sign3A_1496 = arith.extui %sign3A_1495 : i1 to i32
      %sign3A_1497 = arith.subi %sign3A_1493, %sign3A_1496 : i32
      %ne3A_1498 = arith.cmpi ne, %sign3A_1490, %sign3A_1497 : i32
      %rem3A_1499 = arith.remsi %squeeze3A_1481, %jit3A_1482 : i32
      %ne3A_1500 = arith.constant 0 : i32
      %ne3A_1501 = arith.cmpi ne, %rem3A_1499, %ne3A_1500 : i32
      %and3A_1502 = arith.andi %ne3A_1498, %ne3A_1501 : i1
      %sub3A_1503 = arith.constant 1 : i32
      %sub3A_1504 = arith.subi %div3A_1483, %sub3A_1503 : i32
      %select_n3A_1505 = arith.select %and3A_1502, %sub3A_1504, %div3A_1483 : i32
      %mul3A_1506 = arith.constant 128 : i32
      %mul3A_1507 = arith.muli %select_n3A_1505, %mul3A_1506 : i32
      %dma_start3A_1508 = arith.constant 0 : i32
      %dma_start3A_1509 = arith.constant 3 : i32
      %dma_start3A_1510 = arith.constant 0 : i32
      %dma_start3A_1511 = arith.constant 0 : i32
      %dma_start3A_1512 = tpu.memref_slice %arg9[%dma_start3A_1508, %dma_start3A_1509, %dma_start3A_1510, %dma_start3A_1511] : memref<2x4x32x128xf32, #tpu.memory_space<vmem>> -> memref<1x1x32x128xf32, #tpu.memory_space<vmem>>
      %dma_start3A_1513 = tpu.memref_squeeze %dma_start3A_1512 : memref<1x1x32x128xf32, #tpu.memory_space<vmem>> -> memref<32x128xf32, #tpu.memory_space<vmem>>
      %dma_start3A_1514 = arith.constant 0 : i32
      %dma_start3A_1515 = tpu.memref_slice %arg2[%dma_start3A_1514, %mul3A_1479] : memref<32x1000000xf32, #tpu.memory_space<hbm>> -> memref<32x128xf32, #tpu.memory_space<hbm>>
      %dma_start3A_1516 = arith.constant 0 : i32
      %dma_start3A_1517 = arith.constant 0 : i32
      %dma_start3A_1518 = tpu.memref_slice %arg9[%dma_start3A_1508, %dma_start3A_1509, %dma_start3A_1516, %dma_start3A_1517] : memref<2x4x32x128xf32, #tpu.memory_space<vmem>> -> memref<1x1x32x128xf32, #tpu.memory_space<vmem>>
      %dma_start3A_1519 = tpu.memref_squeeze %dma_start3A_1518 : memref<1x1x32x128xf32, #tpu.memory_space<vmem>> -> memref<32x128xf32, #tpu.memory_space<vmem>>
      %dma_start3A_1520 = arith.constant 0 : i32
      %dma_start3A_1521 = tpu.memref_slice %arg2[%dma_start3A_1520, %mul3A_1479] : memref<32x1000000xf32, #tpu.memory_space<hbm>> -> memref<32x128xf32, #tpu.memory_space<hbm>>
      tpu.enqueue_dma source(%dma_start3A_1521 : memref<32x128xf32, #tpu.memory_space<hbm>>) target(%dma_start3A_1519 : memref<32x128xf32, #tpu.memory_space<vmem>>) target_semaphore(%arg12 : memref<!tpu.dma_semaphore, #tpu.memory_space<semaphore_mem>>)
      %dma_start3A_1522 = arith.constant 0 : i32
      %dma_start3A_1523 = arith.constant 3 : i32
      %dma_start3A_1524 = arith.constant 0 : i32
      %dma_start3A_1525 = arith.constant 0 : i32
      %dma_start3A_1526 = tpu.memref_slice %arg10[%dma_start3A_1522, %dma_start3A_1523, %dma_start3A_1524, %dma_start3A_1525] : memref<2x4x32x128xf32, #tpu.memory_space<vmem>> -> memref<1x1x32x128xf32, #tpu.memory_space<vmem>>
      %dma_start3A_1527 = tpu.memref_squeeze %dma_start3A_1526 : memref<1x1x32x128xf32, #tpu.memory_space<vmem>> -> memref<32x128xf32, #tpu.memory_space<vmem>>
      %dma_start3A_1528 = arith.constant 0 : i32
      %dma_start3A_1529 = tpu.memref_slice %arg3[%dma_start3A_1528, %mul3A_1507] : memref<32x1000000xf32, #tpu.memory_space<hbm>> -> memref<32x128xf32, #tpu.memory_space<hbm>>
      %dma_start3A_1530 = arith.constant 0 : i32
      %dma_start3A_1531 = arith.constant 0 : i32
      %dma_start3A_1532 = tpu.memref_slice %arg10[%dma_start3A_1522, %dma_start3A_1523, %dma_start3A_1530, %dma_start3A_1531] : memref<2x4x32x128xf32, #tpu.memory_space<vmem>> -> memref<1x1x32x128xf32, #tpu.memory_space<vmem>>
      %dma_start3A_1533 = tpu.memref_squeeze %dma_start3A_1532 : memref<1x1x32x128xf32, #tpu.memory_space<vmem>> -> memref<32x128xf32, #tpu.memory_space<vmem>>
      %dma_start3A_1534 = arith.constant 0 : i32
      %dma_start3A_1535 = tpu.memref_slice %arg3[%dma_start3A_1534, %mul3A_1507] : memref<32x1000000xf32, #tpu.memory_space<hbm>> -> memref<32x128xf32, #tpu.memory_space<hbm>>
      tpu.enqueue_dma source(%dma_start3A_1535 : memref<32x128xf32, #tpu.memory_space<hbm>>) target(%dma_start3A_1533 : memref<32x128xf32, #tpu.memory_space<vmem>>) target_semaphore(%arg12 : memref<!tpu.dma_semaphore, #tpu.memory_space<semaphore_mem>>)
      %dma_wait3A_1536 = arith.constant 1 : i32
      %dma_wait3A_1537 = arith.constant 0 : i32
      %dma_wait3A_1538 = arith.constant 0 : i32
      %dma_wait3A_1539 = arith.constant 0 : i32
      %dma_wait3A_1540 = tpu.memref_slice %arg9[%dma_wait3A_1536, %dma_wait3A_1537, %dma_wait3A_1538, %dma_wait3A_1539] : memref<2x4x32x128xf32, #tpu.memory_space<vmem>> -> memref<1x1x32x128xf32, #tpu.memory_space<vmem>>
      %dma_wait3A_1541 = tpu.memref_squeeze %dma_wait3A_1540 : memref<1x1x32x128xf32, #tpu.memory_space<vmem>> -> memref<32x128xf32, #tpu.memory_space<vmem>>
      %dma_wait3A_1542 = arith.constant 0 : i32
      %dma_wait3A_1543 = arith.constant 0 : i32
      %dma_wait3A_1544 = tpu.memref_slice %arg2[%dma_wait3A_1542, %dma_wait3A_1543] : memref<32x1000000xf32, #tpu.memory_space<hbm>> -> memref<32x128xf32, #tpu.memory_space<hbm>>
      %dma_wait3A_1545 = arith.constant 0 : i32
      %dma_wait3A_1546 = arith.constant 0 : i32
      %dma_wait3A_1547 = tpu.memref_slice %arg9[%dma_wait3A_1536, %dma_wait3A_1537, %dma_wait3A_1545, %dma_wait3A_1546] : memref<2x4x32x128xf32, #tpu.memory_space<vmem>> -> memref<1x1x32x128xf32, #tpu.memory_space<vmem>>
      %dma_wait3A_1548 = tpu.memref_squeeze %dma_wait3A_1547 : memref<1x1x32x128xf32, #tpu.memory_space<vmem>> -> memref<32x128xf32, #tpu.memory_space<vmem>>
      %dma_wait3A_1549 = arith.constant 0 : i32
      %dma_wait3A_1550 = arith.constant 0 : i32
      %dma_wait3A_1551 = tpu.memref_slice %arg2[%dma_wait3A_1549, %dma_wait3A_1550] : memref<32x1000000xf32, #tpu.memory_space<hbm>> -> memref<32x128xf32, #tpu.memory_space<hbm>>
      tpu.wait_dma2 semaphore(%arg13 : memref<!tpu.dma_semaphore, #tpu.memory_space<semaphore_mem>>) src(%dma_wait3A_1551 : memref<32x128xf32, #tpu.memory_space<hbm>>) dst(%dma_wait3A_1548 : memref<32x128xf32, #tpu.memory_space<vmem>>)
      %dma_wait3A_1552 = arith.constant 1 : i32
      %dma_wait3A_1553 = arith.constant 0 : i32
      %dma_wait3A_1554 = arith.constant 0 : i32
      %dma_wait3A_1555 = arith.constant 0 : i32
      %dma_wait3A_1556 = tpu.memref_slice %arg10[%dma_wait3A_1552, %dma_wait3A_1553, %dma_wait3A_1554, %dma_wait3A_1555] : memref<2x4x32x128xf32, #tpu.memory_space<vmem>> -> memref<1x1x32x128xf32, #tpu.memory_space<vmem>>
      %dma_wait3A_1557 = tpu.memref_squeeze %dma_wait3A_1556 : memref<1x1x32x128xf32, #tpu.memory_space<vmem>> -> memref<32x128xf32, #tpu.memory_space<vmem>>
      %dma_wait3A_1558 = arith.constant 0 : i32
      %dma_wait3A_1559 = arith.constant 0 : i32
      %dma_wait3A_1560 = tpu.memref_slice %arg3[%dma_wait3A_1558, %dma_wait3A_1559] : memref<32x1000000xf32, #tpu.memory_space<hbm>> -> memref<32x128xf32, #tpu.memory_space<hbm>>
      %dma_wait3A_1561 = arith.constant 0 : i32
      %dma_wait3A_1562 = arith.constant 0 : i32
      %dma_wait3A_1563 = tpu.memref_slice %arg10[%dma_wait3A_1552, %dma_wait3A_1553, %dma_wait3A_1561, %dma_wait3A_1562] : memref<2x4x32x128xf32, #tpu.memory_space<vmem>> -> memref<1x1x32x128xf32, #tpu.memory_space<vmem>>
      %dma_wait3A_1564 = tpu.memref_squeeze %dma_wait3A_1563 : memref<1x1x32x128xf32, #tpu.memory_space<vmem>> -> memref<32x128xf32, #tpu.memory_space<vmem>>
      %dma_wait3A_1565 = arith.constant 0 : i32
      %dma_wait3A_1566 = arith.constant 0 : i32
      %dma_wait3A_1567 = tpu.memref_slice %arg3[%dma_wait3A_1565, %dma_wait3A_1566] : memref<32x1000000xf32, #tpu.memory_space<hbm>> -> memref<32x128xf32, #tpu.memory_space<hbm>>
      tpu.wait_dma2 semaphore(%arg13 : memref<!tpu.dma_semaphore, #tpu.memory_space<semaphore_mem>>) src(%dma_wait3A_1567 : memref<32x128xf32, #tpu.memory_space<hbm>>) dst(%dma_wait3A_1564 : memref<32x128xf32, #tpu.memory_space<vmem>>)
      %dma_wait3A_1568 = arith.constant 1 : i32
      %dma_wait3A_1569 = arith.constant 1 : i32
      %dma_wait3A_1570 = arith.constant 0 : i32
      %dma_wait3A_1571 = arith.constant 0 : i32
      %dma_wait3A_1572 = tpu.memref_slice %arg9[%dma_wait3A_1568, %dma_wait3A_1569, %dma_wait3A_1570, %dma_wait3A_1571] : memref<2x4x32x128xf32, #tpu.memory_space<vmem>> -> memref<1x1x32x128xf32, #tpu.memory_space<vmem>>
      %dma_wait3A_1573 = tpu.memref_squeeze %dma_wait3A_1572 : memref<1x1x32x128xf32, #tpu.memory_space<vmem>> -> memref<32x128xf32, #tpu.memory_space<vmem>>
      %dma_wait3A_1574 = arith.constant 0 : i32
      %dma_wait3A_1575 = arith.constant 0 : i32
      %dma_wait3A_1576 = tpu.memref_slice %arg2[%dma_wait3A_1574, %dma_wait3A_1575] : memref<32x1000000xf32, #tpu.memory_space<hbm>> -> memref<32x128xf32, #tpu.memory_space<hbm>>
      %dma_wait3A_1577 = arith.constant 0 : i32
      %dma_wait3A_1578 = arith.constant 0 : i32
      %dma_wait3A_1579 = tpu.memref_slice %arg9[%dma_wait3A_1568, %dma_wait3A_1569, %dma_wait3A_1577, %dma_wait3A_1578] : memref<2x4x32x128xf32, #tpu.memory_space<vmem>> -> memref<1x1x32x128xf32, #tpu.memory_space<vmem>>
      %dma_wait3A_1580 = tpu.memref_squeeze %dma_wait3A_1579 : memref<1x1x32x128xf32, #tpu.memory_space<vmem>> -> memref<32x128xf32, #tpu.memory_space<vmem>>
      %dma_wait3A_1581 = arith.constant 0 : i32
      %dma_wait3A_1582 = arith.constant 0 : i32
      %dma_wait3A_1583 = tpu.memref_slice %arg2[%dma_wait3A_1581, %dma_wait3A_1582] : memref<32x1000000xf32, #tpu.memory_space<hbm>> -> memref<32x128xf32, #tpu.memory_space<hbm>>
      tpu.wait_dma2 semaphore(%arg13 : memref<!tpu.dma_semaphore, #tpu.memory_space<semaphore_mem>>) src(%dma_wait3A_1583 : memref<32x128xf32, #tpu.memory_space<hbm>>) dst(%dma_wait3A_1580 : memref<32x128xf32, #tpu.memory_space<vmem>>)
      %dma_wait3A_1584 = arith.constant 1 : i32
      %dma_wait3A_1585 = arith.constant 1 : i32
      %dma_wait3A_1586 = arith.constant 0 : i32
      %dma_wait3A_1587 = arith.constant 0 : i32
      %dma_wait3A_1588 = tpu.memref_slice %arg10[%dma_wait3A_1584, %dma_wait3A_1585, %dma_wait3A_1586, %dma_wait3A_1587] : memref<2x4x32x128xf32, #tpu.memory_space<vmem>> -> memref<1x1x32x128xf32, #tpu.memory_space<vmem>>
      %dma_wait3A_1589 = tpu.memref_squeeze %dma_wait3A_1588 : memref<1x1x32x128xf32, #tpu.memory_space<vmem>> -> memref<32x128xf32, #tpu.memory_space<vmem>>
      %dma_wait3A_1590 = arith.constant 0 : i32
      %dma_wait3A_1591 = arith.constant 0 : i32
      %dma_wait3A_1592 = tpu.memref_slice %arg3[%dma_wait3A_1590, %dma_wait3A_1591] : memref<32x1000000xf32, #tpu.memory_space<hbm>> -> memref<32x128xf32, #tpu.memory_space<hbm>>
      %dma_wait3A_1593 = arith.constant 0 : i32
      %dma_wait3A_1594 = arith.constant 0 : i32
      %dma_wait3A_1595 = tpu.memref_slice %arg10[%dma_wait3A_1584, %dma_wait3A_1585, %dma_wait3A_1593, %dma_wait3A_1594] : memref<2x4x32x128xf32, #tpu.memory_space<vmem>> -> memref<1x1x32x128xf32, #tpu.memory_space<vmem>>
      %dma_wait3A_1596 = tpu.memref_squeeze %dma_wait3A_1595 : memref<1x1x32x128xf32, #tpu.memory_space<vmem>> -> memref<32x128xf32, #tpu.memory_space<vmem>>
      %dma_wait3A_1597 = arith.constant 0 : i32
      %dma_wait3A_1598 = arith.constant 0 : i32
      %dma_wait3A_1599 = tpu.memref_slice %arg3[%dma_wait3A_1597, %dma_wait3A_1598] : memref<32x1000000xf32, #tpu.memory_space<hbm>> -> memref<32x128xf32, #tpu.memory_space<hbm>>
      tpu.wait_dma2 semaphore(%arg13 : memref<!tpu.dma_semaphore, #tpu.memory_space<semaphore_mem>>) src(%dma_wait3A_1599 : memref<32x128xf32, #tpu.memory_space<hbm>>) dst(%dma_wait3A_1596 : memref<32x128xf32, #tpu.memory_space<vmem>>)
      %dma_wait3A_1600 = arith.constant 1 : i32
      %dma_wait3A_1601 = arith.constant 2 : i32
      %dma_wait3A_1602 = arith.constant 0 : i32
      %dma_wait3A_1603 = arith.constant 0 : i32
      %dma_wait3A_1604 = tpu.memref_slice %arg9[%dma_wait3A_1600, %dma_wait3A_1601, %dma_wait3A_1602, %dma_wait3A_1603] : memref<2x4x32x128xf32, #tpu.memory_space<vmem>> -> memref<1x1x32x128xf32, #tpu.memory_space<vmem>>
      %dma_wait3A_1605 = tpu.memref_squeeze %dma_wait3A_1604 : memref<1x1x32x128xf32, #tpu.memory_space<vmem>> -> memref<32x128xf32, #tpu.memory_space<vmem>>
      %dma_wait3A_1606 = arith.constant 0 : i32
      %dma_wait3A_1607 = arith.constant 0 : i32
      %dma_wait3A_1608 = tpu.memref_slice %arg2[%dma_wait3A_1606, %dma_wait3A_1607] : memref<32x1000000xf32, #tpu.memory_space<hbm>> -> memref<32x128xf32, #tpu.memory_space<hbm>>
      %dma_wait3A_1609 = arith.constant 0 : i32
      %dma_wait3A_1610 = arith.constant 0 : i32
      %dma_wait3A_1611 = tpu.memref_slice %arg9[%dma_wait3A_1600, %dma_wait3A_1601, %dma_wait3A_1609, %dma_wait3A_1610] : memref<2x4x32x128xf32, #tpu.memory_space<vmem>> -> memref<1x1x32x128xf32, #tpu.memory_space<vmem>>
      %dma_wait3A_1612 = tpu.memref_squeeze %dma_wait3A_1611 : memref<1x1x32x128xf32, #tpu.memory_space<vmem>> -> memref<32x128xf32, #tpu.memory_space<vmem>>
      %dma_wait3A_1613 = arith.constant 0 : i32
      %dma_wait3A_1614 = arith.constant 0 : i32
      %dma_wait3A_1615 = tpu.memref_slice %arg2[%dma_wait3A_1613, %dma_wait3A_1614] : memref<32x1000000xf32, #tpu.memory_space<hbm>> -> memref<32x128xf32, #tpu.memory_space<hbm>>
      tpu.wait_dma2 semaphore(%arg13 : memref<!tpu.dma_semaphore, #tpu.memory_space<semaphore_mem>>) src(%dma_wait3A_1615 : memref<32x128xf32, #tpu.memory_space<hbm>>) dst(%dma_wait3A_1612 : memref<32x128xf32, #tpu.memory_space<vmem>>)
      %dma_wait3A_1616 = arith.constant 1 : i32
      %dma_wait3A_1617 = arith.constant 2 : i32
      %dma_wait3A_1618 = arith.constant 0 : i32
      %dma_wait3A_1619 = arith.constant 0 : i32
      %dma_wait3A_1620 = tpu.memref_slice %arg10[%dma_wait3A_1616, %dma_wait3A_1617, %dma_wait3A_1618, %dma_wait3A_1619] : memref<2x4x32x128xf32, #tpu.memory_space<vmem>> -> memref<1x1x32x128xf32, #tpu.memory_space<vmem>>
      %dma_wait3A_1621 = tpu.memref_squeeze %dma_wait3A_1620 : memref<1x1x32x128xf32, #tpu.memory_space<vmem>> -> memref<32x128xf32, #tpu.memory_space<vmem>>
      %dma_wait3A_1622 = arith.constant 0 : i32
      %dma_wait3A_1623 = arith.constant 0 : i32
      %dma_wait3A_1624 = tpu.memref_slice %arg3[%dma_wait3A_1622, %dma_wait3A_1623] : memref<32x1000000xf32, #tpu.memory_space<hbm>> -> memref<32x128xf32, #tpu.memory_space<hbm>>
      %dma_wait3A_1625 = arith.constant 0 : i32
      %dma_wait3A_1626 = arith.constant 0 : i32
      %dma_wait3A_1627 = tpu.memref_slice %arg10[%dma_wait3A_1616, %dma_wait3A_1617, %dma_wait3A_1625, %dma_wait3A_1626] : memref<2x4x32x128xf32, #tpu.memory_space<vmem>> -> memref<1x1x32x128xf32, #tpu.memory_space<vmem>>
      %dma_wait3A_1628 = tpu.memref_squeeze %dma_wait3A_1627 : memref<1x1x32x128xf32, #tpu.memory_space<vmem>> -> memref<32x128xf32, #tpu.memory_space<vmem>>
      %dma_wait3A_1629 = arith.constant 0 : i32
      %dma_wait3A_1630 = arith.constant 0 : i32
      %dma_wait3A_1631 = tpu.memref_slice %arg3[%dma_wait3A_1629, %dma_wait3A_1630] : memref<32x1000000xf32, #tpu.memory_space<hbm>> -> memref<32x128xf32, #tpu.memory_space<hbm>>
      tpu.wait_dma2 semaphore(%arg13 : memref<!tpu.dma_semaphore, #tpu.memory_space<semaphore_mem>>) src(%dma_wait3A_1631 : memref<32x128xf32, #tpu.memory_space<hbm>>) dst(%dma_wait3A_1628 : memref<32x128xf32, #tpu.memory_space<vmem>>)
      %dma_wait3A_1632 = arith.constant 1 : i32
      %dma_wait3A_1633 = arith.constant 3 : i32
      %dma_wait3A_1634 = arith.constant 0 : i32
      %dma_wait3A_1635 = arith.constant 0 : i32
      %dma_wait3A_1636 = tpu.memref_slice %arg9[%dma_wait3A_1632, %dma_wait3A_1633, %dma_wait3A_1634, %dma_wait3A_1635] : memref<2x4x32x128xf32, #tpu.memory_space<vmem>> -> memref<1x1x32x128xf32, #tpu.memory_space<vmem>>
      %dma_wait3A_1637 = tpu.memref_squeeze %dma_wait3A_1636 : memref<1x1x32x128xf32, #tpu.memory_space<vmem>> -> memref<32x128xf32, #tpu.memory_space<vmem>>
      %dma_wait3A_1638 = arith.constant 0 : i32
      %dma_wait3A_1639 = arith.constant 0 : i32
      %dma_wait3A_1640 = tpu.memref_slice %arg2[%dma_wait3A_1638, %dma_wait3A_1639] : memref<32x1000000xf32, #tpu.memory_space<hbm>> -> memref<32x128xf32, #tpu.memory_space<hbm>>
      %dma_wait3A_1641 = arith.constant 0 : i32
      %dma_wait3A_1642 = arith.constant 0 : i32
      %dma_wait3A_1643 = tpu.memref_slice %arg9[%dma_wait3A_1632, %dma_wait3A_1633, %dma_wait3A_1641, %dma_wait3A_1642] : memref<2x4x32x128xf32, #tpu.memory_space<vmem>> -> memref<1x1x32x128xf32, #tpu.memory_space<vmem>>
      %dma_wait3A_1644 = tpu.memref_squeeze %dma_wait3A_1643 : memref<1x1x32x128xf32, #tpu.memory_space<vmem>> -> memref<32x128xf32, #tpu.memory_space<vmem>>
      %dma_wait3A_1645 = arith.constant 0 : i32
      %dma_wait3A_1646 = arith.constant 0 : i32
      %dma_wait3A_1647 = tpu.memref_slice %arg2[%dma_wait3A_1645, %dma_wait3A_1646] : memref<32x1000000xf32, #tpu.memory_space<hbm>> -> memref<32x128xf32, #tpu.memory_space<hbm>>
      tpu.wait_dma2 semaphore(%arg13 : memref<!tpu.dma_semaphore, #tpu.memory_space<semaphore_mem>>) src(%dma_wait3A_1647 : memref<32x128xf32, #tpu.memory_space<hbm>>) dst(%dma_wait3A_1644 : memref<32x128xf32, #tpu.memory_space<vmem>>)
      %dma_wait3A_1648 = arith.constant 1 : i32
      %dma_wait3A_1649 = arith.constant 3 : i32
      %dma_wait3A_1650 = arith.constant 0 : i32
      %dma_wait3A_1651 = arith.constant 0 : i32
      %dma_wait3A_1652 = tpu.memref_slice %arg10[%dma_wait3A_1648, %dma_wait3A_1649, %dma_wait3A_1650, %dma_wait3A_1651] : memref<2x4x32x128xf32, #tpu.memory_space<vmem>> -> memref<1x1x32x128xf32, #tpu.memory_space<vmem>>
      %dma_wait3A_1653 = tpu.memref_squeeze %dma_wait3A_1652 : memref<1x1x32x128xf32, #tpu.memory_space<vmem>> -> memref<32x128xf32, #tpu.memory_space<vmem>>
      %dma_wait3A_1654 = arith.constant 0 : i32
      %dma_wait3A_1655 = arith.constant 0 : i32
      %dma_wait3A_1656 = tpu.memref_slice %arg3[%dma_wait3A_1654, %dma_wait3A_1655] : memref<32x1000000xf32, #tpu.memory_space<hbm>> -> memref<32x128xf32, #tpu.memory_space<hbm>>
      %dma_wait3A_1657 = arith.constant 0 : i32
      %dma_wait3A_1658 = arith.constant 0 : i32
      %dma_wait3A_1659 = tpu.memref_slice %arg10[%dma_wait3A_1648, %dma_wait3A_1649, %dma_wait3A_1657, %dma_wait3A_1658] : memref<2x4x32x128xf32, #tpu.memory_space<vmem>> -> memref<1x1x32x128xf32, #tpu.memory_space<vmem>>
      %dma_wait3A_1660 = tpu.memref_squeeze %dma_wait3A_1659 : memref<1x1x32x128xf32, #tpu.memory_space<vmem>> -> memref<32x128xf32, #tpu.memory_space<vmem>>
      %dma_wait3A_1661 = arith.constant 0 : i32
      %dma_wait3A_1662 = arith.constant 0 : i32
      %dma_wait3A_1663 = tpu.memref_slice %arg3[%dma_wait3A_1661, %dma_wait3A_1662] : memref<32x1000000xf32, #tpu.memory_space<hbm>> -> memref<32x128xf32, #tpu.memory_space<hbm>>
      tpu.wait_dma2 semaphore(%arg13 : memref<!tpu.dma_semaphore, #tpu.memory_space<semaphore_mem>>) src(%dma_wait3A_1663 : memref<32x128xf32, #tpu.memory_space<hbm>>) dst(%dma_wait3A_1660 : memref<32x128xf32, #tpu.memory_space<vmem>>)
      %slice3A_1664 = vector.extract_strided_slice %get3A_467 {offsets = [4], sizes = [1], strides = [1]} : vector<16xi32> to vector<1xi32>
      %squeeze3A_1665 = vector.extract %slice3A_1664[0] : i32 from vector<1xi32>
      %jit3A_1666 = arith.constant 128 : i32
      %eq3A_1667 = arith.constant 0 : i32
      %eq3A_1668 = arith.cmpi eq, %jit3A_1666, %eq3A_1667 : i32
      %jit3A_1669 = arith.constant 1 : i32
      %select_n3A_1670 = arith.select %eq3A_1668, %jit3A_1669, %jit3A_1666 : i32
      %rem3A_1671 = arith.remsi %squeeze3A_1665, %select_n3A_1670 : i32
      %ne3A_1672 = arith.constant 0 : i32
      %ne3A_1673 = arith.cmpi ne, %rem3A_1671, %ne3A_1672 : i32
      %lt3A_1674 = arith.constant 0 : i32
      %lt3A_1675 = arith.cmpi slt, %rem3A_1671, %lt3A_1674 : i32
      %lt3A_1676 = arith.constant 0 : i32
      %lt3A_1677 = arith.cmpi slt, %select_n3A_1670, %lt3A_1676 : i32
      %ne3A_1678 = arith.xori %lt3A_1675, %lt3A_1677 : i1
      %and3A_1679 = arith.andi %ne3A_1678, %ne3A_1673 : i1
      %add3A_1680 = arith.addi %rem3A_1671, %select_n3A_1670 : i32
      %select_n3A_1681 = arith.select %and3A_1679, %add3A_1680, %rem3A_1671 : i32
      %broadcast_in_dim3A_1682 = vector.broadcast %select_n3A_1681 : i32 to vector<16xi32>
      %slice3A_1683 = vector.extract_strided_slice %get3A_471 {offsets = [4], sizes = [1], strides = [1]} : vector<16xi32> to vector<1xi32>
      %squeeze3A_1684 = vector.extract %slice3A_1683[0] : i32 from vector<1xi32>
      %jit3A_1685 = arith.constant 128 : i32
      %eq3A_1686 = arith.constant 0 : i32
      %eq3A_1687 = arith.cmpi eq, %jit3A_1685, %eq3A_1686 : i32
      %jit3A_1688 = arith.constant 1 : i32
      %select_n3A_1689 = arith.select %eq3A_1687, %jit3A_1688, %jit3A_1685 : i32
      %rem3A_1690 = arith.remsi %squeeze3A_1684, %select_n3A_1689 : i32
      %ne3A_1691 = arith.constant 0 : i32
      %ne3A_1692 = arith.cmpi ne, %rem3A_1690, %ne3A_1691 : i32
      %lt3A_1693 = arith.constant 0 : i32
      %lt3A_1694 = arith.cmpi slt, %rem3A_1690, %lt3A_1693 : i32
      %lt3A_1695 = arith.constant 0 : i32
      %lt3A_1696 = arith.cmpi slt, %select_n3A_1689, %lt3A_1695 : i32
      %ne3A_1697 = arith.xori %lt3A_1694, %lt3A_1696 : i1
      %and3A_1698 = arith.andi %ne3A_1697, %ne3A_1692 : i1
      %add3A_1699 = arith.addi %rem3A_1690, %select_n3A_1689 : i32
      %select_n3A_1700 = arith.select %and3A_1698, %add3A_1699, %rem3A_1690 : i32
      %broadcast_in_dim3A_1701 = vector.broadcast %select_n3A_1700 : i32 to vector<16xi32>
      %broadcast_in_dim3A_1702 = arith.constant 1 : i32
      %broadcast_in_dim3A_1703 = vector.broadcast %broadcast_in_dim3A_1702 : i32 to vector<16xi32>
      %broadcast_in_dim3A_1704 = arith.constant 0 : i32
      %broadcast_in_dim3A_1705 = vector.broadcast %broadcast_in_dim3A_1704 : i32 to vector<16xi32>
      %gather3A_1706 = tpu.vector_load_idx %arg9[%broadcast_in_dim3A_1703, %broadcast_in_dim3A_1705, %iota3A, %broadcast_in_dim3A_1682] : memref<2x4x32x128xf32, #tpu.memory_space<vmem>>[vector<16xi32>, vector<16xi32>, vector<16xi32>, vector<16xi32>], vector<16xf32>,
      %add3A_1707 = arith.constant 16 : i32
      %add3A_1708 = vector.broadcast %add3A_1707 : i32 to vector<16xi32>
      %add3A_1709 = arith.addi %iota3A, %add3A_1708 : vector<16xi32>
      %gather3A_1710 = tpu.vector_load_idx %arg9[%broadcast_in_dim3A_1703, %broadcast_in_dim3A_1705, %add3A_1709, %broadcast_in_dim3A_1682] : memref<2x4x32x128xf32, #tpu.memory_space<vmem>>[vector<16xi32>, vector<16xi32>, vector<16xi32>, vector<16xi32>], vector<16xf32>,
      %gather3A_1711 = tpu.vector_load_idx %arg10[%broadcast_in_dim3A_1703, %broadcast_in_dim3A_1705, %iota3A, %broadcast_in_dim3A_1701] : memref<2x4x32x128xf32, #tpu.memory_space<vmem>>[vector<16xi32>, vector<16xi32>, vector<16xi32>, vector<16xi32>], vector<16xf32>,
      %add3A_1712 = arith.constant 16 : i32
      %add3A_1713 = vector.broadcast %add3A_1712 : i32 to vector<16xi32>
      %add3A_1714 = arith.addi %iota3A, %add3A_1713 : vector<16xi32>
      %gather3A_1715 = tpu.vector_load_idx %arg10[%broadcast_in_dim3A_1703, %broadcast_in_dim3A_1705, %add3A_1714, %broadcast_in_dim3A_1701] : memref<2x4x32x128xf32, #tpu.memory_space<vmem>>[vector<16xi32>, vector<16xi32>, vector<16xi32>, vector<16xi32>], vector<16xf32>,
      %mul3A_1716 = arith.mulf %gather3A_1706, %gather3A_1711 : vector<16xf32>
      %mul3A_1717 = arith.mulf %gather3A_1710, %gather3A_1715 : vector<16xf32>
      %add3A_1718 = arith.addf %mul3A_1716, %mul3A_1717 : vector<16xf32>
      %reduce_sum3A_1719 = arith.constant true
      %reduce_sum3A_1720 = vector.broadcast %reduce_sum3A_1719 : i1 to vector<16xi1>
      %reduce_sum3A_1721 = tpu.scan <sum>, %add3A_1718 masked %reduce_sum3A_1720 : vector<16xf32>, vector<16xi1> -> vector<16xf32>
      %reduce_sum3A_1722 = vector.extract %reduce_sum3A_1721[15] : f32 from vector<16xf32>
      %eq3A_1723 = arith.constant 4 : i32
      %eq3A_1724 = vector.broadcast %eq3A_1723 : i32 to vector<16xi32>
      %eq3A_1725 = arith.cmpi eq, %iota3A, %eq3A_1724 : vector<16xi32>
      %broadcast_in_dim3A_1726 = vector.broadcast %reduce_sum3A_1722 : f32 to vector<16xf32>
      %select_n3A_1727 = arith.select %eq3A_1725, %broadcast_in_dim3A_1726, %select_n3A_1199 : vector<16xi1>, vector<16xf32>
      %slice3A_1728 = vector.extract_strided_slice %get3A_467 {offsets = [5], sizes = [1], strides = [1]} : vector<16xi32> to vector<1xi32>
      %squeeze3A_1729 = vector.extract %slice3A_1728[0] : i32 from vector<1xi32>
      %jit3A_1730 = arith.constant 128 : i32
      %eq3A_1731 = arith.constant 0 : i32
      %eq3A_1732 = arith.cmpi eq, %jit3A_1730, %eq3A_1731 : i32
      %jit3A_1733 = arith.constant 1 : i32
      %select_n3A_1734 = arith.select %eq3A_1732, %jit3A_1733, %jit3A_1730 : i32
      %rem3A_1735 = arith.remsi %squeeze3A_1729, %select_n3A_1734 : i32
      %ne3A_1736 = arith.constant 0 : i32
      %ne3A_1737 = arith.cmpi ne, %rem3A_1735, %ne3A_1736 : i32
      %lt3A_1738 = arith.constant 0 : i32
      %lt3A_1739 = arith.cmpi slt, %rem3A_1735, %lt3A_1738 : i32
      %lt3A_1740 = arith.constant 0 : i32
      %lt3A_1741 = arith.cmpi slt, %select_n3A_1734, %lt3A_1740 : i32
      %ne3A_1742 = arith.xori %lt3A_1739, %lt3A_1741 : i1
      %and3A_1743 = arith.andi %ne3A_1742, %ne3A_1737 : i1
      %add3A_1744 = arith.addi %rem3A_1735, %select_n3A_1734 : i32
      %select_n3A_1745 = arith.select %and3A_1743, %add3A_1744, %rem3A_1735 : i32
      %broadcast_in_dim3A_1746 = vector.broadcast %select_n3A_1745 : i32 to vector<16xi32>
      %slice3A_1747 = vector.extract_strided_slice %get3A_471 {offsets = [5], sizes = [1], strides = [1]} : vector<16xi32> to vector<1xi32>
      %squeeze3A_1748 = vector.extract %slice3A_1747[0] : i32 from vector<1xi32>
      %jit3A_1749 = arith.constant 128 : i32
      %eq3A_1750 = arith.constant 0 : i32
      %eq3A_1751 = arith.cmpi eq, %jit3A_1749, %eq3A_1750 : i32
      %jit3A_1752 = arith.constant 1 : i32
      %select_n3A_1753 = arith.select %eq3A_1751, %jit3A_1752, %jit3A_1749 : i32
      %rem3A_1754 = arith.remsi %squeeze3A_1748, %select_n3A_1753 : i32
      %ne3A_1755 = arith.constant 0 : i32
      %ne3A_1756 = arith.cmpi ne, %rem3A_1754, %ne3A_1755 : i32
      %lt3A_1757 = arith.constant 0 : i32
      %lt3A_1758 = arith.cmpi slt, %rem3A_1754, %lt3A_1757 : i32
      %lt3A_1759 = arith.constant 0 : i32
      %lt3A_1760 = arith.cmpi slt, %select_n3A_1753, %lt3A_1759 : i32
      %ne3A_1761 = arith.xori %lt3A_1758, %lt3A_1760 : i1
      %and3A_1762 = arith.andi %ne3A_1761, %ne3A_1756 : i1
      %add3A_1763 = arith.addi %rem3A_1754, %select_n3A_1753 : i32
      %select_n3A_1764 = arith.select %and3A_1762, %add3A_1763, %rem3A_1754 : i32
      %broadcast_in_dim3A_1765 = vector.broadcast %select_n3A_1764 : i32 to vector<16xi32>
      %broadcast_in_dim3A_1766 = arith.constant 1 : i32
      %broadcast_in_dim3A_1767 = vector.broadcast %broadcast_in_dim3A_1766 : i32 to vector<16xi32>
      %broadcast_in_dim3A_1768 = arith.constant 1 : i32
      %broadcast_in_dim3A_1769 = vector.broadcast %broadcast_in_dim3A_1768 : i32 to vector<16xi32>
      %gather3A_1770 = tpu.vector_load_idx %arg9[%broadcast_in_dim3A_1767, %broadcast_in_dim3A_1769, %iota3A, %broadcast_in_dim3A_1746] : memref<2x4x32x128xf32, #tpu.memory_space<vmem>>[vector<16xi32>, vector<16xi32>, vector<16xi32>, vector<16xi32>], vector<16xf32>,
      %add3A_1771 = arith.constant 16 : i32
      %add3A_1772 = vector.broadcast %add3A_1771 : i32 to vector<16xi32>
      %add3A_1773 = arith.addi %iota3A, %add3A_1772 : vector<16xi32>
      %gather3A_1774 = tpu.vector_load_idx %arg9[%broadcast_in_dim3A_1767, %broadcast_in_dim3A_1769, %add3A_1773, %broadcast_in_dim3A_1746] : memref<2x4x32x128xf32, #tpu.memory_space<vmem>>[vector<16xi32>, vector<16xi32>, vector<16xi32>, vector<16xi32>], vector<16xf32>,
      %gather3A_1775 = tpu.vector_load_idx %arg10[%broadcast_in_dim3A_1767, %broadcast_in_dim3A_1769, %iota3A, %broadcast_in_dim3A_1765] : memref<2x4x32x128xf32, #tpu.memory_space<vmem>>[vector<16xi32>, vector<16xi32>, vector<16xi32>, vector<16xi32>], vector<16xf32>,
      %add3A_1776 = arith.constant 16 : i32
      %add3A_1777 = vector.broadcast %add3A_1776 : i32 to vector<16xi32>
      %add3A_1778 = arith.addi %iota3A, %add3A_1777 : vector<16xi32>
      %gather3A_1779 = tpu.vector_load_idx %arg10[%broadcast_in_dim3A_1767, %broadcast_in_dim3A_1769, %add3A_1778, %broadcast_in_dim3A_1765] : memref<2x4x32x128xf32, #tpu.memory_space<vmem>>[vector<16xi32>, vector<16xi32>, vector<16xi32>, vector<16xi32>], vector<16xf32>,
      %mul3A_1780 = arith.mulf %gather3A_1770, %gather3A_1775 : vector<16xf32>
      %mul3A_1781 = arith.mulf %gather3A_1774, %gather3A_1779 : vector<16xf32>
      %add3A_1782 = arith.addf %mul3A_1780, %mul3A_1781 : vector<16xf32>
      %reduce_sum3A_1783 = arith.constant true
      %reduce_sum3A_1784 = vector.broadcast %reduce_sum3A_1783 : i1 to vector<16xi1>
      %reduce_sum3A_1785 = tpu.scan <sum>, %add3A_1782 masked %reduce_sum3A_1784 : vector<16xf32>, vector<16xi1> -> vector<16xf32>
      %reduce_sum3A_1786 = vector.extract %reduce_sum3A_1785[15] : f32 from vector<16xf32>
      %eq3A_1787 = arith.constant 5 : i32
      %eq3A_1788 = vector.broadcast %eq3A_1787 : i32 to vector<16xi32>
      %eq3A_1789 = arith.cmpi eq, %iota3A, %eq3A_1788 : vector<16xi32>
      %broadcast_in_dim3A_1790 = vector.broadcast %reduce_sum3A_1786 : f32 to vector<16xf32>
      %select_n3A_1791 = arith.select %eq3A_1789, %broadcast_in_dim3A_1790, %select_n3A_1727 : vector<16xi1>, vector<16xf32>
      %slice3A_1792 = vector.extract_strided_slice %get3A_467 {offsets = [6], sizes = [1], strides = [1]} : vector<16xi32> to vector<1xi32>
      %squeeze3A_1793 = vector.extract %slice3A_1792[0] : i32 from vector<1xi32>
      %jit3A_1794 = arith.constant 128 : i32
      %eq3A_1795 = arith.constant 0 : i32
      %eq3A_1796 = arith.cmpi eq, %jit3A_1794, %eq3A_1795 : i32
      %jit3A_1797 = arith.constant 1 : i32
      %select_n3A_1798 = arith.select %eq3A_1796, %jit3A_1797, %jit3A_1794 : i32
      %rem3A_1799 = arith.remsi %squeeze3A_1793, %select_n3A_1798 : i32
      %ne3A_1800 = arith.constant 0 : i32
      %ne3A_1801 = arith.cmpi ne, %rem3A_1799, %ne3A_1800 : i32
      %lt3A_1802 = arith.constant 0 : i32
      %lt3A_1803 = arith.cmpi slt, %rem3A_1799, %lt3A_1802 : i32
      %lt3A_1804 = arith.constant 0 : i32
      %lt3A_1805 = arith.cmpi slt, %select_n3A_1798, %lt3A_1804 : i32
      %ne3A_1806 = arith.xori %lt3A_1803, %lt3A_1805 : i1
      %and3A_1807 = arith.andi %ne3A_1806, %ne3A_1801 : i1
      %add3A_1808 = arith.addi %rem3A_1799, %select_n3A_1798 : i32
      %select_n3A_1809 = arith.select %and3A_1807, %add3A_1808, %rem3A_1799 : i32
      %broadcast_in_dim3A_1810 = vector.broadcast %select_n3A_1809 : i32 to vector<16xi32>
      %slice3A_1811 = vector.extract_strided_slice %get3A_471 {offsets = [6], sizes = [1], strides = [1]} : vector<16xi32> to vector<1xi32>
      %squeeze3A_1812 = vector.extract %slice3A_1811[0] : i32 from vector<1xi32>
      %jit3A_1813 = arith.constant 128 : i32
      %eq3A_1814 = arith.constant 0 : i32
      %eq3A_1815 = arith.cmpi eq, %jit3A_1813, %eq3A_1814 : i32
      %jit3A_1816 = arith.constant 1 : i32
      %select_n3A_1817 = arith.select %eq3A_1815, %jit3A_1816, %jit3A_1813 : i32
      %rem3A_1818 = arith.remsi %squeeze3A_1812, %select_n3A_1817 : i32
      %ne3A_1819 = arith.constant 0 : i32
      %ne3A_1820 = arith.cmpi ne, %rem3A_1818, %ne3A_1819 : i32
      %lt3A_1821 = arith.constant 0 : i32
      %lt3A_1822 = arith.cmpi slt, %rem3A_1818, %lt3A_1821 : i32
      %lt3A_1823 = arith.constant 0 : i32
      %lt3A_1824 = arith.cmpi slt, %select_n3A_1817, %lt3A_1823 : i32
      %ne3A_1825 = arith.xori %lt3A_1822, %lt3A_1824 : i1
      %and3A_1826 = arith.andi %ne3A_1825, %ne3A_1820 : i1
      %add3A_1827 = arith.addi %rem3A_1818, %select_n3A_1817 : i32
      %select_n3A_1828 = arith.select %and3A_1826, %add3A_1827, %rem3A_1818 : i32
      %broadcast_in_dim3A_1829 = vector.broadcast %select_n3A_1828 : i32 to vector<16xi32>
      %broadcast_in_dim3A_1830 = arith.constant 1 : i32
      %broadcast_in_dim3A_1831 = vector.broadcast %broadcast_in_dim3A_1830 : i32 to vector<16xi32>
      %broadcast_in_dim3A_1832 = arith.constant 2 : i32
      %broadcast_in_dim3A_1833 = vector.broadcast %broadcast_in_dim3A_1832 : i32 to vector<16xi32>
      %gather3A_1834 = tpu.vector_load_idx %arg9[%broadcast_in_dim3A_1831, %broadcast_in_dim3A_1833, %iota3A, %broadcast_in_dim3A_1810] : memref<2x4x32x128xf32, #tpu.memory_space<vmem>>[vector<16xi32>, vector<16xi32>, vector<16xi32>, vector<16xi32>], vector<16xf32>,
      %add3A_1835 = arith.constant 16 : i32
      %add3A_1836 = vector.broadcast %add3A_1835 : i32 to vector<16xi32>
      %add3A_1837 = arith.addi %iota3A, %add3A_1836 : vector<16xi32>
      %gather3A_1838 = tpu.vector_load_idx %arg9[%broadcast_in_dim3A_1831, %broadcast_in_dim3A_1833, %add3A_1837, %broadcast_in_dim3A_1810] : memref<2x4x32x128xf32, #tpu.memory_space<vmem>>[vector<16xi32>, vector<16xi32>, vector<16xi32>, vector<16xi32>], vector<16xf32>,
      %gather3A_1839 = tpu.vector_load_idx %arg10[%broadcast_in_dim3A_1831, %broadcast_in_dim3A_1833, %iota3A, %broadcast_in_dim3A_1829] : memref<2x4x32x128xf32, #tpu.memory_space<vmem>>[vector<16xi32>, vector<16xi32>, vector<16xi32>, vector<16xi32>], vector<16xf32>,
      %add3A_1840 = arith.constant 16 : i32
      %add3A_1841 = vector.broadcast %add3A_1840 : i32 to vector<16xi32>
      %add3A_1842 = arith.addi %iota3A, %add3A_1841 : vector<16xi32>
      %gather3A_1843 = tpu.vector_load_idx %arg10[%broadcast_in_dim3A_1831, %broadcast_in_dim3A_1833, %add3A_1842, %broadcast_in_dim3A_1829] : memref<2x4x32x128xf32, #tpu.memory_space<vmem>>[vector<16xi32>, vector<16xi32>, vector<16xi32>, vector<16xi32>], vector<16xf32>,
      %mul3A_1844 = arith.mulf %gather3A_1834, %gather3A_1839 : vector<16xf32>
      %mul3A_1845 = arith.mulf %gather3A_1838, %gather3A_1843 : vector<16xf32>
      %add3A_1846 = arith.addf %mul3A_1844, %mul3A_1845 : vector<16xf32>
      %reduce_sum3A_1847 = arith.constant true
      %reduce_sum3A_1848 = vector.broadcast %reduce_sum3A_1847 : i1 to vector<16xi1>
      %reduce_sum3A_1849 = tpu.scan <sum>, %add3A_1846 masked %reduce_sum3A_1848 : vector<16xf32>, vector<16xi1> -> vector<16xf32>
      %reduce_sum3A_1850 = vector.extract %reduce_sum3A_1849[15] : f32 from vector<16xf32>
      %eq3A_1851 = arith.constant 6 : i32
      %eq3A_1852 = vector.broadcast %eq3A_1851 : i32 to vector<16xi32>
      %eq3A_1853 = arith.cmpi eq, %iota3A, %eq3A_1852 : vector<16xi32>
      %broadcast_in_dim3A_1854 = vector.broadcast %reduce_sum3A_1850 : f32 to vector<16xf32>
      %select_n3A_1855 = arith.select %eq3A_1853, %broadcast_in_dim3A_1854, %select_n3A_1791 : vector<16xi1>, vector<16xf32>
      %slice3A_1856 = vector.extract_strided_slice %get3A_467 {offsets = [7], sizes = [1], strides = [1]} : vector<16xi32> to vector<1xi32>
      %squeeze3A_1857 = vector.extract %slice3A_1856[0] : i32 from vector<1xi32>
      %jit3A_1858 = arith.constant 128 : i32
      %eq3A_1859 = arith.constant 0 : i32
      %eq3A_1860 = arith.cmpi eq, %jit3A_1858, %eq3A_1859 : i32
      %jit3A_1861 = arith.constant 1 : i32
      %select_n3A_1862 = arith.select %eq3A_1860, %jit3A_1861, %jit3A_1858 : i32
      %rem3A_1863 = arith.remsi %squeeze3A_1857, %select_n3A_1862 : i32
      %ne3A_1864 = arith.constant 0 : i32
      %ne3A_1865 = arith.cmpi ne, %rem3A_1863, %ne3A_1864 : i32
      %lt3A_1866 = arith.constant 0 : i32
      %lt3A_1867 = arith.cmpi slt, %rem3A_1863, %lt3A_1866 : i32
      %lt3A_1868 = arith.constant 0 : i32
      %lt3A_1869 = arith.cmpi slt, %select_n3A_1862, %lt3A_1868 : i32
      %ne3A_1870 = arith.xori %lt3A_1867, %lt3A_1869 : i1
      %and3A_1871 = arith.andi %ne3A_1870, %ne3A_1865 : i1
      %add3A_1872 = arith.addi %rem3A_1863, %select_n3A_1862 : i32
      %select_n3A_1873 = arith.select %and3A_1871, %add3A_1872, %rem3A_1863 : i32
      %broadcast_in_dim3A_1874 = vector.broadcast %select_n3A_1873 : i32 to vector<16xi32>
      %slice3A_1875 = vector.extract_strided_slice %get3A_471 {offsets = [7], sizes = [1], strides = [1]} : vector<16xi32> to vector<1xi32>
      %squeeze3A_1876 = vector.extract %slice3A_1875[0] : i32 from vector<1xi32>
      %jit3A_1877 = arith.constant 128 : i32
      %eq3A_1878 = arith.constant 0 : i32
      %eq3A_1879 = arith.cmpi eq, %jit3A_1877, %eq3A_1878 : i32
      %jit3A_1880 = arith.constant 1 : i32
      %select_n3A_1881 = arith.select %eq3A_1879, %jit3A_1880, %jit3A_1877 : i32
      %rem3A_1882 = arith.remsi %squeeze3A_1876, %select_n3A_1881 : i32
      %ne3A_1883 = arith.constant 0 : i32
      %ne3A_1884 = arith.cmpi ne, %rem3A_1882, %ne3A_1883 : i32
      %lt3A_1885 = arith.constant 0 : i32
      %lt3A_1886 = arith.cmpi slt, %rem3A_1882, %lt3A_1885 : i32
      %lt3A_1887 = arith.constant 0 : i32
      %lt3A_1888 = arith.cmpi slt, %select_n3A_1881, %lt3A_1887 : i32
      %ne3A_1889 = arith.xori %lt3A_1886, %lt3A_1888 : i1
      %and3A_1890 = arith.andi %ne3A_1889, %ne3A_1884 : i1
      %add3A_1891 = arith.addi %rem3A_1882, %select_n3A_1881 : i32
      %select_n3A_1892 = arith.select %and3A_1890, %add3A_1891, %rem3A_1882 : i32
      %broadcast_in_dim3A_1893 = vector.broadcast %select_n3A_1892 : i32 to vector<16xi32>
      %broadcast_in_dim3A_1894 = arith.constant 1 : i32
      %broadcast_in_dim3A_1895 = vector.broadcast %broadcast_in_dim3A_1894 : i32 to vector<16xi32>
      %broadcast_in_dim3A_1896 = arith.constant 3 : i32
      %broadcast_in_dim3A_1897 = vector.broadcast %broadcast_in_dim3A_1896 : i32 to vector<16xi32>
      %gather3A_1898 = tpu.vector_load_idx %arg9[%broadcast_in_dim3A_1895, %broadcast_in_dim3A_1897, %iota3A, %broadcast_in_dim3A_1874] : memref<2x4x32x128xf32, #tpu.memory_space<vmem>>[vector<16xi32>, vector<16xi32>, vector<16xi32>, vector<16xi32>], vector<16xf32>,
      %add3A_1899 = arith.constant 16 : i32
      %add3A_1900 = vector.broadcast %add3A_1899 : i32 to vector<16xi32>
      %add3A_1901 = arith.addi %iota3A, %add3A_1900 : vector<16xi32>
      %gather3A_1902 = tpu.vector_load_idx %arg9[%broadcast_in_dim3A_1895, %broadcast_in_dim3A_1897, %add3A_1901, %broadcast_in_dim3A_1874] : memref<2x4x32x128xf32, #tpu.memory_space<vmem>>[vector<16xi32>, vector<16xi32>, vector<16xi32>, vector<16xi32>], vector<16xf32>,
      %gather3A_1903 = tpu.vector_load_idx %arg10[%broadcast_in_dim3A_1895, %broadcast_in_dim3A_1897, %iota3A, %broadcast_in_dim3A_1893] : memref<2x4x32x128xf32, #tpu.memory_space<vmem>>[vector<16xi32>, vector<16xi32>, vector<16xi32>, vector<16xi32>], vector<16xf32>,
      %add3A_1904 = arith.constant 16 : i32
      %add3A_1905 = vector.broadcast %add3A_1904 : i32 to vector<16xi32>
      %add3A_1906 = arith.addi %iota3A, %add3A_1905 : vector<16xi32>
      %gather3A_1907 = tpu.vector_load_idx %arg10[%broadcast_in_dim3A_1895, %broadcast_in_dim3A_1897, %add3A_1906, %broadcast_in_dim3A_1893] : memref<2x4x32x128xf32, #tpu.memory_space<vmem>>[vector<16xi32>, vector<16xi32>, vector<16xi32>, vector<16xi32>], vector<16xf32>,
      %mul3A_1908 = arith.mulf %gather3A_1898, %gather3A_1903 : vector<16xf32>
      %mul3A_1909 = arith.mulf %gather3A_1902, %gather3A_1907 : vector<16xf32>
      %add3A_1910 = arith.addf %mul3A_1908, %mul3A_1909 : vector<16xf32>
      %reduce_sum3A_1911 = arith.constant true
      %reduce_sum3A_1912 = vector.broadcast %reduce_sum3A_1911 : i1 to vector<16xi1>
      %reduce_sum3A_1913 = tpu.scan <sum>, %add3A_1910 masked %reduce_sum3A_1912 : vector<16xf32>, vector<16xi1> -> vector<16xf32>
      %reduce_sum3A_1914 = vector.extract %reduce_sum3A_1913[15] : f32 from vector<16xf32>
      %eq3A_1915 = arith.constant 7 : i32
      %eq3A_1916 = vector.broadcast %eq3A_1915 : i32 to vector<16xi32>
      %eq3A_1917 = arith.cmpi eq, %iota3A, %eq3A_1916 : vector<16xi32>
      %broadcast_in_dim3A_1918 = vector.broadcast %reduce_sum3A_1914 : f32 to vector<16xf32>
      %select_n3A_1919 = arith.select %eq3A_1917, %broadcast_in_dim3A_1918, %select_n3A_1855 : vector<16xi1>, vector<16xf32>
      %slice3A_1920 = vector.extract_strided_slice %get3A_467 {offsets = [12], sizes = [1], strides = [1]} : vector<16xi32> to vector<1xi32>
      %squeeze3A_1921 = vector.extract %slice3A_1920[0] : i32 from vector<1xi32>
      %jit3A_1922 = arith.constant 128 : i32
      %div3A_1923 = arith.divsi %squeeze3A_1921, %jit3A_1922 : i32
      %sign3A_1924 = arith.constant 0 : i32
      %sign3A_1925 = arith.cmpi sgt, %squeeze3A_1921, %sign3A_1924 : i32
      %sign3A_1926 = arith.extui %sign3A_1925 : i1 to i32
      %sign3A_1927 = arith.constant 0 : i32
      %sign3A_1928 = arith.cmpi slt, %squeeze3A_1921, %sign3A_1927 : i32
      %sign3A_1929 = arith.extui %sign3A_1928 : i1 to i32
      %sign3A_1930 = arith.subi %sign3A_1926, %sign3A_1929 : i32
      %sign3A_1931 = arith.constant 0 : i32
      %sign3A_1932 = arith.cmpi sgt, %jit3A_1922, %sign3A_1931 : i32
      %sign3A_1933 = arith.extui %sign3A_1932 : i1 to i32
      %sign3A_1934 = arith.constant 0 : i32
      %sign3A_1935 = arith.cmpi slt, %jit3A_1922, %sign3A_1934 : i32
      %sign3A_1936 = arith.extui %sign3A_1935 : i1 to i32
      %sign3A_1937 = arith.subi %sign3A_1933, %sign3A_1936 : i32
      %ne3A_1938 = arith.cmpi ne, %sign3A_1930, %sign3A_1937 : i32
      %rem3A_1939 = arith.remsi %squeeze3A_1921, %jit3A_1922 : i32
      %ne3A_1940 = arith.constant 0 : i32
      %ne3A_1941 = arith.cmpi ne, %rem3A_1939, %ne3A_1940 : i32
      %and3A_1942 = arith.andi %ne3A_1938, %ne3A_1941 : i1
      %sub3A_1943 = arith.constant 1 : i32
      %sub3A_1944 = arith.subi %div3A_1923, %sub3A_1943 : i32
      %select_n3A_1945 = arith.select %and3A_1942, %sub3A_1944, %div3A_1923 : i32
      %mul3A_1946 = arith.constant 128 : i32
      %mul3A_1947 = arith.muli %select_n3A_1945, %mul3A_1946 : i32
      %slice3A_1948 = vector.extract_strided_slice %get3A_471 {offsets = [12], sizes = [1], strides = [1]} : vector<16xi32> to vector<1xi32>
      %squeeze3A_1949 = vector.extract %slice3A_1948[0] : i32 from vector<1xi32>
      %jit3A_1950 = arith.constant 128 : i32
      %div3A_1951 = arith.divsi %squeeze3A_1949, %jit3A_1950 : i32
      %sign3A_1952 = arith.constant 0 : i32
      %sign3A_1953 = arith.cmpi sgt, %squeeze3A_1949, %sign3A_1952 : i32
      %sign3A_1954 = arith.extui %sign3A_1953 : i1 to i32
      %sign3A_1955 = arith.constant 0 : i32
      %sign3A_1956 = arith.cmpi slt, %squeeze3A_1949, %sign3A_1955 : i32
      %sign3A_1957 = arith.extui %sign3A_1956 : i1 to i32
      %sign3A_1958 = arith.subi %sign3A_1954, %sign3A_1957 : i32
      %sign3A_1959 = arith.constant 0 : i32
      %sign3A_1960 = arith.cmpi sgt, %jit3A_1950, %sign3A_1959 : i32
      %sign3A_1961 = arith.extui %sign3A_1960 : i1 to i32
      %sign3A_1962 = arith.constant 0 : i32
      %sign3A_1963 = arith.cmpi slt, %jit3A_1950, %sign3A_1962 : i32
      %sign3A_1964 = arith.extui %sign3A_1963 : i1 to i32
      %sign3A_1965 = arith.subi %sign3A_1961, %sign3A_1964 : i32
      %ne3A_1966 = arith.cmpi ne, %sign3A_1958, %sign3A_1965 : i32
      %rem3A_1967 = arith.remsi %squeeze3A_1949, %jit3A_1950 : i32
      %ne3A_1968 = arith.constant 0 : i32
      %ne3A_1969 = arith.cmpi ne, %rem3A_1967, %ne3A_1968 : i32
      %and3A_1970 = arith.andi %ne3A_1966, %ne3A_1969 : i1
      %sub3A_1971 = arith.constant 1 : i32
      %sub3A_1972 = arith.subi %div3A_1951, %sub3A_1971 : i32
      %select_n3A_1973 = arith.select %and3A_1970, %sub3A_1972, %div3A_1951 : i32
      %mul3A_1974 = arith.constant 128 : i32
      %mul3A_1975 = arith.muli %select_n3A_1973, %mul3A_1974 : i32
      %dma_start3A_1976 = arith.constant 1 : i32
      %dma_start3A_1977 = arith.constant 0 : i32
      %dma_start3A_1978 = arith.constant 0 : i32
      %dma_start3A_1979 = arith.constant 0 : i32
      %dma_start3A_1980 = tpu.memref_slice %arg9[%dma_start3A_1976, %dma_start3A_1977, %dma_start3A_1978, %dma_start3A_1979] : memref<2x4x32x128xf32, #tpu.memory_space<vmem>> -> memref<1x1x32x128xf32, #tpu.memory_space<vmem>>
      %dma_start3A_1981 = tpu.memref_squeeze %dma_start3A_1980 : memref<1x1x32x128xf32, #tpu.memory_space<vmem>> -> memref<32x128xf32, #tpu.memory_space<vmem>>
      %dma_start3A_1982 = arith.constant 0 : i32
      %dma_start3A_1983 = tpu.memref_slice %arg2[%dma_start3A_1982, %mul3A_1947] : memref<32x1000000xf32, #tpu.memory_space<hbm>> -> memref<32x128xf32, #tpu.memory_space<hbm>>
      %dma_start3A_1984 = arith.constant 0 : i32
      %dma_start3A_1985 = arith.constant 0 : i32
      %dma_start3A_1986 = tpu.memref_slice %arg9[%dma_start3A_1976, %dma_start3A_1977, %dma_start3A_1984, %dma_start3A_1985] : memref<2x4x32x128xf32, #tpu.memory_space<vmem>> -> memref<1x1x32x128xf32, #tpu.memory_space<vmem>>
      %dma_start3A_1987 = tpu.memref_squeeze %dma_start3A_1986 : memref<1x1x32x128xf32, #tpu.memory_space<vmem>> -> memref<32x128xf32, #tpu.memory_space<vmem>>
      %dma_start3A_1988 = arith.constant 0 : i32
      %dma_start3A_1989 = tpu.memref_slice %arg2[%dma_start3A_1988, %mul3A_1947] : memref<32x1000000xf32, #tpu.memory_space<hbm>> -> memref<32x128xf32, #tpu.memory_space<hbm>>
      tpu.enqueue_dma source(%dma_start3A_1989 : memref<32x128xf32, #tpu.memory_space<hbm>>) target(%dma_start3A_1987 : memref<32x128xf32, #tpu.memory_space<vmem>>) target_semaphore(%arg13 : memref<!tpu.dma_semaphore, #tpu.memory_space<semaphore_mem>>)
      %dma_start3A_1990 = arith.constant 1 : i32
      %dma_start3A_1991 = arith.constant 0 : i32
      %dma_start3A_1992 = arith.constant 0 : i32
      %dma_start3A_1993 = arith.constant 0 : i32
      %dma_start3A_1994 = tpu.memref_slice %arg10[%dma_start3A_1990, %dma_start3A_1991, %dma_start3A_1992, %dma_start3A_1993] : memref<2x4x32x128xf32, #tpu.memory_space<vmem>> -> memref<1x1x32x128xf32, #tpu.memory_space<vmem>>
      %dma_start3A_1995 = tpu.memref_squeeze %dma_start3A_1994 : memref<1x1x32x128xf32, #tpu.memory_space<vmem>> -> memref<32x128xf32, #tpu.memory_space<vmem>>
      %dma_start3A_1996 = arith.constant 0 : i32
      %dma_start3A_1997 = tpu.memref_slice %arg3[%dma_start3A_1996, %mul3A_1975] : memref<32x1000000xf32, #tpu.memory_space<hbm>> -> memref<32x128xf32, #tpu.memory_space<hbm>>
      %dma_start3A_1998 = arith.constant 0 : i32
      %dma_start3A_1999 = arith.constant 0 : i32
      %dma_start3A_2000 = tpu.memref_slice %arg10[%dma_start3A_1990, %dma_start3A_1991, %dma_start3A_1998, %dma_start3A_1999] : memref<2x4x32x128xf32, #tpu.memory_space<vmem>> -> memref<1x1x32x128xf32, #tpu.memory_space<vmem>>
      %dma_start3A_2001 = tpu.memref_squeeze %dma_start3A_2000 : memref<1x1x32x128xf32, #tpu.memory_space<vmem>> -> memref<32x128xf32, #tpu.memory_space<vmem>>
      %dma_start3A_2002 = arith.constant 0 : i32
      %dma_start3A_2003 = tpu.memref_slice %arg3[%dma_start3A_2002, %mul3A_1975] : memref<32x1000000xf32, #tpu.memory_space<hbm>> -> memref<32x128xf32, #tpu.memory_space<hbm>>
      tpu.enqueue_dma source(%dma_start3A_2003 : memref<32x128xf32, #tpu.memory_space<hbm>>) target(%dma_start3A_2001 : memref<32x128xf32, #tpu.memory_space<vmem>>) target_semaphore(%arg13 : memref<!tpu.dma_semaphore, #tpu.memory_space<semaphore_mem>>)
      %slice3A_2004 = vector.extract_strided_slice %get3A_467 {offsets = [13], sizes = [1], strides = [1]} : vector<16xi32> to vector<1xi32>
      %squeeze3A_2005 = vector.extract %slice3A_2004[0] : i32 from vector<1xi32>
      %jit3A_2006 = arith.constant 128 : i32
      %div3A_2007 = arith.divsi %squeeze3A_2005, %jit3A_2006 : i32
      %sign3A_2008 = arith.constant 0 : i32
      %sign3A_2009 = arith.cmpi sgt, %squeeze3A_2005, %sign3A_2008 : i32
      %sign3A_2010 = arith.extui %sign3A_2009 : i1 to i32
      %sign3A_2011 = arith.constant 0 : i32
      %sign3A_2012 = arith.cmpi slt, %squeeze3A_2005, %sign3A_2011 : i32
      %sign3A_2013 = arith.extui %sign3A_2012 : i1 to i32
      %sign3A_2014 = arith.subi %sign3A_2010, %sign3A_2013 : i32
      %sign3A_2015 = arith.constant 0 : i32
      %sign3A_2016 = arith.cmpi sgt, %jit3A_2006, %sign3A_2015 : i32
      %sign3A_2017 = arith.extui %sign3A_2016 : i1 to i32
      %sign3A_2018 = arith.constant 0 : i32
      %sign3A_2019 = arith.cmpi slt, %jit3A_2006, %sign3A_2018 : i32
      %sign3A_2020 = arith.extui %sign3A_2019 : i1 to i32
      %sign3A_2021 = arith.subi %sign3A_2017, %sign3A_2020 : i32
      %ne3A_2022 = arith.cmpi ne, %sign3A_2014, %sign3A_2021 : i32
      %rem3A_2023 = arith.remsi %squeeze3A_2005, %jit3A_2006 : i32
      %ne3A_2024 = arith.constant 0 : i32
      %ne3A_2025 = arith.cmpi ne, %rem3A_2023, %ne3A_2024 : i32
      %and3A_2026 = arith.andi %ne3A_2022, %ne3A_2025 : i1
      %sub3A_2027 = arith.constant 1 : i32
      %sub3A_2028 = arith.subi %div3A_2007, %sub3A_2027 : i32
      %select_n3A_2029 = arith.select %and3A_2026, %sub3A_2028, %div3A_2007 : i32
      %mul3A_2030 = arith.constant 128 : i32
      %mul3A_2031 = arith.muli %select_n3A_2029, %mul3A_2030 : i32
      %slice3A_2032 = vector.extract_strided_slice %get3A_471 {offsets = [13], sizes = [1], strides = [1]} : vector<16xi32> to vector<1xi32>
      %squeeze3A_2033 = vector.extract %slice3A_2032[0] : i32 from vector<1xi32>
      %jit3A_2034 = arith.constant 128 : i32
      %div3A_2035 = arith.divsi %squeeze3A_2033, %jit3A_2034 : i32
      %sign3A_2036 = arith.constant 0 : i32
      %sign3A_2037 = arith.cmpi sgt, %squeeze3A_2033, %sign3A_2036 : i32
      %sign3A_2038 = arith.extui %sign3A_2037 : i1 to i32
      %sign3A_2039 = arith.constant 0 : i32
      %sign3A_2040 = arith.cmpi slt, %squeeze3A_2033, %sign3A_2039 : i32
      %sign3A_2041 = arith.extui %sign3A_2040 : i1 to i32
      %sign3A_2042 = arith.subi %sign3A_2038, %sign3A_2041 : i32
      %sign3A_2043 = arith.constant 0 : i32
      %sign3A_2044 = arith.cmpi sgt, %jit3A_2034, %sign3A_2043 : i32
      %sign3A_2045 = arith.extui %sign3A_2044 : i1 to i32
      %sign3A_2046 = arith.constant 0 : i32
      %sign3A_2047 = arith.cmpi slt, %jit3A_2034, %sign3A_2046 : i32
      %sign3A_2048 = arith.extui %sign3A_2047 : i1 to i32
      %sign3A_2049 = arith.subi %sign3A_2045, %sign3A_2048 : i32
      %ne3A_2050 = arith.cmpi ne, %sign3A_2042, %sign3A_2049 : i32
      %rem3A_2051 = arith.remsi %squeeze3A_2033, %jit3A_2034 : i32
      %ne3A_2052 = arith.constant 0 : i32
      %ne3A_2053 = arith.cmpi ne, %rem3A_2051, %ne3A_2052 : i32
      %and3A_2054 = arith.andi %ne3A_2050, %ne3A_2053 : i1
      %sub3A_2055 = arith.constant 1 : i32
      %sub3A_2056 = arith.subi %div3A_2035, %sub3A_2055 : i32
      %select_n3A_2057 = arith.select %and3A_2054, %sub3A_2056, %div3A_2035 : i32
      %mul3A_2058 = arith.constant 128 : i32
      %mul3A_2059 = arith.muli %select_n3A_2057, %mul3A_2058 : i32
      %dma_start3A_2060 = arith.constant 1 : i32
      %dma_start3A_2061 = arith.constant 1 : i32
      %dma_start3A_2062 = arith.constant 0 : i32
      %dma_start3A_2063 = arith.constant 0 : i32
      %dma_start3A_2064 = tpu.memref_slice %arg9[%dma_start3A_2060, %dma_start3A_2061, %dma_start3A_2062, %dma_start3A_2063] : memref<2x4x32x128xf32, #tpu.memory_space<vmem>> -> memref<1x1x32x128xf32, #tpu.memory_space<vmem>>
      %dma_start3A_2065 = tpu.memref_squeeze %dma_start3A_2064 : memref<1x1x32x128xf32, #tpu.memory_space<vmem>> -> memref<32x128xf32, #tpu.memory_space<vmem>>
      %dma_start3A_2066 = arith.constant 0 : i32
      %dma_start3A_2067 = tpu.memref_slice %arg2[%dma_start3A_2066, %mul3A_2031] : memref<32x1000000xf32, #tpu.memory_space<hbm>> -> memref<32x128xf32, #tpu.memory_space<hbm>>
      %dma_start3A_2068 = arith.constant 0 : i32
      %dma_start3A_2069 = arith.constant 0 : i32
      %dma_start3A_2070 = tpu.memref_slice %arg9[%dma_start3A_2060, %dma_start3A_2061, %dma_start3A_2068, %dma_start3A_2069] : memref<2x4x32x128xf32, #tpu.memory_space<vmem>> -> memref<1x1x32x128xf32, #tpu.memory_space<vmem>>
      %dma_start3A_2071 = tpu.memref_squeeze %dma_start3A_2070 : memref<1x1x32x128xf32, #tpu.memory_space<vmem>> -> memref<32x128xf32, #tpu.memory_space<vmem>>
      %dma_start3A_2072 = arith.constant 0 : i32
      %dma_start3A_2073 = tpu.memref_slice %arg2[%dma_start3A_2072, %mul3A_2031] : memref<32x1000000xf32, #tpu.memory_space<hbm>> -> memref<32x128xf32, #tpu.memory_space<hbm>>
      tpu.enqueue_dma source(%dma_start3A_2073 : memref<32x128xf32, #tpu.memory_space<hbm>>) target(%dma_start3A_2071 : memref<32x128xf32, #tpu.memory_space<vmem>>) target_semaphore(%arg13 : memref<!tpu.dma_semaphore, #tpu.memory_space<semaphore_mem>>)
      %dma_start3A_2074 = arith.constant 1 : i32
      %dma_start3A_2075 = arith.constant 1 : i32
      %dma_start3A_2076 = arith.constant 0 : i32
      %dma_start3A_2077 = arith.constant 0 : i32
      %dma_start3A_2078 = tpu.memref_slice %arg10[%dma_start3A_2074, %dma_start3A_2075, %dma_start3A_2076, %dma_start3A_2077] : memref<2x4x32x128xf32, #tpu.memory_space<vmem>> -> memref<1x1x32x128xf32, #tpu.memory_space<vmem>>
      %dma_start3A_2079 = tpu.memref_squeeze %dma_start3A_2078 : memref<1x1x32x128xf32, #tpu.memory_space<vmem>> -> memref<32x128xf32, #tpu.memory_space<vmem>>
      %dma_start3A_2080 = arith.constant 0 : i32
      %dma_start3A_2081 = tpu.memref_slice %arg3[%dma_start3A_2080, %mul3A_2059] : memref<32x1000000xf32, #tpu.memory_space<hbm>> -> memref<32x128xf32, #tpu.memory_space<hbm>>
      %dma_start3A_2082 = arith.constant 0 : i32
      %dma_start3A_2083 = arith.constant 0 : i32
      %dma_start3A_2084 = tpu.memref_slice %arg10[%dma_start3A_2074, %dma_start3A_2075, %dma_start3A_2082, %dma_start3A_2083] : memref<2x4x32x128xf32, #tpu.memory_space<vmem>> -> memref<1x1x32x128xf32, #tpu.memory_space<vmem>>
      %dma_start3A_2085 = tpu.memref_squeeze %dma_start3A_2084 : memref<1x1x32x128xf32, #tpu.memory_space<vmem>> -> memref<32x128xf32, #tpu.memory_space<vmem>>
      %dma_start3A_2086 = arith.constant 0 : i32
      %dma_start3A_2087 = tpu.memref_slice %arg3[%dma_start3A_2086, %mul3A_2059] : memref<32x1000000xf32, #tpu.memory_space<hbm>> -> memref<32x128xf32, #tpu.memory_space<hbm>>
      tpu.enqueue_dma source(%dma_start3A_2087 : memref<32x128xf32, #tpu.memory_space<hbm>>) target(%dma_start3A_2085 : memref<32x128xf32, #tpu.memory_space<vmem>>) target_semaphore(%arg13 : memref<!tpu.dma_semaphore, #tpu.memory_space<semaphore_mem>>)
      %slice3A_2088 = vector.extract_strided_slice %get3A_467 {offsets = [14], sizes = [1], strides = [1]} : vector<16xi32> to vector<1xi32>
      %squeeze3A_2089 = vector.extract %slice3A_2088[0] : i32 from vector<1xi32>
      %jit3A_2090 = arith.constant 128 : i32
      %div3A_2091 = arith.divsi %squeeze3A_2089, %jit3A_2090 : i32
      %sign3A_2092 = arith.constant 0 : i32
      %sign3A_2093 = arith.cmpi sgt, %squeeze3A_2089, %sign3A_2092 : i32
      %sign3A_2094 = arith.extui %sign3A_2093 : i1 to i32
      %sign3A_2095 = arith.constant 0 : i32
      %sign3A_2096 = arith.cmpi slt, %squeeze3A_2089, %sign3A_2095 : i32
      %sign3A_2097 = arith.extui %sign3A_2096 : i1 to i32
      %sign3A_2098 = arith.subi %sign3A_2094, %sign3A_2097 : i32
      %sign3A_2099 = arith.constant 0 : i32
      %sign3A_2100 = arith.cmpi sgt, %jit3A_2090, %sign3A_2099 : i32
      %sign3A_2101 = arith.extui %sign3A_2100 : i1 to i32
      %sign3A_2102 = arith.constant 0 : i32
      %sign3A_2103 = arith.cmpi slt, %jit3A_2090, %sign3A_2102 : i32
      %sign3A_2104 = arith.extui %sign3A_2103 : i1 to i32
      %sign3A_2105 = arith.subi %sign3A_2101, %sign3A_2104 : i32
      %ne3A_2106 = arith.cmpi ne, %sign3A_2098, %sign3A_2105 : i32
      %rem3A_2107 = arith.remsi %squeeze3A_2089, %jit3A_2090 : i32
      %ne3A_2108 = arith.constant 0 : i32
      %ne3A_2109 = arith.cmpi ne, %rem3A_2107, %ne3A_2108 : i32
      %and3A_2110 = arith.andi %ne3A_2106, %ne3A_2109 : i1
      %sub3A_2111 = arith.constant 1 : i32
      %sub3A_2112 = arith.subi %div3A_2091, %sub3A_2111 : i32
      %select_n3A_2113 = arith.select %and3A_2110, %sub3A_2112, %div3A_2091 : i32
      %mul3A_2114 = arith.constant 128 : i32
      %mul3A_2115 = arith.muli %select_n3A_2113, %mul3A_2114 : i32
      %slice3A_2116 = vector.extract_strided_slice %get3A_471 {offsets = [14], sizes = [1], strides = [1]} : vector<16xi32> to vector<1xi32>
      %squeeze3A_2117 = vector.extract %slice3A_2116[0] : i32 from vector<1xi32>
      %jit3A_2118 = arith.constant 128 : i32
      %div3A_2119 = arith.divsi %squeeze3A_2117, %jit3A_2118 : i32
      %sign3A_2120 = arith.constant 0 : i32
      %sign3A_2121 = arith.cmpi sgt, %squeeze3A_2117, %sign3A_2120 : i32
      %sign3A_2122 = arith.extui %sign3A_2121 : i1 to i32
      %sign3A_2123 = arith.constant 0 : i32
      %sign3A_2124 = arith.cmpi slt, %squeeze3A_2117, %sign3A_2123 : i32
      %sign3A_2125 = arith.extui %sign3A_2124 : i1 to i32
      %sign3A_2126 = arith.subi %sign3A_2122, %sign3A_2125 : i32
      %sign3A_2127 = arith.constant 0 : i32
      %sign3A_2128 = arith.cmpi sgt, %jit3A_2118, %sign3A_2127 : i32
      %sign3A_2129 = arith.extui %sign3A_2128 : i1 to i32
      %sign3A_2130 = arith.constant 0 : i32
      %sign3A_2131 = arith.cmpi slt, %jit3A_2118, %sign3A_2130 : i32
      %sign3A_2132 = arith.extui %sign3A_2131 : i1 to i32
      %sign3A_2133 = arith.subi %sign3A_2129, %sign3A_2132 : i32
      %ne3A_2134 = arith.cmpi ne, %sign3A_2126, %sign3A_2133 : i32
      %rem3A_2135 = arith.remsi %squeeze3A_2117, %jit3A_2118 : i32
      %ne3A_2136 = arith.constant 0 : i32
      %ne3A_2137 = arith.cmpi ne, %rem3A_2135, %ne3A_2136 : i32
      %and3A_2138 = arith.andi %ne3A_2134, %ne3A_2137 : i1
      %sub3A_2139 = arith.constant 1 : i32
      %sub3A_2140 = arith.subi %div3A_2119, %sub3A_2139 : i32
      %select_n3A_2141 = arith.select %and3A_2138, %sub3A_2140, %div3A_2119 : i32
      %mul3A_2142 = arith.constant 128 : i32
      %mul3A_2143 = arith.muli %select_n3A_2141, %mul3A_2142 : i32
      %dma_start3A_2144 = arith.constant 1 : i32
      %dma_start3A_2145 = arith.constant 2 : i32
      %dma_start3A_2146 = arith.constant 0 : i32
      %dma_start3A_2147 = arith.constant 0 : i32
      %dma_start3A_2148 = tpu.memref_slice %arg9[%dma_start3A_2144, %dma_start3A_2145, %dma_start3A_2146, %dma_start3A_2147] : memref<2x4x32x128xf32, #tpu.memory_space<vmem>> -> memref<1x1x32x128xf32, #tpu.memory_space<vmem>>
      %dma_start3A_2149 = tpu.memref_squeeze %dma_start3A_2148 : memref<1x1x32x128xf32, #tpu.memory_space<vmem>> -> memref<32x128xf32, #tpu.memory_space<vmem>>
      %dma_start3A_2150 = arith.constant 0 : i32
      %dma_start3A_2151 = tpu.memref_slice %arg2[%dma_start3A_2150, %mul3A_2115] : memref<32x1000000xf32, #tpu.memory_space<hbm>> -> memref<32x128xf32, #tpu.memory_space<hbm>>
      %dma_start3A_2152 = arith.constant 0 : i32
      %dma_start3A_2153 = arith.constant 0 : i32
      %dma_start3A_2154 = tpu.memref_slice %arg9[%dma_start3A_2144, %dma_start3A_2145, %dma_start3A_2152, %dma_start3A_2153] : memref<2x4x32x128xf32, #tpu.memory_space<vmem>> -> memref<1x1x32x128xf32, #tpu.memory_space<vmem>>
      %dma_start3A_2155 = tpu.memref_squeeze %dma_start3A_2154 : memref<1x1x32x128xf32, #tpu.memory_space<vmem>> -> memref<32x128xf32, #tpu.memory_space<vmem>>
      %dma_start3A_2156 = arith.constant 0 : i32
      %dma_start3A_2157 = tpu.memref_slice %arg2[%dma_start3A_2156, %mul3A_2115] : memref<32x1000000xf32, #tpu.memory_space<hbm>> -> memref<32x128xf32, #tpu.memory_space<hbm>>
      tpu.enqueue_dma source(%dma_start3A_2157 : memref<32x128xf32, #tpu.memory_space<hbm>>) target(%dma_start3A_2155 : memref<32x128xf32, #tpu.memory_space<vmem>>) target_semaphore(%arg13 : memref<!tpu.dma_semaphore, #tpu.memory_space<semaphore_mem>>)
      %dma_start3A_2158 = arith.constant 1 : i32
      %dma_start3A_2159 = arith.constant 2 : i32
      %dma_start3A_2160 = arith.constant 0 : i32
      %dma_start3A_2161 = arith.constant 0 : i32
      %dma_start3A_2162 = tpu.memref_slice %arg10[%dma_start3A_2158, %dma_start3A_2159, %dma_start3A_2160, %dma_start3A_2161] : memref<2x4x32x128xf32, #tpu.memory_space<vmem>> -> memref<1x1x32x128xf32, #tpu.memory_space<vmem>>
      %dma_start3A_2163 = tpu.memref_squeeze %dma_start3A_2162 : memref<1x1x32x128xf32, #tpu.memory_space<vmem>> -> memref<32x128xf32, #tpu.memory_space<vmem>>
      %dma_start3A_2164 = arith.constant 0 : i32
      %dma_start3A_2165 = tpu.memref_slice %arg3[%dma_start3A_2164, %mul3A_2143] : memref<32x1000000xf32, #tpu.memory_space<hbm>> -> memref<32x128xf32, #tpu.memory_space<hbm>>
      %dma_start3A_2166 = arith.constant 0 : i32
      %dma_start3A_2167 = arith.constant 0 : i32
      %dma_start3A_2168 = tpu.memref_slice %arg10[%dma_start3A_2158, %dma_start3A_2159, %dma_start3A_2166, %dma_start3A_2167] : memref<2x4x32x128xf32, #tpu.memory_space<vmem>> -> memref<1x1x32x128xf32, #tpu.memory_space<vmem>>
      %dma_start3A_2169 = tpu.memref_squeeze %dma_start3A_2168 : memref<1x1x32x128xf32, #tpu.memory_space<vmem>> -> memref<32x128xf32, #tpu.memory_space<vmem>>
      %dma_start3A_2170 = arith.constant 0 : i32
      %dma_start3A_2171 = tpu.memref_slice %arg3[%dma_start3A_2170, %mul3A_2143] : memref<32x1000000xf32, #tpu.memory_space<hbm>> -> memref<32x128xf32, #tpu.memory_space<hbm>>
      tpu.enqueue_dma source(%dma_start3A_2171 : memref<32x128xf32, #tpu.memory_space<hbm>>) target(%dma_start3A_2169 : memref<32x128xf32, #tpu.memory_space<vmem>>) target_semaphore(%arg13 : memref<!tpu.dma_semaphore, #tpu.memory_space<semaphore_mem>>)
      %slice3A_2172 = vector.extract_strided_slice %get3A_467 {offsets = [15], sizes = [1], strides = [1]} : vector<16xi32> to vector<1xi32>
      %squeeze3A_2173 = vector.extract %slice3A_2172[0] : i32 from vector<1xi32>
      %jit3A_2174 = arith.constant 128 : i32
      %div3A_2175 = arith.divsi %squeeze3A_2173, %jit3A_2174 : i32
      %sign3A_2176 = arith.constant 0 : i32
      %sign3A_2177 = arith.cmpi sgt, %squeeze3A_2173, %sign3A_2176 : i32
      %sign3A_2178 = arith.extui %sign3A_2177 : i1 to i32
      %sign3A_2179 = arith.constant 0 : i32
      %sign3A_2180 = arith.cmpi slt, %squeeze3A_2173, %sign3A_2179 : i32
      %sign3A_2181 = arith.extui %sign3A_2180 : i1 to i32
      %sign3A_2182 = arith.subi %sign3A_2178, %sign3A_2181 : i32
      %sign3A_2183 = arith.constant 0 : i32
      %sign3A_2184 = arith.cmpi sgt, %jit3A_2174, %sign3A_2183 : i32
      %sign3A_2185 = arith.extui %sign3A_2184 : i1 to i32
      %sign3A_2186 = arith.constant 0 : i32
      %sign3A_2187 = arith.cmpi slt, %jit3A_2174, %sign3A_2186 : i32
      %sign3A_2188 = arith.extui %sign3A_2187 : i1 to i32
      %sign3A_2189 = arith.subi %sign3A_2185, %sign3A_2188 : i32
      %ne3A_2190 = arith.cmpi ne, %sign3A_2182, %sign3A_2189 : i32
      %rem3A_2191 = arith.remsi %squeeze3A_2173, %jit3A_2174 : i32
      %ne3A_2192 = arith.constant 0 : i32
      %ne3A_2193 = arith.cmpi ne, %rem3A_2191, %ne3A_2192 : i32
      %and3A_2194 = arith.andi %ne3A_2190, %ne3A_2193 : i1
      %sub3A_2195 = arith.constant 1 : i32
      %sub3A_2196 = arith.subi %div3A_2175, %sub3A_2195 : i32
      %select_n3A_2197 = arith.select %and3A_2194, %sub3A_2196, %div3A_2175 : i32
      %mul3A_2198 = arith.constant 128 : i32
      %mul3A_2199 = arith.muli %select_n3A_2197, %mul3A_2198 : i32
      %slice3A_2200 = vector.extract_strided_slice %get3A_471 {offsets = [15], sizes = [1], strides = [1]} : vector<16xi32> to vector<1xi32>
      %squeeze3A_2201 = vector.extract %slice3A_2200[0] : i32 from vector<1xi32>
      %jit3A_2202 = arith.constant 128 : i32
      %div3A_2203 = arith.divsi %squeeze3A_2201, %jit3A_2202 : i32
      %sign3A_2204 = arith.constant 0 : i32
      %sign3A_2205 = arith.cmpi sgt, %squeeze3A_2201, %sign3A_2204 : i32
      %sign3A_2206 = arith.extui %sign3A_2205 : i1 to i32
      %sign3A_2207 = arith.constant 0 : i32
      %sign3A_2208 = arith.cmpi slt, %squeeze3A_2201, %sign3A_2207 : i32
      %sign3A_2209 = arith.extui %sign3A_2208 : i1 to i32
      %sign3A_2210 = arith.subi %sign3A_2206, %sign3A_2209 : i32
      %sign3A_2211 = arith.constant 0 : i32
      %sign3A_2212 = arith.cmpi sgt, %jit3A_2202, %sign3A_2211 : i32
      %sign3A_2213 = arith.extui %sign3A_2212 : i1 to i32
      %sign3A_2214 = arith.constant 0 : i32
      %sign3A_2215 = arith.cmpi slt, %jit3A_2202, %sign3A_2214 : i32
      %sign3A_2216 = arith.extui %sign3A_2215 : i1 to i32
      %sign3A_2217 = arith.subi %sign3A_2213, %sign3A_2216 : i32
      %ne3A_2218 = arith.cmpi ne, %sign3A_2210, %sign3A_2217 : i32
      %rem3A_2219 = arith.remsi %squeeze3A_2201, %jit3A_2202 : i32
      %ne3A_2220 = arith.constant 0 : i32
      %ne3A_2221 = arith.cmpi ne, %rem3A_2219, %ne3A_2220 : i32
      %and3A_2222 = arith.andi %ne3A_2218, %ne3A_2221 : i1
      %sub3A_2223 = arith.constant 1 : i32
      %sub3A_2224 = arith.subi %div3A_2203, %sub3A_2223 : i32
      %select_n3A_2225 = arith.select %and3A_2222, %sub3A_2224, %div3A_2203 : i32
      %mul3A_2226 = arith.constant 128 : i32
      %mul3A_2227 = arith.muli %select_n3A_2225, %mul3A_2226 : i32
      %dma_start3A_2228 = arith.constant 1 : i32
      %dma_start3A_2229 = arith.constant 3 : i32
      %dma_start3A_2230 = arith.constant 0 : i32
      %dma_start3A_2231 = arith.constant 0 : i32
      %dma_start3A_2232 = tpu.memref_slice %arg9[%dma_start3A_2228, %dma_start3A_2229, %dma_start3A_2230, %dma_start3A_2231] : memref<2x4x32x128xf32, #tpu.memory_space<vmem>> -> memref<1x1x32x128xf32, #tpu.memory_space<vmem>>
      %dma_start3A_2233 = tpu.memref_squeeze %dma_start3A_2232 : memref<1x1x32x128xf32, #tpu.memory_space<vmem>> -> memref<32x128xf32, #tpu.memory_space<vmem>>
      %dma_start3A_2234 = arith.constant 0 : i32
      %dma_start3A_2235 = tpu.memref_slice %arg2[%dma_start3A_2234, %mul3A_2199] : memref<32x1000000xf32, #tpu.memory_space<hbm>> -> memref<32x128xf32, #tpu.memory_space<hbm>>
      %dma_start3A_2236 = arith.constant 0 : i32
      %dma_start3A_2237 = arith.constant 0 : i32
      %dma_start3A_2238 = tpu.memref_slice %arg9[%dma_start3A_2228, %dma_start3A_2229, %dma_start3A_2236, %dma_start3A_2237] : memref<2x4x32x128xf32, #tpu.memory_space<vmem>> -> memref<1x1x32x128xf32, #tpu.memory_space<vmem>>
      %dma_start3A_2239 = tpu.memref_squeeze %dma_start3A_2238 : memref<1x1x32x128xf32, #tpu.memory_space<vmem>> -> memref<32x128xf32, #tpu.memory_space<vmem>>
      %dma_start3A_2240 = arith.constant 0 : i32
      %dma_start3A_2241 = tpu.memref_slice %arg2[%dma_start3A_2240, %mul3A_2199] : memref<32x1000000xf32, #tpu.memory_space<hbm>> -> memref<32x128xf32, #tpu.memory_space<hbm>>
      tpu.enqueue_dma source(%dma_start3A_2241 : memref<32x128xf32, #tpu.memory_space<hbm>>) target(%dma_start3A_2239 : memref<32x128xf32, #tpu.memory_space<vmem>>) target_semaphore(%arg13 : memref<!tpu.dma_semaphore, #tpu.memory_space<semaphore_mem>>)
      %dma_start3A_2242 = arith.constant 1 : i32
      %dma_start3A_2243 = arith.constant 3 : i32
      %dma_start3A_2244 = arith.constant 0 : i32
      %dma_start3A_2245 = arith.constant 0 : i32
      %dma_start3A_2246 = tpu.memref_slice %arg10[%dma_start3A_2242, %dma_start3A_2243, %dma_start3A_2244, %dma_start3A_2245] : memref<2x4x32x128xf32, #tpu.memory_space<vmem>> -> memref<1x1x32x128xf32, #tpu.memory_space<vmem>>
      %dma_start3A_2247 = tpu.memref_squeeze %dma_start3A_2246 : memref<1x1x32x128xf32, #tpu.memory_space<vmem>> -> memref<32x128xf32, #tpu.memory_space<vmem>>
      %dma_start3A_2248 = arith.constant 0 : i32
      %dma_start3A_2249 = tpu.memref_slice %arg3[%dma_start3A_2248, %mul3A_2227] : memref<32x1000000xf32, #tpu.memory_space<hbm>> -> memref<32x128xf32, #tpu.memory_space<hbm>>
      %dma_start3A_2250 = arith.constant 0 : i32
      %dma_start3A_2251 = arith.constant 0 : i32
      %dma_start3A_2252 = tpu.memref_slice %arg10[%dma_start3A_2242, %dma_start3A_2243, %dma_start3A_2250, %dma_start3A_2251] : memref<2x4x32x128xf32, #tpu.memory_space<vmem>> -> memref<1x1x32x128xf32, #tpu.memory_space<vmem>>
      %dma_start3A_2253 = tpu.memref_squeeze %dma_start3A_2252 : memref<1x1x32x128xf32, #tpu.memory_space<vmem>> -> memref<32x128xf32, #tpu.memory_space<vmem>>
      %dma_start3A_2254 = arith.constant 0 : i32
      %dma_start3A_2255 = tpu.memref_slice %arg3[%dma_start3A_2254, %mul3A_2227] : memref<32x1000000xf32, #tpu.memory_space<hbm>> -> memref<32x128xf32, #tpu.memory_space<hbm>>
      tpu.enqueue_dma source(%dma_start3A_2255 : memref<32x128xf32, #tpu.memory_space<hbm>>) target(%dma_start3A_2253 : memref<32x128xf32, #tpu.memory_space<vmem>>) target_semaphore(%arg13 : memref<!tpu.dma_semaphore, #tpu.memory_space<semaphore_mem>>)
      %dma_wait3A_2256 = arith.constant 0 : i32
      %dma_wait3A_2257 = arith.constant 0 : i32
      %dma_wait3A_2258 = arith.constant 0 : i32
      %dma_wait3A_2259 = arith.constant 0 : i32
      %dma_wait3A_2260 = tpu.memref_slice %arg9[%dma_wait3A_2256, %dma_wait3A_2257, %dma_wait3A_2258, %dma_wait3A_2259] : memref<2x4x32x128xf32, #tpu.memory_space<vmem>> -> memref<1x1x32x128xf32, #tpu.memory_space<vmem>>
      %dma_wait3A_2261 = tpu.memref_squeeze %dma_wait3A_2260 : memref<1x1x32x128xf32, #tpu.memory_space<vmem>> -> memref<32x128xf32, #tpu.memory_space<vmem>>
      %dma_wait3A_2262 = arith.constant 0 : i32
      %dma_wait3A_2263 = arith.constant 0 : i32
      %dma_wait3A_2264 = tpu.memref_slice %arg2[%dma_wait3A_2262, %dma_wait3A_2263] : memref<32x1000000xf32, #tpu.memory_space<hbm>> -> memref<32x128xf32, #tpu.memory_space<hbm>>
      %dma_wait3A_2265 = arith.constant 0 : i32
      %dma_wait3A_2266 = arith.constant 0 : i32
      %dma_wait3A_2267 = tpu.memref_slice %arg9[%dma_wait3A_2256, %dma_wait3A_2257, %dma_wait3A_2265, %dma_wait3A_2266] : memref<2x4x32x128xf32, #tpu.memory_space<vmem>> -> memref<1x1x32x128xf32, #tpu.memory_space<vmem>>
      %dma_wait3A_2268 = tpu.memref_squeeze %dma_wait3A_2267 : memref<1x1x32x128xf32, #tpu.memory_space<vmem>> -> memref<32x128xf32, #tpu.memory_space<vmem>>
      %dma_wait3A_2269 = arith.constant 0 : i32
      %dma_wait3A_2270 = arith.constant 0 : i32
      %dma_wait3A_2271 = tpu.memref_slice %arg2[%dma_wait3A_2269, %dma_wait3A_2270] : memref<32x1000000xf32, #tpu.memory_space<hbm>> -> memref<32x128xf32, #tpu.memory_space<hbm>>
      tpu.wait_dma2 semaphore(%arg12 : memref<!tpu.dma_semaphore, #tpu.memory_space<semaphore_mem>>) src(%dma_wait3A_2271 : memref<32x128xf32, #tpu.memory_space<hbm>>) dst(%dma_wait3A_2268 : memref<32x128xf32, #tpu.memory_space<vmem>>)
      %dma_wait3A_2272 = arith.constant 0 : i32
      %dma_wait3A_2273 = arith.constant 0 : i32
      %dma_wait3A_2274 = arith.constant 0 : i32
      %dma_wait3A_2275 = arith.constant 0 : i32
      %dma_wait3A_2276 = tpu.memref_slice %arg10[%dma_wait3A_2272, %dma_wait3A_2273, %dma_wait3A_2274, %dma_wait3A_2275] : memref<2x4x32x128xf32, #tpu.memory_space<vmem>> -> memref<1x1x32x128xf32, #tpu.memory_space<vmem>>
      %dma_wait3A_2277 = tpu.memref_squeeze %dma_wait3A_2276 : memref<1x1x32x128xf32, #tpu.memory_space<vmem>> -> memref<32x128xf32, #tpu.memory_space<vmem>>
      %dma_wait3A_2278 = arith.constant 0 : i32
      %dma_wait3A_2279 = arith.constant 0 : i32
      %dma_wait3A_2280 = tpu.memref_slice %arg3[%dma_wait3A_2278, %dma_wait3A_2279] : memref<32x1000000xf32, #tpu.memory_space<hbm>> -> memref<32x128xf32, #tpu.memory_space<hbm>>
      %dma_wait3A_2281 = arith.constant 0 : i32
      %dma_wait3A_2282 = arith.constant 0 : i32
      %dma_wait3A_2283 = tpu.memref_slice %arg10[%dma_wait3A_2272, %dma_wait3A_2273, %dma_wait3A_2281, %dma_wait3A_2282] : memref<2x4x32x128xf32, #tpu.memory_space<vmem>> -> memref<1x1x32x128xf32, #tpu.memory_space<vmem>>
      %dma_wait3A_2284 = tpu.memref_squeeze %dma_wait3A_2283 : memref<1x1x32x128xf32, #tpu.memory_space<vmem>> -> memref<32x128xf32, #tpu.memory_space<vmem>>
      %dma_wait3A_2285 = arith.constant 0 : i32
      %dma_wait3A_2286 = arith.constant 0 : i32
      %dma_wait3A_2287 = tpu.memref_slice %arg3[%dma_wait3A_2285, %dma_wait3A_2286] : memref<32x1000000xf32, #tpu.memory_space<hbm>> -> memref<32x128xf32, #tpu.memory_space<hbm>>
      tpu.wait_dma2 semaphore(%arg12 : memref<!tpu.dma_semaphore, #tpu.memory_space<semaphore_mem>>) src(%dma_wait3A_2287 : memref<32x128xf32, #tpu.memory_space<hbm>>) dst(%dma_wait3A_2284 : memref<32x128xf32, #tpu.memory_space<vmem>>)
      %dma_wait3A_2288 = arith.constant 0 : i32
      %dma_wait3A_2289 = arith.constant 1 : i32
      %dma_wait3A_2290 = arith.constant 0 : i32
      %dma_wait3A_2291 = arith.constant 0 : i32
      %dma_wait3A_2292 = tpu.memref_slice %arg9[%dma_wait3A_2288, %dma_wait3A_2289, %dma_wait3A_2290, %dma_wait3A_2291] : memref<2x4x32x128xf32, #tpu.memory_space<vmem>> -> memref<1x1x32x128xf32, #tpu.memory_space<vmem>>
      %dma_wait3A_2293 = tpu.memref_squeeze %dma_wait3A_2292 : memref<1x1x32x128xf32, #tpu.memory_space<vmem>> -> memref<32x128xf32, #tpu.memory_space<vmem>>
      %dma_wait3A_2294 = arith.constant 0 : i32
      %dma_wait3A_2295 = arith.constant 0 : i32
      %dma_wait3A_2296 = tpu.memref_slice %arg2[%dma_wait3A_2294, %dma_wait3A_2295] : memref<32x1000000xf32, #tpu.memory_space<hbm>> -> memref<32x128xf32, #tpu.memory_space<hbm>>
      %dma_wait3A_2297 = arith.constant 0 : i32
      %dma_wait3A_2298 = arith.constant 0 : i32
      %dma_wait3A_2299 = tpu.memref_slice %arg9[%dma_wait3A_2288, %dma_wait3A_2289, %dma_wait3A_2297, %dma_wait3A_2298] : memref<2x4x32x128xf32, #tpu.memory_space<vmem>> -> memref<1x1x32x128xf32, #tpu.memory_space<vmem>>
      %dma_wait3A_2300 = tpu.memref_squeeze %dma_wait3A_2299 : memref<1x1x32x128xf32, #tpu.memory_space<vmem>> -> memref<32x128xf32, #tpu.memory_space<vmem>>
      %dma_wait3A_2301 = arith.constant 0 : i32
      %dma_wait3A_2302 = arith.constant 0 : i32
      %dma_wait3A_2303 = tpu.memref_slice %arg2[%dma_wait3A_2301, %dma_wait3A_2302] : memref<32x1000000xf32, #tpu.memory_space<hbm>> -> memref<32x128xf32, #tpu.memory_space<hbm>>
      tpu.wait_dma2 semaphore(%arg12 : memref<!tpu.dma_semaphore, #tpu.memory_space<semaphore_mem>>) src(%dma_wait3A_2303 : memref<32x128xf32, #tpu.memory_space<hbm>>) dst(%dma_wait3A_2300 : memref<32x128xf32, #tpu.memory_space<vmem>>)
      %dma_wait3A_2304 = arith.constant 0 : i32
      %dma_wait3A_2305 = arith.constant 1 : i32
      %dma_wait3A_2306 = arith.constant 0 : i32
      %dma_wait3A_2307 = arith.constant 0 : i32
      %dma_wait3A_2308 = tpu.memref_slice %arg10[%dma_wait3A_2304, %dma_wait3A_2305, %dma_wait3A_2306, %dma_wait3A_2307] : memref<2x4x32x128xf32, #tpu.memory_space<vmem>> -> memref<1x1x32x128xf32, #tpu.memory_space<vmem>>
      %dma_wait3A_2309 = tpu.memref_squeeze %dma_wait3A_2308 : memref<1x1x32x128xf32, #tpu.memory_space<vmem>> -> memref<32x128xf32, #tpu.memory_space<vmem>>
      %dma_wait3A_2310 = arith.constant 0 : i32
      %dma_wait3A_2311 = arith.constant 0 : i32
      %dma_wait3A_2312 = tpu.memref_slice %arg3[%dma_wait3A_2310, %dma_wait3A_2311] : memref<32x1000000xf32, #tpu.memory_space<hbm>> -> memref<32x128xf32, #tpu.memory_space<hbm>>
      %dma_wait3A_2313 = arith.constant 0 : i32
      %dma_wait3A_2314 = arith.constant 0 : i32
      %dma_wait3A_2315 = tpu.memref_slice %arg10[%dma_wait3A_2304, %dma_wait3A_2305, %dma_wait3A_2313, %dma_wait3A_2314] : memref<2x4x32x128xf32, #tpu.memory_space<vmem>> -> memref<1x1x32x128xf32, #tpu.memory_space<vmem>>
      %dma_wait3A_2316 = tpu.memref_squeeze %dma_wait3A_2315 : memref<1x1x32x128xf32, #tpu.memory_space<vmem>> -> memref<32x128xf32, #tpu.memory_space<vmem>>
      %dma_wait3A_2317 = arith.constant 0 : i32
      %dma_wait3A_2318 = arith.constant 0 : i32
      %dma_wait3A_2319 = tpu.memref_slice %arg3[%dma_wait3A_2317, %dma_wait3A_2318] : memref<32x1000000xf32, #tpu.memory_space<hbm>> -> memref<32x128xf32, #tpu.memory_space<hbm>>
      tpu.wait_dma2 semaphore(%arg12 : memref<!tpu.dma_semaphore, #tpu.memory_space<semaphore_mem>>) src(%dma_wait3A_2319 : memref<32x128xf32, #tpu.memory_space<hbm>>) dst(%dma_wait3A_2316 : memref<32x128xf32, #tpu.memory_space<vmem>>)
      %dma_wait3A_2320 = arith.constant 0 : i32
      %dma_wait3A_2321 = arith.constant 2 : i32
      %dma_wait3A_2322 = arith.constant 0 : i32
      %dma_wait3A_2323 = arith.constant 0 : i32
      %dma_wait3A_2324 = tpu.memref_slice %arg9[%dma_wait3A_2320, %dma_wait3A_2321, %dma_wait3A_2322, %dma_wait3A_2323] : memref<2x4x32x128xf32, #tpu.memory_space<vmem>> -> memref<1x1x32x128xf32, #tpu.memory_space<vmem>>
      %dma_wait3A_2325 = tpu.memref_squeeze %dma_wait3A_2324 : memref<1x1x32x128xf32, #tpu.memory_space<vmem>> -> memref<32x128xf32, #tpu.memory_space<vmem>>
      %dma_wait3A_2326 = arith.constant 0 : i32
      %dma_wait3A_2327 = arith.constant 0 : i32
      %dma_wait3A_2328 = tpu.memref_slice %arg2[%dma_wait3A_2326, %dma_wait3A_2327] : memref<32x1000000xf32, #tpu.memory_space<hbm>> -> memref<32x128xf32, #tpu.memory_space<hbm>>
      %dma_wait3A_2329 = arith.constant 0 : i32
      %dma_wait3A_2330 = arith.constant 0 : i32
      %dma_wait3A_2331 = tpu.memref_slice %arg9[%dma_wait3A_2320, %dma_wait3A_2321, %dma_wait3A_2329, %dma_wait3A_2330] : memref<2x4x32x128xf32, #tpu.memory_space<vmem>> -> memref<1x1x32x128xf32, #tpu.memory_space<vmem>>
      %dma_wait3A_2332 = tpu.memref_squeeze %dma_wait3A_2331 : memref<1x1x32x128xf32, #tpu.memory_space<vmem>> -> memref<32x128xf32, #tpu.memory_space<vmem>>
      %dma_wait3A_2333 = arith.constant 0 : i32
      %dma_wait3A_2334 = arith.constant 0 : i32
      %dma_wait3A_2335 = tpu.memref_slice %arg2[%dma_wait3A_2333, %dma_wait3A_2334] : memref<32x1000000xf32, #tpu.memory_space<hbm>> -> memref<32x128xf32, #tpu.memory_space<hbm>>
      tpu.wait_dma2 semaphore(%arg12 : memref<!tpu.dma_semaphore, #tpu.memory_space<semaphore_mem>>) src(%dma_wait3A_2335 : memref<32x128xf32, #tpu.memory_space<hbm>>) dst(%dma_wait3A_2332 : memref<32x128xf32, #tpu.memory_space<vmem>>)
      %dma_wait3A_2336 = arith.constant 0 : i32
      %dma_wait3A_2337 = arith.constant 2 : i32
      %dma_wait3A_2338 = arith.constant 0 : i32
      %dma_wait3A_2339 = arith.constant 0 : i32
      %dma_wait3A_2340 = tpu.memref_slice %arg10[%dma_wait3A_2336, %dma_wait3A_2337, %dma_wait3A_2338, %dma_wait3A_2339] : memref<2x4x32x128xf32, #tpu.memory_space<vmem>> -> memref<1x1x32x128xf32, #tpu.memory_space<vmem>>
      %dma_wait3A_2341 = tpu.memref_squeeze %dma_wait3A_2340 : memref<1x1x32x128xf32, #tpu.memory_space<vmem>> -> memref<32x128xf32, #tpu.memory_space<vmem>>
      %dma_wait3A_2342 = arith.constant 0 : i32
      %dma_wait3A_2343 = arith.constant 0 : i32
      %dma_wait3A_2344 = tpu.memref_slice %arg3[%dma_wait3A_2342, %dma_wait3A_2343] : memref<32x1000000xf32, #tpu.memory_space<hbm>> -> memref<32x128xf32, #tpu.memory_space<hbm>>
      %dma_wait3A_2345 = arith.constant 0 : i32
      %dma_wait3A_2346 = arith.constant 0 : i32
      %dma_wait3A_2347 = tpu.memref_slice %arg10[%dma_wait3A_2336, %dma_wait3A_2337, %dma_wait3A_2345, %dma_wait3A_2346] : memref<2x4x32x128xf32, #tpu.memory_space<vmem>> -> memref<1x1x32x128xf32, #tpu.memory_space<vmem>>
      %dma_wait3A_2348 = tpu.memref_squeeze %dma_wait3A_2347 : memref<1x1x32x128xf32, #tpu.memory_space<vmem>> -> memref<32x128xf32, #tpu.memory_space<vmem>>
      %dma_wait3A_2349 = arith.constant 0 : i32
      %dma_wait3A_2350 = arith.constant 0 : i32
      %dma_wait3A_2351 = tpu.memref_slice %arg3[%dma_wait3A_2349, %dma_wait3A_2350] : memref<32x1000000xf32, #tpu.memory_space<hbm>> -> memref<32x128xf32, #tpu.memory_space<hbm>>
      tpu.wait_dma2 semaphore(%arg12 : memref<!tpu.dma_semaphore, #tpu.memory_space<semaphore_mem>>) src(%dma_wait3A_2351 : memref<32x128xf32, #tpu.memory_space<hbm>>) dst(%dma_wait3A_2348 : memref<32x128xf32, #tpu.memory_space<vmem>>)
      %dma_wait3A_2352 = arith.constant 0 : i32
      %dma_wait3A_2353 = arith.constant 3 : i32
      %dma_wait3A_2354 = arith.constant 0 : i32
      %dma_wait3A_2355 = arith.constant 0 : i32
      %dma_wait3A_2356 = tpu.memref_slice %arg9[%dma_wait3A_2352, %dma_wait3A_2353, %dma_wait3A_2354, %dma_wait3A_2355] : memref<2x4x32x128xf32, #tpu.memory_space<vmem>> -> memref<1x1x32x128xf32, #tpu.memory_space<vmem>>
      %dma_wait3A_2357 = tpu.memref_squeeze %dma_wait3A_2356 : memref<1x1x32x128xf32, #tpu.memory_space<vmem>> -> memref<32x128xf32, #tpu.memory_space<vmem>>
      %dma_wait3A_2358 = arith.constant 0 : i32
      %dma_wait3A_2359 = arith.constant 0 : i32
      %dma_wait3A_2360 = tpu.memref_slice %arg2[%dma_wait3A_2358, %dma_wait3A_2359] : memref<32x1000000xf32, #tpu.memory_space<hbm>> -> memref<32x128xf32, #tpu.memory_space<hbm>>
      %dma_wait3A_2361 = arith.constant 0 : i32
      %dma_wait3A_2362 = arith.constant 0 : i32
      %dma_wait3A_2363 = tpu.memref_slice %arg9[%dma_wait3A_2352, %dma_wait3A_2353, %dma_wait3A_2361, %dma_wait3A_2362] : memref<2x4x32x128xf32, #tpu.memory_space<vmem>> -> memref<1x1x32x128xf32, #tpu.memory_space<vmem>>
      %dma_wait3A_2364 = tpu.memref_squeeze %dma_wait3A_2363 : memref<1x1x32x128xf32, #tpu.memory_space<vmem>> -> memref<32x128xf32, #tpu.memory_space<vmem>>
      %dma_wait3A_2365 = arith.constant 0 : i32
      %dma_wait3A_2366 = arith.constant 0 : i32
      %dma_wait3A_2367 = tpu.memref_slice %arg2[%dma_wait3A_2365, %dma_wait3A_2366] : memref<32x1000000xf32, #tpu.memory_space<hbm>> -> memref<32x128xf32, #tpu.memory_space<hbm>>
      tpu.wait_dma2 semaphore(%arg12 : memref<!tpu.dma_semaphore, #tpu.memory_space<semaphore_mem>>) src(%dma_wait3A_2367 : memref<32x128xf32, #tpu.memory_space<hbm>>) dst(%dma_wait3A_2364 : memref<32x128xf32, #tpu.memory_space<vmem>>)
      %dma_wait3A_2368 = arith.constant 0 : i32
      %dma_wait3A_2369 = arith.constant 3 : i32
      %dma_wait3A_2370 = arith.constant 0 : i32
      %dma_wait3A_2371 = arith.constant 0 : i32
      %dma_wait3A_2372 = tpu.memref_slice %arg10[%dma_wait3A_2368, %dma_wait3A_2369, %dma_wait3A_2370, %dma_wait3A_2371] : memref<2x4x32x128xf32, #tpu.memory_space<vmem>> -> memref<1x1x32x128xf32, #tpu.memory_space<vmem>>
      %dma_wait3A_2373 = tpu.memref_squeeze %dma_wait3A_2372 : memref<1x1x32x128xf32, #tpu.memory_space<vmem>> -> memref<32x128xf32, #tpu.memory_space<vmem>>
      %dma_wait3A_2374 = arith.constant 0 : i32
      %dma_wait3A_2375 = arith.constant 0 : i32
      %dma_wait3A_2376 = tpu.memref_slice %arg3[%dma_wait3A_2374, %dma_wait3A_2375] : memref<32x1000000xf32, #tpu.memory_space<hbm>> -> memref<32x128xf32, #tpu.memory_space<hbm>>
      %dma_wait3A_2377 = arith.constant 0 : i32
      %dma_wait3A_2378 = arith.constant 0 : i32
      %dma_wait3A_2379 = tpu.memref_slice %arg10[%dma_wait3A_2368, %dma_wait3A_2369, %dma_wait3A_2377, %dma_wait3A_2378] : memref<2x4x32x128xf32, #tpu.memory_space<vmem>> -> memref<1x1x32x128xf32, #tpu.memory_space<vmem>>
      %dma_wait3A_2380 = tpu.memref_squeeze %dma_wait3A_2379 : memref<1x1x32x128xf32, #tpu.memory_space<vmem>> -> memref<32x128xf32, #tpu.memory_space<vmem>>
      %dma_wait3A_2381 = arith.constant 0 : i32
      %dma_wait3A_2382 = arith.constant 0 : i32
      %dma_wait3A_2383 = tpu.memref_slice %arg3[%dma_wait3A_2381, %dma_wait3A_2382] : memref<32x1000000xf32, #tpu.memory_space<hbm>> -> memref<32x128xf32, #tpu.memory_space<hbm>>
      tpu.wait_dma2 semaphore(%arg12 : memref<!tpu.dma_semaphore, #tpu.memory_space<semaphore_mem>>) src(%dma_wait3A_2383 : memref<32x128xf32, #tpu.memory_space<hbm>>) dst(%dma_wait3A_2380 : memref<32x128xf32, #tpu.memory_space<vmem>>)
      %slice3A_2384 = vector.extract_strided_slice %get3A_467 {offsets = [8], sizes = [1], strides = [1]} : vector<16xi32> to vector<1xi32>
      %squeeze3A_2385 = vector.extract %slice3A_2384[0] : i32 from vector<1xi32>
      %jit3A_2386 = arith.constant 128 : i32
      %eq3A_2387 = arith.constant 0 : i32
      %eq3A_2388 = arith.cmpi eq, %jit3A_2386, %eq3A_2387 : i32
      %jit3A_2389 = arith.constant 1 : i32
      %select_n3A_2390 = arith.select %eq3A_2388, %jit3A_2389, %jit3A_2386 : i32
      %rem3A_2391 = arith.remsi %squeeze3A_2385, %select_n3A_2390 : i32
      %ne3A_2392 = arith.constant 0 : i32
      %ne3A_2393 = arith.cmpi ne, %rem3A_2391, %ne3A_2392 : i32
      %lt3A_2394 = arith.constant 0 : i32
      %lt3A_2395 = arith.cmpi slt, %rem3A_2391, %lt3A_2394 : i32
      %lt3A_2396 = arith.constant 0 : i32
      %lt3A_2397 = arith.cmpi slt, %select_n3A_2390, %lt3A_2396 : i32
      %ne3A_2398 = arith.xori %lt3A_2395, %lt3A_2397 : i1
      %and3A_2399 = arith.andi %ne3A_2398, %ne3A_2393 : i1
      %add3A_2400 = arith.addi %rem3A_2391, %select_n3A_2390 : i32
      %select_n3A_2401 = arith.select %and3A_2399, %add3A_2400, %rem3A_2391 : i32
      %broadcast_in_dim3A_2402 = vector.broadcast %select_n3A_2401 : i32 to vector<16xi32>
      %slice3A_2403 = vector.extract_strided_slice %get3A_471 {offsets = [8], sizes = [1], strides = [1]} : vector<16xi32> to vector<1xi32>
      %squeeze3A_2404 = vector.extract %slice3A_2403[0] : i32 from vector<1xi32>
      %jit3A_2405 = arith.constant 128 : i32
      %eq3A_2406 = arith.constant 0 : i32
      %eq3A_2407 = arith.cmpi eq, %jit3A_2405, %eq3A_2406 : i32
      %jit3A_2408 = arith.constant 1 : i32
      %select_n3A_2409 = arith.select %eq3A_2407, %jit3A_2408, %jit3A_2405 : i32
      %rem3A_2410 = arith.remsi %squeeze3A_2404, %select_n3A_2409 : i32
      %ne3A_2411 = arith.constant 0 : i32
      %ne3A_2412 = arith.cmpi ne, %rem3A_2410, %ne3A_2411 : i32
      %lt3A_2413 = arith.constant 0 : i32
      %lt3A_2414 = arith.cmpi slt, %rem3A_2410, %lt3A_2413 : i32
      %lt3A_2415 = arith.constant 0 : i32
      %lt3A_2416 = arith.cmpi slt, %select_n3A_2409, %lt3A_2415 : i32
      %ne3A_2417 = arith.xori %lt3A_2414, %lt3A_2416 : i1
      %and3A_2418 = arith.andi %ne3A_2417, %ne3A_2412 : i1
      %add3A_2419 = arith.addi %rem3A_2410, %select_n3A_2409 : i32
      %select_n3A_2420 = arith.select %and3A_2418, %add3A_2419, %rem3A_2410 : i32
      %broadcast_in_dim3A_2421 = vector.broadcast %select_n3A_2420 : i32 to vector<16xi32>
      %broadcast_in_dim3A_2422 = arith.constant 0 : i32
      %broadcast_in_dim3A_2423 = vector.broadcast %broadcast_in_dim3A_2422 : i32 to vector<16xi32>
      %broadcast_in_dim3A_2424 = arith.constant 0 : i32
      %broadcast_in_dim3A_2425 = vector.broadcast %broadcast_in_dim3A_2424 : i32 to vector<16xi32>
      %gather3A_2426 = tpu.vector_load_idx %arg9[%broadcast_in_dim3A_2423, %broadcast_in_dim3A_2425, %iota3A, %broadcast_in_dim3A_2402] : memref<2x4x32x128xf32, #tpu.memory_space<vmem>>[vector<16xi32>, vector<16xi32>, vector<16xi32>, vector<16xi32>], vector<16xf32>,
      %add3A_2427 = arith.constant 16 : i32
      %add3A_2428 = vector.broadcast %add3A_2427 : i32 to vector<16xi32>
      %add3A_2429 = arith.addi %iota3A, %add3A_2428 : vector<16xi32>
      %gather3A_2430 = tpu.vector_load_idx %arg9[%broadcast_in_dim3A_2423, %broadcast_in_dim3A_2425, %add3A_2429, %broadcast_in_dim3A_2402] : memref<2x4x32x128xf32, #tpu.memory_space<vmem>>[vector<16xi32>, vector<16xi32>, vector<16xi32>, vector<16xi32>], vector<16xf32>,
      %gather3A_2431 = tpu.vector_load_idx %arg10[%broadcast_in_dim3A_2423, %broadcast_in_dim3A_2425, %iota3A, %broadcast_in_dim3A_2421] : memref<2x4x32x128xf32, #tpu.memory_space<vmem>>[vector<16xi32>, vector<16xi32>, vector<16xi32>, vector<16xi32>], vector<16xf32>,
      %add3A_2432 = arith.constant 16 : i32
      %add3A_2433 = vector.broadcast %add3A_2432 : i32 to vector<16xi32>
      %add3A_2434 = arith.addi %iota3A, %add3A_2433 : vector<16xi32>
      %gather3A_2435 = tpu.vector_load_idx %arg10[%broadcast_in_dim3A_2423, %broadcast_in_dim3A_2425, %add3A_2434, %broadcast_in_dim3A_2421] : memref<2x4x32x128xf32, #tpu.memory_space<vmem>>[vector<16xi32>, vector<16xi32>, vector<16xi32>, vector<16xi32>], vector<16xf32>,
      %mul3A_2436 = arith.mulf %gather3A_2426, %gather3A_2431 : vector<16xf32>
      %mul3A_2437 = arith.mulf %gather3A_2430, %gather3A_2435 : vector<16xf32>
      %add3A_2438 = arith.addf %mul3A_2436, %mul3A_2437 : vector<16xf32>
      %reduce_sum3A_2439 = arith.constant true
      %reduce_sum3A_2440 = vector.broadcast %reduce_sum3A_2439 : i1 to vector<16xi1>
      %reduce_sum3A_2441 = tpu.scan <sum>, %add3A_2438 masked %reduce_sum3A_2440 : vector<16xf32>, vector<16xi1> -> vector<16xf32>
      %reduce_sum3A_2442 = vector.extract %reduce_sum3A_2441[15] : f32 from vector<16xf32>
      %eq3A_2443 = arith.constant 8 : i32
      %eq3A_2444 = vector.broadcast %eq3A_2443 : i32 to vector<16xi32>
      %eq3A_2445 = arith.cmpi eq, %iota3A, %eq3A_2444 : vector<16xi32>
      %broadcast_in_dim3A_2446 = vector.broadcast %reduce_sum3A_2442 : f32 to vector<16xf32>
      %select_n3A_2447 = arith.select %eq3A_2445, %broadcast_in_dim3A_2446, %select_n3A_1919 : vector<16xi1>, vector<16xf32>
      %slice3A_2448 = vector.extract_strided_slice %get3A_467 {offsets = [9], sizes = [1], strides = [1]} : vector<16xi32> to vector<1xi32>
      %squeeze3A_2449 = vector.extract %slice3A_2448[0] : i32 from vector<1xi32>
      %jit3A_2450 = arith.constant 128 : i32
      %eq3A_2451 = arith.constant 0 : i32
      %eq3A_2452 = arith.cmpi eq, %jit3A_2450, %eq3A_2451 : i32
      %jit3A_2453 = arith.constant 1 : i32
      %select_n3A_2454 = arith.select %eq3A_2452, %jit3A_2453, %jit3A_2450 : i32
      %rem3A_2455 = arith.remsi %squeeze3A_2449, %select_n3A_2454 : i32
      %ne3A_2456 = arith.constant 0 : i32
      %ne3A_2457 = arith.cmpi ne, %rem3A_2455, %ne3A_2456 : i32
      %lt3A_2458 = arith.constant 0 : i32
      %lt3A_2459 = arith.cmpi slt, %rem3A_2455, %lt3A_2458 : i32
      %lt3A_2460 = arith.constant 0 : i32
      %lt3A_2461 = arith.cmpi slt, %select_n3A_2454, %lt3A_2460 : i32
      %ne3A_2462 = arith.xori %lt3A_2459, %lt3A_2461 : i1
      %and3A_2463 = arith.andi %ne3A_2462, %ne3A_2457 : i1
      %add3A_2464 = arith.addi %rem3A_2455, %select_n3A_2454 : i32
      %select_n3A_2465 = arith.select %and3A_2463, %add3A_2464, %rem3A_2455 : i32
      %broadcast_in_dim3A_2466 = vector.broadcast %select_n3A_2465 : i32 to vector<16xi32>
      %slice3A_2467 = vector.extract_strided_slice %get3A_471 {offsets = [9], sizes = [1], strides = [1]} : vector<16xi32> to vector<1xi32>
      %squeeze3A_2468 = vector.extract %slice3A_2467[0] : i32 from vector<1xi32>
      %jit3A_2469 = arith.constant 128 : i32
      %eq3A_2470 = arith.constant 0 : i32
      %eq3A_2471 = arith.cmpi eq, %jit3A_2469, %eq3A_2470 : i32
      %jit3A_2472 = arith.constant 1 : i32
      %select_n3A_2473 = arith.select %eq3A_2471, %jit3A_2472, %jit3A_2469 : i32
      %rem3A_2474 = arith.remsi %squeeze3A_2468, %select_n3A_2473 : i32
      %ne3A_2475 = arith.constant 0 : i32
      %ne3A_2476 = arith.cmpi ne, %rem3A_2474, %ne3A_2475 : i32
      %lt3A_2477 = arith.constant 0 : i32
      %lt3A_2478 = arith.cmpi slt, %rem3A_2474, %lt3A_2477 : i32
      %lt3A_2479 = arith.constant 0 : i32
      %lt3A_2480 = arith.cmpi slt, %select_n3A_2473, %lt3A_2479 : i32
      %ne3A_2481 = arith.xori %lt3A_2478, %lt3A_2480 : i1
      %and3A_2482 = arith.andi %ne3A_2481, %ne3A_2476 : i1
      %add3A_2483 = arith.addi %rem3A_2474, %select_n3A_2473 : i32
      %select_n3A_2484 = arith.select %and3A_2482, %add3A_2483, %rem3A_2474 : i32
      %broadcast_in_dim3A_2485 = vector.broadcast %select_n3A_2484 : i32 to vector<16xi32>
      %broadcast_in_dim3A_2486 = arith.constant 0 : i32
      %broadcast_in_dim3A_2487 = vector.broadcast %broadcast_in_dim3A_2486 : i32 to vector<16xi32>
      %broadcast_in_dim3A_2488 = arith.constant 1 : i32
      %broadcast_in_dim3A_2489 = vector.broadcast %broadcast_in_dim3A_2488 : i32 to vector<16xi32>
      %gather3A_2490 = tpu.vector_load_idx %arg9[%broadcast_in_dim3A_2487, %broadcast_in_dim3A_2489, %iota3A, %broadcast_in_dim3A_2466] : memref<2x4x32x128xf32, #tpu.memory_space<vmem>>[vector<16xi32>, vector<16xi32>, vector<16xi32>, vector<16xi32>], vector<16xf32>,
      %add3A_2491 = arith.constant 16 : i32
      %add3A_2492 = vector.broadcast %add3A_2491 : i32 to vector<16xi32>
      %add3A_2493 = arith.addi %iota3A, %add3A_2492 : vector<16xi32>
      %gather3A_2494 = tpu.vector_load_idx %arg9[%broadcast_in_dim3A_2487, %broadcast_in_dim3A_2489, %add3A_2493, %broadcast_in_dim3A_2466] : memref<2x4x32x128xf32, #tpu.memory_space<vmem>>[vector<16xi32>, vector<16xi32>, vector<16xi32>, vector<16xi32>], vector<16xf32>,
      %gather3A_2495 = tpu.vector_load_idx %arg10[%broadcast_in_dim3A_2487, %broadcast_in_dim3A_2489, %iota3A, %broadcast_in_dim3A_2485] : memref<2x4x32x128xf32, #tpu.memory_space<vmem>>[vector<16xi32>, vector<16xi32>, vector<16xi32>, vector<16xi32>], vector<16xf32>,
      %add3A_2496 = arith.constant 16 : i32
      %add3A_2497 = vector.broadcast %add3A_2496 : i32 to vector<16xi32>
      %add3A_2498 = arith.addi %iota3A, %add3A_2497 : vector<16xi32>
      %gather3A_2499 = tpu.vector_load_idx %arg10[%broadcast_in_dim3A_2487, %broadcast_in_dim3A_2489, %add3A_2498, %broadcast_in_dim3A_2485] : memref<2x4x32x128xf32, #tpu.memory_space<vmem>>[vector<16xi32>, vector<16xi32>, vector<16xi32>, vector<16xi32>], vector<16xf32>,
      %mul3A_2500 = arith.mulf %gather3A_2490, %gather3A_2495 : vector<16xf32>
      %mul3A_2501 = arith.mulf %gather3A_2494, %gather3A_2499 : vector<16xf32>
      %add3A_2502 = arith.addf %mul3A_2500, %mul3A_2501 : vector<16xf32>
      %reduce_sum3A_2503 = arith.constant true
      %reduce_sum3A_2504 = vector.broadcast %reduce_sum3A_2503 : i1 to vector<16xi1>
      %reduce_sum3A_2505 = tpu.scan <sum>, %add3A_2502 masked %reduce_sum3A_2504 : vector<16xf32>, vector<16xi1> -> vector<16xf32>
      %reduce_sum3A_2506 = vector.extract %reduce_sum3A_2505[15] : f32 from vector<16xf32>
      %eq3A_2507 = arith.constant 9 : i32
      %eq3A_2508 = vector.broadcast %eq3A_2507 : i32 to vector<16xi32>
      %eq3A_2509 = arith.cmpi eq, %iota3A, %eq3A_2508 : vector<16xi32>
      %broadcast_in_dim3A_2510 = vector.broadcast %reduce_sum3A_2506 : f32 to vector<16xf32>
      %select_n3A_2511 = arith.select %eq3A_2509, %broadcast_in_dim3A_2510, %select_n3A_2447 : vector<16xi1>, vector<16xf32>
      %slice3A_2512 = vector.extract_strided_slice %get3A_467 {offsets = [10], sizes = [1], strides = [1]} : vector<16xi32> to vector<1xi32>
      %squeeze3A_2513 = vector.extract %slice3A_2512[0] : i32 from vector<1xi32>
      %jit3A_2514 = arith.constant 128 : i32
      %eq3A_2515 = arith.constant 0 : i32
      %eq3A_2516 = arith.cmpi eq, %jit3A_2514, %eq3A_2515 : i32
      %jit3A_2517 = arith.constant 1 : i32
      %select_n3A_2518 = arith.select %eq3A_2516, %jit3A_2517, %jit3A_2514 : i32
      %rem3A_2519 = arith.remsi %squeeze3A_2513, %select_n3A_2518 : i32
      %ne3A_2520 = arith.constant 0 : i32
      %ne3A_2521 = arith.cmpi ne, %rem3A_2519, %ne3A_2520 : i32
      %lt3A_2522 = arith.constant 0 : i32
      %lt3A_2523 = arith.cmpi slt, %rem3A_2519, %lt3A_2522 : i32
      %lt3A_2524 = arith.constant 0 : i32
      %lt3A_2525 = arith.cmpi slt, %select_n3A_2518, %lt3A_2524 : i32
      %ne3A_2526 = arith.xori %lt3A_2523, %lt3A_2525 : i1
      %and3A_2527 = arith.andi %ne3A_2526, %ne3A_2521 : i1
      %add3A_2528 = arith.addi %rem3A_2519, %select_n3A_2518 : i32
      %select_n3A_2529 = arith.select %and3A_2527, %add3A_2528, %rem3A_2519 : i32
      %broadcast_in_dim3A_2530 = vector.broadcast %select_n3A_2529 : i32 to vector<16xi32>
      %slice3A_2531 = vector.extract_strided_slice %get3A_471 {offsets = [10], sizes = [1], strides = [1]} : vector<16xi32> to vector<1xi32>
      %squeeze3A_2532 = vector.extract %slice3A_2531[0] : i32 from vector<1xi32>
      %jit3A_2533 = arith.constant 128 : i32
      %eq3A_2534 = arith.constant 0 : i32
      %eq3A_2535 = arith.cmpi eq, %jit3A_2533, %eq3A_2534 : i32
      %jit3A_2536 = arith.constant 1 : i32
      %select_n3A_2537 = arith.select %eq3A_2535, %jit3A_2536, %jit3A_2533 : i32
      %rem3A_2538 = arith.remsi %squeeze3A_2532, %select_n3A_2537 : i32
      %ne3A_2539 = arith.constant 0 : i32
      %ne3A_2540 = arith.cmpi ne, %rem3A_2538, %ne3A_2539 : i32
      %lt3A_2541 = arith.constant 0 : i32
      %lt3A_2542 = arith.cmpi slt, %rem3A_2538, %lt3A_2541 : i32
      %lt3A_2543 = arith.constant 0 : i32
      %lt3A_2544 = arith.cmpi slt, %select_n3A_2537, %lt3A_2543 : i32
      %ne3A_2545 = arith.xori %lt3A_2542, %lt3A_2544 : i1
      %and3A_2546 = arith.andi %ne3A_2545, %ne3A_2540 : i1
      %add3A_2547 = arith.addi %rem3A_2538, %select_n3A_2537 : i32
      %select_n3A_2548 = arith.select %and3A_2546, %add3A_2547, %rem3A_2538 : i32
      %broadcast_in_dim3A_2549 = vector.broadcast %select_n3A_2548 : i32 to vector<16xi32>
      %broadcast_in_dim3A_2550 = arith.constant 0 : i32
      %broadcast_in_dim3A_2551 = vector.broadcast %broadcast_in_dim3A_2550 : i32 to vector<16xi32>
      %broadcast_in_dim3A_2552 = arith.constant 2 : i32
      %broadcast_in_dim3A_2553 = vector.broadcast %broadcast_in_dim3A_2552 : i32 to vector<16xi32>
      %gather3A_2554 = tpu.vector_load_idx %arg9[%broadcast_in_dim3A_2551, %broadcast_in_dim3A_2553, %iota3A, %broadcast_in_dim3A_2530] : memref<2x4x32x128xf32, #tpu.memory_space<vmem>>[vector<16xi32>, vector<16xi32>, vector<16xi32>, vector<16xi32>], vector<16xf32>,
      %add3A_2555 = arith.constant 16 : i32
      %add3A_2556 = vector.broadcast %add3A_2555 : i32 to vector<16xi32>
      %add3A_2557 = arith.addi %iota3A, %add3A_2556 : vector<16xi32>
      %gather3A_2558 = tpu.vector_load_idx %arg9[%broadcast_in_dim3A_2551, %broadcast_in_dim3A_2553, %add3A_2557, %broadcast_in_dim3A_2530] : memref<2x4x32x128xf32, #tpu.memory_space<vmem>>[vector<16xi32>, vector<16xi32>, vector<16xi32>, vector<16xi32>], vector<16xf32>,
      %gather3A_2559 = tpu.vector_load_idx %arg10[%broadcast_in_dim3A_2551, %broadcast_in_dim3A_2553, %iota3A, %broadcast_in_dim3A_2549] : memref<2x4x32x128xf32, #tpu.memory_space<vmem>>[vector<16xi32>, vector<16xi32>, vector<16xi32>, vector<16xi32>], vector<16xf32>,
      %add3A_2560 = arith.constant 16 : i32
      %add3A_2561 = vector.broadcast %add3A_2560 : i32 to vector<16xi32>
      %add3A_2562 = arith.addi %iota3A, %add3A_2561 : vector<16xi32>
      %gather3A_2563 = tpu.vector_load_idx %arg10[%broadcast_in_dim3A_2551, %broadcast_in_dim3A_2553, %add3A_2562, %broadcast_in_dim3A_2549] : memref<2x4x32x128xf32, #tpu.memory_space<vmem>>[vector<16xi32>, vector<16xi32>, vector<16xi32>, vector<16xi32>], vector<16xf32>,
      %mul3A_2564 = arith.mulf %gather3A_2554, %gather3A_2559 : vector<16xf32>
      %mul3A_2565 = arith.mulf %gather3A_2558, %gather3A_2563 : vector<16xf32>
      %add3A_2566 = arith.addf %mul3A_2564, %mul3A_2565 : vector<16xf32>
      %reduce_sum3A_2567 = arith.constant true
      %reduce_sum3A_2568 = vector.broadcast %reduce_sum3A_2567 : i1 to vector<16xi1>
      %reduce_sum3A_2569 = tpu.scan <sum>, %add3A_2566 masked %reduce_sum3A_2568 : vector<16xf32>, vector<16xi1> -> vector<16xf32>
      %reduce_sum3A_2570 = vector.extract %reduce_sum3A_2569[15] : f32 from vector<16xf32>
      %eq3A_2571 = arith.constant 10 : i32
      %eq3A_2572 = vector.broadcast %eq3A_2571 : i32 to vector<16xi32>
      %eq3A_2573 = arith.cmpi eq, %iota3A, %eq3A_2572 : vector<16xi32>
      %broadcast_in_dim3A_2574 = vector.broadcast %reduce_sum3A_2570 : f32 to vector<16xf32>
      %select_n3A_2575 = arith.select %eq3A_2573, %broadcast_in_dim3A_2574, %select_n3A_2511 : vector<16xi1>, vector<16xf32>
      %slice3A_2576 = vector.extract_strided_slice %get3A_467 {offsets = [11], sizes = [1], strides = [1]} : vector<16xi32> to vector<1xi32>
      %squeeze3A_2577 = vector.extract %slice3A_2576[0] : i32 from vector<1xi32>
      %jit3A_2578 = arith.constant 128 : i32
      %eq3A_2579 = arith.constant 0 : i32
      %eq3A_2580 = arith.cmpi eq, %jit3A_2578, %eq3A_2579 : i32
      %jit3A_2581 = arith.constant 1 : i32
      %select_n3A_2582 = arith.select %eq3A_2580, %jit3A_2581, %jit3A_2578 : i32
      %rem3A_2583 = arith.remsi %squeeze3A_2577, %select_n3A_2582 : i32
      %ne3A_2584 = arith.constant 0 : i32
      %ne3A_2585 = arith.cmpi ne, %rem3A_2583, %ne3A_2584 : i32
      %lt3A_2586 = arith.constant 0 : i32
      %lt3A_2587 = arith.cmpi slt, %rem3A_2583, %lt3A_2586 : i32
      %lt3A_2588 = arith.constant 0 : i32
      %lt3A_2589 = arith.cmpi slt, %select_n3A_2582, %lt3A_2588 : i32
      %ne3A_2590 = arith.xori %lt3A_2587, %lt3A_2589 : i1
      %and3A_2591 = arith.andi %ne3A_2590, %ne3A_2585 : i1
      %add3A_2592 = arith.addi %rem3A_2583, %select_n3A_2582 : i32
      %select_n3A_2593 = arith.select %and3A_2591, %add3A_2592, %rem3A_2583 : i32
      %broadcast_in_dim3A_2594 = vector.broadcast %select_n3A_2593 : i32 to vector<16xi32>
      %slice3A_2595 = vector.extract_strided_slice %get3A_471 {offsets = [11], sizes = [1], strides = [1]} : vector<16xi32> to vector<1xi32>
      %squeeze3A_2596 = vector.extract %slice3A_2595[0] : i32 from vector<1xi32>
      %jit3A_2597 = arith.constant 128 : i32
      %eq3A_2598 = arith.constant 0 : i32
      %eq3A_2599 = arith.cmpi eq, %jit3A_2597, %eq3A_2598 : i32
      %jit3A_2600 = arith.constant 1 : i32
      %select_n3A_2601 = arith.select %eq3A_2599, %jit3A_2600, %jit3A_2597 : i32
      %rem3A_2602 = arith.remsi %squeeze3A_2596, %select_n3A_2601 : i32
      %ne3A_2603 = arith.constant 0 : i32
      %ne3A_2604 = arith.cmpi ne, %rem3A_2602, %ne3A_2603 : i32
      %lt3A_2605 = arith.constant 0 : i32
      %lt3A_2606 = arith.cmpi slt, %rem3A_2602, %lt3A_2605 : i32
      %lt3A_2607 = arith.constant 0 : i32
      %lt3A_2608 = arith.cmpi slt, %select_n3A_2601, %lt3A_2607 : i32
      %ne3A_2609 = arith.xori %lt3A_2606, %lt3A_2608 : i1
      %and3A_2610 = arith.andi %ne3A_2609, %ne3A_2604 : i1
      %add3A_2611 = arith.addi %rem3A_2602, %select_n3A_2601 : i32
      %select_n3A_2612 = arith.select %and3A_2610, %add3A_2611, %rem3A_2602 : i32
      %broadcast_in_dim3A_2613 = vector.broadcast %select_n3A_2612 : i32 to vector<16xi32>
      %broadcast_in_dim3A_2614 = arith.constant 0 : i32
      %broadcast_in_dim3A_2615 = vector.broadcast %broadcast_in_dim3A_2614 : i32 to vector<16xi32>
      %broadcast_in_dim3A_2616 = arith.constant 3 : i32
      %broadcast_in_dim3A_2617 = vector.broadcast %broadcast_in_dim3A_2616 : i32 to vector<16xi32>
      %gather3A_2618 = tpu.vector_load_idx %arg9[%broadcast_in_dim3A_2615, %broadcast_in_dim3A_2617, %iota3A, %broadcast_in_dim3A_2594] : memref<2x4x32x128xf32, #tpu.memory_space<vmem>>[vector<16xi32>, vector<16xi32>, vector<16xi32>, vector<16xi32>], vector<16xf32>,
      %add3A_2619 = arith.constant 16 : i32
      %add3A_2620 = vector.broadcast %add3A_2619 : i32 to vector<16xi32>
      %add3A_2621 = arith.addi %iota3A, %add3A_2620 : vector<16xi32>
      %gather3A_2622 = tpu.vector_load_idx %arg9[%broadcast_in_dim3A_2615, %broadcast_in_dim3A_2617, %add3A_2621, %broadcast_in_dim3A_2594] : memref<2x4x32x128xf32, #tpu.memory_space<vmem>>[vector<16xi32>, vector<16xi32>, vector<16xi32>, vector<16xi32>], vector<16xf32>,
      %gather3A_2623 = tpu.vector_load_idx %arg10[%broadcast_in_dim3A_2615, %broadcast_in_dim3A_2617, %iota3A, %broadcast_in_dim3A_2613] : memref<2x4x32x128xf32, #tpu.memory_space<vmem>>[vector<16xi32>, vector<16xi32>, vector<16xi32>, vector<16xi32>], vector<16xf32>,
      %add3A_2624 = arith.constant 16 : i32
      %add3A_2625 = vector.broadcast %add3A_2624 : i32 to vector<16xi32>
      %add3A_2626 = arith.addi %iota3A, %add3A_2625 : vector<16xi32>
      %gather3A_2627 = tpu.vector_load_idx %arg10[%broadcast_in_dim3A_2615, %broadcast_in_dim3A_2617, %add3A_2626, %broadcast_in_dim3A_2613] : memref<2x4x32x128xf32, #tpu.memory_space<vmem>>[vector<16xi32>, vector<16xi32>, vector<16xi32>, vector<16xi32>], vector<16xf32>,
      %mul3A_2628 = arith.mulf %gather3A_2618, %gather3A_2623 : vector<16xf32>
      %mul3A_2629 = arith.mulf %gather3A_2622, %gather3A_2627 : vector<16xf32>
      %add3A_2630 = arith.addf %mul3A_2628, %mul3A_2629 : vector<16xf32>
      %reduce_sum3A_2631 = arith.constant true
      %reduce_sum3A_2632 = vector.broadcast %reduce_sum3A_2631 : i1 to vector<16xi1>
      %reduce_sum3A_2633 = tpu.scan <sum>, %add3A_2630 masked %reduce_sum3A_2632 : vector<16xf32>, vector<16xi1> -> vector<16xf32>
      %reduce_sum3A_2634 = vector.extract %reduce_sum3A_2633[15] : f32 from vector<16xf32>
      %eq3A_2635 = arith.constant 11 : i32
      %eq3A_2636 = vector.broadcast %eq3A_2635 : i32 to vector<16xi32>
      %eq3A_2637 = arith.cmpi eq, %iota3A, %eq3A_2636 : vector<16xi32>
      %broadcast_in_dim3A_2638 = vector.broadcast %reduce_sum3A_2634 : f32 to vector<16xf32>
      %select_n3A_2639 = arith.select %eq3A_2637, %broadcast_in_dim3A_2638, %select_n3A_2575 : vector<16xi1>, vector<16xf32>
      %slice3A_2640 = vector.extract_strided_slice %get3A_478 {offsets = [0], sizes = [1], strides = [1]} : vector<16xi32> to vector<1xi32>
      %squeeze3A_2641 = vector.extract %slice3A_2640[0] : i32 from vector<1xi32>
      %jit3A_2642 = arith.constant 128 : i32
      %div3A_2643 = arith.divsi %squeeze3A_2641, %jit3A_2642 : i32
      %sign3A_2644 = arith.constant 0 : i32
      %sign3A_2645 = arith.cmpi sgt, %squeeze3A_2641, %sign3A_2644 : i32
      %sign3A_2646 = arith.extui %sign3A_2645 : i1 to i32
      %sign3A_2647 = arith.constant 0 : i32
      %sign3A_2648 = arith.cmpi slt, %squeeze3A_2641, %sign3A_2647 : i32
      %sign3A_2649 = arith.extui %sign3A_2648 : i1 to i32
      %sign3A_2650 = arith.subi %sign3A_2646, %sign3A_2649 : i32
      %sign3A_2651 = arith.constant 0 : i32
      %sign3A_2652 = arith.cmpi sgt, %jit3A_2642, %sign3A_2651 : i32
      %sign3A_2653 = arith.extui %sign3A_2652 : i1 to i32
      %sign3A_2654 = arith.constant 0 : i32
      %sign3A_2655 = arith.cmpi slt, %jit3A_2642, %sign3A_2654 : i32
      %sign3A_2656 = arith.extui %sign3A_2655 : i1 to i32
      %sign3A_2657 = arith.subi %sign3A_2653, %sign3A_2656 : i32
      %ne3A_2658 = arith.cmpi ne, %sign3A_2650, %sign3A_2657 : i32
      %rem3A_2659 = arith.remsi %squeeze3A_2641, %jit3A_2642 : i32
      %ne3A_2660 = arith.constant 0 : i32
      %ne3A_2661 = arith.cmpi ne, %rem3A_2659, %ne3A_2660 : i32
      %and3A_2662 = arith.andi %ne3A_2658, %ne3A_2661 : i1
      %sub3A_2663 = arith.constant 1 : i32
      %sub3A_2664 = arith.subi %div3A_2643, %sub3A_2663 : i32
      %select_n3A_2665 = arith.select %and3A_2662, %sub3A_2664, %div3A_2643 : i32
      %mul3A_2666 = arith.constant 128 : i32
      %mul3A_2667 = arith.muli %select_n3A_2665, %mul3A_2666 : i32
      %slice3A_2668 = vector.extract_strided_slice %get3A_482 {offsets = [0], sizes = [1], strides = [1]} : vector<16xi32> to vector<1xi32>
      %squeeze3A_2669 = vector.extract %slice3A_2668[0] : i32 from vector<1xi32>
      %jit3A_2670 = arith.constant 128 : i32
      %div3A_2671 = arith.divsi %squeeze3A_2669, %jit3A_2670 : i32
      %sign3A_2672 = arith.constant 0 : i32
      %sign3A_2673 = arith.cmpi sgt, %squeeze3A_2669, %sign3A_2672 : i32
      %sign3A_2674 = arith.extui %sign3A_2673 : i1 to i32
      %sign3A_2675 = arith.constant 0 : i32
      %sign3A_2676 = arith.cmpi slt, %squeeze3A_2669, %sign3A_2675 : i32
      %sign3A_2677 = arith.extui %sign3A_2676 : i1 to i32
      %sign3A_2678 = arith.subi %sign3A_2674, %sign3A_2677 : i32
      %sign3A_2679 = arith.constant 0 : i32
      %sign3A_2680 = arith.cmpi sgt, %jit3A_2670, %sign3A_2679 : i32
      %sign3A_2681 = arith.extui %sign3A_2680 : i1 to i32
      %sign3A_2682 = arith.constant 0 : i32
      %sign3A_2683 = arith.cmpi slt, %jit3A_2670, %sign3A_2682 : i32
      %sign3A_2684 = arith.extui %sign3A_2683 : i1 to i32
      %sign3A_2685 = arith.subi %sign3A_2681, %sign3A_2684 : i32
      %ne3A_2686 = arith.cmpi ne, %sign3A_2678, %sign3A_2685 : i32
      %rem3A_2687 = arith.remsi %squeeze3A_2669, %jit3A_2670 : i32
      %ne3A_2688 = arith.constant 0 : i32
      %ne3A_2689 = arith.cmpi ne, %rem3A_2687, %ne3A_2688 : i32
      %and3A_2690 = arith.andi %ne3A_2686, %ne3A_2689 : i1
      %sub3A_2691 = arith.constant 1 : i32
      %sub3A_2692 = arith.subi %div3A_2671, %sub3A_2691 : i32
      %select_n3A_2693 = arith.select %and3A_2690, %sub3A_2692, %div3A_2671 : i32
      %mul3A_2694 = arith.constant 128 : i32
      %mul3A_2695 = arith.muli %select_n3A_2693, %mul3A_2694 : i32
      %dma_start3A_2696 = arith.constant 0 : i32
      %dma_start3A_2697 = arith.constant 0 : i32
      %dma_start3A_2698 = arith.constant 0 : i32
      %dma_start3A_2699 = arith.constant 0 : i32
      %dma_start3A_2700 = tpu.memref_slice %arg9[%dma_start3A_2696, %dma_start3A_2697, %dma_start3A_2698, %dma_start3A_2699] : memref<2x4x32x128xf32, #tpu.memory_space<vmem>> -> memref<1x1x32x128xf32, #tpu.memory_space<vmem>>
      %dma_start3A_2701 = tpu.memref_squeeze %dma_start3A_2700 : memref<1x1x32x128xf32, #tpu.memory_space<vmem>> -> memref<32x128xf32, #tpu.memory_space<vmem>>
      %dma_start3A_2702 = arith.constant 0 : i32
      %dma_start3A_2703 = tpu.memref_slice %arg2[%dma_start3A_2702, %mul3A_2667] : memref<32x1000000xf32, #tpu.memory_space<hbm>> -> memref<32x128xf32, #tpu.memory_space<hbm>>
      %dma_start3A_2704 = arith.constant 0 : i32
      %dma_start3A_2705 = arith.constant 0 : i32
      %dma_start3A_2706 = tpu.memref_slice %arg9[%dma_start3A_2696, %dma_start3A_2697, %dma_start3A_2704, %dma_start3A_2705] : memref<2x4x32x128xf32, #tpu.memory_space<vmem>> -> memref<1x1x32x128xf32, #tpu.memory_space<vmem>>
      %dma_start3A_2707 = tpu.memref_squeeze %dma_start3A_2706 : memref<1x1x32x128xf32, #tpu.memory_space<vmem>> -> memref<32x128xf32, #tpu.memory_space<vmem>>
      %dma_start3A_2708 = arith.constant 0 : i32
      %dma_start3A_2709 = tpu.memref_slice %arg2[%dma_start3A_2708, %mul3A_2667] : memref<32x1000000xf32, #tpu.memory_space<hbm>> -> memref<32x128xf32, #tpu.memory_space<hbm>>
      tpu.enqueue_dma source(%dma_start3A_2709 : memref<32x128xf32, #tpu.memory_space<hbm>>) target(%dma_start3A_2707 : memref<32x128xf32, #tpu.memory_space<vmem>>) target_semaphore(%arg12 : memref<!tpu.dma_semaphore, #tpu.memory_space<semaphore_mem>>)
      %dma_start3A_2710 = arith.constant 0 : i32
      %dma_start3A_2711 = arith.constant 0 : i32
      %dma_start3A_2712 = arith.constant 0 : i32
      %dma_start3A_2713 = arith.constant 0 : i32
      %dma_start3A_2714 = tpu.memref_slice %arg10[%dma_start3A_2710, %dma_start3A_2711, %dma_start3A_2712, %dma_start3A_2713] : memref<2x4x32x128xf32, #tpu.memory_space<vmem>> -> memref<1x1x32x128xf32, #tpu.memory_space<vmem>>
      %dma_start3A_2715 = tpu.memref_squeeze %dma_start3A_2714 : memref<1x1x32x128xf32, #tpu.memory_space<vmem>> -> memref<32x128xf32, #tpu.memory_space<vmem>>
      %dma_start3A_2716 = arith.constant 0 : i32
      %dma_start3A_2717 = tpu.memref_slice %arg3[%dma_start3A_2716, %mul3A_2695] : memref<32x1000000xf32, #tpu.memory_space<hbm>> -> memref<32x128xf32, #tpu.memory_space<hbm>>
      %dma_start3A_2718 = arith.constant 0 : i32
      %dma_start3A_2719 = arith.constant 0 : i32
      %dma_start3A_2720 = tpu.memref_slice %arg10[%dma_start3A_2710, %dma_start3A_2711, %dma_start3A_2718, %dma_start3A_2719] : memref<2x4x32x128xf32, #tpu.memory_space<vmem>> -> memref<1x1x32x128xf32, #tpu.memory_space<vmem>>
      %dma_start3A_2721 = tpu.memref_squeeze %dma_start3A_2720 : memref<1x1x32x128xf32, #tpu.memory_space<vmem>> -> memref<32x128xf32, #tpu.memory_space<vmem>>
      %dma_start3A_2722 = arith.constant 0 : i32
      %dma_start3A_2723 = tpu.memref_slice %arg3[%dma_start3A_2722, %mul3A_2695] : memref<32x1000000xf32, #tpu.memory_space<hbm>> -> memref<32x128xf32, #tpu.memory_space<hbm>>
      tpu.enqueue_dma source(%dma_start3A_2723 : memref<32x128xf32, #tpu.memory_space<hbm>>) target(%dma_start3A_2721 : memref<32x128xf32, #tpu.memory_space<vmem>>) target_semaphore(%arg12 : memref<!tpu.dma_semaphore, #tpu.memory_space<semaphore_mem>>)
      %slice3A_2724 = vector.extract_strided_slice %get3A_478 {offsets = [1], sizes = [1], strides = [1]} : vector<16xi32> to vector<1xi32>
      %squeeze3A_2725 = vector.extract %slice3A_2724[0] : i32 from vector<1xi32>
      %jit3A_2726 = arith.constant 128 : i32
      %div3A_2727 = arith.divsi %squeeze3A_2725, %jit3A_2726 : i32
      %sign3A_2728 = arith.constant 0 : i32
      %sign3A_2729 = arith.cmpi sgt, %squeeze3A_2725, %sign3A_2728 : i32
      %sign3A_2730 = arith.extui %sign3A_2729 : i1 to i32
      %sign3A_2731 = arith.constant 0 : i32
      %sign3A_2732 = arith.cmpi slt, %squeeze3A_2725, %sign3A_2731 : i32
      %sign3A_2733 = arith.extui %sign3A_2732 : i1 to i32
      %sign3A_2734 = arith.subi %sign3A_2730, %sign3A_2733 : i32
      %sign3A_2735 = arith.constant 0 : i32
      %sign3A_2736 = arith.cmpi sgt, %jit3A_2726, %sign3A_2735 : i32
      %sign3A_2737 = arith.extui %sign3A_2736 : i1 to i32
      %sign3A_2738 = arith.constant 0 : i32
      %sign3A_2739 = arith.cmpi slt, %jit3A_2726, %sign3A_2738 : i32
      %sign3A_2740 = arith.extui %sign3A_2739 : i1 to i32
      %sign3A_2741 = arith.subi %sign3A_2737, %sign3A_2740 : i32
      %ne3A_2742 = arith.cmpi ne, %sign3A_2734, %sign3A_2741 : i32
      %rem3A_2743 = arith.remsi %squeeze3A_2725, %jit3A_2726 : i32
      %ne3A_2744 = arith.constant 0 : i32
      %ne3A_2745 = arith.cmpi ne, %rem3A_2743, %ne3A_2744 : i32
      %and3A_2746 = arith.andi %ne3A_2742, %ne3A_2745 : i1
      %sub3A_2747 = arith.constant 1 : i32
      %sub3A_2748 = arith.subi %div3A_2727, %sub3A_2747 : i32
      %select_n3A_2749 = arith.select %and3A_2746, %sub3A_2748, %div3A_2727 : i32
      %mul3A_2750 = arith.constant 128 : i32
      %mul3A_2751 = arith.muli %select_n3A_2749, %mul3A_2750 : i32
      %slice3A_2752 = vector.extract_strided_slice %get3A_482 {offsets = [1], sizes = [1], strides = [1]} : vector<16xi32> to vector<1xi32>
      %squeeze3A_2753 = vector.extract %slice3A_2752[0] : i32 from vector<1xi32>
      %jit3A_2754 = arith.constant 128 : i32
      %div3A_2755 = arith.divsi %squeeze3A_2753, %jit3A_2754 : i32
      %sign3A_2756 = arith.constant 0 : i32
      %sign3A_2757 = arith.cmpi sgt, %squeeze3A_2753, %sign3A_2756 : i32
      %sign3A_2758 = arith.extui %sign3A_2757 : i1 to i32
      %sign3A_2759 = arith.constant 0 : i32
      %sign3A_2760 = arith.cmpi slt, %squeeze3A_2753, %sign3A_2759 : i32
      %sign3A_2761 = arith.extui %sign3A_2760 : i1 to i32
      %sign3A_2762 = arith.subi %sign3A_2758, %sign3A_2761 : i32
      %sign3A_2763 = arith.constant 0 : i32
      %sign3A_2764 = arith.cmpi sgt, %jit3A_2754, %sign3A_2763 : i32
      %sign3A_2765 = arith.extui %sign3A_2764 : i1 to i32
      %sign3A_2766 = arith.constant 0 : i32
      %sign3A_2767 = arith.cmpi slt, %jit3A_2754, %sign3A_2766 : i32
      %sign3A_2768 = arith.extui %sign3A_2767 : i1 to i32
      %sign3A_2769 = arith.subi %sign3A_2765, %sign3A_2768 : i32
      %ne3A_2770 = arith.cmpi ne, %sign3A_2762, %sign3A_2769 : i32
      %rem3A_2771 = arith.remsi %squeeze3A_2753, %jit3A_2754 : i32
      %ne3A_2772 = arith.constant 0 : i32
      %ne3A_2773 = arith.cmpi ne, %rem3A_2771, %ne3A_2772 : i32
      %and3A_2774 = arith.andi %ne3A_2770, %ne3A_2773 : i1
      %sub3A_2775 = arith.constant 1 : i32
      %sub3A_2776 = arith.subi %div3A_2755, %sub3A_2775 : i32
      %select_n3A_2777 = arith.select %and3A_2774, %sub3A_2776, %div3A_2755 : i32
      %mul3A_2778 = arith.constant 128 : i32
      %mul3A_2779 = arith.muli %select_n3A_2777, %mul3A_2778 : i32
      %dma_start3A_2780 = arith.constant 0 : i32
      %dma_start3A_2781 = arith.constant 1 : i32
      %dma_start3A_2782 = arith.constant 0 : i32
      %dma_start3A_2783 = arith.constant 0 : i32
      %dma_start3A_2784 = tpu.memref_slice %arg9[%dma_start3A_2780, %dma_start3A_2781, %dma_start3A_2782, %dma_start3A_2783] : memref<2x4x32x128xf32, #tpu.memory_space<vmem>> -> memref<1x1x32x128xf32, #tpu.memory_space<vmem>>
      %dma_start3A_2785 = tpu.memref_squeeze %dma_start3A_2784 : memref<1x1x32x128xf32, #tpu.memory_space<vmem>> -> memref<32x128xf32, #tpu.memory_space<vmem>>
      %dma_start3A_2786 = arith.constant 0 : i32
      %dma_start3A_2787 = tpu.memref_slice %arg2[%dma_start3A_2786, %mul3A_2751] : memref<32x1000000xf32, #tpu.memory_space<hbm>> -> memref<32x128xf32, #tpu.memory_space<hbm>>
      %dma_start3A_2788 = arith.constant 0 : i32
      %dma_start3A_2789 = arith.constant 0 : i32
      %dma_start3A_2790 = tpu.memref_slice %arg9[%dma_start3A_2780, %dma_start3A_2781, %dma_start3A_2788, %dma_start3A_2789] : memref<2x4x32x128xf32, #tpu.memory_space<vmem>> -> memref<1x1x32x128xf32, #tpu.memory_space<vmem>>
      %dma_start3A_2791 = tpu.memref_squeeze %dma_start3A_2790 : memref<1x1x32x128xf32, #tpu.memory_space<vmem>> -> memref<32x128xf32, #tpu.memory_space<vmem>>
      %dma_start3A_2792 = arith.constant 0 : i32
      %dma_start3A_2793 = tpu.memref_slice %arg2[%dma_start3A_2792, %mul3A_2751] : memref<32x1000000xf32, #tpu.memory_space<hbm>> -> memref<32x128xf32, #tpu.memory_space<hbm>>
      tpu.enqueue_dma source(%dma_start3A_2793 : memref<32x128xf32, #tpu.memory_space<hbm>>) target(%dma_start3A_2791 : memref<32x128xf32, #tpu.memory_space<vmem>>) target_semaphore(%arg12 : memref<!tpu.dma_semaphore, #tpu.memory_space<semaphore_mem>>)
      %dma_start3A_2794 = arith.constant 0 : i32
      %dma_start3A_2795 = arith.constant 1 : i32
      %dma_start3A_2796 = arith.constant 0 : i32
      %dma_start3A_2797 = arith.constant 0 : i32
      %dma_start3A_2798 = tpu.memref_slice %arg10[%dma_start3A_2794, %dma_start3A_2795, %dma_start3A_2796, %dma_start3A_2797] : memref<2x4x32x128xf32, #tpu.memory_space<vmem>> -> memref<1x1x32x128xf32, #tpu.memory_space<vmem>>
      %dma_start3A_2799 = tpu.memref_squeeze %dma_start3A_2798 : memref<1x1x32x128xf32, #tpu.memory_space<vmem>> -> memref<32x128xf32, #tpu.memory_space<vmem>>
      %dma_start3A_2800 = arith.constant 0 : i32
      %dma_start3A_2801 = tpu.memref_slice %arg3[%dma_start3A_2800, %mul3A_2779] : memref<32x1000000xf32, #tpu.memory_space<hbm>> -> memref<32x128xf32, #tpu.memory_space<hbm>>
      %dma_start3A_2802 = arith.constant 0 : i32
      %dma_start3A_2803 = arith.constant 0 : i32
      %dma_start3A_2804 = tpu.memref_slice %arg10[%dma_start3A_2794, %dma_start3A_2795, %dma_start3A_2802, %dma_start3A_2803] : memref<2x4x32x128xf32, #tpu.memory_space<vmem>> -> memref<1x1x32x128xf32, #tpu.memory_space<vmem>>
      %dma_start3A_2805 = tpu.memref_squeeze %dma_start3A_2804 : memref<1x1x32x128xf32, #tpu.memory_space<vmem>> -> memref<32x128xf32, #tpu.memory_space<vmem>>
      %dma_start3A_2806 = arith.constant 0 : i32
      %dma_start3A_2807 = tpu.memref_slice %arg3[%dma_start3A_2806, %mul3A_2779] : memref<32x1000000xf32, #tpu.memory_space<hbm>> -> memref<32x128xf32, #tpu.memory_space<hbm>>
      tpu.enqueue_dma source(%dma_start3A_2807 : memref<32x128xf32, #tpu.memory_space<hbm>>) target(%dma_start3A_2805 : memref<32x128xf32, #tpu.memory_space<vmem>>) target_semaphore(%arg12 : memref<!tpu.dma_semaphore, #tpu.memory_space<semaphore_mem>>)
      %slice3A_2808 = vector.extract_strided_slice %get3A_478 {offsets = [2], sizes = [1], strides = [1]} : vector<16xi32> to vector<1xi32>
      %squeeze3A_2809 = vector.extract %slice3A_2808[0] : i32 from vector<1xi32>
      %jit3A_2810 = arith.constant 128 : i32
      %div3A_2811 = arith.divsi %squeeze3A_2809, %jit3A_2810 : i32
      %sign3A_2812 = arith.constant 0 : i32
      %sign3A_2813 = arith.cmpi sgt, %squeeze3A_2809, %sign3A_2812 : i32
      %sign3A_2814 = arith.extui %sign3A_2813 : i1 to i32
      %sign3A_2815 = arith.constant 0 : i32
      %sign3A_2816 = arith.cmpi slt, %squeeze3A_2809, %sign3A_2815 : i32
      %sign3A_2817 = arith.extui %sign3A_2816 : i1 to i32
      %sign3A_2818 = arith.subi %sign3A_2814, %sign3A_2817 : i32
      %sign3A_2819 = arith.constant 0 : i32
      %sign3A_2820 = arith.cmpi sgt, %jit3A_2810, %sign3A_2819 : i32
      %sign3A_2821 = arith.extui %sign3A_2820 : i1 to i32
      %sign3A_2822 = arith.constant 0 : i32
      %sign3A_2823 = arith.cmpi slt, %jit3A_2810, %sign3A_2822 : i32
      %sign3A_2824 = arith.extui %sign3A_2823 : i1 to i32
      %sign3A_2825 = arith.subi %sign3A_2821, %sign3A_2824 : i32
      %ne3A_2826 = arith.cmpi ne, %sign3A_2818, %sign3A_2825 : i32
      %rem3A_2827 = arith.remsi %squeeze3A_2809, %jit3A_2810 : i32
      %ne3A_2828 = arith.constant 0 : i32
      %ne3A_2829 = arith.cmpi ne, %rem3A_2827, %ne3A_2828 : i32
      %and3A_2830 = arith.andi %ne3A_2826, %ne3A_2829 : i1
      %sub3A_2831 = arith.constant 1 : i32
      %sub3A_2832 = arith.subi %div3A_2811, %sub3A_2831 : i32
      %select_n3A_2833 = arith.select %and3A_2830, %sub3A_2832, %div3A_2811 : i32
      %mul3A_2834 = arith.constant 128 : i32
      %mul3A_2835 = arith.muli %select_n3A_2833, %mul3A_2834 : i32
      %slice3A_2836 = vector.extract_strided_slice %get3A_482 {offsets = [2], sizes = [1], strides = [1]} : vector<16xi32> to vector<1xi32>
      %squeeze3A_2837 = vector.extract %slice3A_2836[0] : i32 from vector<1xi32>
      %jit3A_2838 = arith.constant 128 : i32
      %div3A_2839 = arith.divsi %squeeze3A_2837, %jit3A_2838 : i32
      %sign3A_2840 = arith.constant 0 : i32
      %sign3A_2841 = arith.cmpi sgt, %squeeze3A_2837, %sign3A_2840 : i32
      %sign3A_2842 = arith.extui %sign3A_2841 : i1 to i32
      %sign3A_2843 = arith.constant 0 : i32
      %sign3A_2844 = arith.cmpi slt, %squeeze3A_2837, %sign3A_2843 : i32
      %sign3A_2845 = arith.extui %sign3A_2844 : i1 to i32
      %sign3A_2846 = arith.subi %sign3A_2842, %sign3A_2845 : i32
      %sign3A_2847 = arith.constant 0 : i32
      %sign3A_2848 = arith.cmpi sgt, %jit3A_2838, %sign3A_2847 : i32
      %sign3A_2849 = arith.extui %sign3A_2848 : i1 to i32
      %sign3A_2850 = arith.constant 0 : i32
      %sign3A_2851 = arith.cmpi slt, %jit3A_2838, %sign3A_2850 : i32
      %sign3A_2852 = arith.extui %sign3A_2851 : i1 to i32
      %sign3A_2853 = arith.subi %sign3A_2849, %sign3A_2852 : i32
      %ne3A_2854 = arith.cmpi ne, %sign3A_2846, %sign3A_2853 : i32
      %rem3A_2855 = arith.remsi %squeeze3A_2837, %jit3A_2838 : i32
      %ne3A_2856 = arith.constant 0 : i32
      %ne3A_2857 = arith.cmpi ne, %rem3A_2855, %ne3A_2856 : i32
      %and3A_2858 = arith.andi %ne3A_2854, %ne3A_2857 : i1
      %sub3A_2859 = arith.constant 1 : i32
      %sub3A_2860 = arith.subi %div3A_2839, %sub3A_2859 : i32
      %select_n3A_2861 = arith.select %and3A_2858, %sub3A_2860, %div3A_2839 : i32
      %mul3A_2862 = arith.constant 128 : i32
      %mul3A_2863 = arith.muli %select_n3A_2861, %mul3A_2862 : i32
      %dma_start3A_2864 = arith.constant 0 : i32
      %dma_start3A_2865 = arith.constant 2 : i32
      %dma_start3A_2866 = arith.constant 0 : i32
      %dma_start3A_2867 = arith.constant 0 : i32
      %dma_start3A_2868 = tpu.memref_slice %arg9[%dma_start3A_2864, %dma_start3A_2865, %dma_start3A_2866, %dma_start3A_2867] : memref<2x4x32x128xf32, #tpu.memory_space<vmem>> -> memref<1x1x32x128xf32, #tpu.memory_space<vmem>>
      %dma_start3A_2869 = tpu.memref_squeeze %dma_start3A_2868 : memref<1x1x32x128xf32, #tpu.memory_space<vmem>> -> memref<32x128xf32, #tpu.memory_space<vmem>>
      %dma_start3A_2870 = arith.constant 0 : i32
      %dma_start3A_2871 = tpu.memref_slice %arg2[%dma_start3A_2870, %mul3A_2835] : memref<32x1000000xf32, #tpu.memory_space<hbm>> -> memref<32x128xf32, #tpu.memory_space<hbm>>
      %dma_start3A_2872 = arith.constant 0 : i32
      %dma_start3A_2873 = arith.constant 0 : i32
      %dma_start3A_2874 = tpu.memref_slice %arg9[%dma_start3A_2864, %dma_start3A_2865, %dma_start3A_2872, %dma_start3A_2873] : memref<2x4x32x128xf32, #tpu.memory_space<vmem>> -> memref<1x1x32x128xf32, #tpu.memory_space<vmem>>
      %dma_start3A_2875 = tpu.memref_squeeze %dma_start3A_2874 : memref<1x1x32x128xf32, #tpu.memory_space<vmem>> -> memref<32x128xf32, #tpu.memory_space<vmem>>
      %dma_start3A_2876 = arith.constant 0 : i32
      %dma_start3A_2877 = tpu.memref_slice %arg2[%dma_start3A_2876, %mul3A_2835] : memref<32x1000000xf32, #tpu.memory_space<hbm>> -> memref<32x128xf32, #tpu.memory_space<hbm>>
      tpu.enqueue_dma source(%dma_start3A_2877 : memref<32x128xf32, #tpu.memory_space<hbm>>) target(%dma_start3A_2875 : memref<32x128xf32, #tpu.memory_space<vmem>>) target_semaphore(%arg12 : memref<!tpu.dma_semaphore, #tpu.memory_space<semaphore_mem>>)
      %dma_start3A_2878 = arith.constant 0 : i32
      %dma_start3A_2879 = arith.constant 2 : i32
      %dma_start3A_2880 = arith.constant 0 : i32
      %dma_start3A_2881 = arith.constant 0 : i32
      %dma_start3A_2882 = tpu.memref_slice %arg10[%dma_start3A_2878, %dma_start3A_2879, %dma_start3A_2880, %dma_start3A_2881] : memref<2x4x32x128xf32, #tpu.memory_space<vmem>> -> memref<1x1x32x128xf32, #tpu.memory_space<vmem>>
      %dma_start3A_2883 = tpu.memref_squeeze %dma_start3A_2882 : memref<1x1x32x128xf32, #tpu.memory_space<vmem>> -> memref<32x128xf32, #tpu.memory_space<vmem>>
      %dma_start3A_2884 = arith.constant 0 : i32
      %dma_start3A_2885 = tpu.memref_slice %arg3[%dma_start3A_2884, %mul3A_2863] : memref<32x1000000xf32, #tpu.memory_space<hbm>> -> memref<32x128xf32, #tpu.memory_space<hbm>>
      %dma_start3A_2886 = arith.constant 0 : i32
      %dma_start3A_2887 = arith.constant 0 : i32
      %dma_start3A_2888 = tpu.memref_slice %arg10[%dma_start3A_2878, %dma_start3A_2879, %dma_start3A_2886, %dma_start3A_2887] : memref<2x4x32x128xf32, #tpu.memory_space<vmem>> -> memref<1x1x32x128xf32, #tpu.memory_space<vmem>>
      %dma_start3A_2889 = tpu.memref_squeeze %dma_start3A_2888 : memref<1x1x32x128xf32, #tpu.memory_space<vmem>> -> memref<32x128xf32, #tpu.memory_space<vmem>>
      %dma_start3A_2890 = arith.constant 0 : i32
      %dma_start3A_2891 = tpu.memref_slice %arg3[%dma_start3A_2890, %mul3A_2863] : memref<32x1000000xf32, #tpu.memory_space<hbm>> -> memref<32x128xf32, #tpu.memory_space<hbm>>
      tpu.enqueue_dma source(%dma_start3A_2891 : memref<32x128xf32, #tpu.memory_space<hbm>>) target(%dma_start3A_2889 : memref<32x128xf32, #tpu.memory_space<vmem>>) target_semaphore(%arg12 : memref<!tpu.dma_semaphore, #tpu.memory_space<semaphore_mem>>)
      %slice3A_2892 = vector.extract_strided_slice %get3A_478 {offsets = [3], sizes = [1], strides = [1]} : vector<16xi32> to vector<1xi32>
      %squeeze3A_2893 = vector.extract %slice3A_2892[0] : i32 from vector<1xi32>
      %jit3A_2894 = arith.constant 128 : i32
      %div3A_2895 = arith.divsi %squeeze3A_2893, %jit3A_2894 : i32
      %sign3A_2896 = arith.constant 0 : i32
      %sign3A_2897 = arith.cmpi sgt, %squeeze3A_2893, %sign3A_2896 : i32
      %sign3A_2898 = arith.extui %sign3A_2897 : i1 to i32
      %sign3A_2899 = arith.constant 0 : i32
      %sign3A_2900 = arith.cmpi slt, %squeeze3A_2893, %sign3A_2899 : i32
      %sign3A_2901 = arith.extui %sign3A_2900 : i1 to i32
      %sign3A_2902 = arith.subi %sign3A_2898, %sign3A_2901 : i32
      %sign3A_2903 = arith.constant 0 : i32
      %sign3A_2904 = arith.cmpi sgt, %jit3A_2894, %sign3A_2903 : i32
      %sign3A_2905 = arith.extui %sign3A_2904 : i1 to i32
      %sign3A_2906 = arith.constant 0 : i32
      %sign3A_2907 = arith.cmpi slt, %jit3A_2894, %sign3A_2906 : i32
      %sign3A_2908 = arith.extui %sign3A_2907 : i1 to i32
      %sign3A_2909 = arith.subi %sign3A_2905, %sign3A_2908 : i32
      %ne3A_2910 = arith.cmpi ne, %sign3A_2902, %sign3A_2909 : i32
      %rem3A_2911 = arith.remsi %squeeze3A_2893, %jit3A_2894 : i32
      %ne3A_2912 = arith.constant 0 : i32
      %ne3A_2913 = arith.cmpi ne, %rem3A_2911, %ne3A_2912 : i32
      %and3A_2914 = arith.andi %ne3A_2910, %ne3A_2913 : i1
      %sub3A_2915 = arith.constant 1 : i32
      %sub3A_2916 = arith.subi %div3A_2895, %sub3A_2915 : i32
      %select_n3A_2917 = arith.select %and3A_2914, %sub3A_2916, %div3A_2895 : i32
      %mul3A_2918 = arith.constant 128 : i32
      %mul3A_2919 = arith.muli %select_n3A_2917, %mul3A_2918 : i32
      %slice3A_2920 = vector.extract_strided_slice %get3A_482 {offsets = [3], sizes = [1], strides = [1]} : vector<16xi32> to vector<1xi32>
      %squeeze3A_2921 = vector.extract %slice3A_2920[0] : i32 from vector<1xi32>
      %jit3A_2922 = arith.constant 128 : i32
      %div3A_2923 = arith.divsi %squeeze3A_2921, %jit3A_2922 : i32
      %sign3A_2924 = arith.constant 0 : i32
      %sign3A_2925 = arith.cmpi sgt, %squeeze3A_2921, %sign3A_2924 : i32
      %sign3A_2926 = arith.extui %sign3A_2925 : i1 to i32
      %sign3A_2927 = arith.constant 0 : i32
      %sign3A_2928 = arith.cmpi slt, %squeeze3A_2921, %sign3A_2927 : i32
      %sign3A_2929 = arith.extui %sign3A_2928 : i1 to i32
      %sign3A_2930 = arith.subi %sign3A_2926, %sign3A_2929 : i32
      %sign3A_2931 = arith.constant 0 : i32
      %sign3A_2932 = arith.cmpi sgt, %jit3A_2922, %sign3A_2931 : i32
      %sign3A_2933 = arith.extui %sign3A_2932 : i1 to i32
      %sign3A_2934 = arith.constant 0 : i32
      %sign3A_2935 = arith.cmpi slt, %jit3A_2922, %sign3A_2934 : i32
      %sign3A_2936 = arith.extui %sign3A_2935 : i1 to i32
      %sign3A_2937 = arith.subi %sign3A_2933, %sign3A_2936 : i32
      %ne3A_2938 = arith.cmpi ne, %sign3A_2930, %sign3A_2937 : i32
      %rem3A_2939 = arith.remsi %squeeze3A_2921, %jit3A_2922 : i32
      %ne3A_2940 = arith.constant 0 : i32
      %ne3A_2941 = arith.cmpi ne, %rem3A_2939, %ne3A_2940 : i32
      %and3A_2942 = arith.andi %ne3A_2938, %ne3A_2941 : i1
      %sub3A_2943 = arith.constant 1 : i32
      %sub3A_2944 = arith.subi %div3A_2923, %sub3A_2943 : i32
      %select_n3A_2945 = arith.select %and3A_2942, %sub3A_2944, %div3A_2923 : i32
      %mul3A_2946 = arith.constant 128 : i32
      %mul3A_2947 = arith.muli %select_n3A_2945, %mul3A_2946 : i32
      %dma_start3A_2948 = arith.constant 0 : i32
      %dma_start3A_2949 = arith.constant 3 : i32
      %dma_start3A_2950 = arith.constant 0 : i32
      %dma_start3A_2951 = arith.constant 0 : i32
      %dma_start3A_2952 = tpu.memref_slice %arg9[%dma_start3A_2948, %dma_start3A_2949, %dma_start3A_2950, %dma_start3A_2951] : memref<2x4x32x128xf32, #tpu.memory_space<vmem>> -> memref<1x1x32x128xf32, #tpu.memory_space<vmem>>
      %dma_start3A_2953 = tpu.memref_squeeze %dma_start3A_2952 : memref<1x1x32x128xf32, #tpu.memory_space<vmem>> -> memref<32x128xf32, #tpu.memory_space<vmem>>
      %dma_start3A_2954 = arith.constant 0 : i32
      %dma_start3A_2955 = tpu.memref_slice %arg2[%dma_start3A_2954, %mul3A_2919] : memref<32x1000000xf32, #tpu.memory_space<hbm>> -> memref<32x128xf32, #tpu.memory_space<hbm>>
      %dma_start3A_2956 = arith.constant 0 : i32
      %dma_start3A_2957 = arith.constant 0 : i32
      %dma_start3A_2958 = tpu.memref_slice %arg9[%dma_start3A_2948, %dma_start3A_2949, %dma_start3A_2956, %dma_start3A_2957] : memref<2x4x32x128xf32, #tpu.memory_space<vmem>> -> memref<1x1x32x128xf32, #tpu.memory_space<vmem>>
      %dma_start3A_2959 = tpu.memref_squeeze %dma_start3A_2958 : memref<1x1x32x128xf32, #tpu.memory_space<vmem>> -> memref<32x128xf32, #tpu.memory_space<vmem>>
      %dma_start3A_2960 = arith.constant 0 : i32
      %dma_start3A_2961 = tpu.memref_slice %arg2[%dma_start3A_2960, %mul3A_2919] : memref<32x1000000xf32, #tpu.memory_space<hbm>> -> memref<32x128xf32, #tpu.memory_space<hbm>>
      tpu.enqueue_dma source(%dma_start3A_2961 : memref<32x128xf32, #tpu.memory_space<hbm>>) target(%dma_start3A_2959 : memref<32x128xf32, #tpu.memory_space<vmem>>) target_semaphore(%arg12 : memref<!tpu.dma_semaphore, #tpu.memory_space<semaphore_mem>>)
      %dma_start3A_2962 = arith.constant 0 : i32
      %dma_start3A_2963 = arith.constant 3 : i32
      %dma_start3A_2964 = arith.constant 0 : i32
      %dma_start3A_2965 = arith.constant 0 : i32
      %dma_start3A_2966 = tpu.memref_slice %arg10[%dma_start3A_2962, %dma_start3A_2963, %dma_start3A_2964, %dma_start3A_2965] : memref<2x4x32x128xf32, #tpu.memory_space<vmem>> -> memref<1x1x32x128xf32, #tpu.memory_space<vmem>>
      %dma_start3A_2967 = tpu.memref_squeeze %dma_start3A_2966 : memref<1x1x32x128xf32, #tpu.memory_space<vmem>> -> memref<32x128xf32, #tpu.memory_space<vmem>>
      %dma_start3A_2968 = arith.constant 0 : i32
      %dma_start3A_2969 = tpu.memref_slice %arg3[%dma_start3A_2968, %mul3A_2947] : memref<32x1000000xf32, #tpu.memory_space<hbm>> -> memref<32x128xf32, #tpu.memory_space<hbm>>
      %dma_start3A_2970 = arith.constant 0 : i32
      %dma_start3A_2971 = arith.constant 0 : i32
      %dma_start3A_2972 = tpu.memref_slice %arg10[%dma_start3A_2962, %dma_start3A_2963, %dma_start3A_2970, %dma_start3A_2971] : memref<2x4x32x128xf32, #tpu.memory_space<vmem>> -> memref<1x1x32x128xf32, #tpu.memory_space<vmem>>
      %dma_start3A_2973 = tpu.memref_squeeze %dma_start3A_2972 : memref<1x1x32x128xf32, #tpu.memory_space<vmem>> -> memref<32x128xf32, #tpu.memory_space<vmem>>
      %dma_start3A_2974 = arith.constant 0 : i32
      %dma_start3A_2975 = tpu.memref_slice %arg3[%dma_start3A_2974, %mul3A_2947] : memref<32x1000000xf32, #tpu.memory_space<hbm>> -> memref<32x128xf32, #tpu.memory_space<hbm>>
      tpu.enqueue_dma source(%dma_start3A_2975 : memref<32x128xf32, #tpu.memory_space<hbm>>) target(%dma_start3A_2973 : memref<32x128xf32, #tpu.memory_space<vmem>>) target_semaphore(%arg12 : memref<!tpu.dma_semaphore, #tpu.memory_space<semaphore_mem>>)
      %dma_wait3A_2976 = arith.constant 1 : i32
      %dma_wait3A_2977 = arith.constant 0 : i32
      %dma_wait3A_2978 = arith.constant 0 : i32
      %dma_wait3A_2979 = arith.constant 0 : i32
      %dma_wait3A_2980 = tpu.memref_slice %arg9[%dma_wait3A_2976, %dma_wait3A_2977, %dma_wait3A_2978, %dma_wait3A_2979] : memref<2x4x32x128xf32, #tpu.memory_space<vmem>> -> memref<1x1x32x128xf32, #tpu.memory_space<vmem>>
      %dma_wait3A_2981 = tpu.memref_squeeze %dma_wait3A_2980 : memref<1x1x32x128xf32, #tpu.memory_space<vmem>> -> memref<32x128xf32, #tpu.memory_space<vmem>>
      %dma_wait3A_2982 = arith.constant 0 : i32
      %dma_wait3A_2983 = arith.constant 0 : i32
      %dma_wait3A_2984 = tpu.memref_slice %arg2[%dma_wait3A_2982, %dma_wait3A_2983] : memref<32x1000000xf32, #tpu.memory_space<hbm>> -> memref<32x128xf32, #tpu.memory_space<hbm>>
      %dma_wait3A_2985 = arith.constant 0 : i32
      %dma_wait3A_2986 = arith.constant 0 : i32
      %dma_wait3A_2987 = tpu.memref_slice %arg9[%dma_wait3A_2976, %dma_wait3A_2977, %dma_wait3A_2985, %dma_wait3A_2986] : memref<2x4x32x128xf32, #tpu.memory_space<vmem>> -> memref<1x1x32x128xf32, #tpu.memory_space<vmem>>
      %dma_wait3A_2988 = tpu.memref_squeeze %dma_wait3A_2987 : memref<1x1x32x128xf32, #tpu.memory_space<vmem>> -> memref<32x128xf32, #tpu.memory_space<vmem>>
      %dma_wait3A_2989 = arith.constant 0 : i32
      %dma_wait3A_2990 = arith.constant 0 : i32
      %dma_wait3A_2991 = tpu.memref_slice %arg2[%dma_wait3A_2989, %dma_wait3A_2990] : memref<32x1000000xf32, #tpu.memory_space<hbm>> -> memref<32x128xf32, #tpu.memory_space<hbm>>
      tpu.wait_dma2 semaphore(%arg13 : memref<!tpu.dma_semaphore, #tpu.memory_space<semaphore_mem>>) src(%dma_wait3A_2991 : memref<32x128xf32, #tpu.memory_space<hbm>>) dst(%dma_wait3A_2988 : memref<32x128xf32, #tpu.memory_space<vmem>>)
      %dma_wait3A_2992 = arith.constant 1 : i32
      %dma_wait3A_2993 = arith.constant 0 : i32
      %dma_wait3A_2994 = arith.constant 0 : i32
      %dma_wait3A_2995 = arith.constant 0 : i32
      %dma_wait3A_2996 = tpu.memref_slice %arg10[%dma_wait3A_2992, %dma_wait3A_2993, %dma_wait3A_2994, %dma_wait3A_2995] : memref<2x4x32x128xf32, #tpu.memory_space<vmem>> -> memref<1x1x32x128xf32, #tpu.memory_space<vmem>>
      %dma_wait3A_2997 = tpu.memref_squeeze %dma_wait3A_2996 : memref<1x1x32x128xf32, #tpu.memory_space<vmem>> -> memref<32x128xf32, #tpu.memory_space<vmem>>
      %dma_wait3A_2998 = arith.constant 0 : i32
      %dma_wait3A_2999 = arith.constant 0 : i32
      %dma_wait3A_3000 = tpu.memref_slice %arg3[%dma_wait3A_2998, %dma_wait3A_2999] : memref<32x1000000xf32, #tpu.memory_space<hbm>> -> memref<32x128xf32, #tpu.memory_space<hbm>>
      %dma_wait3A_3001 = arith.constant 0 : i32
      %dma_wait3A_3002 = arith.constant 0 : i32
      %dma_wait3A_3003 = tpu.memref_slice %arg10[%dma_wait3A_2992, %dma_wait3A_2993, %dma_wait3A_3001, %dma_wait3A_3002] : memref<2x4x32x128xf32, #tpu.memory_space<vmem>> -> memref<1x1x32x128xf32, #tpu.memory_space<vmem>>
      %dma_wait3A_3004 = tpu.memref_squeeze %dma_wait3A_3003 : memref<1x1x32x128xf32, #tpu.memory_space<vmem>> -> memref<32x128xf32, #tpu.memory_space<vmem>>
      %dma_wait3A_3005 = arith.constant 0 : i32
      %dma_wait3A_3006 = arith.constant 0 : i32
      %dma_wait3A_3007 = tpu.memref_slice %arg3[%dma_wait3A_3005, %dma_wait3A_3006] : memref<32x1000000xf32, #tpu.memory_space<hbm>> -> memref<32x128xf32, #tpu.memory_space<hbm>>
      tpu.wait_dma2 semaphore(%arg13 : memref<!tpu.dma_semaphore, #tpu.memory_space<semaphore_mem>>) src(%dma_wait3A_3007 : memref<32x128xf32, #tpu.memory_space<hbm>>) dst(%dma_wait3A_3004 : memref<32x128xf32, #tpu.memory_space<vmem>>)
      %dma_wait3A_3008 = arith.constant 1 : i32
      %dma_wait3A_3009 = arith.constant 1 : i32
      %dma_wait3A_3010 = arith.constant 0 : i32
      %dma_wait3A_3011 = arith.constant 0 : i32
      %dma_wait3A_3012 = tpu.memref_slice %arg9[%dma_wait3A_3008, %dma_wait3A_3009, %dma_wait3A_3010, %dma_wait3A_3011] : memref<2x4x32x128xf32, #tpu.memory_space<vmem>> -> memref<1x1x32x128xf32, #tpu.memory_space<vmem>>
      %dma_wait3A_3013 = tpu.memref_squeeze %dma_wait3A_3012 : memref<1x1x32x128xf32, #tpu.memory_space<vmem>> -> memref<32x128xf32, #tpu.memory_space<vmem>>
      %dma_wait3A_3014 = arith.constant 0 : i32
      %dma_wait3A_3015 = arith.constant 0 : i32
      %dma_wait3A_3016 = tpu.memref_slice %arg2[%dma_wait3A_3014, %dma_wait3A_3015] : memref<32x1000000xf32, #tpu.memory_space<hbm>> -> memref<32x128xf32, #tpu.memory_space<hbm>>
      %dma_wait3A_3017 = arith.constant 0 : i32
      %dma_wait3A_3018 = arith.constant 0 : i32
      %dma_wait3A_3019 = tpu.memref_slice %arg9[%dma_wait3A_3008, %dma_wait3A_3009, %dma_wait3A_3017, %dma_wait3A_3018] : memref<2x4x32x128xf32, #tpu.memory_space<vmem>> -> memref<1x1x32x128xf32, #tpu.memory_space<vmem>>
      %dma_wait3A_3020 = tpu.memref_squeeze %dma_wait3A_3019 : memref<1x1x32x128xf32, #tpu.memory_space<vmem>> -> memref<32x128xf32, #tpu.memory_space<vmem>>
      %dma_wait3A_3021 = arith.constant 0 : i32
      %dma_wait3A_3022 = arith.constant 0 : i32
      %dma_wait3A_3023 = tpu.memref_slice %arg2[%dma_wait3A_3021, %dma_wait3A_3022] : memref<32x1000000xf32, #tpu.memory_space<hbm>> -> memref<32x128xf32, #tpu.memory_space<hbm>>
      tpu.wait_dma2 semaphore(%arg13 : memref<!tpu.dma_semaphore, #tpu.memory_space<semaphore_mem>>) src(%dma_wait3A_3023 : memref<32x128xf32, #tpu.memory_space<hbm>>) dst(%dma_wait3A_3020 : memref<32x128xf32, #tpu.memory_space<vmem>>)
      %dma_wait3A_3024 = arith.constant 1 : i32
      %dma_wait3A_3025 = arith.constant 1 : i32
      %dma_wait3A_3026 = arith.constant 0 : i32
      %dma_wait3A_3027 = arith.constant 0 : i32
      %dma_wait3A_3028 = tpu.memref_slice %arg10[%dma_wait3A_3024, %dma_wait3A_3025, %dma_wait3A_3026, %dma_wait3A_3027] : memref<2x4x32x128xf32, #tpu.memory_space<vmem>> -> memref<1x1x32x128xf32, #tpu.memory_space<vmem>>
      %dma_wait3A_3029 = tpu.memref_squeeze %dma_wait3A_3028 : memref<1x1x32x128xf32, #tpu.memory_space<vmem>> -> memref<32x128xf32, #tpu.memory_space<vmem>>
      %dma_wait3A_3030 = arith.constant 0 : i32
      %dma_wait3A_3031 = arith.constant 0 : i32
      %dma_wait3A_3032 = tpu.memref_slice %arg3[%dma_wait3A_3030, %dma_wait3A_3031] : memref<32x1000000xf32, #tpu.memory_space<hbm>> -> memref<32x128xf32, #tpu.memory_space<hbm>>
      %dma_wait3A_3033 = arith.constant 0 : i32
      %dma_wait3A_3034 = arith.constant 0 : i32
      %dma_wait3A_3035 = tpu.memref_slice %arg10[%dma_wait3A_3024, %dma_wait3A_3025, %dma_wait3A_3033, %dma_wait3A_3034] : memref<2x4x32x128xf32, #tpu.memory_space<vmem>> -> memref<1x1x32x128xf32, #tpu.memory_space<vmem>>
      %dma_wait3A_3036 = tpu.memref_squeeze %dma_wait3A_3035 : memref<1x1x32x128xf32, #tpu.memory_space<vmem>> -> memref<32x128xf32, #tpu.memory_space<vmem>>
      %dma_wait3A_3037 = arith.constant 0 : i32
      %dma_wait3A_3038 = arith.constant 0 : i32
      %dma_wait3A_3039 = tpu.memref_slice %arg3[%dma_wait3A_3037, %dma_wait3A_3038] : memref<32x1000000xf32, #tpu.memory_space<hbm>> -> memref<32x128xf32, #tpu.memory_space<hbm>>
      tpu.wait_dma2 semaphore(%arg13 : memref<!tpu.dma_semaphore, #tpu.memory_space<semaphore_mem>>) src(%dma_wait3A_3039 : memref<32x128xf32, #tpu.memory_space<hbm>>) dst(%dma_wait3A_3036 : memref<32x128xf32, #tpu.memory_space<vmem>>)
      %dma_wait3A_3040 = arith.constant 1 : i32
      %dma_wait3A_3041 = arith.constant 2 : i32
      %dma_wait3A_3042 = arith.constant 0 : i32
      %dma_wait3A_3043 = arith.constant 0 : i32
      %dma_wait3A_3044 = tpu.memref_slice %arg9[%dma_wait3A_3040, %dma_wait3A_3041, %dma_wait3A_3042, %dma_wait3A_3043] : memref<2x4x32x128xf32, #tpu.memory_space<vmem>> -> memref<1x1x32x128xf32, #tpu.memory_space<vmem>>
      %dma_wait3A_3045 = tpu.memref_squeeze %dma_wait3A_3044 : memref<1x1x32x128xf32, #tpu.memory_space<vmem>> -> memref<32x128xf32, #tpu.memory_space<vmem>>
      %dma_wait3A_3046 = arith.constant 0 : i32
      %dma_wait3A_3047 = arith.constant 0 : i32
      %dma_wait3A_3048 = tpu.memref_slice %arg2[%dma_wait3A_3046, %dma_wait3A_3047] : memref<32x1000000xf32, #tpu.memory_space<hbm>> -> memref<32x128xf32, #tpu.memory_space<hbm>>
      %dma_wait3A_3049 = arith.constant 0 : i32
      %dma_wait3A_3050 = arith.constant 0 : i32
      %dma_wait3A_3051 = tpu.memref_slice %arg9[%dma_wait3A_3040, %dma_wait3A_3041, %dma_wait3A_3049, %dma_wait3A_3050] : memref<2x4x32x128xf32, #tpu.memory_space<vmem>> -> memref<1x1x32x128xf32, #tpu.memory_space<vmem>>
      %dma_wait3A_3052 = tpu.memref_squeeze %dma_wait3A_3051 : memref<1x1x32x128xf32, #tpu.memory_space<vmem>> -> memref<32x128xf32, #tpu.memory_space<vmem>>
      %dma_wait3A_3053 = arith.constant 0 : i32
      %dma_wait3A_3054 = arith.constant 0 : i32
      %dma_wait3A_3055 = tpu.memref_slice %arg2[%dma_wait3A_3053, %dma_wait3A_3054] : memref<32x1000000xf32, #tpu.memory_space<hbm>> -> memref<32x128xf32, #tpu.memory_space<hbm>>
      tpu.wait_dma2 semaphore(%arg13 : memref<!tpu.dma_semaphore, #tpu.memory_space<semaphore_mem>>) src(%dma_wait3A_3055 : memref<32x128xf32, #tpu.memory_space<hbm>>) dst(%dma_wait3A_3052 : memref<32x128xf32, #tpu.memory_space<vmem>>)
      %dma_wait3A_3056 = arith.constant 1 : i32
      %dma_wait3A_3057 = arith.constant 2 : i32
      %dma_wait3A_3058 = arith.constant 0 : i32
      %dma_wait3A_3059 = arith.constant 0 : i32
      %dma_wait3A_3060 = tpu.memref_slice %arg10[%dma_wait3A_3056, %dma_wait3A_3057, %dma_wait3A_3058, %dma_wait3A_3059] : memref<2x4x32x128xf32, #tpu.memory_space<vmem>> -> memref<1x1x32x128xf32, #tpu.memory_space<vmem>>
      %dma_wait3A_3061 = tpu.memref_squeeze %dma_wait3A_3060 : memref<1x1x32x128xf32, #tpu.memory_space<vmem>> -> memref<32x128xf32, #tpu.memory_space<vmem>>
      %dma_wait3A_3062 = arith.constant 0 : i32
      %dma_wait3A_3063 = arith.constant 0 : i32
      %dma_wait3A_3064 = tpu.memref_slice %arg3[%dma_wait3A_3062, %dma_wait3A_3063] : memref<32x1000000xf32, #tpu.memory_space<hbm>> -> memref<32x128xf32, #tpu.memory_space<hbm>>
      %dma_wait3A_3065 = arith.constant 0 : i32
      %dma_wait3A_3066 = arith.constant 0 : i32
      %dma_wait3A_3067 = tpu.memref_slice %arg10[%dma_wait3A_3056, %dma_wait3A_3057, %dma_wait3A_3065, %dma_wait3A_3066] : memref<2x4x32x128xf32, #tpu.memory_space<vmem>> -> memref<1x1x32x128xf32, #tpu.memory_space<vmem>>
      %dma_wait3A_3068 = tpu.memref_squeeze %dma_wait3A_3067 : memref<1x1x32x128xf32, #tpu.memory_space<vmem>> -> memref<32x128xf32, #tpu.memory_space<vmem>>
      %dma_wait3A_3069 = arith.constant 0 : i32
      %dma_wait3A_3070 = arith.constant 0 : i32
      %dma_wait3A_3071 = tpu.memref_slice %arg3[%dma_wait3A_3069, %dma_wait3A_3070] : memref<32x1000000xf32, #tpu.memory_space<hbm>> -> memref<32x128xf32, #tpu.memory_space<hbm>>
      tpu.wait_dma2 semaphore(%arg13 : memref<!tpu.dma_semaphore, #tpu.memory_space<semaphore_mem>>) src(%dma_wait3A_3071 : memref<32x128xf32, #tpu.memory_space<hbm>>) dst(%dma_wait3A_3068 : memref<32x128xf32, #tpu.memory_space<vmem>>)
      %dma_wait3A_3072 = arith.constant 1 : i32
      %dma_wait3A_3073 = arith.constant 3 : i32
      %dma_wait3A_3074 = arith.constant 0 : i32
      %dma_wait3A_3075 = arith.constant 0 : i32
      %dma_wait3A_3076 = tpu.memref_slice %arg9[%dma_wait3A_3072, %dma_wait3A_3073, %dma_wait3A_3074, %dma_wait3A_3075] : memref<2x4x32x128xf32, #tpu.memory_space<vmem>> -> memref<1x1x32x128xf32, #tpu.memory_space<vmem>>
      %dma_wait3A_3077 = tpu.memref_squeeze %dma_wait3A_3076 : memref<1x1x32x128xf32, #tpu.memory_space<vmem>> -> memref<32x128xf32, #tpu.memory_space<vmem>>
      %dma_wait3A_3078 = arith.constant 0 : i32
      %dma_wait3A_3079 = arith.constant 0 : i32
      %dma_wait3A_3080 = tpu.memref_slice %arg2[%dma_wait3A_3078, %dma_wait3A_3079] : memref<32x1000000xf32, #tpu.memory_space<hbm>> -> memref<32x128xf32, #tpu.memory_space<hbm>>
      %dma_wait3A_3081 = arith.constant 0 : i32
      %dma_wait3A_3082 = arith.constant 0 : i32
      %dma_wait3A_3083 = tpu.memref_slice %arg9[%dma_wait3A_3072, %dma_wait3A_3073, %dma_wait3A_3081, %dma_wait3A_3082] : memref<2x4x32x128xf32, #tpu.memory_space<vmem>> -> memref<1x1x32x128xf32, #tpu.memory_space<vmem>>
      %dma_wait3A_3084 = tpu.memref_squeeze %dma_wait3A_3083 : memref<1x1x32x128xf32, #tpu.memory_space<vmem>> -> memref<32x128xf32, #tpu.memory_space<vmem>>
      %dma_wait3A_3085 = arith.constant 0 : i32
      %dma_wait3A_3086 = arith.constant 0 : i32
      %dma_wait3A_3087 = tpu.memref_slice %arg2[%dma_wait3A_3085, %dma_wait3A_3086] : memref<32x1000000xf32, #tpu.memory_space<hbm>> -> memref<32x128xf32, #tpu.memory_space<hbm>>
      tpu.wait_dma2 semaphore(%arg13 : memref<!tpu.dma_semaphore, #tpu.memory_space<semaphore_mem>>) src(%dma_wait3A_3087 : memref<32x128xf32, #tpu.memory_space<hbm>>) dst(%dma_wait3A_3084 : memref<32x128xf32, #tpu.memory_space<vmem>>)
      %dma_wait3A_3088 = arith.constant 1 : i32
      %dma_wait3A_3089 = arith.constant 3 : i32
      %dma_wait3A_3090 = arith.constant 0 : i32
      %dma_wait3A_3091 = arith.constant 0 : i32
      %dma_wait3A_3092 = tpu.memref_slice %arg10[%dma_wait3A_3088, %dma_wait3A_3089, %dma_wait3A_3090, %dma_wait3A_3091] : memref<2x4x32x128xf32, #tpu.memory_space<vmem>> -> memref<1x1x32x128xf32, #tpu.memory_space<vmem>>
      %dma_wait3A_3093 = tpu.memref_squeeze %dma_wait3A_3092 : memref<1x1x32x128xf32, #tpu.memory_space<vmem>> -> memref<32x128xf32, #tpu.memory_space<vmem>>
      %dma_wait3A_3094 = arith.constant 0 : i32
      %dma_wait3A_3095 = arith.constant 0 : i32
      %dma_wait3A_3096 = tpu.memref_slice %arg3[%dma_wait3A_3094, %dma_wait3A_3095] : memref<32x1000000xf32, #tpu.memory_space<hbm>> -> memref<32x128xf32, #tpu.memory_space<hbm>>
      %dma_wait3A_3097 = arith.constant 0 : i32
      %dma_wait3A_3098 = arith.constant 0 : i32
      %dma_wait3A_3099 = tpu.memref_slice %arg10[%dma_wait3A_3088, %dma_wait3A_3089, %dma_wait3A_3097, %dma_wait3A_3098] : memref<2x4x32x128xf32, #tpu.memory_space<vmem>> -> memref<1x1x32x128xf32, #tpu.memory_space<vmem>>
      %dma_wait3A_3100 = tpu.memref_squeeze %dma_wait3A_3099 : memref<1x1x32x128xf32, #tpu.memory_space<vmem>> -> memref<32x128xf32, #tpu.memory_space<vmem>>
      %dma_wait3A_3101 = arith.constant 0 : i32
      %dma_wait3A_3102 = arith.constant 0 : i32
      %dma_wait3A_3103 = tpu.memref_slice %arg3[%dma_wait3A_3101, %dma_wait3A_3102] : memref<32x1000000xf32, #tpu.memory_space<hbm>> -> memref<32x128xf32, #tpu.memory_space<hbm>>
      tpu.wait_dma2 semaphore(%arg13 : memref<!tpu.dma_semaphore, #tpu.memory_space<semaphore_mem>>) src(%dma_wait3A_3103 : memref<32x128xf32, #tpu.memory_space<hbm>>) dst(%dma_wait3A_3100 : memref<32x128xf32, #tpu.memory_space<vmem>>)
      %slice3A_3104 = vector.extract_strided_slice %get3A_467 {offsets = [12], sizes = [1], strides = [1]} : vector<16xi32> to vector<1xi32>
      %squeeze3A_3105 = vector.extract %slice3A_3104[0] : i32 from vector<1xi32>
      %jit3A_3106 = arith.constant 128 : i32
      %eq3A_3107 = arith.constant 0 : i32
      %eq3A_3108 = arith.cmpi eq, %jit3A_3106, %eq3A_3107 : i32
      %jit3A_3109 = arith.constant 1 : i32
      %select_n3A_3110 = arith.select %eq3A_3108, %jit3A_3109, %jit3A_3106 : i32
      %rem3A_3111 = arith.remsi %squeeze3A_3105, %select_n3A_3110 : i32
      %ne3A_3112 = arith.constant 0 : i32
      %ne3A_3113 = arith.cmpi ne, %rem3A_3111, %ne3A_3112 : i32
      %lt3A_3114 = arith.constant 0 : i32
      %lt3A_3115 = arith.cmpi slt, %rem3A_3111, %lt3A_3114 : i32
      %lt3A_3116 = arith.constant 0 : i32
      %lt3A_3117 = arith.cmpi slt, %select_n3A_3110, %lt3A_3116 : i32
      %ne3A_3118 = arith.xori %lt3A_3115, %lt3A_3117 : i1
      %and3A_3119 = arith.andi %ne3A_3118, %ne3A_3113 : i1
      %add3A_3120 = arith.addi %rem3A_3111, %select_n3A_3110 : i32
      %select_n3A_3121 = arith.select %and3A_3119, %add3A_3120, %rem3A_3111 : i32
      %broadcast_in_dim3A_3122 = vector.broadcast %select_n3A_3121 : i32 to vector<16xi32>
      %slice3A_3123 = vector.extract_strided_slice %get3A_471 {offsets = [12], sizes = [1], strides = [1]} : vector<16xi32> to vector<1xi32>
      %squeeze3A_3124 = vector.extract %slice3A_3123[0] : i32 from vector<1xi32>
      %jit3A_3125 = arith.constant 128 : i32
      %eq3A_3126 = arith.constant 0 : i32
      %eq3A_3127 = arith.cmpi eq, %jit3A_3125, %eq3A_3126 : i32
      %jit3A_3128 = arith.constant 1 : i32
      %select_n3A_3129 = arith.select %eq3A_3127, %jit3A_3128, %jit3A_3125 : i32
      %rem3A_3130 = arith.remsi %squeeze3A_3124, %select_n3A_3129 : i32
      %ne3A_3131 = arith.constant 0 : i32
      %ne3A_3132 = arith.cmpi ne, %rem3A_3130, %ne3A_3131 : i32
      %lt3A_3133 = arith.constant 0 : i32
      %lt3A_3134 = arith.cmpi slt, %rem3A_3130, %lt3A_3133 : i32
      %lt3A_3135 = arith.constant 0 : i32
      %lt3A_3136 = arith.cmpi slt, %select_n3A_3129, %lt3A_3135 : i32
      %ne3A_3137 = arith.xori %lt3A_3134, %lt3A_3136 : i1
      %and3A_3138 = arith.andi %ne3A_3137, %ne3A_3132 : i1
      %add3A_3139 = arith.addi %rem3A_3130, %select_n3A_3129 : i32
      %select_n3A_3140 = arith.select %and3A_3138, %add3A_3139, %rem3A_3130 : i32
      %broadcast_in_dim3A_3141 = vector.broadcast %select_n3A_3140 : i32 to vector<16xi32>
      %broadcast_in_dim3A_3142 = arith.constant 1 : i32
      %broadcast_in_dim3A_3143 = vector.broadcast %broadcast_in_dim3A_3142 : i32 to vector<16xi32>
      %broadcast_in_dim3A_3144 = arith.constant 0 : i32
      %broadcast_in_dim3A_3145 = vector.broadcast %broadcast_in_dim3A_3144 : i32 to vector<16xi32>
      %gather3A_3146 = tpu.vector_load_idx %arg9[%broadcast_in_dim3A_3143, %broadcast_in_dim3A_3145, %iota3A, %broadcast_in_dim3A_3122] : memref<2x4x32x128xf32, #tpu.memory_space<vmem>>[vector<16xi32>, vector<16xi32>, vector<16xi32>, vector<16xi32>], vector<16xf32>,
      %add3A_3147 = arith.constant 16 : i32
      %add3A_3148 = vector.broadcast %add3A_3147 : i32 to vector<16xi32>
      %add3A_3149 = arith.addi %iota3A, %add3A_3148 : vector<16xi32>
      %gather3A_3150 = tpu.vector_load_idx %arg9[%broadcast_in_dim3A_3143, %broadcast_in_dim3A_3145, %add3A_3149, %broadcast_in_dim3A_3122] : memref<2x4x32x128xf32, #tpu.memory_space<vmem>>[vector<16xi32>, vector<16xi32>, vector<16xi32>, vector<16xi32>], vector<16xf32>,
      %gather3A_3151 = tpu.vector_load_idx %arg10[%broadcast_in_dim3A_3143, %broadcast_in_dim3A_3145, %iota3A, %broadcast_in_dim3A_3141] : memref<2x4x32x128xf32, #tpu.memory_space<vmem>>[vector<16xi32>, vector<16xi32>, vector<16xi32>, vector<16xi32>], vector<16xf32>,
      %add3A_3152 = arith.constant 16 : i32
      %add3A_3153 = vector.broadcast %add3A_3152 : i32 to vector<16xi32>
      %add3A_3154 = arith.addi %iota3A, %add3A_3153 : vector<16xi32>
      %gather3A_3155 = tpu.vector_load_idx %arg10[%broadcast_in_dim3A_3143, %broadcast_in_dim3A_3145, %add3A_3154, %broadcast_in_dim3A_3141] : memref<2x4x32x128xf32, #tpu.memory_space<vmem>>[vector<16xi32>, vector<16xi32>, vector<16xi32>, vector<16xi32>], vector<16xf32>,
      %mul3A_3156 = arith.mulf %gather3A_3146, %gather3A_3151 : vector<16xf32>
      %mul3A_3157 = arith.mulf %gather3A_3150, %gather3A_3155 : vector<16xf32>
      %add3A_3158 = arith.addf %mul3A_3156, %mul3A_3157 : vector<16xf32>
      %reduce_sum3A_3159 = arith.constant true
      %reduce_sum3A_3160 = vector.broadcast %reduce_sum3A_3159 : i1 to vector<16xi1>
      %reduce_sum3A_3161 = tpu.scan <sum>, %add3A_3158 masked %reduce_sum3A_3160 : vector<16xf32>, vector<16xi1> -> vector<16xf32>
      %reduce_sum3A_3162 = vector.extract %reduce_sum3A_3161[15] : f32 from vector<16xf32>
      %eq3A_3163 = arith.constant 12 : i32
      %eq3A_3164 = vector.broadcast %eq3A_3163 : i32 to vector<16xi32>
      %eq3A_3165 = arith.cmpi eq, %iota3A, %eq3A_3164 : vector<16xi32>
      %broadcast_in_dim3A_3166 = vector.broadcast %reduce_sum3A_3162 : f32 to vector<16xf32>
      %select_n3A_3167 = arith.select %eq3A_3165, %broadcast_in_dim3A_3166, %select_n3A_2639 : vector<16xi1>, vector<16xf32>
      %slice3A_3168 = vector.extract_strided_slice %get3A_467 {offsets = [13], sizes = [1], strides = [1]} : vector<16xi32> to vector<1xi32>
      %squeeze3A_3169 = vector.extract %slice3A_3168[0] : i32 from vector<1xi32>
      %jit3A_3170 = arith.constant 128 : i32
      %eq3A_3171 = arith.constant 0 : i32
      %eq3A_3172 = arith.cmpi eq, %jit3A_3170, %eq3A_3171 : i32
      %jit3A_3173 = arith.constant 1 : i32
      %select_n3A_3174 = arith.select %eq3A_3172, %jit3A_3173, %jit3A_3170 : i32
      %rem3A_3175 = arith.remsi %squeeze3A_3169, %select_n3A_3174 : i32
      %ne3A_3176 = arith.constant 0 : i32
      %ne3A_3177 = arith.cmpi ne, %rem3A_3175, %ne3A_3176 : i32
      %lt3A_3178 = arith.constant 0 : i32
      %lt3A_3179 = arith.cmpi slt, %rem3A_3175, %lt3A_3178 : i32
      %lt3A_3180 = arith.constant 0 : i32
      %lt3A_3181 = arith.cmpi slt, %select_n3A_3174, %lt3A_3180 : i32
      %ne3A_3182 = arith.xori %lt3A_3179, %lt3A_3181 : i1
      %and3A_3183 = arith.andi %ne3A_3182, %ne3A_3177 : i1
      %add3A_3184 = arith.addi %rem3A_3175, %select_n3A_3174 : i32
      %select_n3A_3185 = arith.select %and3A_3183, %add3A_3184, %rem3A_3175 : i32
      %broadcast_in_dim3A_3186 = vector.broadcast %select_n3A_3185 : i32 to vector<16xi32>
      %slice3A_3187 = vector.extract_strided_slice %get3A_471 {offsets = [13], sizes = [1], strides = [1]} : vector<16xi32> to vector<1xi32>
      %squeeze3A_3188 = vector.extract %slice3A_3187[0] : i32 from vector<1xi32>
      %jit3A_3189 = arith.constant 128 : i32
      %eq3A_3190 = arith.constant 0 : i32
      %eq3A_3191 = arith.cmpi eq, %jit3A_3189, %eq3A_3190 : i32
      %jit3A_3192 = arith.constant 1 : i32
      %select_n3A_3193 = arith.select %eq3A_3191, %jit3A_3192, %jit3A_3189 : i32
      %rem3A_3194 = arith.remsi %squeeze3A_3188, %select_n3A_3193 : i32
      %ne3A_3195 = arith.constant 0 : i32
      %ne3A_3196 = arith.cmpi ne, %rem3A_3194, %ne3A_3195 : i32
      %lt3A_3197 = arith.constant 0 : i32
      %lt3A_3198 = arith.cmpi slt, %rem3A_3194, %lt3A_3197 : i32
      %lt3A_3199 = arith.constant 0 : i32
      %lt3A_3200 = arith.cmpi slt, %select_n3A_3193, %lt3A_3199 : i32
      %ne3A_3201 = arith.xori %lt3A_3198, %lt3A_3200 : i1
      %and3A_3202 = arith.andi %ne3A_3201, %ne3A_3196 : i1
      %add3A_3203 = arith.addi %rem3A_3194, %select_n3A_3193 : i32
      %select_n3A_3204 = arith.select %and3A_3202, %add3A_3203, %rem3A_3194 : i32
      %broadcast_in_dim3A_3205 = vector.broadcast %select_n3A_3204 : i32 to vector<16xi32>
      %broadcast_in_dim3A_3206 = arith.constant 1 : i32
      %broadcast_in_dim3A_3207 = vector.broadcast %broadcast_in_dim3A_3206 : i32 to vector<16xi32>
      %broadcast_in_dim3A_3208 = arith.constant 1 : i32
      %broadcast_in_dim3A_3209 = vector.broadcast %broadcast_in_dim3A_3208 : i32 to vector<16xi32>
      %gather3A_3210 = tpu.vector_load_idx %arg9[%broadcast_in_dim3A_3207, %broadcast_in_dim3A_3209, %iota3A, %broadcast_in_dim3A_3186] : memref<2x4x32x128xf32, #tpu.memory_space<vmem>>[vector<16xi32>, vector<16xi32>, vector<16xi32>, vector<16xi32>], vector<16xf32>,
      %add3A_3211 = arith.constant 16 : i32
      %add3A_3212 = vector.broadcast %add3A_3211 : i32 to vector<16xi32>
      %add3A_3213 = arith.addi %iota3A, %add3A_3212 : vector<16xi32>
      %gather3A_3214 = tpu.vector_load_idx %arg9[%broadcast_in_dim3A_3207, %broadcast_in_dim3A_3209, %add3A_3213, %broadcast_in_dim3A_3186] : memref<2x4x32x128xf32, #tpu.memory_space<vmem>>[vector<16xi32>, vector<16xi32>, vector<16xi32>, vector<16xi32>], vector<16xf32>,
      %gather3A_3215 = tpu.vector_load_idx %arg10[%broadcast_in_dim3A_3207, %broadcast_in_dim3A_3209, %iota3A, %broadcast_in_dim3A_3205] : memref<2x4x32x128xf32, #tpu.memory_space<vmem>>[vector<16xi32>, vector<16xi32>, vector<16xi32>, vector<16xi32>], vector<16xf32>,
      %add3A_3216 = arith.constant 16 : i32
      %add3A_3217 = vector.broadcast %add3A_3216 : i32 to vector<16xi32>
      %add3A_3218 = arith.addi %iota3A, %add3A_3217 : vector<16xi32>
      %gather3A_3219 = tpu.vector_load_idx %arg10[%broadcast_in_dim3A_3207, %broadcast_in_dim3A_3209, %add3A_3218, %broadcast_in_dim3A_3205] : memref<2x4x32x128xf32, #tpu.memory_space<vmem>>[vector<16xi32>, vector<16xi32>, vector<16xi32>, vector<16xi32>], vector<16xf32>,
      %mul3A_3220 = arith.mulf %gather3A_3210, %gather3A_3215 : vector<16xf32>
      %mul3A_3221 = arith.mulf %gather3A_3214, %gather3A_3219 : vector<16xf32>
      %add3A_3222 = arith.addf %mul3A_3220, %mul3A_3221 : vector<16xf32>
      %reduce_sum3A_3223 = arith.constant true
      %reduce_sum3A_3224 = vector.broadcast %reduce_sum3A_3223 : i1 to vector<16xi1>
      %reduce_sum3A_3225 = tpu.scan <sum>, %add3A_3222 masked %reduce_sum3A_3224 : vector<16xf32>, vector<16xi1> -> vector<16xf32>
      %reduce_sum3A_3226 = vector.extract %reduce_sum3A_3225[15] : f32 from vector<16xf32>
      %eq3A_3227 = arith.constant 13 : i32
      %eq3A_3228 = vector.broadcast %eq3A_3227 : i32 to vector<16xi32>
      %eq3A_3229 = arith.cmpi eq, %iota3A, %eq3A_3228 : vector<16xi32>
      %broadcast_in_dim3A_3230 = vector.broadcast %reduce_sum3A_3226 : f32 to vector<16xf32>
      %select_n3A_3231 = arith.select %eq3A_3229, %broadcast_in_dim3A_3230, %select_n3A_3167 : vector<16xi1>, vector<16xf32>
      %slice3A_3232 = vector.extract_strided_slice %get3A_467 {offsets = [14], sizes = [1], strides = [1]} : vector<16xi32> to vector<1xi32>
      %squeeze3A_3233 = vector.extract %slice3A_3232[0] : i32 from vector<1xi32>
      %jit3A_3234 = arith.constant 128 : i32
      %eq3A_3235 = arith.constant 0 : i32
      %eq3A_3236 = arith.cmpi eq, %jit3A_3234, %eq3A_3235 : i32
      %jit3A_3237 = arith.constant 1 : i32
      %select_n3A_3238 = arith.select %eq3A_3236, %jit3A_3237, %jit3A_3234 : i32
      %rem3A_3239 = arith.remsi %squeeze3A_3233, %select_n3A_3238 : i32
      %ne3A_3240 = arith.constant 0 : i32
      %ne3A_3241 = arith.cmpi ne, %rem3A_3239, %ne3A_3240 : i32
      %lt3A_3242 = arith.constant 0 : i32
      %lt3A_3243 = arith.cmpi slt, %rem3A_3239, %lt3A_3242 : i32
      %lt3A_3244 = arith.constant 0 : i32
      %lt3A_3245 = arith.cmpi slt, %select_n3A_3238, %lt3A_3244 : i32
      %ne3A_3246 = arith.xori %lt3A_3243, %lt3A_3245 : i1
      %and3A_3247 = arith.andi %ne3A_3246, %ne3A_3241 : i1
      %add3A_3248 = arith.addi %rem3A_3239, %select_n3A_3238 : i32
      %select_n3A_3249 = arith.select %and3A_3247, %add3A_3248, %rem3A_3239 : i32
      %broadcast_in_dim3A_3250 = vector.broadcast %select_n3A_3249 : i32 to vector<16xi32>
      %slice3A_3251 = vector.extract_strided_slice %get3A_471 {offsets = [14], sizes = [1], strides = [1]} : vector<16xi32> to vector<1xi32>
      %squeeze3A_3252 = vector.extract %slice3A_3251[0] : i32 from vector<1xi32>
      %jit3A_3253 = arith.constant 128 : i32
      %eq3A_3254 = arith.constant 0 : i32
      %eq3A_3255 = arith.cmpi eq, %jit3A_3253, %eq3A_3254 : i32
      %jit3A_3256 = arith.constant 1 : i32
      %select_n3A_3257 = arith.select %eq3A_3255, %jit3A_3256, %jit3A_3253 : i32
      %rem3A_3258 = arith.remsi %squeeze3A_3252, %select_n3A_3257 : i32
      %ne3A_3259 = arith.constant 0 : i32
      %ne3A_3260 = arith.cmpi ne, %rem3A_3258, %ne3A_3259 : i32
      %lt3A_3261 = arith.constant 0 : i32
      %lt3A_3262 = arith.cmpi slt, %rem3A_3258, %lt3A_3261 : i32
      %lt3A_3263 = arith.constant 0 : i32
      %lt3A_3264 = arith.cmpi slt, %select_n3A_3257, %lt3A_3263 : i32
      %ne3A_3265 = arith.xori %lt3A_3262, %lt3A_3264 : i1
      %and3A_3266 = arith.andi %ne3A_3265, %ne3A_3260 : i1
      %add3A_3267 = arith.addi %rem3A_3258, %select_n3A_3257 : i32
      %select_n3A_3268 = arith.select %and3A_3266, %add3A_3267, %rem3A_3258 : i32
      %broadcast_in_dim3A_3269 = vector.broadcast %select_n3A_3268 : i32 to vector<16xi32>
      %broadcast_in_dim3A_3270 = arith.constant 1 : i32
      %broadcast_in_dim3A_3271 = vector.broadcast %broadcast_in_dim3A_3270 : i32 to vector<16xi32>
      %broadcast_in_dim3A_3272 = arith.constant 2 : i32
      %broadcast_in_dim3A_3273 = vector.broadcast %broadcast_in_dim3A_3272 : i32 to vector<16xi32>
      %gather3A_3274 = tpu.vector_load_idx %arg9[%broadcast_in_dim3A_3271, %broadcast_in_dim3A_3273, %iota3A, %broadcast_in_dim3A_3250] : memref<2x4x32x128xf32, #tpu.memory_space<vmem>>[vector<16xi32>, vector<16xi32>, vector<16xi32>, vector<16xi32>], vector<16xf32>,
      %add3A_3275 = arith.constant 16 : i32
      %add3A_3276 = vector.broadcast %add3A_3275 : i32 to vector<16xi32>
      %add3A_3277 = arith.addi %iota3A, %add3A_3276 : vector<16xi32>
      %gather3A_3278 = tpu.vector_load_idx %arg9[%broadcast_in_dim3A_3271, %broadcast_in_dim3A_3273, %add3A_3277, %broadcast_in_dim3A_3250] : memref<2x4x32x128xf32, #tpu.memory_space<vmem>>[vector<16xi32>, vector<16xi32>, vector<16xi32>, vector<16xi32>], vector<16xf32>,
      %gather3A_3279 = tpu.vector_load_idx %arg10[%broadcast_in_dim3A_3271, %broadcast_in_dim3A_3273, %iota3A, %broadcast_in_dim3A_3269] : memref<2x4x32x128xf32, #tpu.memory_space<vmem>>[vector<16xi32>, vector<16xi32>, vector<16xi32>, vector<16xi32>], vector<16xf32>,
      %add3A_3280 = arith.constant 16 : i32
      %add3A_3281 = vector.broadcast %add3A_3280 : i32 to vector<16xi32>
      %add3A_3282 = arith.addi %iota3A, %add3A_3281 : vector<16xi32>
      %gather3A_3283 = tpu.vector_load_idx %arg10[%broadcast_in_dim3A_3271, %broadcast_in_dim3A_3273, %add3A_3282, %broadcast_in_dim3A_3269] : memref<2x4x32x128xf32, #tpu.memory_space<vmem>>[vector<16xi32>, vector<16xi32>, vector<16xi32>, vector<16xi32>], vector<16xf32>,
      %mul3A_3284 = arith.mulf %gather3A_3274, %gather3A_3279 : vector<16xf32>
      %mul3A_3285 = arith.mulf %gather3A_3278, %gather3A_3283 : vector<16xf32>
      %add3A_3286 = arith.addf %mul3A_3284, %mul3A_3285 : vector<16xf32>
      %reduce_sum3A_3287 = arith.constant true
      %reduce_sum3A_3288 = vector.broadcast %reduce_sum3A_3287 : i1 to vector<16xi1>
      %reduce_sum3A_3289 = tpu.scan <sum>, %add3A_3286 masked %reduce_sum3A_3288 : vector<16xf32>, vector<16xi1> -> vector<16xf32>
      %reduce_sum3A_3290 = vector.extract %reduce_sum3A_3289[15] : f32 from vector<16xf32>
      %eq3A_3291 = arith.constant 14 : i32
      %eq3A_3292 = vector.broadcast %eq3A_3291 : i32 to vector<16xi32>
      %eq3A_3293 = arith.cmpi eq, %iota3A, %eq3A_3292 : vector<16xi32>
      %broadcast_in_dim3A_3294 = vector.broadcast %reduce_sum3A_3290 : f32 to vector<16xf32>
      %select_n3A_3295 = arith.select %eq3A_3293, %broadcast_in_dim3A_3294, %select_n3A_3231 : vector<16xi1>, vector<16xf32>
      %slice3A_3296 = vector.extract_strided_slice %get3A_467 {offsets = [15], sizes = [1], strides = [1]} : vector<16xi32> to vector<1xi32>
      %squeeze3A_3297 = vector.extract %slice3A_3296[0] : i32 from vector<1xi32>
      %jit3A_3298 = arith.constant 128 : i32
      %eq3A_3299 = arith.constant 0 : i32
      %eq3A_3300 = arith.cmpi eq, %jit3A_3298, %eq3A_3299 : i32
      %jit3A_3301 = arith.constant 1 : i32
      %select_n3A_3302 = arith.select %eq3A_3300, %jit3A_3301, %jit3A_3298 : i32
      %rem3A_3303 = arith.remsi %squeeze3A_3297, %select_n3A_3302 : i32
      %ne3A_3304 = arith.constant 0 : i32
      %ne3A_3305 = arith.cmpi ne, %rem3A_3303, %ne3A_3304 : i32
      %lt3A_3306 = arith.constant 0 : i32
      %lt3A_3307 = arith.cmpi slt, %rem3A_3303, %lt3A_3306 : i32
      %lt3A_3308 = arith.constant 0 : i32
      %lt3A_3309 = arith.cmpi slt, %select_n3A_3302, %lt3A_3308 : i32
      %ne3A_3310 = arith.xori %lt3A_3307, %lt3A_3309 : i1
      %and3A_3311 = arith.andi %ne3A_3310, %ne3A_3305 : i1
      %add3A_3312 = arith.addi %rem3A_3303, %select_n3A_3302 : i32
      %select_n3A_3313 = arith.select %and3A_3311, %add3A_3312, %rem3A_3303 : i32
      %broadcast_in_dim3A_3314 = vector.broadcast %select_n3A_3313 : i32 to vector<16xi32>
      %slice3A_3315 = vector.extract_strided_slice %get3A_471 {offsets = [15], sizes = [1], strides = [1]} : vector<16xi32> to vector<1xi32>
      %squeeze3A_3316 = vector.extract %slice3A_3315[0] : i32 from vector<1xi32>
      %jit3A_3317 = arith.constant 128 : i32
      %eq3A_3318 = arith.constant 0 : i32
      %eq3A_3319 = arith.cmpi eq, %jit3A_3317, %eq3A_3318 : i32
      %jit3A_3320 = arith.constant 1 : i32
      %select_n3A_3321 = arith.select %eq3A_3319, %jit3A_3320, %jit3A_3317 : i32
      %rem3A_3322 = arith.remsi %squeeze3A_3316, %select_n3A_3321 : i32
      %ne3A_3323 = arith.constant 0 : i32
      %ne3A_3324 = arith.cmpi ne, %rem3A_3322, %ne3A_3323 : i32
      %lt3A_3325 = arith.constant 0 : i32
      %lt3A_3326 = arith.cmpi slt, %rem3A_3322, %lt3A_3325 : i32
      %lt3A_3327 = arith.constant 0 : i32
      %lt3A_3328 = arith.cmpi slt, %select_n3A_3321, %lt3A_3327 : i32
      %ne3A_3329 = arith.xori %lt3A_3326, %lt3A_3328 : i1
      %and3A_3330 = arith.andi %ne3A_3329, %ne3A_3324 : i1
      %add3A_3331 = arith.addi %rem3A_3322, %select_n3A_3321 : i32
      %select_n3A_3332 = arith.select %and3A_3330, %add3A_3331, %rem3A_3322 : i32
      %broadcast_in_dim3A_3333 = vector.broadcast %select_n3A_3332 : i32 to vector<16xi32>
      %broadcast_in_dim3A_3334 = arith.constant 1 : i32
      %broadcast_in_dim3A_3335 = vector.broadcast %broadcast_in_dim3A_3334 : i32 to vector<16xi32>
      %broadcast_in_dim3A_3336 = arith.constant 3 : i32
      %broadcast_in_dim3A_3337 = vector.broadcast %broadcast_in_dim3A_3336 : i32 to vector<16xi32>
      %gather3A_3338 = tpu.vector_load_idx %arg9[%broadcast_in_dim3A_3335, %broadcast_in_dim3A_3337, %iota3A, %broadcast_in_dim3A_3314] : memref<2x4x32x128xf32, #tpu.memory_space<vmem>>[vector<16xi32>, vector<16xi32>, vector<16xi32>, vector<16xi32>], vector<16xf32>,
      %add3A_3339 = arith.constant 16 : i32
      %add3A_3340 = vector.broadcast %add3A_3339 : i32 to vector<16xi32>
      %add3A_3341 = arith.addi %iota3A, %add3A_3340 : vector<16xi32>
      %gather3A_3342 = tpu.vector_load_idx %arg9[%broadcast_in_dim3A_3335, %broadcast_in_dim3A_3337, %add3A_3341, %broadcast_in_dim3A_3314] : memref<2x4x32x128xf32, #tpu.memory_space<vmem>>[vector<16xi32>, vector<16xi32>, vector<16xi32>, vector<16xi32>], vector<16xf32>,
      %gather3A_3343 = tpu.vector_load_idx %arg10[%broadcast_in_dim3A_3335, %broadcast_in_dim3A_3337, %iota3A, %broadcast_in_dim3A_3333] : memref<2x4x32x128xf32, #tpu.memory_space<vmem>>[vector<16xi32>, vector<16xi32>, vector<16xi32>, vector<16xi32>], vector<16xf32>,
      %add3A_3344 = arith.constant 16 : i32
      %add3A_3345 = vector.broadcast %add3A_3344 : i32 to vector<16xi32>
      %add3A_3346 = arith.addi %iota3A, %add3A_3345 : vector<16xi32>
      %gather3A_3347 = tpu.vector_load_idx %arg10[%broadcast_in_dim3A_3335, %broadcast_in_dim3A_3337, %add3A_3346, %broadcast_in_dim3A_3333] : memref<2x4x32x128xf32, #tpu.memory_space<vmem>>[vector<16xi32>, vector<16xi32>, vector<16xi32>, vector<16xi32>], vector<16xf32>,
      %mul3A_3348 = arith.mulf %gather3A_3338, %gather3A_3343 : vector<16xf32>
      %mul3A_3349 = arith.mulf %gather3A_3342, %gather3A_3347 : vector<16xf32>
      %add3A_3350 = arith.addf %mul3A_3348, %mul3A_3349 : vector<16xf32>
      %reduce_sum3A_3351 = arith.constant true
      %reduce_sum3A_3352 = vector.broadcast %reduce_sum3A_3351 : i1 to vector<16xi1>
      %reduce_sum3A_3353 = tpu.scan <sum>, %add3A_3350 masked %reduce_sum3A_3352 : vector<16xf32>, vector<16xi1> -> vector<16xf32>
      %reduce_sum3A_3354 = vector.extract %reduce_sum3A_3353[15] : f32 from vector<16xf32>
      %eq3A_3355 = arith.constant 15 : i32
      %eq3A_3356 = vector.broadcast %eq3A_3355 : i32 to vector<16xi32>
      %eq3A_3357 = arith.cmpi eq, %iota3A, %eq3A_3356 : vector<16xi32>
      %broadcast_in_dim3A_3358 = vector.broadcast %reduce_sum3A_3354 : f32 to vector<16xf32>
      %select_n3A_3359 = arith.select %eq3A_3357, %broadcast_in_dim3A_3358, %select_n3A_3295 : vector<16xi1>, vector<16xf32>
      %mul3A_3360 = arith.constant 16 : i32
      %mul3A_3361 = arith.muli %scan3A_463, %mul3A_3360 : i32
      %swap3A = arith.index_cast %mul3A_3361 : i32 to index
      %swap3A_3362 = tpu.vector_load %arg11[%swap3A] {strides = array<i32>} : memref<512xf32, #tpu.memory_space<vmem>>, vector<16xf32>,
      tpu.vector_store %arg11[%swap3A], %select_n3A_3359 {strides = array<i32>} : memref<512xf32, #tpu.memory_space<vmem>>, vector<16xf32>,
    }
    %scan3A_333 = arith.constant 32 : i32
    %dma_wait3A = arith.constant 0 : i32
    %dma_wait3A_334 = arith.constant 0 : i32
    %dma_wait3A_335 = arith.constant 0 : i32
    %dma_wait3A_336 = arith.constant 0 : i32
    %dma_wait3A_337 = tpu.memref_slice %arg9[%dma_wait3A, %dma_wait3A_334, %dma_wait3A_335, %dma_wait3A_336] : memref<2x4x32x128xf32, #tpu.memory_space<vmem>> -> memref<1x1x32x128xf32, #tpu.memory_space<vmem>>
    %dma_wait3A_338 = tpu.memref_squeeze %dma_wait3A_337 : memref<1x1x32x128xf32, #tpu.memory_space<vmem>> -> memref<32x128xf32, #tpu.memory_space<vmem>>
    %dma_wait3A_339 = arith.constant 0 : i32
    %dma_wait3A_340 = arith.constant 0 : i32
    %dma_wait3A_341 = tpu.memref_slice %arg2[%dma_wait3A_339, %dma_wait3A_340] : memref<32x1000000xf32, #tpu.memory_space<hbm>> -> memref<32x128xf32, #tpu.memory_space<hbm>>
    %dma_wait3A_342 = arith.constant 0 : i32
    %dma_wait3A_343 = arith.constant 0 : i32
    %dma_wait3A_344 = tpu.memref_slice %arg9[%dma_wait3A, %dma_wait3A_334, %dma_wait3A_342, %dma_wait3A_343] : memref<2x4x32x128xf32, #tpu.memory_space<vmem>> -> memref<1x1x32x128xf32, #tpu.memory_space<vmem>>
    %dma_wait3A_345 = tpu.memref_squeeze %dma_wait3A_344 : memref<1x1x32x128xf32, #tpu.memory_space<vmem>> -> memref<32x128xf32, #tpu.memory_space<vmem>>
    %dma_wait3A_346 = arith.constant 0 : i32
    %dma_wait3A_347 = arith.constant 0 : i32
    %dma_wait3A_348 = tpu.memref_slice %arg2[%dma_wait3A_346, %dma_wait3A_347] : memref<32x1000000xf32, #tpu.memory_space<hbm>> -> memref<32x128xf32, #tpu.memory_space<hbm>>
    tpu.wait_dma2 semaphore(%arg12 : memref<!tpu.dma_semaphore, #tpu.memory_space<semaphore_mem>>) src(%dma_wait3A_348 : memref<32x128xf32, #tpu.memory_space<hbm>>) dst(%dma_wait3A_345 : memref<32x128xf32, #tpu.memory_space<vmem>>)
    %dma_wait3A_349 = arith.constant 0 : i32
    %dma_wait3A_350 = arith.constant 0 : i32
    %dma_wait3A_351 = arith.constant 0 : i32
    %dma_wait3A_352 = arith.constant 0 : i32
    %dma_wait3A_353 = tpu.memref_slice %arg10[%dma_wait3A_349, %dma_wait3A_350, %dma_wait3A_351, %dma_wait3A_352] : memref<2x4x32x128xf32, #tpu.memory_space<vmem>> -> memref<1x1x32x128xf32, #tpu.memory_space<vmem>>
    %dma_wait3A_354 = tpu.memref_squeeze %dma_wait3A_353 : memref<1x1x32x128xf32, #tpu.memory_space<vmem>> -> memref<32x128xf32, #tpu.memory_space<vmem>>
    %dma_wait3A_355 = arith.constant 0 : i32
    %dma_wait3A_356 = arith.constant 0 : i32
    %dma_wait3A_357 = tpu.memref_slice %arg3[%dma_wait3A_355, %dma_wait3A_356] : memref<32x1000000xf32, #tpu.memory_space<hbm>> -> memref<32x128xf32, #tpu.memory_space<hbm>>
    %dma_wait3A_358 = arith.constant 0 : i32
    %dma_wait3A_359 = arith.constant 0 : i32
    %dma_wait3A_360 = tpu.memref_slice %arg10[%dma_wait3A_349, %dma_wait3A_350, %dma_wait3A_358, %dma_wait3A_359] : memref<2x4x32x128xf32, #tpu.memory_space<vmem>> -> memref<1x1x32x128xf32, #tpu.memory_space<vmem>>
    %dma_wait3A_361 = tpu.memref_squeeze %dma_wait3A_360 : memref<1x1x32x128xf32, #tpu.memory_space<vmem>> -> memref<32x128xf32, #tpu.memory_space<vmem>>
    %dma_wait3A_362 = arith.constant 0 : i32
    %dma_wait3A_363 = arith.constant 0 : i32
    %dma_wait3A_364 = tpu.memref_slice %arg3[%dma_wait3A_362, %dma_wait3A_363] : memref<32x1000000xf32, #tpu.memory_space<hbm>> -> memref<32x128xf32, #tpu.memory_space<hbm>>
    tpu.wait_dma2 semaphore(%arg12 : memref<!tpu.dma_semaphore, #tpu.memory_space<semaphore_mem>>) src(%dma_wait3A_364 : memref<32x128xf32, #tpu.memory_space<hbm>>) dst(%dma_wait3A_361 : memref<32x128xf32, #tpu.memory_space<vmem>>)
    %dma_wait3A_365 = arith.constant 0 : i32
    %dma_wait3A_366 = arith.constant 1 : i32
    %dma_wait3A_367 = arith.constant 0 : i32
    %dma_wait3A_368 = arith.constant 0 : i32
    %dma_wait3A_369 = tpu.memref_slice %arg9[%dma_wait3A_365, %dma_wait3A_366, %dma_wait3A_367, %dma_wait3A_368] : memref<2x4x32x128xf32, #tpu.memory_space<vmem>> -> memref<1x1x32x128xf32, #tpu.memory_space<vmem>>
    %dma_wait3A_370 = tpu.memref_squeeze %dma_wait3A_369 : memref<1x1x32x128xf32, #tpu.memory_space<vmem>> -> memref<32x128xf32, #tpu.memory_space<vmem>>
    %dma_wait3A_371 = arith.constant 0 : i32
    %dma_wait3A_372 = arith.constant 0 : i32
    %dma_wait3A_373 = tpu.memref_slice %arg2[%dma_wait3A_371, %dma_wait3A_372] : memref<32x1000000xf32, #tpu.memory_space<hbm>> -> memref<32x128xf32, #tpu.memory_space<hbm>>
    %dma_wait3A_374 = arith.constant 0 : i32
    %dma_wait3A_375 = arith.constant 0 : i32
    %dma_wait3A_376 = tpu.memref_slice %arg9[%dma_wait3A_365, %dma_wait3A_366, %dma_wait3A_374, %dma_wait3A_375] : memref<2x4x32x128xf32, #tpu.memory_space<vmem>> -> memref<1x1x32x128xf32, #tpu.memory_space<vmem>>
    %dma_wait3A_377 = tpu.memref_squeeze %dma_wait3A_376 : memref<1x1x32x128xf32, #tpu.memory_space<vmem>> -> memref<32x128xf32, #tpu.memory_space<vmem>>
    %dma_wait3A_378 = arith.constant 0 : i32
    %dma_wait3A_379 = arith.constant 0 : i32
    %dma_wait3A_380 = tpu.memref_slice %arg2[%dma_wait3A_378, %dma_wait3A_379] : memref<32x1000000xf32, #tpu.memory_space<hbm>> -> memref<32x128xf32, #tpu.memory_space<hbm>>
    tpu.wait_dma2 semaphore(%arg12 : memref<!tpu.dma_semaphore, #tpu.memory_space<semaphore_mem>>) src(%dma_wait3A_380 : memref<32x128xf32, #tpu.memory_space<hbm>>) dst(%dma_wait3A_377 : memref<32x128xf32, #tpu.memory_space<vmem>>)
    %dma_wait3A_381 = arith.constant 0 : i32
    %dma_wait3A_382 = arith.constant 1 : i32
    %dma_wait3A_383 = arith.constant 0 : i32
    %dma_wait3A_384 = arith.constant 0 : i32
    %dma_wait3A_385 = tpu.memref_slice %arg10[%dma_wait3A_381, %dma_wait3A_382, %dma_wait3A_383, %dma_wait3A_384] : memref<2x4x32x128xf32, #tpu.memory_space<vmem>> -> memref<1x1x32x128xf32, #tpu.memory_space<vmem>>
    %dma_wait3A_386 = tpu.memref_squeeze %dma_wait3A_385 : memref<1x1x32x128xf32, #tpu.memory_space<vmem>> -> memref<32x128xf32, #tpu.memory_space<vmem>>
    %dma_wait3A_387 = arith.constant 0 : i32
    %dma_wait3A_388 = arith.constant 0 : i32
    %dma_wait3A_389 = tpu.memref_slice %arg3[%dma_wait3A_387, %dma_wait3A_388] : memref<32x1000000xf32, #tpu.memory_space<hbm>> -> memref<32x128xf32, #tpu.memory_space<hbm>>
    %dma_wait3A_390 = arith.constant 0 : i32
    %dma_wait3A_391 = arith.constant 0 : i32
    %dma_wait3A_392 = tpu.memref_slice %arg10[%dma_wait3A_381, %dma_wait3A_382, %dma_wait3A_390, %dma_wait3A_391] : memref<2x4x32x128xf32, #tpu.memory_space<vmem>> -> memref<1x1x32x128xf32, #tpu.memory_space<vmem>>
    %dma_wait3A_393 = tpu.memref_squeeze %dma_wait3A_392 : memref<1x1x32x128xf32, #tpu.memory_space<vmem>> -> memref<32x128xf32, #tpu.memory_space<vmem>>
    %dma_wait3A_394 = arith.constant 0 : i32
    %dma_wait3A_395 = arith.constant 0 : i32
    %dma_wait3A_396 = tpu.memref_slice %arg3[%dma_wait3A_394, %dma_wait3A_395] : memref<32x1000000xf32, #tpu.memory_space<hbm>> -> memref<32x128xf32, #tpu.memory_space<hbm>>
    tpu.wait_dma2 semaphore(%arg12 : memref<!tpu.dma_semaphore, #tpu.memory_space<semaphore_mem>>) src(%dma_wait3A_396 : memref<32x128xf32, #tpu.memory_space<hbm>>) dst(%dma_wait3A_393 : memref<32x128xf32, #tpu.memory_space<vmem>>)
    %dma_wait3A_397 = arith.constant 0 : i32
    %dma_wait3A_398 = arith.constant 2 : i32
    %dma_wait3A_399 = arith.constant 0 : i32
    %dma_wait3A_400 = arith.constant 0 : i32
    %dma_wait3A_401 = tpu.memref_slice %arg9[%dma_wait3A_397, %dma_wait3A_398, %dma_wait3A_399, %dma_wait3A_400] : memref<2x4x32x128xf32, #tpu.memory_space<vmem>> -> memref<1x1x32x128xf32, #tpu.memory_space<vmem>>
    %dma_wait3A_402 = tpu.memref_squeeze %dma_wait3A_401 : memref<1x1x32x128xf32, #tpu.memory_space<vmem>> -> memref<32x128xf32, #tpu.memory_space<vmem>>
    %dma_wait3A_403 = arith.constant 0 : i32
    %dma_wait3A_404 = arith.constant 0 : i32
    %dma_wait3A_405 = tpu.memref_slice %arg2[%dma_wait3A_403, %dma_wait3A_404] : memref<32x1000000xf32, #tpu.memory_space<hbm>> -> memref<32x128xf32, #tpu.memory_space<hbm>>
    %dma_wait3A_406 = arith.constant 0 : i32
    %dma_wait3A_407 = arith.constant 0 : i32
    %dma_wait3A_408 = tpu.memref_slice %arg9[%dma_wait3A_397, %dma_wait3A_398, %dma_wait3A_406, %dma_wait3A_407] : memref<2x4x32x128xf32, #tpu.memory_space<vmem>> -> memref<1x1x32x128xf32, #tpu.memory_space<vmem>>
    %dma_wait3A_409 = tpu.memref_squeeze %dma_wait3A_408 : memref<1x1x32x128xf32, #tpu.memory_space<vmem>> -> memref<32x128xf32, #tpu.memory_space<vmem>>
    %dma_wait3A_410 = arith.constant 0 : i32
    %dma_wait3A_411 = arith.constant 0 : i32
    %dma_wait3A_412 = tpu.memref_slice %arg2[%dma_wait3A_410, %dma_wait3A_411] : memref<32x1000000xf32, #tpu.memory_space<hbm>> -> memref<32x128xf32, #tpu.memory_space<hbm>>
    tpu.wait_dma2 semaphore(%arg12 : memref<!tpu.dma_semaphore, #tpu.memory_space<semaphore_mem>>) src(%dma_wait3A_412 : memref<32x128xf32, #tpu.memory_space<hbm>>) dst(%dma_wait3A_409 : memref<32x128xf32, #tpu.memory_space<vmem>>)
    %dma_wait3A_413 = arith.constant 0 : i32
    %dma_wait3A_414 = arith.constant 2 : i32
    %dma_wait3A_415 = arith.constant 0 : i32
    %dma_wait3A_416 = arith.constant 0 : i32
    %dma_wait3A_417 = tpu.memref_slice %arg10[%dma_wait3A_413, %dma_wait3A_414, %dma_wait3A_415, %dma_wait3A_416] : memref<2x4x32x128xf32, #tpu.memory_space<vmem>> -> memref<1x1x32x128xf32, #tpu.memory_space<vmem>>
    %dma_wait3A_418 = tpu.memref_squeeze %dma_wait3A_417 : memref<1x1x32x128xf32, #tpu.memory_space<vmem>> -> memref<32x128xf32, #tpu.memory_space<vmem>>
    %dma_wait3A_419 = arith.constant 0 : i32
    %dma_wait3A_420 = arith.constant 0 : i32
    %dma_wait3A_421 = tpu.memref_slice %arg3[%dma_wait3A_419, %dma_wait3A_420] : memref<32x1000000xf32, #tpu.memory_space<hbm>> -> memref<32x128xf32, #tpu.memory_space<hbm>>
    %dma_wait3A_422 = arith.constant 0 : i32
    %dma_wait3A_423 = arith.constant 0 : i32
    %dma_wait3A_424 = tpu.memref_slice %arg10[%dma_wait3A_413, %dma_wait3A_414, %dma_wait3A_422, %dma_wait3A_423] : memref<2x4x32x128xf32, #tpu.memory_space<vmem>> -> memref<1x1x32x128xf32, #tpu.memory_space<vmem>>
    %dma_wait3A_425 = tpu.memref_squeeze %dma_wait3A_424 : memref<1x1x32x128xf32, #tpu.memory_space<vmem>> -> memref<32x128xf32, #tpu.memory_space<vmem>>
    %dma_wait3A_426 = arith.constant 0 : i32
    %dma_wait3A_427 = arith.constant 0 : i32
    %dma_wait3A_428 = tpu.memref_slice %arg3[%dma_wait3A_426, %dma_wait3A_427] : memref<32x1000000xf32, #tpu.memory_space<hbm>> -> memref<32x128xf32, #tpu.memory_space<hbm>>
    tpu.wait_dma2 semaphore(%arg12 : memref<!tpu.dma_semaphore, #tpu.memory_space<semaphore_mem>>) src(%dma_wait3A_428 : memref<32x128xf32, #tpu.memory_space<hbm>>) dst(%dma_wait3A_425 : memref<32x128xf32, #tpu.memory_space<vmem>>)
    %dma_wait3A_429 = arith.constant 0 : i32
    %dma_wait3A_430 = arith.constant 3 : i32
    %dma_wait3A_431 = arith.constant 0 : i32
    %dma_wait3A_432 = arith.constant 0 : i32
    %dma_wait3A_433 = tpu.memref_slice %arg9[%dma_wait3A_429, %dma_wait3A_430, %dma_wait3A_431, %dma_wait3A_432] : memref<2x4x32x128xf32, #tpu.memory_space<vmem>> -> memref<1x1x32x128xf32, #tpu.memory_space<vmem>>
    %dma_wait3A_434 = tpu.memref_squeeze %dma_wait3A_433 : memref<1x1x32x128xf32, #tpu.memory_space<vmem>> -> memref<32x128xf32, #tpu.memory_space<vmem>>
    %dma_wait3A_435 = arith.constant 0 : i32
    %dma_wait3A_436 = arith.constant 0 : i32
    %dma_wait3A_437 = tpu.memref_slice %arg2[%dma_wait3A_435, %dma_wait3A_436] : memref<32x1000000xf32, #tpu.memory_space<hbm>> -> memref<32x128xf32, #tpu.memory_space<hbm>>
    %dma_wait3A_438 = arith.constant 0 : i32
    %dma_wait3A_439 = arith.constant 0 : i32
    %dma_wait3A_440 = tpu.memref_slice %arg9[%dma_wait3A_429, %dma_wait3A_430, %dma_wait3A_438, %dma_wait3A_439] : memref<2x4x32x128xf32, #tpu.memory_space<vmem>> -> memref<1x1x32x128xf32, #tpu.memory_space<vmem>>
    %dma_wait3A_441 = tpu.memref_squeeze %dma_wait3A_440 : memref<1x1x32x128xf32, #tpu.memory_space<vmem>> -> memref<32x128xf32, #tpu.memory_space<vmem>>
    %dma_wait3A_442 = arith.constant 0 : i32
    %dma_wait3A_443 = arith.constant 0 : i32
    %dma_wait3A_444 = tpu.memref_slice %arg2[%dma_wait3A_442, %dma_wait3A_443] : memref<32x1000000xf32, #tpu.memory_space<hbm>> -> memref<32x128xf32, #tpu.memory_space<hbm>>
    tpu.wait_dma2 semaphore(%arg12 : memref<!tpu.dma_semaphore, #tpu.memory_space<semaphore_mem>>) src(%dma_wait3A_444 : memref<32x128xf32, #tpu.memory_space<hbm>>) dst(%dma_wait3A_441 : memref<32x128xf32, #tpu.memory_space<vmem>>)
    %dma_wait3A_445 = arith.constant 0 : i32
    %dma_wait3A_446 = arith.constant 3 : i32
    %dma_wait3A_447 = arith.constant 0 : i32
    %dma_wait3A_448 = arith.constant 0 : i32
    %dma_wait3A_449 = tpu.memref_slice %arg10[%dma_wait3A_445, %dma_wait3A_446, %dma_wait3A_447, %dma_wait3A_448] : memref<2x4x32x128xf32, #tpu.memory_space<vmem>> -> memref<1x1x32x128xf32, #tpu.memory_space<vmem>>
    %dma_wait3A_450 = tpu.memref_squeeze %dma_wait3A_449 : memref<1x1x32x128xf32, #tpu.memory_space<vmem>> -> memref<32x128xf32, #tpu.memory_space<vmem>>
    %dma_wait3A_451 = arith.constant 0 : i32
    %dma_wait3A_452 = arith.constant 0 : i32
    %dma_wait3A_453 = tpu.memref_slice %arg3[%dma_wait3A_451, %dma_wait3A_452] : memref<32x1000000xf32, #tpu.memory_space<hbm>> -> memref<32x128xf32, #tpu.memory_space<hbm>>
    %dma_wait3A_454 = arith.constant 0 : i32
    %dma_wait3A_455 = arith.constant 0 : i32
    %dma_wait3A_456 = tpu.memref_slice %arg10[%dma_wait3A_445, %dma_wait3A_446, %dma_wait3A_454, %dma_wait3A_455] : memref<2x4x32x128xf32, #tpu.memory_space<vmem>> -> memref<1x1x32x128xf32, #tpu.memory_space<vmem>>
    %dma_wait3A_457 = tpu.memref_squeeze %dma_wait3A_456 : memref<1x1x32x128xf32, #tpu.memory_space<vmem>> -> memref<32x128xf32, #tpu.memory_space<vmem>>
    %dma_wait3A_458 = arith.constant 0 : i32
    %dma_wait3A_459 = arith.constant 0 : i32
    %dma_wait3A_460 = tpu.memref_slice %arg3[%dma_wait3A_458, %dma_wait3A_459] : memref<32x1000000xf32, #tpu.memory_space<hbm>> -> memref<32x128xf32, #tpu.memory_space<hbm>>
    tpu.wait_dma2 semaphore(%arg12 : memref<!tpu.dma_semaphore, #tpu.memory_space<semaphore_mem>>) src(%dma_wait3A_460 : memref<32x128xf32, #tpu.memory_space<hbm>>) dst(%dma_wait3A_457 : memref<32x128xf32, #tpu.memory_space<vmem>>)
    %mul3A_461 = arith.constant 512 : i32
    %mul3A_462 = arith.muli %add3A, %mul3A_461 : i32
    "tpu.region"() ({
      %run_scoped3A = tpu.sem_alloc : memref<!tpu.dma_semaphore, #tpu.memory_space<semaphore_mem>>
      %dma_start3A_463 = tpu.memref_slice %arg6[%mul3A_462] : memref<16384xf32, #tpu.memory_space<hbm>> -> memref<512xf32, #tpu.memory_space<hbm>>
      %dma_start3A_464 = tpu.memref_slice %arg6[%mul3A_462] : memref<16384xf32, #tpu.memory_space<hbm>> -> memref<512xf32, #tpu.memory_space<hbm>>
      tpu.enqueue_dma source(%arg11 : memref<512xf32, #tpu.memory_space<vmem>>) target(%dma_start3A_464 : memref<512xf32, #tpu.memory_space<hbm>>) target_semaphore(%run_scoped3A : memref<!tpu.dma_semaphore, #tpu.memory_space<semaphore_mem>>)
      %dma_wait3A_465 = tpu.memref_slice %arg6[%mul3A_462] : memref<16384xf32, #tpu.memory_space<hbm>> -> memref<512xf32, #tpu.memory_space<hbm>>
      %dma_wait3A_466 = tpu.memref_slice %arg6[%mul3A_462] : memref<16384xf32, #tpu.memory_space<hbm>> -> memref<512xf32, #tpu.memory_space<hbm>>
      tpu.wait_dma2 semaphore(%run_scoped3A : memref<!tpu.dma_semaphore, #tpu.memory_space<semaphore_mem>>) src(%arg11 : memref<512xf32, #tpu.memory_space<vmem>>) dst(%dma_wait3A_466 : memref<512xf32, #tpu.memory_space<hbm>>)
      tpu.yield
    }) : () -> ()
    return
  }
}

</mosaic_0001>

<sc_bundles>
// kernel: _mf.3.cloned.1.call-start
scs
__scs_entry_jumppad:
0x0: {  	(pc) =	sbr.rel $0x88, $3  }
0x1: {  	(tag) =	ssettag $0x0;
	lr =	simm.s32 $0x1  }
0x2: {  	[smem:$0x3F9D] =	sst lr;
	_ =	strace $0xD0000000  }
0x3: {  	_ = 	snop  }
0x4: {  	_ = 	snop  }
0x5: {  	_ = 	snop  }
0x6: {  	_ = 	snop  }
0x7: {  	_ = 	snop  }
__scs_overlays_trampoline_lowered:
0x8: {  	[smem:$0x3FAC] =	sst s0  }
0x9: {  	[smem:$0x3FAD] =	sst s1  }
0xa: {  	[smem:$0x3FAE] =	sst s2  }
0xb: {  	[smem:$0x3FAF] =	sst s3  }
0xc: {  	[smem:$0x3FB0] =	sst s4  }
0xd: {  	[smem:$0x3FB1] =	sst s5  }
0xe: {  	[smem:$0x3FB2] =	sst s6  }
0xf: {  	[smem:$0x3FB3] =	sst s7  }
0x10: {  	[smem:$0x3FB4] =	sst s8  }
0x11: {  	[smem:$0x3FB5] =	sst s9;
	s0 =	simm.s32 @!p0 $0x0  }
0x12: {  	s1 =	sld [smem:$0x3F9B];
	s0 =	simm.s32 @p0 $0x1  }
0x13: {  	[smem:$0x3FB6] =	sst s0;
	s0 =	simm.s32 @!p1 $0x0  }
0x14: {  	s2 =	sld [smem:$0x3F9A];
	s0 =	simm.s32 @p1 $0x1  }
0x15: {  	[smem:$0x3FB7] =	sst s0;
	s0 =	simm.s32 @!p2 $0x0  }
0x16: {  	s3 =	sld [smem:$0x3FDB];
	s0 =	simm.s32 @p2 $0x1  }
0x17: {  	s4 =	simm.s32 $0x1BF5;
	[smem:$0x3FB9] =	sst s0  }
0x18: {  	s0 =	sld [smem:$0x3F9C];
	_ =	swait.ge [sflag:s4], $0x0  }
0x19: {  	s7 =	sld [smem:$0x3F9D]  }
0x1a: {  	s8 =	sadd.s32 $0xFFFFE003, lr  }
0x1b: {  	s9 =	sadd.s32 $0xFFFFFEF7, lr;
	s5 =	simm.s32 $0xFFFFFFFF;
	p2 =	slt.u32 s8, $0xFFFFF086  }
0x1c: {  	p1 =	slt.u32 s9, $0xF7A;
	s5 =	simm.s32 @!p2 $0x0  }
0x1d: {  	s5 =	simm.s32 @p1 $0x1;
	p0 =	seq.s32 s7, s2  }
0x1e: {  	s7 =	smul.u32 @!p0 $0xF7A, s2;
	p2 =	seq.s32 @!p0 s5, $0x0  }
0x1f: {  	s9 =	smul.u32 $0xF7A, s1;
	s8 =	simm.s32 @!p0 $0x1BF5;
	p2 =	por !p2, p0  }
0x20: {  	[sflag:s8] =	ssyncset.s32 @!p0 $0xFFFFF086;
	s6 =	sadd.s32 @!p0 s3, s7;
	s7 =	simm.s32 @!p0 $0x108  }
0x21: {  	s3 =	sadd.s32 s3, s9;
	s6 =	sadd.s32 @!p0 $0x88, s6;
	s7 =	simm.s32 @p2 $0x1082  }
0x22: {  	[simem:s7], [sflag:s8] =	dma.local @!p0 [hbm:s6], $0xF7A  }
0x23: {  	s9 =	sor.u32 $0xD0000000, s2;
	s6 =	simm.s32 $0x108;
	_ =	swait.ge @!p0 [sflag:s8], $0x0  }
0x24: {  	s3 =	sadd.s32 $0x88, s3;
	s6 =	simm.s32 @!p1 $0x1082;
	[sflag:s4] =	ssyncset.s32 $0xFFFFF086  }
0x25: {  	[simem:s6], [sflag:s4] =	dma.local [hbm:s3], $0xF7A  }
0x26: {  	[smem:$0x3F9D] =	sst s1;
	(tag) =	ssettag s2;
	_ =	strace s9  }
0x27: {  	s1 =	sld [smem:$0x3FAD]  }
0x28: {  	s2 =	sld [smem:$0x3FAE]  }
0x29: {  	s4 =	sld [smem:$0x3FB0]  }
0x2a: {  	p0 =	seq.s32 s5, $0x0;
	s5 =	sld [smem:$0x3FB1]  }
0x2b: {  	s6 =	sld [smem:$0x3FB2]  }
0x2c: {  	s7 =	sld [smem:$0x3FB3]  }
0x2d: {  	s3 =	simm.s32 $0x108;
	s8 =	sld [smem:$0x3FB4]  }
0x2e: {  	s3 =	simm.s32 @!p0 $0x1082;
	s9 =	sld [smem:$0x3FB5]  }
0x2f: {  	lr =	sadd.s32 s0, s3;
	s0 =	sld [smem:$0x3FAC]  }
0x30: {  	s3 =	sld [smem:$0x3FAF]  }
0x31: {  	[smem:$0x3FB8] =	sst s10  }
0x32: {  	s10 =	sld [smem:$0x3FB6];
	_ =	sdelay $0x3  }
0x33: {  	p0 =	seq.s32 s10, $0x1;
	s10 =	sld [smem:$0x3FB8];
	_ =	sdelay $0x3  }
0x34: {  	[smem:$0x3FB8] =	sst s10  }
0x35: {  	s10 =	sld [smem:$0x3FB7];
	_ =	sdelay $0x3  }
0x36: {  	p1 =	seq.s32 s10, $0x1;
	s10 =	sld [smem:$0x3FB8];
	_ =	sdelay $0x3  }
0x37: {  	[smem:$0x3FB8] =	sst s10  }
0x38: {  	s10 =	sld [smem:$0x3FB9]  }
0x39: {  	_ = 	snop;
	(pc) =	sbr.ind lr, $3  }
0x3a: {  	_ = 	snop  }
0x3b: {  	_ = 	snop  }
0x3c: {  	p2 =	seq.s32 s10, $0x1;
	s10 =	sld [smem:$0x3FB8]  }
0x3d: {  	_ =	shalt  }
0x3e: {  	_ =	shalt  }
0x3f: {  	_ =	shalt  }
0x40: {  	_ =	shalt  }
0x41: {  	_ =	shalt  }
0x42: {  	_ =	shalt  }
0x43: {  	_ =	shalt  }
0x44: {  	_ =	shalt  }
0x45: {  	_ =	shalt  }
0x46: {  	_ =	shalt  }
0x47: {  	_ =	shalt  }
0x48: {  	_ =	shalt  }
0x49: {  	_ =	shalt  }
0x4a: {  	_ =	shalt  }
0x4b: {  	_ =	shalt  }
0x4c: {  	_ =	shalt  }
0x4d: {  	_ =	shalt  }
0x4e: {  	_ =	shalt  }
0x4f: {  	_ =	shalt  }
0x50: {  	_ =	shalt  }
0x51: {  	_ =	shalt  }
0x52: {  	_ =	shalt  }
0x53: {  	_ =	shalt  }
0x54: {  	_ =	shalt  }
0x55: {  	_ =	shalt  }
0x56: {  	_ =	shalt  }
0x57: {  	_ =	shalt  }
0x58: {  	_ =	shalt  }
0x59: {  	_ =	shalt  }
0x5a: {  	_ =	shalt  }
0x5b: {  	_ =	shalt  }
0x5c: {  	_ =	shalt  }
0x5d: {  	_ =	shalt  }
0x5e: {  	_ =	shalt  }
0x5f: {  	_ =	shalt  }
0x60: {  	_ =	shalt  }
0x61: {  	_ =	shalt  }
0x62: {  	_ =	shalt  }
0x63: {  	_ =	shalt  }
0x64: {  	_ =	shalt  }
0x65: {  	_ =	shalt  }
0x66: {  	_ =	shalt  }
0x67: {  	_ =	shalt  }
0x68: {  	_ =	shalt  }
0x69: {  	_ =	shalt  }
0x6a: {  	_ =	shalt  }
0x6b: {  	_ =	shalt  }
0x6c: {  	_ =	shalt  }
0x6d: {  	_ =	shalt  }
0x6e: {  	_ =	shalt  }
0x6f: {  	_ =	shalt  }
0x70: {  	_ =	shalt  }
0x71: {  	_ =	shalt  }
0x72: {  	_ =	shalt  }
0x73: {  	_ =	shalt  }
0x74: {  	_ =	shalt  }
0x75: {  	_ =	shalt  }
0x76: {  	_ =	shalt  }
0x77: {  	_ =	shalt  }
0x78: {  	_ =	shalt  }
0x79: {  	_ =	shalt  }
0x7a: {  	_ =	shalt  }
0x7b: {  	_ =	shalt  }
0x7c: {  	_ =	shalt  }
0x7d: {  	_ =	shalt  }
0x7e: {  	_ =	shalt  }
0x7f: {  	_ =	shalt  }
0x80: {  	_ =	shalt  }
0x81: {  	_ =	shalt  }
0x82: {  	_ =	shalt  }
0x83: {  	_ =	shalt  }
0x84: {  	_ =	shalt  }
0x85: {  	_ =	shalt  }
0x86: {  	_ =	shalt  }
0x87: {  	_ =	shalt  }
.Lfunc_end0:
.L_simem_size_0:
called_computation_lowered:
.L_overlay_start_0:
0x88: {  	s2 =	sld [smem:$0x3FD9]  }
0x89: {  	s3 =	sld [smem:$0x3FFE];
	_ =	sdelay $0x1  }
0x8a: {  	s1 =	srdreg.scid  }
0x8b: {  	s0 =	sand.u32 $0x1, s1  }
0x8c: {  	s18 =	sshll.u32 s0, $0xA;
	s2 =	sadd.s32 s3, s2  }
0x8d: {  	s2 =	sadd.s32 s2, s18  }
0x8e: {  	[smem:$0x3FC4] =	sst s2  }
0x8f: {  	_ = 	snop  }
0x90: {  	s2 =	sld [smem:$0x3FC9]  }
0x91: {  	s19 =	sld [smem:$0x3FC8]  }
0x92: {  	s4 =	sld [smem:$0x3FC7]  }
0x93: {  	s5 =	sld [smem:$0x3FC6]  }
0x94: {  	s6 =	sld [smem:$0x3FD0];
	(tm) =	ssettm $0x1  }
0x95: {  	s7 =	sld [smem:$0x3FFB];
	_ =	sdelay $0x3  }
0x96: {  	_ =	strace s7  }
0x97: {  	s7 =	sld [smem:$0x3FFC];
	_ =	sdelay $0x3  }
0x98: {  	_ =	strace s7  }
0x99: {  	s7 =	sld [smem:$0x3FFD];
	_ =	sdelay $0x3  }
0x9a: {  	_ =	strace s7  }
0x9b: {  	_ =	strace $0x8FFFFFFF  }
0x9c: {  	s20 =	sld [smem:$0x3FDB];
	_ =	sdelay $0x1  }
0x9d: {  	s8 =	simm.s32 $_scs_section_size  }
0x9e: {  	s9 =	simm.s32 $_size__tile_overlayer_lowered;
	s10 =	simm.s32 $_tile_overlayer_lowered  }
0x9f: {  	s23 =	simm.s32 $0x1BFF;
	s22 =	sshll.u32 s10, $0x1;
	s7 =	sadd.s32 s8, s20  }
0xa0: {  	s11 =	simm.s32 $0x0;
	s21 =	sshll.u32 s9, $0x1;
	s9 =	sadd.s32 s22, s7  }
0xa1: {  	[timem:s11], [sflag:s23] =	dma.local [hbm:s9], s21  }
0xa2: {  	_ =	swait.ge [sflag:s23], s21  }
0xa3: {  	s8 =	ssub.s32 $0x0, s21;
	[sflag:s23] =	ssyncset.done $0x0  }
0xa4: {  	[sflag:s23] =	ssyncadd.s32 s8;
	_ =	sdelay $0x1  }
0xa5: {  	s24 =	simm.s32 $0x1B8B  }
0xa6: {  	_ =	swait.ge [sflag:s24], $0x1  }
0xa7: {  	[sflag:s24] =	ssyncset.done $0x0  }
0xa8: {  	s25 =	simm.s32 $0x1B8E;
	[sflag:s24] =	ssyncadd.s32 $0xFFFFFFFF  }
0xa9: {  	s26 =	simm.s32 $execute0_lowered;
	[smem:$0x3FD2] =	sst s25  }
0xaa: {  	s8 =	sshll.u32 s26, $0x1;
	_ =	strace $0x80000046;
	[dreg:$0x1] =	wrdreg $0xFFFFFFFF  }
0xab: {  	s28 =	simm.s32 $_size_execute0_lowered;
	s7 =	sadd.s32 s7, s8;
	[dreg:$0x0] =	wrdreg $0x0  }
0xac: {  	s8 =	sshll.u32 s28, $0x1;
	[dreg:$0x2] =	wrdreg s7  }
0xad: {  	[dreg:$0x3] =	wrdreg s8  }
0xae: {  	[dreg:$0x4] =	wrdreg $0xC0  }
0xaf: {  	_ =	task [dreg:s11], $0x5FFFF  }
0xb0: {  	[dreg:$0x1] =	wrdreg $0xFFFFFFFF  }
0xb1: {  	[dreg:$0x0] =	wrdreg $0x60  }
0xb2: {  	[dreg:$0x2] =	wrdreg s2  }
0xb3: {  	[dreg:$0x3] =	wrdreg s19  }
0xb4: {  	[dreg:$0x4] =	wrdreg s4  }
0xb5: {  	[dreg:$0x5] =	wrdreg s5  }
0xb6: {  	[dreg:$0x6] =	wrdreg s6  }
0xb7: {  	[dreg:$0x7] =	wrdreg $0x9  }
0xb8: {  	_ =	task.clear_ibuf [dreg:s11], $0x8FFFF;
	_ =	strace $0x90000046  }
0xb9: {  	s29 =	simm.s32 $0x9;
	_ =	strace $0x80000048  }
0xba: {  	_ =	swait.ge [sflag:s29], $0x1  }
0xbb: {  	[sflag:s29] =	ssyncadd.s32 $0xFFFFFFFF  }
0xbc: {  	_ =	strace $0x90000048  }
0xbd: {  	_ =	sfence  }
0xbe: {  	s30 =	sld [smem:$0x0];
	_ =	sdelay $0x2  }
0xbf: {  	s31 =	sshll.u32 s1, $0xD;
	s1 =	sshrl.u32 s1, $0x2  }
0xc0: {  	s3 =	sand.u32 $0x4000, s31;
	s1 =	sadd.s32 s1, s30  }
0xc1: {  	s0 =	sor.u32 s3, s0;
	s1 =	sshll.u32 s1, $0x11  }
0xc2: {  	s0 =	sor.u32 s1, s0  }
0xc3: {  	s0 =	sadd.s32 $0x8F2B, s0  }
0xc4: {  	[sflag:s0] =	ssyncadd.remote.s32 $0x1  }
0xc5: {  	_ =	sfence.sel $0xFFFF  }
0xc6: {  	[dreg:$0x0] =	wrdreg $0xFFFFFFFF;
	(pc) =	sbr.abs _section_cstart, $3  }
0xc7: {  	[dreg:$0x1] =	wrdreg $0xFFFFFFFF  }
0xc8: {  	_ =	task.clear_ibuf [dreg:s11], $0x2FFFF;
	_ =	strace $0x9FFFFFFF  }
0xc9: {  	(tm) =	ssettm $0x7FFFFFFF  }
tec
execute0_lowered:
.L_overlay_start_1:
0x0: {  	(tag) =	ssettag $0x1  }
0x1: {  	s1 =	rddreg [dreg:$0x0]  }
0x2: {  	s2 =	rddreg [dreg:$0x1]  }
0x3: {  	s0 =	rddreg [dreg:$0x2]  }
0x4: {  	s3 =	rddreg [dreg:$0x3]  }
0x5: {  	s4 =	rddreg [dreg:$0x4]  }
0x6: {  	s5 =	srdreg.scid;
	s7 =	stileid.u32  }
0x7: {  	s11 =	simm.s32 $0x0;
	s10 =	simm.s32 $0x400;
	s12 =	simm.s32 $0x1  }
0x8: {  	s13 =	simm.s32 $0x7A1400;
	s14 =	simm.s32 $0x8400;
	s28 =	simm.s32 $0x9400  }
0x9: {  	s29 =	simm.s32 $0x2400;
	s16 =	simm.s32 $0x4400;
	s20 =	simm.s32 $0xC400  }
0xa: {  	v0 =	vlaneseq.u32;
	vm0 =	vmmov $0x1;
	s17 =	simm.s32 $0x5400;
	s18 =	simm.s32 $0xD400;
	s19 =	simm.s32 $0x6400  }
0xb: {  	vm1 =	vmmov $0x3;
	vm2 =	vmmov $0x7;
	vm3 =	vmmov $0xf;
	s23 =	simm.s32 $0xE400;
	s24 =	simm.s32 $0x7400;
	s30 =	simm.s32 $0x2  }
0xc: {  	vm4 =	vmmov $0x1f;
	vm5 =	vmmov $0x3f;
	vm6 =	vmmov $0x7f;
	s5 =	sand.u32 $0x1, s5;
	s6 =	sshll.u32 s7, $0x1;
	[smem:$0x7FF] =	sst s11  }
0xd: {  	vm7 =	vmmov $0xff;
	vm8 =	vmmov $0x1ff;
	vm9 =	vmmov $0x3ff;
	s7 =	sshll.u32 s7, $0x7;
	s6 =	sor.u32 s5, s6;
	s5 =	ssub.s32 $0x2, s5  }
0xe: {  	vm10 =	vmmov $0x7ff;
	vm11 =	vmmov $0xfff;
	v0 =	vmul.u32 $0x80, v0;
	_ =	strace $0x80000047;
	s8 =	sshll.u32 s6, $0x4;
	s9 =	sshrl.u32 s5, $0x1  }
0xf: {  	vm12 =	vmmov $0x1fff;
	vm13 =	vmmov $0x3fff;
	vm14 =	vmmov $0x7fff;
	s6 =	sshll.u32 s6, $0x6;
	s7 =	sor.u32 s7, s8;
	s5 =	ssub.s32 s5, s9  }
0x10: {  	v1 =	vor.u32 $0x800, v0;
	v2 =	vor.u32 $0x1000, v0;
	v3 =	vor.u32 $0x1800, v0;
	s26 =	sadd.s32 s4, s6;
	s8 =	simm.s32 $0x3400;
	s9 =	simm.s32 $0xB400  }
0x11: {  	v4 =	vor.u32 $0x2000, v0;
	v5 =	vor.u32 $0x2800, v0;
	v6 =	vor.u32 $0x3000, v0;
	s7 =	sand.u32 $0x670, s7;
	[dreg:$0x8] =	wrdreg s26;
	s31 =	smax.u32 s5, $0x1  }
0x12: {  	v7 =	vor.u32 $0x3800, v0;
	v8 =	vor.u32 $0x4000, v0;
	v9 =	vor.u32 $0x4800, v0;
	s5 =	simm.s32 $0x3;
	s0 =	sadd.s32 s0, s7;
	[dreg:$0x9] =	wrdreg s31  }
0x13: {  	v10 =	vor.u32 $0x5000, v0;
	v11 =	vor.u32 $0x5800, v0;
	v12 =	vor.u32 $0x6000, v0;
	s26 =	simm.s32 $0x1400;
	s25 =	sadd.s32 s3, s7;
	[dreg:$0x6] =	wrdreg s0  }
0x14: {  	v13 =	vor.u32 $0x6800, v0;
	v14 =	vor.u32 $0x7000, v0;
	v15 =	vor.u32 $0x7800, v0;
	s7 =	simm.s32 $0xA400;
	s3 =	simm.s32 $0x0;
	[dreg:$0x7] =	wrdreg s25  }
.LBB2_1:
0x15: {  	[dreg:$0xa] =	wrdreg s3  }
0x16: {  	s0 =	rddreg [dreg:$0x6];
	s4 =	simm.s32 $0x80  }
0x17: {  	[tilespmem:s11], [sflag:$0x3] =	stream.strided.gather [hbm4b:s0+s4], $0x200, s10, s4, $0x38;
	[tilespmem:$0x10600] =	vst v63  }
0x18: {  	_ =	swait.ge [sflag:s5], $0x200  }
0x19: {  	[sflag:s5] =	ssyncset.done $0x0  }
0x1a: {  	s3 =	simm.s32 $0x200;
	s15 =	rddreg [dreg:$0x7];
	[sflag:s5] =	ssyncadd.s32 $0xFFFFFE00  }
0x1b: {  	[tilespmem:s3], [sflag:$0x3] =	stream.strided.gather [hbm4b:s15+s4], $0x200, s10, s4, $0x38;
	[tilespmem:$0x10600] =	vst v63  }
0x1c: {  	_ =	swait.ge [sflag:s5], $0x200  }
0x1d: {  	[sflag:s5] =	ssyncset.done $0x0  }
0x1e: {  	[sflag:s5] =	ssyncadd.s32 $0xFFFFFE00  }
0x1f: {  	v16 =	vld [tilespmem:$0x200];
	_ =	sdelay $0x2  }
0x20: {  	v17 =	vld [tilespmem:$0x0];
	_ =	sdelay $0x1  }
0x21: {  	(v2sf) =	vpush v16, $0x0;
	_ =	sdelay $0x2  }
0x22: {  	(v2sf) =	vpush v17, $0x0;
	_ =	sdelay $0xa  }
0x23: {  	(v2sf) =	vpush v16, $0x1  }
0x24: {  	s21 =	spop (v2sf);
	(v2sf) =	vpush v17, $0x1;
	_ =	sdelay $0x2  }
0x25: {  	s25 =	spop (v2sf)  }
0x26: {  	s5 =	simm.s32 $0x1;
	s11 =	sand.u32 $0x7F, s25  }
0x27: {  	s15 =	sshra.s32 s25, $0x1F;
	p2 =	slt.s32 s25, $0x1;
	p1 =	sne.s32 s11, $0x0  }
0x28: {  	s22 =	sand.u32 $0x7F, s21;
	s4 =	sshrl.u32 s15, $0x19;
	p1 =	por !p2, !p1  }
0x29: {  	s6 =	sshra.s32 s21, $0x1F;
	s4 =	sadd.s32 s4, s25;
	p1 =	por !p1, !p1  }
0x2a: {  	p6 =	slt.s32 s21, $0x1;
	s4 =	sshrl.u32 s4, $0x7;
	s5 =	simm.s32 @!p1 $0x0  }
0x2b: {  	p0 =	sne.s32 s22, $0x0;
	s6 =	sshrl.u32 s6, $0x19;
	s4 =	ssub.s32 s4, s5  }
0x2c: {  	s0 =	sadd.s32 s6, s21;
	p0 =	por !p6, !p0;
	s4 =	sshll.u32 s4, $0x7  }
0x2d: {  	p0 =	por !p0, !p0;
	s5 =	simm.s32 $0x1;
	s4 =	sand.u32 $0x1FFFFF80, s4  }
0x2e: {  	(v2sf) =	vpush v16, $0x2;
	s0 =	sshrl.u32 s0, $0x7;
	s5 =	simm.s32 @!p0 $0x0;
	s4 =	sadd.s32 s1, s4  }
0x2f: {  	[tilespmem:s10], [sflag:$0x1] =	stream.strided.gather [hbm4b:s4+s10], $0x1000, s13, s10, $0x38;
	[tilespmem:$0x10600] =	vst v63  }
0x30: {  	s0 =	ssub.s32 s0, s5;
	s4 =	spop (v2sf)  }
0x31: {  	s0 =	sshll.u32 s0, $0x7;
	s22 =	spop (v2sf);
	(v2sf) =	vpush v17, $0x2  }
0x32: {  	s5 =	simm.s32 $0x1;
	s0 =	sand.u32 $0x1FFFFF80, s0  }
0x33: {  	s0 =	sadd.s32 s2, s0;
	s21 =	sand.u32 $0x7F, s4;
	s25 =	sshra.s32 s4, $0x1F  }
0x34: {  	[tilespmem:s14], [sflag:$0x1] =	stream.strided.gather [hbm4b:s0+s10], $0x1000, s13, s10, $0x38;
	[tilespmem:$0x10600] =	vst v63  }
0x35: {  	p6 =	slt.s32 s4, $0x1;
	p3 =	sne.s32 s21, $0x0;
	s11 =	sand.u32 $0x7F, s22  }
0x36: {  	s15 =	sshra.s32 s22, $0x1F;
	p5 =	slt.s32 s22, $0x1;
	p4 =	sne.s32 s11, $0x0  }
0x37: {  	s6 =	sshrl.u32 s25, $0x19;
	s0 =	sshrl.u32 s15, $0x19;
	p1 =	por !p5, !p4  }
0x38: {  	s4 =	sadd.s32 s6, s4;
	s0 =	sadd.s32 s0, s22;
	p1 =	por !p1, !p1  }
0x39: {  	p0 =	por !p6, !p3;
	s0 =	sshrl.u32 s0, $0x7;
	s5 =	simm.s32 @!p1 $0x0  }
0x3a: {  	p0 =	por !p0, !p0;
	s0 =	ssub.s32 s0, s5;
	s5 =	simm.s32 $0x1  }
0x3b: {  	s4 =	sshrl.u32 s4, $0x7;
	s0 =	sshll.u32 s0, $0x7;
	s5 =	simm.s32 @!p0 $0x0  }
0x3c: {  	s0 =	sand.u32 $0x1FFFFF80, s0;
	s4 =	ssub.s32 s4, s5  }
0x3d: {  	s0 =	sadd.s32 s1, s0;
	s21 =	sshll.u32 s4, $0x7;
	s4 =	spop (v2sf)  }
0x3e: {  	(v2sf) =	vpush v16, $0x3;
	[tilespmem:s26], [sflag:$0x1] =	stream.strided.gather [hbm4b:s0+s10], $0x1000, s13, s10, $0x38;
	[tilespmem:$0x10600] =	vst v63  }
0x3f: {  	s5 =	simm.s32 $0x1;
	s0 =	sand.u32 $0x1FFFFF80, s21;
	s22 =	sand.u32 $0x7F, s4  }
0x40: {  	s11 =	sshra.s32 s4, $0x1F;
	s0 =	sadd.s32 s2, s0;
	s25 =	spop (v2sf);
	(v2sf) =	vpush v17, $0x3  }
0x41: {  	[tilespmem:s28], [sflag:$0x1] =	stream.strided.gather [hbm4b:s0+s10], $0x1000, s13, s10, $0x38;
	[tilespmem:$0x10600] =	vst v63  }
0x42: {  	p6 =	slt.s32 s4, $0x1;
	p3 =	sne.s32 s22, $0x0;
	s15 =	sand.u32 $0x7F, s25  }
0x43: {  	s21 =	sshra.s32 s25, $0x1F;
	p5 =	slt.s32 s25, $0x1;
	p4 =	sne.s32 s15, $0x0  }
0x44: {  	s6 =	sshrl.u32 s11, $0x19;
	s0 =	sshrl.u32 s21, $0x19;
	p1 =	por !p5, !p4  }
0x45: {  	s4 =	sadd.s32 s6, s4;
	s0 =	sadd.s32 s0, s25;
	p1 =	por !p1, !p1  }
0x46: {  	p0 =	por !p6, !p3;
	s0 =	sshrl.u32 s0, $0x7;
	s5 =	simm.s32 @!p1 $0x0  }
0x47: {  	p0 =	por !p0, !p0;
	s0 =	ssub.s32 s0, s5;
	s5 =	simm.s32 $0x1  }
0x48: {  	s4 =	sshrl.u32 s4, $0x7;
	s0 =	sshll.u32 s0, $0x7;
	s5 =	simm.s32 @!p0 $0x0  }
0x49: {  	s0 =	sand.u32 $0x1FFFFF80, s0;
	s4 =	ssub.s32 s4, s5  }
0x4a: {  	s0 =	sadd.s32 s1, s0;
	s22 =	sshll.u32 s4, $0x7  }
0x4b: {  	[tilespmem:s29], [sflag:$0x1] =	stream.strided.gather [hbm4b:s0+s10], $0x1000, s13, s10, $0x38;
	[tilespmem:$0x10600] =	vst v63  }
0x4c: {  	s0 =	sand.u32 $0x1FFFFF80, s22  }
0x4d: {  	s5 =	simm.s32 $0x1;
	s25 =	spop (v2sf);
	s0 =	sadd.s32 s2, s0  }
0x4e: {  	[tilespmem:s7], [sflag:$0x1] =	stream.strided.gather [hbm4b:s0+s10], $0x1000, s13, s10, $0x38;
	[tilespmem:$0x10600] =	vst v63  }
0x4f: {  	s15 =	sshra.s32 s25, $0x1F;
	p6 =	slt.s32 s25, $0x1;
	s11 =	spop (v2sf)  }
0x50: {  	s6 =	sshrl.u32 s15, $0x19;
	s7 =	sand.u32 $0x7F, s25;
	s21 =	sand.u32 $0x7F, s11  }
0x51: {  	s22 =	sshra.s32 s11, $0x1F;
	p5 =	slt.s32 s11, $0x1;
	p4 =	sne.s32 s21, $0x0  }
0x52: {  	s4 =	sadd.s32 s6, s25;
	s0 =	sshrl.u32 s22, $0x19;
	p1 =	por !p5, !p4  }
0x53: {  	p3 =	sne.s32 s7, $0x0;
	s0 =	sadd.s32 s0, s11;
	p1 =	por !p1, !p1  }
0x54: {  	p0 =	por !p6, !p3;
	s0 =	sshrl.u32 s0, $0x7;
	s5 =	simm.s32 @!p1 $0x0  }
0x55: {  	p0 =	por !p0, !p0;
	s0 =	ssub.s32 s0, s5;
	s5 =	simm.s32 $0x1  }
0x56: {  	s4 =	sshrl.u32 s4, $0x7;
	s0 =	sshll.u32 s0, $0x7;
	s5 =	simm.s32 @!p0 $0x0  }
0x57: {  	s0 =	sand.u32 $0x1FFFFF80, s0;
	s4 =	ssub.s32 s4, s5  }
0x58: {  	s0 =	sadd.s32 s1, s0;
	s25 =	sshll.u32 s4, $0x7  }
0x59: {  	[tilespmem:s8], [sflag:$0x1] =	stream.strided.gather [hbm4b:s0+s10], $0x1000, s13, s10, $0x38;
	[tilespmem:$0x10600] =	vst v63  }
0x5a: {  	s0 =	sand.u32 $0x1FFFFF80, s25  }
0x5b: {  	s0 =	sadd.s32 s2, s0  }
0x5c: {  	[tilespmem:s9], [sflag:$0x1] =	stream.strided.gather [hbm4b:s0+s10], $0x1000, s13, s10, $0x38;
	[tilespmem:$0x10600] =	vst v63  }
0x5d: {  	s31 =	simm.s32 $0x10400;
	s4 =	simm.s32 $0x0;
	s9 =	simm.s32 $0x1  }
.LBB2_2:
0x5e: {  	v23 =	vld [tilespmem:s4+$0x0];
	_ =	sdelay $0x1  }
0x5f: {  	v18 =	vld [tilespmem:s3+$0x0];
	_ =	sdelay $0x2  }
0x60: {  	(v2sf) =	vpush v23, $0x4;
	_ =	sdelay $0x1  }
0x61: {  	(v2sf) =	vpush v18, $0x4;
	_ =	sdelay $0xb  }
0x62: {  	(v2sf) =	vpush v23, $0x5  }
0x63: {  	s6 =	spop (v2sf)  }
0x64: {  	s0 =	sshra.s32 s6, $0x1F  }
0x65: {  	(v2sf) =	vpush v18, $0x5;
	s8 =	spop (v2sf);
	s0 =	sshrl.u32 s0, $0x19  }
0x66: {  	s11 =	sshra.s32 s8, $0x1F;
	s0 =	sadd.s32 s0, s6  }
0x67: {  	s5 =	smin.u32 s9, $0x1F;
	s11 =	sshrl.u32 s11, $0x19;
	s7 =	sand.u32 $0xFFFFFF80, s0  }
0x68: {  	p0 =	slt.s32 s6, $0x1;
	s25 =	sadd.s32 s11, s8;
	p1 =	sne.s32 s6, s7  }
0x69: {  	s15 =	simm.s32 $0x1;
	s11 =	sand.u32 $0xFFFFFF80, s25;
	p0 =	por !p0, !p1  }
0x6a: {  	p6 =	slt.s32 s8, $0x1;
	p2 =	sne.s32 s8, s11;
	p0 =	por !p0, !p0  }
0x6b: {  	s0 =	sshrl.u32 s0, $0x7;
	p2 =	por !p6, !p2;
	s15 =	simm.s32 @!p0 $0x0  }
0x6c: {  	s11 =	simm.s32 $0x1;
	p0 =	por !p2, !p2;
	s0 =	ssub.s32 s0, s15  }
0x6d: {  	s7 =	sshrl.u32 s25, $0x7;
	s11 =	simm.s32 @!p0 $0x0;
	s0 =	sshll.u32 s0, $0x7  }
0x6e: {  	s5 =	sshll.u32 s5, $0x4;
	s7 =	ssub.s32 s7, s11;
	s0 =	sand.u32 $0x1FFFFF80, s0  }
0x6f: {  	v16 =	vld [tilespmem:s5+$0x0];
	s11 =	sshll.u32 s7, $0x7;
	s0 =	sadd.s32 s1, s0  }
0x70: {  	v17 =	vld [tilespmem:s5+$0x200];
	[tilespmem:s16], [sflag:$0x2] =	stream.strided.gather [hbm4b:s0+s10], $0x1000, s13, s10, $0x38  }
0x71: {  	(v2sf) =	vpush v23, $0x6;
	s21 =	spop (v2sf);
	s0 =	sand.u32 $0x1FFFFF80, s11  }
0x72: {  	s15 =	sshra.s32 s21, $0x1F;
	s0 =	sadd.s32 s2, s0  }
0x73: {  	[tilespmem:s20], [sflag:$0x2] =	stream.strided.gather [hbm4b:s0+s10], $0x1000, s13, s10, $0x38;
	[tilespmem:$0x10600] =	vst v63  }
0x74: {  	(v2sf) =	vpush v18, $0x6;
	s22 =	spop (v2sf);
	s0 =	sshrl.u32 s15, $0x19  }
0x75: {  	s20 =	sshra.s32 s22, $0x1F;
	s0 =	sadd.s32 s0, s21  }
0x76: {  	s7 =	sshrl.u32 s20, $0x19;
	s16 =	sand.u32 $0xFFFFFF80, s0  }
0x77: {  	p3 =	slt.s32 s21, $0x1;
	s25 =	sadd.s32 s7, s22;
	p4 =	sne.s32 s21, s16  }
0x78: {  	p5 =	slt.s32 s22, $0x1;
	s7 =	sand.u32 $0xFFFFFF80, s25;
	p0 =	por !p3, !p4  }
0x79: {  	s11 =	simm.s32 $0x1;
	p6 =	sne.s32 s22, s7;
	p0 =	por !p0, !p0  }
0x7a: {  	s0 =	sshrl.u32 s0, $0x7;
	p2 =	por !p5, !p6;
	s11 =	simm.s32 @!p0 $0x0  }
0x7b: {  	s7 =	simm.s32 $0x1;
	p0 =	por !p2, !p2;
	s0 =	ssub.s32 s0, s11  }
0x7c: {  	s5 =	sshrl.u32 s25, $0x7;
	s7 =	simm.s32 @!p0 $0x0;
	s0 =	sshll.u32 s0, $0x7  }
0x7d: {  	s5 =	ssub.s32 s5, s7;
	s0 =	sand.u32 $0x1FFFFF80, s0  }
0x7e: {  	s15 =	sshll.u32 s5, $0x7;
	s0 =	sadd.s32 s1, s0  }
0x7f: {  	[tilespmem:s17], [sflag:$0x2] =	stream.strided.gather [hbm4b:s0+s10], $0x1000, s13, s10, $0x38;
	[tilespmem:$0x10600] =	vst v63  }
0x80: {  	(v2sf) =	vpush v23, $0x7;
	s25 =	spop (v2sf);
	s0 =	sand.u32 $0x1FFFFF80, s15  }
0x81: {  	s16 =	sshra.s32 s25, $0x1F;
	s0 =	sadd.s32 s2, s0  }
0x82: {  	[tilespmem:s18], [sflag:$0x2] =	stream.strided.gather [hbm4b:s0+s10], $0x1000, s13, s10, $0x38;
	[tilespmem:$0x10600] =	vst v63  }
0x83: {  	(v2sf) =	vpush v18, $0x7;
	s15 =	spop (v2sf);
	s0 =	sshrl.u32 s16, $0x19  }
0x84: {  	s18 =	sshra.s32 s15, $0x1F;
	s0 =	sadd.s32 s0, s25  }
0x85: {  	s7 =	sshrl.u32 s18, $0x19;
	s17 =	sand.u32 $0xFFFFFF80, s0  }
0x86: {  	p3 =	slt.s32 s25, $0x1;
	s20 =	sadd.s32 s7, s15;
	p4 =	sne.s32 s25, s17  }
0x87: {  	s11 =	simm.s32 $0x1;
	s7 =	sand.u32 $0xFFFFFF80, s20;
	p0 =	por !p3, !p4  }
0x88: {  	p5 =	slt.s32 s15, $0x1;
	p6 =	sne.s32 s15, s7;
	p0 =	por !p0, !p0  }
0x89: {  	s0 =	sshrl.u32 s0, $0x7;
	p2 =	por !p5, !p6;
	s11 =	simm.s32 @!p0 $0x0  }
0x8a: {  	s7 =	simm.s32 $0x1;
	p0 =	por !p2, !p2;
	s0 =	ssub.s32 s0, s11  }
0x8b: {  	s5 =	sshrl.u32 s20, $0x7;
	s7 =	simm.s32 @!p0 $0x0;
	s0 =	sshll.u32 s0, $0x7  }
0x8c: {  	s5 =	ssub.s32 s5, s7;
	s0 =	sand.u32 $0x1FFFFF80, s0  }
0x8d: {  	s5 =	sshll.u32 s5, $0x7;
	s0 =	sadd.s32 s1, s0  }
0x8e: {  	[tilespmem:s19], [sflag:$0x2] =	stream.strided.gather [hbm4b:s0+s10], $0x1000, s13, s10, $0x38;
	[tilespmem:$0x10600] =	vst v63  }
0x8f: {  	s17 =	spop (v2sf);
	s0 =	sand.u32 $0x1FFFFF80, s5  }
0x90: {  	s7 =	sshra.s32 s17, $0x1F;
	s0 =	sadd.s32 s2, s0  }
0x91: {  	[tilespmem:s23], [sflag:$0x2] =	stream.strided.gather [hbm4b:s0+s10], $0x1000, s13, s10, $0x38;
	[tilespmem:$0x10600] =	vst v63  }
0x92: {  	s16 =	spop (v2sf);
	s0 =	sshrl.u32 s7, $0x19  }
0x93: {  	s18 =	sshra.s32 s16, $0x1F;
	s0 =	sadd.s32 s0, s17  }
0x94: {  	s7 =	sshrl.u32 s18, $0x19;
	s11 =	sand.u32 $0xFFFFFF80, s0  }
0x95: {  	p3 =	slt.s32 s17, $0x1;
	s19 =	sadd.s32 s7, s16;
	p4 =	sne.s32 s17, s11  }
0x96: {  	p5 =	slt.s32 s16, $0x1;
	s7 =	sand.u32 $0xFFFFFF80, s19;
	p0 =	por !p3, !p4  }
0x97: {  	s11 =	simm.s32 $0x1;
	p6 =	sne.s32 s16, s7;
	p0 =	por !p0, !p0  }
0x98: {  	s0 =	sshrl.u32 s0, $0x7;
	p2 =	por !p5, !p6;
	s11 =	simm.s32 @!p0 $0x0  }
0x99: {  	s7 =	simm.s32 $0x1;
	p0 =	por !p2, !p2;
	s0 =	ssub.s32 s0, s11  }
0x9a: {  	s5 =	sshrl.u32 s19, $0x7;
	s7 =	simm.s32 @!p0 $0x0;
	s0 =	sshll.u32 s0, $0x7  }
0x9b: {  	s5 =	ssub.s32 s5, s7;
	s0 =	sand.u32 $0x1FFFFF80, s0  }
0x9c: {  	s23 =	sshll.u32 s5, $0x7;
	s0 =	sadd.s32 s1, s0  }
0x9d: {  	[tilespmem:s24], [sflag:$0x2] =	stream.strided.gather [hbm4b:s0+s10], $0x1000, s13, s10, $0x38;
	[tilespmem:$0x10600] =	vst v63  }
0x9e: {  	s0 =	sand.u32 $0x1FFFFF80, s23  }
0x9f: {  	s24 =	simm.s32 $0xF400;
	s0 =	sadd.s32 s2, s0  }
0xa0: {  	[tilespmem:s24], [sflag:$0x2] =	stream.strided.gather [hbm4b:s0+s10], $0x1000, s13, s10, $0x38;
	[tilespmem:$0x10600] =	vst v63  }
0xa1: {  	_ =	swait.ge [sflag:s12], $0x1000  }
0xa2: {  	[sflag:s12] =	ssyncset.done $0x0  }
0xa3: {  	[sflag:s12] =	ssyncadd.s32 $0xFFFFF000  }
0xa4: {  	_ =	swait.ge [sflag:s12], $0x1000  }
0xa5: {  	[sflag:s12] =	ssyncset.done $0x0  }
0xa6: {  	[sflag:s12] =	ssyncadd.s32 $0xFFFFF000  }
0xa7: {  	_ =	swait.ge [sflag:s12], $0x1000  }
0xa8: {  	[sflag:s12] =	ssyncset.done $0x0  }
0xa9: {  	[sflag:s12] =	ssyncadd.s32 $0xFFFFF000  }
0xaa: {  	_ =	swait.ge [sflag:s12], $0x1000  }
0xab: {  	[sflag:s12] =	ssyncset.done $0x0  }
0xac: {  	[sflag:s12] =	ssyncadd.s32 $0xFFFFF000  }
0xad: {  	_ =	swait.ge [sflag:s12], $0x1000  }
0xae: {  	[sflag:s12] =	ssyncset.done $0x0  }
0xaf: {  	[sflag:s12] =	ssyncadd.s32 $0xFFFFF000  }
0xb0: {  	_ =	swait.ge [sflag:s12], $0x1000  }
0xb1: {  	[sflag:s12] =	ssyncset.done $0x0  }
0xb2: {  	[sflag:s12] =	ssyncadd.s32 $0xFFFFF000  }
0xb3: {  	_ =	swait.ge [sflag:s12], $0x1000  }
0xb4: {  	[sflag:s12] =	ssyncset.done $0x0  }
0xb5: {  	[sflag:s12] =	ssyncadd.s32 $0xFFFFF000  }
0xb6: {  	_ =	swait.ge [sflag:s12], $0x1000  }
0xb7: {  	(v2sf) =	vpush v23, $0x0;
	_ =	sdelay $0x1  }
0xb8: {  	(v2sf) =	vpush v18, $0x0  }
0xb9: {  	(v2sf) =	vpush v23, $0x1  }
0xba: {  	(v2sf) =	vpush v18, $0x1  }
0xbb: {  	(v2sf) =	vpush v23, $0x2  }
0xbc: {  	(v2sf) =	vpush v18, $0x2  }
0xbd: {  	(v2sf) =	vpush v23, $0x3  }
0xbe: {  	(v2sf) =	vpush v18, $0x3  }
0xbf: {  	(v2sf) =	vpush v23, $0x8;
	_ =	sdelay $0x2  }
0xc0: {  	(v2sf) =	vpush v18, $0x8;
	_ =	sdelay $0x2  }
0xc1: {  	s5 =	spop (v2sf)  }
0xc2: {  	s0 =	sand.u32 $0x7F, s5  }
0xc3: {  	s7 =	spop (v2sf);
	v19 =	vor.u32 s0, v0  }
0xc4: {  	s5 =	sand.u32 $0x7F, s7;
	v20 =	vor.u32 s0, v1;
	s11 =	spop (v2sf)  }
0xc5: {  	v21 =	vor.u32 s5, v0;
	s18 =	spop (v2sf)  }
0xc6: {  	[sflag:s12] =	ssyncset.done $0x0;
	v22 =	vor.u32 s5, v1;
	s0 =	sand.u32 $0x7F, s11;
	s19 =	spop (v2sf)  }
0xc7: {  	[sflag:s12] =	ssyncadd.s32 $0xFFFFF000;
	v24 =	vor.u32 s0, v2;
	s23 =	spop (v2sf)  }
0xc8: {  	s7 =	sand.u32 $0x7F, s18;
	v25 =	vor.u32 s0, v3;
	s24 =	spop (v2sf);
	v19 =	vld.idx.msk [tilespmem:v19+s10+$0x0], $0xffff  }
0xc9: {  	v26 =	vor.u32 s7, v2;
	s18 =	sand.u32 $0x7F, s19;
	v20 =	vld.idx.msk [tilespmem:v20+s10+$0x0], $0xffff;
	s19 =	spop (v2sf)  }
0xca: {  	(v2sf) =	vpush v23, $0x9;
	v27 =	vor.u32 s7, v3;
	v21 =	vld.idx.msk [tilespmem:v21+s14+$0x0], $0xffff;
	s5 =	spop (v2sf)  }
0xcb: {  	v28 =	vor.u32 s18, v4;
	s11 =	sand.u32 $0x7F, s23;
	v22 =	vld.idx.msk [tilespmem:v22+s14+$0x0], $0xffff;
	s23 =	sshra.s32 s5, $0x1F  }
0xcc: {  	v29 =	vor.u32 s18, v5;
	v24 =	vld.idx.msk [tilespmem:v24+s10+$0x0], $0xffff;
	s7 =	sshrl.u32 s23, $0x19  }
0xcd: {  	v30 =	vor.u32 s11, v4;
	v31 =	vor.u32 s11, v5;
	s0 =	sand.u32 $0x7F, s24;
	v25 =	vld.idx.msk [tilespmem:v25+s10+$0x0], $0xffff;
	s11 =	sadd.s32 s7, s5;
	s7 =	spop (v2sf)  }
0xce: {  	(v2sf) =	vpush v18, $0x9;
	s18 =	sand.u32 $0x7F, s19;
	v26 =	vld.idx.msk [tilespmem:v26+s14+$0x0], $0xffff;
	s19 =	sand.u32 $0xFFFFFF80, s11;
	s24 =	sshra.s32 s7, $0x1F  }
0xcf: {  	v32 =	vor.u32 s0, v6;
	p3 =	slt.s32 s5, $0x1;
	v27 =	vld.idx.msk [tilespmem:v27+s14+$0x0], $0xffff;
	s23 =	sshrl.u32 s24, $0x19;
	p4 =	sne.s32 s5, s19  }
0xd0: {  	v33 =	vor.u32 s0, v7;
	v28 =	vld.idx.msk [tilespmem:v28+s10+$0x0], $0xffff;
	s11 =	sshrl.u32 s11, $0x7;
	s0 =	sadd.s32 s23, s7;
	p0 =	por !p3, !p4  }
0xd1: {  	v34 =	vor.u32 s18, v6;
	v29 =	vld.idx.msk [tilespmem:v29+s10+$0x0], $0xffff;
	s19 =	simm.s32 $0x1;
	s24 =	sand.u32 $0xFFFFFF80, s0;
	p0 =	por !p0, !p0  }
0xd2: {  	v35 =	vor.u32 s18, v7;
	v30 =	vld.idx.msk [tilespmem:v30+s14+$0x0], $0xffff;
	p5 =	slt.s32 s7, $0x1;
	p6 =	sne.s32 s7, s24;
	s19 =	simm.s32 @!p0 $0x0  }
0xd3: {  	v31 =	vld.idx.msk [tilespmem:v31+s14+$0x0], $0xffff;
	p2 =	por !p5, !p6;
	s11 =	ssub.s32 s11, s19  }
0xd4: {  	s18 =	simm.s32 $0x1;
	v32 =	vld.idx.msk [tilespmem:v32+s10+$0x0], $0xffff;
	p0 =	por !p2, !p2;
	s11 =	sshll.u32 s11, $0x7  }
0xd5: {  	v33 =	vld.idx.msk [tilespmem:v33+s10+$0x0], $0xffff;
	s0 =	sshrl.u32 s0, $0x7;
	s18 =	simm.s32 @!p0 $0x0;
	s11 =	sand.u32 $0x1FFFFF80, s11  }
0xd6: {  	v34 =	vld.idx.msk [tilespmem:v34+s14+$0x0], $0xffff;
	s0 =	ssub.s32 s0, s18;
	s11 =	sadd.s32 s1, s11  }
0xd7: {  	v35 =	vld.idx.msk [tilespmem:v35+s14+$0x0], $0xffff;
	[tilespmem:s10], [sflag:$0x1] =	stream.strided.gather [hbm4b:s11+s10], $0x1000, s13, s10, $0x38  }
0xd8: {  	s0 =	sshll.u32 s0, $0x7  }
0xd9: {  	s11 =	spop (v2sf);
	s0 =	sand.u32 $0x1FFFFF80, s0  }
0xda: {  	(v2sf) =	vpush v23, $0xA;
	s23 =	sshra.s32 s11, $0x1F;
	s0 =	sadd.s32 s2, s0  }
0xdb: {  	[tilespmem:s14], [sflag:$0x1] =	stream.strided.gather [hbm4b:s0+s10], $0x1000, s13, s10, $0x38;
	[tilespmem:$0x10600] =	vst v63  }
0xdc: {  	s0 =	sshrl.u32 s23, $0x19  }
0xdd: {  	s18 =	sadd.s32 s0, s11;
	s0 =	spop (v2sf)  }
0xde: {  	(v2sf) =	vpush v18, $0xA;
	s19 =	sand.u32 $0xFFFFFF80, s18;
	s24 =	sshra.s32 s0, $0x1F  }
0xdf: {  	p3 =	slt.s32 s11, $0x1;
	s23 =	sshrl.u32 s24, $0x19;
	p4 =	sne.s32 s11, s19  }
0xe0: {  	s18 =	sshrl.u32 s18, $0x7;
	s19 =	sadd.s32 s23, s0;
	p0 =	por !p3, !p4  }
0xe1: {  	s24 =	simm.s32 $0x1;
	s23 =	sand.u32 $0xFFFFFF80, s19;
	p0 =	por !p0, !p0  }
0xe2: {  	p5 =	slt.s32 s0, $0x1;
	p6 =	sne.s32 s0, s23;
	s24 =	simm.s32 @!p0 $0x0  }
0xe3: {  	p2 =	por !p5, !p6;
	s18 =	ssub.s32 s18, s24  }
0xe4: {  	s23 =	simm.s32 $0x1;
	p0 =	por !p2, !p2;
	s18 =	sshll.u32 s18, $0x7  }
0xe5: {  	s19 =	sshrl.u32 s19, $0x7;
	s23 =	simm.s32 @!p0 $0x0;
	s18 =	sand.u32 $0x1FFFFF80, s18  }
0xe6: {  	s19 =	ssub.s32 s19, s23;
	s18 =	sadd.s32 s1, s18  }
0xe7: {  	[tilespmem:s26], [sflag:$0x1] =	stream.strided.gather [hbm4b:s18+s10], $0x1000, s13, s10, $0x38;
	[tilespmem:$0x10600] =	vst v63  }
0xe8: {  	s24 =	sshll.u32 s19, $0x7  }
0xe9: {  	s18 =	sand.u32 $0x1FFFFF80, s24;
	s23 =	spop (v2sf)  }
0xea: {  	s18 =	sadd.s32 s2, s18;
	s26 =	sshra.s32 s23, $0x1F  }
0xeb: {  	[tilespmem:s28], [sflag:$0x1] =	stream.strided.gather [hbm4b:s18+s10], $0x1000, s13, s10, $0x38;
	[tilespmem:$0x10600] =	vst v63  }
0xec: {  	s18 =	sshrl.u32 s26, $0x19  }
0xed: {  	(v2sf) =	vpush v23, $0xB;
	s18 =	sadd.s32 s18, s23;
	s24 =	spop (v2sf)  }
0xee: {  	s19 =	sand.u32 $0xFFFFFF80, s18;
	s26 =	sshra.s32 s24, $0x1F  }
0xef: {  	p3 =	slt.s32 s23, $0x1;
	(v2sf) =	vpush v18, $0xB;
	p4 =	sne.s32 s23, s19;
	s26 =	sshrl.u32 s26, $0x19  }
0xf0: {  	s28 =	simm.s32 $0x1;
	p0 =	por !p3, !p4;
	s19 =	sadd.s32 s26, s24  }
0xf1: {  	s18 =	sshrl.u32 s18, $0x7;
	p0 =	por !p0, !p0;
	s26 =	sand.u32 $0xFFFFFF80, s19  }
0xf2: {  	p5 =	slt.s32 s24, $0x1;
	s28 =	simm.s32 @!p0 $0x0;
	p6 =	sne.s32 s24, s26  }
0xf3: {  	s18 =	ssub.s32 s18, s28;
	p2 =	por !p5, !p6  }
0xf4: {  	s26 =	simm.s32 $0x1;
	s18 =	sshll.u32 s18, $0x7;
	p0 =	por !p2, !p2  }
0xf5: {  	s19 =	sshrl.u32 s19, $0x7;
	s18 =	sand.u32 $0x1FFFFF80, s18;
	s26 =	simm.s32 @!p0 $0x0  }
0xf6: {  	s18 =	sadd.s32 s1, s18;
	s19 =	ssub.s32 s19, s26  }
0xf7: {  	[tilespmem:s29], [sflag:$0x1] =	stream.strided.gather [hbm4b:s18+s10], $0x1000, s13, s10, $0x38;
	[tilespmem:$0x10600] =	vst v63  }
0xf8: {  	s19 =	sshll.u32 s19, $0x7  }
0xf9: {  	s18 =	sand.u32 $0x1FFFFF80, s19  }
0xfa: {  	s26 =	simm.s32 $0xA400;
	s18 =	sadd.s32 s2, s18  }
0xfb: {  	[tilespmem:s26], [sflag:$0x1] =	stream.strided.gather [hbm4b:s18+s10], $0x1000, s13, s10, $0x38;
	[tilespmem:$0x10600] =	vst v63  }
0xfc: {  	v19 =	vmul.f32 v21, v19;
	v20 =	vmul.f32 v22, v20;
	s18 =	spop (v2sf)  }
0xfd: {  	v44 =	vmul.f32 v26, v24;
	v45 =	vmul.f32 v27, v25;
	s26 =	sshra.s32 s18, $0x1F  }
0xfe: {  	v19 =	vadd.f32 v20, v19;
	v46 =	vmul.f32 v30, v28;
	v47 =	vmul.f32 v31, v29;
	s26 =	sshrl.u32 s26, $0x19;
	s19 =	spop (v2sf)  }
0xff: {  	v21 =	vadd.f32 v45, v44;
	v48 =	vmul.f32 v34, v32;
	v49 =	vmul.f32 v35, v33;
	s26 =	sadd.s32 s26, s18;
	s28 =	sshra.s32 s19, $0x1F  }
0x100: {  	(xrf2) =	vadd.scan.msk.f32 $0xffff, v19;
	v50 =	vadd.f32 v47, v46;
	s29 =	sand.u32 $0xFFFFFF80, s26;
	s28 =	sshrl.u32 s28, $0x19  }
0x101: {  	(xrf2) =	vadd.scan.msk.f32 $0xffff, v21;
	v51 =	vadd.f32 v49, v48;
	p3 =	slt.s32 s18, $0x1;
	s28 =	sadd.s32 s28, s19;
	p4 =	sne.s32 s18, s29  }
0x102: {  	(xrf2) =	vadd.scan.msk.f32 $0xffff, v50;
	s29 =	sand.u32 $0xFFFFFF80, s28;
	p0 =	por !p3, !p4  }
0x103: {  	(xrf2) =	vadd.scan.msk.f32 $0xffff, v51;
	p5 =	sne.s32 s19, s29;
	p0 =	por !p0, !p0;
	s29 =	simm.s32 $0x1  }
0x104: {  	p6 =	slt.s32 s19, $0x1;
	s26 =	sshrl.u32 s26, $0x7;
	s29 =	simm.s32 @!p0 $0x0  }
0x105: {  	p2 =	por !p6, !p5;
	s26 =	ssub.s32 s26, s29  }
0x106: {  	p0 =	por !p2, !p2;
	s29 =	simm.s32 $0x1;
	s26 =	sshll.u32 s26, $0x7  }
0x107: {  	s28 =	sshrl.u32 s28, $0x7;
	s29 =	simm.s32 @!p0 $0x0;
	s26 =	sand.u32 $0x1FFFFF80, s26  }
0x108: {  	s28 =	ssub.s32 s28, s29;
	s29 =	simm.s32 $0x3400;
	s26 =	sadd.s32 s1, s26  }
0x109: {  	[tilespmem:s29], [sflag:$0x1] =	stream.strided.gather [hbm4b:s26+s10], $0x1000, s13, s10, $0x38;
	[tilespmem:$0x10600] =	vst v63  }
0x10a: {  	v20, _, _ =	vpop (xrf2);
	s26 =	sshll.u32 s28, $0x7  }
0x10b: {  	v22, _, _ =	vpop (xrf2);
	s26 =	sand.u32 $0x1FFFFF80, s26  }
0x10c: {  	v21, _, _ =	vpop (xrf2);
	s28 =	simm.s32 $0xB400;
	s26 =	sadd.s32 s2, s26  }
0x10d: {  	v19, _, _ =	vpop (xrf2);
	[tilespmem:s28], [sflag:$0x1] =	stream.strided.gather [hbm4b:s26+s10], $0x1000, s13, s10, $0x38;
	[tilespmem:$0x10600] =	vst v63  }
0x10e: {  	_ =	swait.ge [sflag:s30], $0x1000  }
0x10f: {  	[sflag:s30] =	ssyncset.done $0x0  }
0x110: {  	[sflag:s30] =	ssyncadd.s32 $0xFFFFF000  }
0x111: {  	_ =	swait.ge [sflag:s30], $0x1000  }
0x112: {  	[sflag:s30] =	ssyncset.done $0x0  }
0x113: {  	[sflag:s30] =	ssyncadd.s32 $0xFFFFF000  }
0x114: {  	_ =	swait.ge [sflag:s30], $0x1000  }
0x115: {  	[sflag:s30] =	ssyncset.done $0x0  }
0x116: {  	[sflag:s30] =	ssyncadd.s32 $0xFFFFF000  }
0x117: {  	_ =	swait.ge [sflag:s30], $0x1000  }
0x118: {  	[sflag:s30] =	ssyncset.done $0x0  }
0x119: {  	[sflag:s30] =	ssyncadd.s32 $0xFFFFF000  }
0x11a: {  	_ =	swait.ge [sflag:s30], $0x1000  }
0x11b: {  	[sflag:s30] =	ssyncset.done $0x0  }
0x11c: {  	[sflag:s30] =	ssyncadd.s32 $0xFFFFF000  }
0x11d: {  	_ =	swait.ge [sflag:s30], $0x1000  }
0x11e: {  	[sflag:s30] =	ssyncset.done $0x0  }
0x11f: {  	[sflag:s30] =	ssyncadd.s32 $0xFFFFF000  }
0x120: {  	_ =	swait.ge [sflag:s30], $0x1000  }
0x121: {  	[sflag:s30] =	ssyncset.done $0x0  }
0x122: {  	[sflag:s30] =	ssyncadd.s32 $0xFFFFF000  }
0x123: {  	_ =	swait.ge [sflag:s30], $0x1000  }
0x124: {  	(v2sf) =	vpush v23, $0xC;
	_ =	sdelay $0x2  }
0x125: {  	(v2sf) =	vpush v18, $0xC;
	_ =	sdelay $0x3  }
0x126: {  	s6 =	sand.u32 $0x7F, s6  }
0x127: {  	v52 =	vor.u32 s6, v8  }
0x128: {  	s8 =	sand.u32 $0x7F, s8;
	v53 =	vor.u32 s6, v9  }
0x129: {  	v54 =	vor.u32 s8, v8  }
0x12a: {  	v55 =	vor.u32 s8, v9;
	s21 =	sand.u32 $0x7F, s21;
	[sflag:s30] =	ssyncset.done $0x0  }
0x12b: {  	v56 =	vor.u32 s21, v10;
	[sflag:s30] =	ssyncadd.s32 $0xFFFFF000  }
0x12c: {  	v57 =	vor.u32 s21, v11;
	s26 =	sand.u32 $0x7F, s22;
	v24 =	vld.idx.msk [tilespmem:v52+s10+$0x0], $0xffff  }
0x12d: {  	v58 =	vor.u32 s26, v10;
	v25 =	vld.idx.msk [tilespmem:v53+s10+$0x0], $0xffff  }
0x12e: {  	s21 =	sand.u32 $0x7F, s25;
	v59 =	vor.u32 s26, v11;
	v26 =	vld.idx.msk [tilespmem:v54+s14+$0x0], $0xffff;
	s6 =	spop (v2sf)  }
0x12f: {  	v60 =	vor.u32 s21, v12;
	v27 =	vld.idx.msk [tilespmem:v55+s14+$0x0], $0xffff;
	(v2sf) =	vpush v23, $0xD;
	s22 =	sshra.s32 s6, $0x1F  }
0x130: {  	v61 =	vor.u32 s21, v13;
	s15 =	sand.u32 $0x7F, s15;
	v28 =	vld.idx.msk [tilespmem:v56+s10+$0x0], $0xffff;
	s8 =	sshrl.u32 s22, $0x19  }
0x131: {  	s25 =	sand.u32 $0x7F, s17;
	v62 =	vor.u32 s15, v12;
	v29 =	vld.idx.msk [tilespmem:v57+s10+$0x0], $0xffff;
	s17 =	sadd.s32 s8, s6;
	s8 =	spop (v2sf)  }
0x132: {  	v63 =	vor.u32 s15, v13;
	s16 =	sand.u32 $0x7F, s16;
	v30 =	vld.idx.msk [tilespmem:v58+s14+$0x0], $0xffff;
	s21 =	sand.u32 $0xFFFFFF80, s17;
	s26 =	sshra.s32 s8, $0x1F  }
0x133: {  	v36 =	vor.u32 s25, v14;
	v37 =	vor.u32 s25, v15;
	v31 =	vld.idx.msk [tilespmem:v59+s14+$0x0], $0xffff;
	p3 =	slt.s32 s6, $0x1;
	(v2sf) =	vpush v18, $0xD;
	s25 =	sshrl.u32 s26, $0x19;
	p4 =	sne.s32 s6, s21  }
0x134: {  	v32 =	vld.idx.msk [tilespmem:v60+s10+$0x0], $0xffff;
	s17 =	sshrl.u32 s17, $0x7;
	s15 =	sadd.s32 s25, s8;
	p0 =	por !p3, !p4  }
0x135: {  	v38 =	vor.u32 s16, v14;
	v33 =	vld.idx.msk [tilespmem:v61+s10+$0x0], $0xffff;
	s21 =	simm.s32 $0x1;
	s26 =	sand.u32 $0xFFFFFF80, s15;
	p0 =	por !p0, !p0  }
0x136: {  	v39 =	vor.u32 s16, v15;
	v34 =	vld.idx.msk [tilespmem:v62+s14+$0x0], $0xffff;
	p5 =	slt.s32 s8, $0x1;
	p6 =	sne.s32 s8, s26;
	s21 =	simm.s32 @!p0 $0x0  }
0x137: {  	v35 =	vld.idx.msk [tilespmem:v63+s14+$0x0], $0xffff;
	p2 =	por !p5, !p6;
	s22 =	ssub.s32 s17, s21  }
0x138: {  	v36 =	vld.idx.msk [tilespmem:v36+s10+$0x0], $0xffff;
	s17 =	simm.s32 $0x1;
	p0 =	por !p2, !p2;
	s16 =	sshll.u32 s22, $0x7  }
0x139: {  	v37 =	vld.idx.msk [tilespmem:v37+s10+$0x0], $0xffff;
	s15 =	sshrl.u32 s15, $0x7;
	s17 =	simm.s32 @!p0 $0x0;
	s16 =	sand.u32 $0x1FFFFF80, s16  }
0x13a: {  	s20 =	simm.s32 $0x4400;
	v38 =	vld.idx.msk [tilespmem:v38+s14+$0x0], $0xffff;
	s15 =	ssub.s32 s15, s17;
	s16 =	sadd.s32 s1, s16  }
0x13b: {  	v39 =	vld.idx.msk [tilespmem:v39+s14+$0x0], $0xffff;
	[tilespmem:s20], [sflag:$0x2] =	stream.strided.gather [hbm4b:s16+s10], $0x1000, s13, s10, $0x38  }
0x13c: {  	s15 =	sshll.u32 s15, $0x7  }
0x13d: {  	s15 =	sand.u32 $0x1FFFFF80, s15  }
0x13e: {  	s20 =	simm.s32 $0xC400;
	s15 =	sadd.s32 s2, s15;
	s22 =	spop (v2sf)  }
0x13f: {  	[tilespmem:s20], [sflag:$0x2] =	stream.strided.gather [hbm4b:s15+s10], $0x1000, s13, s10, $0x38;
	[tilespmem:$0x10600] =	vst v63  }
0x140: {  	(v2sf) =	vpush v23, $0xE;
	s25 =	sshra.s32 s22, $0x1F  }
0x141: {  	s15 =	sshrl.u32 s25, $0x19  }
0x142: {  	s15 =	sadd.s32 s15, s22;
	s21 =	spop (v2sf)  }
0x143: {  	s26 =	sand.u32 $0xFFFFFF80, s15;
	s25 =	sshra.s32 s21, $0x1F  }
0x144: {  	p3 =	slt.s32 s22, $0x1;
	(v2sf) =	vpush v18, $0xE;
	s17 =	sshrl.u32 s25, $0x19;
	p4 =	sne.s32 s22, s26  }
0x145: {  	s15 =	sshrl.u32 s15, $0x7;
	s26 =	sadd.s32 s17, s21;
	p0 =	por !p3, !p4  }
0x146: {  	s25 =	simm.s32 $0x1;
	s17 =	sand.u32 $0xFFFFFF80, s26;
	p0 =	por !p0, !p0  }
0x147: {  	p5 =	slt.s32 s21, $0x1;
	p6 =	sne.s32 s21, s17;
	s25 =	simm.s32 @!p0 $0x0  }
0x148: {  	p2 =	por !p5, !p6;
	s15 =	ssub.s32 s15, s25  }
0x149: {  	s17 =	simm.s32 $0x1;
	p0 =	por !p2, !p2;
	s15 =	sshll.u32 s15, $0x7  }
0x14a: {  	s16 =	sshrl.u32 s26, $0x7;
	s17 =	simm.s32 @!p0 $0x0;
	s15 =	sand.u32 $0x1FFFFF80, s15  }
0x14b: {  	s26 =	simm.s32 $0x5400;
	s16 =	ssub.s32 s16, s17;
	s15 =	sadd.s32 s1, s15  }
0x14c: {  	[tilespmem:s26], [sflag:$0x2] =	stream.strided.gather [hbm4b:s15+s10], $0x1000, s13, s10, $0x38;
	[tilespmem:$0x10600] =	vst v63  }
0x14d: {  	s25 =	sshll.u32 s16, $0x7  }
0x14e: {  	s15 =	sand.u32 $0x1FFFFF80, s25  }
0x14f: {  	s26 =	simm.s32 $0xD400;
	s15 =	sadd.s32 s2, s15;
	s25 =	spop (v2sf)  }
0x150: {  	[tilespmem:s26], [sflag:$0x2] =	stream.strided.gather [hbm4b:s15+s10], $0x1000, s13, s10, $0x38;
	[tilespmem:$0x10600] =	vst v63  }
0x151: {  	s16 =	sshra.s32 s25, $0x1F  }
0x152: {  	s15 =	sshrl.u32 s16, $0x19  }
0x153: {  	(v2sf) =	vpush v23, $0xF;
	s16 =	sadd.s32 s15, s25;
	s15 =	spop (v2sf)  }
0x154: {  	s17 =	sand.u32 $0xFFFFFF80, s16;
	s26 =	sshra.s32 s15, $0x1F  }
0x155: {  	p3 =	slt.s32 s25, $0x1;
	(v2sf) =	vpush v18, $0xF;
	s26 =	sshrl.u32 s26, $0x19;
	p4 =	sne.s32 s25, s17  }
0x156: {  	s28 =	simm.s32 $0x1;
	s17 =	sadd.s32 s26, s15;
	p0 =	por !p3, !p4  }
0x157: {  	s16 =	sshrl.u32 s16, $0x7;
	s26 =	sand.u32 $0xFFFFFF80, s17;
	p0 =	por !p0, !p0  }
0x158: {  	p5 =	slt.s32 s15, $0x1;
	p6 =	sne.s32 s15, s26;
	s28 =	simm.s32 @!p0 $0x0  }
0x159: {  	p2 =	por !p5, !p6;
	s16 =	ssub.s32 s16, s28  }
0x15a: {  	s26 =	simm.s32 $0x1;
	p0 =	por !p2, !p2;
	s16 =	sshll.u32 s16, $0x7  }
0x15b: {  	s17 =	sshrl.u32 s17, $0x7;
	s26 =	simm.s32 @!p0 $0x0;
	s16 =	sand.u32 $0x1FFFFF80, s16  }
0x15c: {  	s17 =	ssub.s32 s17, s26;
	s16 =	sadd.s32 s1, s16;
	s26 =	simm.s32 $0x6400  }
0x15d: {  	[tilespmem:s26], [sflag:$0x2] =	stream.strided.gather [hbm4b:s16+s10], $0x1000, s13, s10, $0x38;
	[tilespmem:$0x10600] =	vst v63  }
0x15e: {  	s17 =	sshll.u32 s17, $0x7  }
0x15f: {  	s16 =	sand.u32 $0x1FFFFF80, s17  }
0x160: {  	s26 =	simm.s32 $0xE400;
	s16 =	sadd.s32 s2, s16  }
0x161: {  	[tilespmem:s26], [sflag:$0x2] =	stream.strided.gather [hbm4b:s16+s10], $0x1000, s13, s10, $0x38;
	[tilespmem:$0x10600] =	vst v63  }
0x162: {  	v40 =	vmul.f32 v26, v24;
	v41 =	vmul.f32 v27, v25;
	s16 =	spop (v2sf)  }
0x163: {  	v42 =	vmul.f32 v30, v28;
	v43 =	vmul.f32 v31, v29;
	s26 =	sshra.s32 s16, $0x1F  }
0x164: {  	v44 =	vmul.f32 v34, v32;
	v45 =	vmul.f32 v35, v33;
	v18 =	vadd.f32 v41, v40;
	s26 =	sshrl.u32 s26, $0x19;
	s17 =	spop (v2sf)  }
0x165: {  	v46 =	vmul.f32 v38, v36;
	v47 =	vmul.f32 v39, v37;
	v24 =	vadd.f32 v43, v42;
	s26 =	sadd.s32 s26, s16;
	s28 =	sshra.s32 s17, $0x1F  }
0x166: {  	v48 =	vadd.f32 v45, v44;
	(xrf2) =	vadd.scan.msk.f32 $0xffff, v18;
	s29 =	sand.u32 $0xFFFFFF80, s26;
	s28 =	sshrl.u32 s28, $0x19  }
0x167: {  	v49 =	vadd.f32 v47, v46;
	(xrf2) =	vadd.scan.msk.f32 $0xffff, v24;
	p3 =	slt.s32 s16, $0x1;
	s28 =	sadd.s32 s28, s17;
	p4 =	sne.s32 s16, s29  }
0x168: {  	(xrf2) =	vadd.scan.msk.f32 $0xffff, v48;
	s29 =	sand.u32 $0xFFFFFF80, s28;
	p0 =	por !p3, !p4  }
0x169: {  	(xrf2) =	vadd.scan.msk.f32 $0xffff, v49;
	p5 =	sne.s32 s17, s29;
	p0 =	por !p0, !p0;
	s29 =	simm.s32 $0x1  }
0x16a: {  	p6 =	slt.s32 s17, $0x1;
	s26 =	sshrl.u32 s26, $0x7;
	s29 =	simm.s32 @!p0 $0x0  }
0x16b: {  	p2 =	por !p6, !p5;
	s26 =	ssub.s32 s26, s29  }
0x16c: {  	p0 =	por !p2, !p2;
	s29 =	simm.s32 $0x1;
	s26 =	sshll.u32 s26, $0x7  }
0x16d: {  	s28 =	sshrl.u32 s28, $0x7;
	s29 =	simm.s32 @!p0 $0x0;
	s26 =	sand.u32 $0x1FFFFF80, s26  }
0x16e: {  	s28 =	ssub.s32 s28, s29;
	s29 =	simm.s32 $0x7400;
	s26 =	sadd.s32 s1, s26  }
0x16f: {  	[tilespmem:s29], [sflag:$0x2] =	stream.strided.gather [hbm4b:s26+s10], $0x1000, s13, s10, $0x38;
	[tilespmem:$0x10600] =	vst v63  }
0x170: {  	v18, _, _ =	vpop (xrf2);
	s26 =	sshll.u32 s28, $0x7  }
0x171: {  	v23, _, _ =	vpop (xrf2);
	s26 =	sand.u32 $0x1FFFFF80, s26  }
0x172: {  	v24, _, _ =	vpop (xrf2);
	s29 =	simm.s32 $0xF400;
	s26 =	sadd.s32 s2, s26  }
0x173: {  	v25, _, _ =	vpop (xrf2);
	[tilespmem:s29], [sflag:$0x2] =	stream.strided.gather [hbm4b:s26+s10], $0x1000, s13, s10, $0x38;
	[tilespmem:$0x10600] =	vst v63  }
0x174: {  	_ =	swait.ge [sflag:s12], $0x1000  }
0x175: {  	[sflag:s12] =	ssyncset.done $0x0  }
0x176: {  	[sflag:s12] =	ssyncadd.s32 $0xFFFFF000  }
0x177: {  	_ =	swait.ge [sflag:s12], $0x1000  }
0x178: {  	[sflag:s12] =	ssyncset.done $0x0  }
0x179: {  	[sflag:s12] =	ssyncadd.s32 $0xFFFFF000  }
0x17a: {  	_ =	swait.ge [sflag:s12], $0x1000  }
0x17b: {  	[sflag:s12] =	ssyncset.done $0x0  }
0x17c: {  	[sflag:s12] =	ssyncadd.s32 $0xFFFFF000  }
0x17d: {  	_ =	swait.ge [sflag:s12], $0x1000  }
0x17e: {  	[sflag:s12] =	ssyncset.done $0x0  }
0x17f: {  	[sflag:s12] =	ssyncadd.s32 $0xFFFFF000  }
0x180: {  	_ =	swait.ge [sflag:s12], $0x1000  }
0x181: {  	[sflag:s12] =	ssyncset.done $0x0  }
0x182: {  	[sflag:s12] =	ssyncadd.s32 $0xFFFFF000  }
0x183: {  	_ =	swait.ge [sflag:s12], $0x1000  }
0x184: {  	[sflag:s12] =	ssyncset.done $0x0  }
0x185: {  	[sflag:s12] =	ssyncadd.s32 $0xFFFFF000  }
0x186: {  	_ =	swait.ge [sflag:s12], $0x1000  }
0x187: {  	[sflag:s12] =	ssyncset.done $0x0  }
0x188: {  	[sflag:s12] =	ssyncadd.s32 $0xFFFFF000  }
0x189: {  	_ =	swait.ge [sflag:s12], $0x1000  }
0x18a: {  	(v2sf) =	vpush v17, $0x0;
	_ =	sdelay $0x1  }
0x18b: {  	(v2sf) =	vpush v16, $0x0;
	_ =	sdelay $0x3  }
0x18c: {  	s5 =	sand.u32 $0x7F, s5  }
0x18d: {  	v50 =	vor.u32 s5, v0  }
0x18e: {  	s7 =	sand.u32 $0x7F, s7;
	v51 =	vor.u32 s5, v1  }
0x18f: {  	v52 =	vor.u32 s7, v0  }
0x190: {  	s11 =	sand.u32 $0x7F, s11;
	v53 =	vor.u32 s7, v1;
	[sflag:s12] =	ssyncset.done $0x0  }
0x191: {  	v54 =	vor.u32 s11, v2;
	[sflag:s12] =	ssyncadd.s32 $0xFFFFF000  }
0x192: {  	s0 =	sand.u32 $0x7F, s0;
	v55 =	vor.u32 s11, v3;
	v26 =	vld.idx.msk [tilespmem:v50+s10+$0x0], $0xffff  }
0x193: {  	v56 =	vor.u32 s0, v2;
	v27 =	vld.idx.msk [tilespmem:v51+s10+$0x0], $0xffff  }
0x194: {  	v57 =	vor.u32 s0, v3;
	s7 =	sand.u32 $0x7F, s23;
	v28 =	vld.idx.msk [tilespmem:v52+s14+$0x0], $0xffff;
	(v2sf) =	vpush v17, $0x1  }
0x195: {  	s11 =	sand.u32 $0x7F, s24;
	v59 =	vor.u32 s7, v4;
	v61 =	vor.u32 s7, v5;
	v58 =	vld.idx.msk [tilespmem:v53+s14+$0x0], $0xffff;
	s0 =	spop (v2sf)  }
0x196: {  	s5 =	sand.u32 $0x7F, s19;
	v62 =	vor.u32 s11, v4;
	s7 =	sand.u32 $0x7F, s18;
	v63 =	vor.u32 s11, v5;
	v60 =	vld.idx.msk [tilespmem:v54+s10+$0x0], $0xffff;
	(v2sf) =	vpush v16, $0x1;
	s11 =	sand.u32 $0x7F, s0  }
0x197: {  	v32 =	vld.idx.msk [tilespmem:v55+s10+$0x0], $0xffff;
	s18 =	spop (v2sf);
	s19 =	sshra.s32 s0, $0x1F;
	p6 =	slt.s32 s0, $0x1  }
0x198: {  	v44 =	vor.u32 s7, v6;
	v45 =	vor.u32 s7, v7;
	v33 =	vld.idx.msk [tilespmem:v56+s14+$0x0], $0xffff;
	p3 =	sne.s32 s11, $0x0;
	s11 =	sand.u32 $0x7F, s18;
	s7 =	sshra.s32 s18, $0x1F  }
0x199: {  	v34 =	vld.idx.msk [tilespmem:v57+s14+$0x0], $0xffff;
	p5 =	slt.s32 s18, $0x1;
	p4 =	sne.s32 s11, $0x0;
	s11 =	sshrl.u32 s19, $0x19  }
0x19a: {  	v35 =	vld.idx.msk [tilespmem:v59+s10+$0x0], $0xffff;
	s7 =	sshrl.u32 s7, $0x19;
	p0 =	por !p6, !p3;
	p1 =	por !p5, !p4  }
0x19b: {  	v40 =	vor.u32 s5, v6;
	v41 =	vor.u32 s5, v7;
	v31 =	vld.idx.msk [tilespmem:v61+s10+$0x0], $0xffff;
	s5 =	sadd.s32 s7, s18;
	s7 =	simm.s32 $0x1;
	p1 =	por !p1, !p1  }
0x19c: {  	v36 =	vld.idx.msk [tilespmem:v62+s14+$0x0], $0xffff;
	s0 =	sadd.s32 s11, s0;
	s5 =	sshrl.u32 s5, $0x7;
	s7 =	simm.s32 @!p1 $0x0  }
0x19d: {  	v37 =	vld.idx.msk [tilespmem:v63+s14+$0x0], $0xffff;
	p0 =	por !p0, !p0;
	s5 =	ssub.s32 s5, s7;
	s7 =	simm.s32 $0x1  }
0x19e: {  	v38 =	vld.idx.msk [tilespmem:v44+s10+$0x0], $0xffff;
	s0 =	sshrl.u32 s0, $0x7;
	s5 =	sshll.u32 s5, $0x7;
	s7 =	simm.s32 @!p0 $0x0  }
0x19f: {  	v39 =	vld.idx.msk [tilespmem:v45+s10+$0x0], $0xffff;
	s5 =	sand.u32 $0x1FFFFF80, s5;
	s0 =	ssub.s32 s0, s7  }
0x1a0: {  	v40 =	vld.idx.msk [tilespmem:v40+s14+$0x0], $0xffff;
	s5 =	sadd.s32 s1, s5;
	s0 =	sshll.u32 s0, $0x7  }
0x1a1: {  	v41 =	vld.idx.msk [tilespmem:v41+s14+$0x0], $0xffff;
	[tilespmem:s10], [sflag:$0x1] =	stream.strided.gather [hbm4b:s5+s10], $0x1000, s13, s10, $0x38  }
0x1a2: {  	(v2sf) =	vpush v17, $0x2;
	s0 =	sand.u32 $0x1FFFFF80, s0  }
0x1a3: {  	s5 =	spop (v2sf);
	s0 =	sadd.s32 s2, s0  }
0x1a4: {  	[tilespmem:s14], [sflag:$0x1] =	stream.strided.gather [hbm4b:s0+s10], $0x1000, s13, s10, $0x38;
	[tilespmem:$0x10600] =	vst v63  }
0x1a5: {  	s7 =	spop (v2sf);
	(v2sf) =	vpush v16, $0x2  }
0x1a6: {  	s11 =	sshra.s32 s5, $0x1F;
	p6 =	slt.s32 s5, $0x1;
	s0 =	sand.u32 $0x7F, s5  }
0x1a7: {  	s11 =	sshrl.u32 s11, $0x19;
	p3 =	sne.s32 s0, $0x0;
	s0 =	sand.u32 $0x7F, s7  }
0x1a8: {  	p5 =	slt.s32 s7, $0x1;
	p4 =	sne.s32 s0, $0x0;
	s0 =	sshra.s32 s7, $0x1F  }
0x1a9: {  	s5 =	sadd.s32 s11, s5;
	s0 =	sshrl.u32 s0, $0x19;
	p1 =	por !p5, !p4  }
0x1aa: {  	s0 =	sadd.s32 s0, s7;
	p1 =	por !p1, !p1;
	s7 =	simm.s32 $0x1  }
0x1ab: {  	p0 =	por !p6, !p3;
	s0 =	sshrl.u32 s0, $0x7;
	s7 =	simm.s32 @!p1 $0x0  }
0x1ac: {  	p0 =	por !p0, !p0;
	s0 =	ssub.s32 s0, s7;
	s7 =	simm.s32 $0x1  }
0x1ad: {  	s5 =	sshrl.u32 s5, $0x7;
	s0 =	sshll.u32 s0, $0x7;
	s7 =	simm.s32 @!p0 $0x0  }
0x1ae: {  	s0 =	sand.u32 $0x1FFFFF80, s0;
	s5 =	ssub.s32 s5, s7  }
0x1af: {  	s26 =	simm.s32 $0x1400;
	s0 =	sadd.s32 s1, s0;
	s7 =	sshll.u32 s5, $0x7  }
0x1b0: {  	[tilespmem:s26], [sflag:$0x1] =	stream.strided.gather [hbm4b:s0+s10], $0x1000, s13, s10, $0x38;
	[tilespmem:$0x10600] =	vst v63  }
0x1b1: {  	s5 =	spop (v2sf);
	(v2sf) =	vpush v17, $0x3;
	s0 =	sand.u32 $0x1FFFFF80, s7  }
0x1b2: {  	s28 =	simm.s32 $0x9400;
	s0 =	sadd.s32 s2, s0  }
0x1b3: {  	[tilespmem:s28], [sflag:$0x1] =	stream.strided.gather [hbm4b:s0+s10], $0x1000, s13, s10, $0x38;
	[tilespmem:$0x10600] =	vst v63  }
0x1b4: {  	s7 =	spop (v2sf);
	(v2sf) =	vpush v16, $0x3  }
0x1b5: {  	s11 =	sshra.s32 s5, $0x1F;
	p6 =	slt.s32 s5, $0x1;
	s0 =	sand.u32 $0x7F, s5  }
0x1b6: {  	s11 =	sshrl.u32 s11, $0x19;
	p3 =	sne.s32 s0, $0x0;
	s0 =	sand.u32 $0x7F, s7  }
0x1b7: {  	p5 =	slt.s32 s7, $0x1;
	p4 =	sne.s32 s0, $0x0;
	s0 =	sshra.s32 s7, $0x1F  }
0x1b8: {  	s5 =	sadd.s32 s11, s5;
	s0 =	sshrl.u32 s0, $0x19;
	p1 =	por !p5, !p4  }
0x1b9: {  	s0 =	sadd.s32 s0, s7;
	p1 =	por !p1, !p1;
	s7 =	simm.s32 $0x1  }
0x1ba: {  	p0 =	por !p6, !p3;
	s0 =	sshrl.u32 s0, $0x7;
	s7 =	simm.s32 @!p1 $0x0  }
0x1bb: {  	p0 =	por !p0, !p0;
	s0 =	ssub.s32 s0, s7;
	s7 =	simm.s32 $0x1  }
0x1bc: {  	s5 =	sshrl.u32 s5, $0x7;
	s0 =	sshll.u32 s0, $0x7;
	s7 =	simm.s32 @!p0 $0x0  }
0x1bd: {  	s0 =	sand.u32 $0x1FFFFF80, s0;
	s5 =	ssub.s32 s5, s7  }
0x1be: {  	s11 =	simm.s32 $0x2400;
	s0 =	sadd.s32 s1, s0;
	s7 =	sshll.u32 s5, $0x7  }
0x1bf: {  	v17 =	vmul.f32 v58, v27;
	v16 =	vmul.f32 v28, v26;
	[tilespmem:s11], [sflag:$0x1] =	stream.strided.gather [hbm4b:s0+s10], $0x1000, s13, s10, $0x38;
	[tilespmem:$0x10600] =	vst v63  }
0x1c0: {  	v46 =	vmul.f32 v33, v60;
	v47 =	vmul.f32 v34, v32;
	s5 =	spop (v2sf);
	s0 =	sand.u32 $0x1FFFFF80, s7  }
0x1c1: {  	v48 =	vmul.f32 v37, v31;
	v16 =	vadd.f32 v17, v16;
	v17 =	vmul.f32 v36, v35;
	s11 =	simm.s32 $0xA400;
	p6 =	slt.s32 s5, $0x1;
	s0 =	sadd.s32 s2, s0  }
0x1c2: {  	v49 =	vmul.f32 v40, v38;
	v50 =	vmul.f32 v41, v39;
	v26 =	vadd.f32 v47, v46;
	[tilespmem:s11], [sflag:$0x1] =	stream.strided.gather [hbm4b:s0+s10], $0x1000, s13, s10, $0x38;
	[tilespmem:$0x10600] =	vst v63  }
0x1c3: {  	(xrf2) =	vadd.scan.msk.f32 $0xffff, v16;
	v16 =	vadd.f32 v48, v17;
	s0 =	sand.u32 $0x7F, s5;
	s11 =	sshra.s32 s5, $0x1F;
	s7 =	spop (v2sf)  }
0x1c4: {  	v17 =	vadd.f32 v50, v49;
	(xrf2) =	vadd.scan.msk.f32 $0xffff, v26;
	p3 =	sne.s32 s0, $0x0;
	s11 =	sshrl.u32 s11, $0x19;
	s0 =	sand.u32 $0x7F, s7  }
0x1c5: {  	(xrf2) =	vadd.scan.msk.f32 $0xffff, v16;
	p5 =	slt.s32 s7, $0x1;
	p4 =	sne.s32 s0, $0x0;
	s0 =	sshra.s32 s7, $0x1F  }
0x1c6: {  	(xrf2) =	vadd.scan.msk.f32 $0xffff, v17;
	s5 =	sadd.s32 s11, s5;
	p1 =	por !p5, !p4;
	s0 =	sshrl.u32 s0, $0x19  }
0x1c7: {  	s0 =	sadd.s32 s0, s7;
	p1 =	por !p1, !p1;
	s7 =	simm.s32 $0x1  }
0x1c8: {  	p0 =	por !p6, !p3;
	s7 =	simm.s32 @!p1 $0x0;
	s0 =	sshrl.u32 s0, $0x7  }
0x1c9: {  	p0 =	por !p0, !p0;
	s0 =	ssub.s32 s0, s7;
	s7 =	simm.s32 $0x1  }
0x1ca: {  	s5 =	sshrl.u32 s5, $0x7;
	s0 =	sshll.u32 s0, $0x7;
	s7 =	simm.s32 @!p0 $0x0  }
0x1cb: {  	s0 =	sand.u32 $0x1FFFFF80, s0;
	s5 =	ssub.s32 s5, s7  }
0x1cc: {  	s11 =	simm.s32 $0x3400;
	s0 =	sadd.s32 s1, s0;
	s7 =	sshll.u32 s5, $0x7  }
0x1cd: {  	v16, _, _ =	vpop (xrf2);
	[tilespmem:s11], [sflag:$0x1] =	stream.strided.gather [hbm4b:s0+s10], $0x1000, s13, s10, $0x38;
	[tilespmem:$0x10600] =	vst v63  }
0x1ce: {  	v17, _, _ =	vpop (xrf2);
	s0 =	sand.u32 $0x1FFFFF80, s7  }
0x1cf: {  	v26, _, _ =	vpop (xrf2);
	s11 =	simm.s32 $0xB400;
	s0 =	sadd.s32 s2, s0  }
0x1d0: {  	v27, _, _ =	vpop (xrf2);
	[tilespmem:s11], [sflag:$0x1] =	stream.strided.gather [hbm4b:s0+s10], $0x1000, s13, s10, $0x38;
	[tilespmem:$0x10600] =	vst v63  }
0x1d1: {  	_ =	swait.ge [sflag:s30], $0x1000  }
0x1d2: {  	[sflag:s30] =	ssyncset.done $0x0  }
0x1d3: {  	[sflag:s30] =	ssyncadd.s32 $0xFFFFF000  }
0x1d4: {  	_ =	swait.ge [sflag:s30], $0x1000  }
0x1d5: {  	[sflag:s30] =	ssyncset.done $0x0  }
0x1d6: {  	[sflag:s30] =	ssyncadd.s32 $0xFFFFF000  }
0x1d7: {  	_ =	swait.ge [sflag:s30], $0x1000  }
0x1d8: {  	[sflag:s30] =	ssyncset.done $0x0  }
0x1d9: {  	[sflag:s30] =	ssyncadd.s32 $0xFFFFF000  }
0x1da: {  	_ =	swait.ge [sflag:s30], $0x1000  }
0x1db: {  	[sflag:s30] =	ssyncset.done $0x0  }
0x1dc: {  	[sflag:s30] =	ssyncadd.s32 $0xFFFFF000  }
0x1dd: {  	_ =	swait.ge [sflag:s30], $0x1000  }
0x1de: {  	[sflag:s30] =	ssyncset.done $0x0  }
0x1df: {  	[sflag:s30] =	ssyncadd.s32 $0xFFFFF000  }
0x1e0: {  	_ =	swait.ge [sflag:s30], $0x1000  }
0x1e1: {  	[sflag:s30] =	ssyncset.done $0x0  }
0x1e2: {  	[sflag:s30] =	ssyncadd.s32 $0xFFFFF000  }
0x1e3: {  	s5 =	sand.u32 $0x7F, s6;
	_ =	swait.ge [sflag:s30], $0x1000  }
0x1e4: {  	v51 =	vor.u32 s5, v8;
	[sflag:s30] =	ssyncset.done $0x0  }
0x1e5: {  	s6 =	sand.u32 $0x7F, s8;
	v52 =	vor.u32 s5, v9;
	[sflag:s30] =	ssyncadd.s32 $0xFFFFF000  }
0x1e6: {  	v53 =	vor.u32 s6, v8;
	_ =	swait.ge [sflag:s30], $0x1000  }
0x1e7: {  	v54 =	vor.u32 s6, v9;
	s7 =	sand.u32 $0x7F, s22;
	[sflag:s30] =	ssyncset.done $0x0  }
0x1e8: {  	v55 =	vor.u32 s7, v10;
	[sflag:s30] =	ssyncadd.s32 $0xFFFFF000  }
0x1e9: {  	s8 =	sand.u32 $0x7F, s21;
	v56 =	vor.u32 s7, v11;
	v28 =	vld.idx.msk [tilespmem:v51+s10+$0x0], $0xffff  }
0x1ea: {  	v57 =	vor.u32 s8, v10;
	v29 =	vld.idx.msk [tilespmem:v52+s10+$0x0], $0xffff  }
0x1eb: {  	v58 =	vor.u32 s8, v11;
	s11 =	sand.u32 $0x7F, s25;
	v30 =	vld.idx.msk [tilespmem:v53+s14+$0x0], $0xffff  }
0x1ec: {  	v59 =	vor.u32 s11, v12;
	v31 =	vld.idx.msk [tilespmem:v54+s14+$0x0], $0xffff  }
0x1ed: {  	s21 =	sand.u32 $0x7F, s15;
	v60 =	vor.u32 s11, v13;
	v32 =	vld.idx.msk [tilespmem:v55+s10+$0x0], $0xffff  }
0x1ee: {  	v61 =	vor.u32 s21, v12;
	v33 =	vld.idx.msk [tilespmem:v56+s10+$0x0], $0xffff  }
0x1ef: {  	v62 =	vor.u32 s21, v13;
	s22 =	sand.u32 $0x7F, s16;
	v34 =	vld.idx.msk [tilespmem:v57+s14+$0x0], $0xffff  }
0x1f0: {  	v63 =	vor.u32 s22, v14;
	s25 =	sand.u32 $0x7F, s17;
	v35 =	vld.idx.msk [tilespmem:v58+s14+$0x0], $0xffff  }
0x1f1: {  	v45 =	vor.u32 s25, v14;
	v36 =	vld.idx.msk [tilespmem:v59+s10+$0x0], $0xffff  }
0x1f2: {  	v42 =	vor.u32 s22, v15;
	v37 =	vld.idx.msk [tilespmem:v60+s10+$0x0], $0xffff  }
0x1f3: {  	v43 =	vor.u32 s25, v15;
	v38 =	vld.idx.msk [tilespmem:v61+s14+$0x0], $0xffff  }
0x1f4: {  	v39 =	vld.idx.msk [tilespmem:v62+s14+$0x0], $0xffff  }
0x1f5: {  	v40 =	vld.idx.msk [tilespmem:v63+s10+$0x0], $0xffff  }
0x1f6: {  	v41 =	vld.idx.msk [tilespmem:v45+s14+$0x0], $0xffff  }
0x1f7: {  	v42 =	vld.idx.msk [tilespmem:v42+s10+$0x0], $0xffff;
	v28 =	vmul.f32 v30, v28;
	v29 =	vmul.f32 v31, v29  }
0x1f8: {  	v46 =	vld.idx.msk [tilespmem:v43+s14+$0x0], $0xffff;
	v47 =	vmul.f32 v34, v32;
	v48 =	vmul.f32 v35, v33  }
0x1f9: {  	v28 =	vadd.f32 v29, v28  }
0x1fa: {  	v49 =	vmul.f32 v38, v36;
	v50 =	vmul.f32 v39, v37;
	v31 =	vadd.f32 v48, v47  }
0x1fb: {  	v20 =	vbroadcast v20, $0xF;
	v22 =	vbroadcast v22, $0xF;
	(xrf2) =	vadd.scan.msk.f32 $0xffff, v28  }
0x1fc: {  	v21 =	vbroadcast v21, $0xF;
	v19 =	vbroadcast v19, $0xF;
	v52 =	vadd.f32 v50, v49;
	(xrf2) =	vadd.scan.msk.f32 $0xffff, v31  }
0x1fd: {  	v20 =	vsel vm0, v20, v22;
	v51 =	vmul.f32 v41, v40;
	v53 =	vmul.f32 v46, v42  }
0x1fe: {  	v20 =	vsel vm1, v20, v21;
	v18 =	vbroadcast v18, $0xF;
	(xrf2) =	vadd.scan.msk.f32 $0xffff, v52  }
0x1ff: {  	v19 =	vsel vm2, v20, v19;
	v55 =	vbroadcast v23, $0xF;
	v54 =	vadd.f32 v53, v51  }
0x200: {  	v18 =	vsel vm3, v19, v18;
	v56 =	vbroadcast v24, $0xF  }
0x201: {  	v57 =	vbroadcast v25, $0xF;
	v18 =	vsel vm4, v18, v55;
	(xrf2) =	vadd.scan.msk.f32 $0xffff, v54  }
0x202: {  	v16 =	vbroadcast v16, $0xF;
	v18 =	vsel vm5, v18, v56  }
0x203: {  	v17 =	vbroadcast v17, $0xF;
	v18 =	vsel vm6, v18, v57  }
0x204: {  	v58 =	vbroadcast v26, $0xF;
	v16 =	vsel vm7, v18, v16  }
0x205: {  	v16 =	vsel vm8, v16, v17;
	v17 =	vbroadcast v27, $0xF;
	v59, _, _ =	vpop (xrf2)  }
0x206: {  	v16 =	vsel vm9, v16, v58;
	v60, _, _ =	vpop (xrf2)  }
0x207: {  	v16 =	vsel vm10, v16, v17;
	v61 =	vbroadcast v59, $0xF;
	v17 =	vbroadcast v60, $0xF  }
0x208: {  	p0 =	sne.s32 s9, $0x20;
	v62, _, _ =	vpop (xrf2)  }
.Ltmp0:
0x209: {  	v16 =	vsel vm11, v16, v61;
	v63 =	vbroadcast v62, $0xF;
	(pc) =	sbr.rel @p0 .LBB2_2-.Ltmp0, $4  }
0x20a: {  	s4 =	sadd.s32 $0x10, s4;
	s3 =	sadd.s32 $0x10, s3;
	v16 =	vsel vm12, v16, v17  }
0x20b: {  	s23 =	simm.s32 $0xE400;
	s24 =	simm.s32 $0x7400;
	s29 =	simm.s32 $0x2400;
	v16 =	vsel vm13, v16, v63;
	v17, _, _ =	vpop (xrf2)  }
0x20c: {  	s19 =	simm.s32 $0x6400;
	s18 =	simm.s32 $0xD400;
	s9 =	sadd.s32 $0x1, s9;
	v16 =	vsel vm14, v16, v17  }
0x20d: {  	s16 =	simm.s32 $0x4400;
	s17 =	simm.s32 $0x5400;
	[tilespmem:s31+$0x0] =	vst v16;
	s31 =	sadd.s32 $0x10, s31  }
0x20e: {  	_ =	swait.ge [sflag:s12], $0x1000  }
0x20f: {  	[sflag:s12] =	ssyncset.done $0x0  }
0x210: {  	[sflag:s12] =	ssyncadd.s32 $0xFFFFF000  }
0x211: {  	_ =	swait.ge [sflag:s12], $0x1000  }
0x212: {  	[sflag:s12] =	ssyncset.done $0x0  }
0x213: {  	[sflag:s12] =	ssyncadd.s32 $0xFFFFF000  }
0x214: {  	_ =	swait.ge [sflag:s12], $0x1000  }
0x215: {  	[sflag:s12] =	ssyncset.done $0x0  }
0x216: {  	[sflag:s12] =	ssyncadd.s32 $0xFFFFF000  }
0x217: {  	_ =	swait.ge [sflag:s12], $0x1000  }
0x218: {  	[sflag:s12] =	ssyncset.done $0x0  }
0x219: {  	[sflag:s12] =	ssyncadd.s32 $0xFFFFF000  }
0x21a: {  	_ =	swait.ge [sflag:s12], $0x1000  }
0x21b: {  	[sflag:s12] =	ssyncset.done $0x0  }
0x21c: {  	[sflag:s12] =	ssyncadd.s32 $0xFFFFF000  }
0x21d: {  	_ =	swait.ge [sflag:s12], $0x1000  }
0x21e: {  	[sflag:s12] =	ssyncset.done $0x0  }
0x21f: {  	[sflag:s12] =	ssyncadd.s32 $0xFFFFF000  }
0x220: {  	_ =	swait.ge [sflag:s12], $0x1000  }
0x221: {  	[sflag:s12] =	ssyncset.done $0x0  }
0x222: {  	[sflag:s12] =	ssyncadd.s32 $0xFFFFF000  }
0x223: {  	_ =	swait.ge [sflag:s12], $0x1000  }
0x224: {  	s11 =	simm.s32 $0x0;
	s3 =	simm.s32 $0x10400;
	[sflag:s12] =	ssyncset.done $0x0  }
0x225: {  	s5 =	simm.s32 $0x3;
	s0 =	rddreg [dreg:$0x8];
	[sflag:s12] =	ssyncadd.s32 $0xFFFFF000  }
0x226: {  	[hbm4b:s0+s11] =	stream.linear.scatter [tilespmem:s3], [sflag:$0x3], $0x200, $0x38;
	[tilespmem:$0x10600] =	vst v63  }
0x227: {  	_ =	swait.ge [sflag:s5], $0x200  }
0x228: {  	s25 =	rddreg [dreg:$0xa]  }
0x229: {  	s31 =	rddreg [dreg:$0x9];
	s3 =	sadd.s32 $0x1, s25  }
0x22a: {  	p0 =	sne.s32 s3, s31  }
.Ltmp1:
0x22b: {  	_ = 	snop;
	(pc) =	sbr.rel @p0 .LBB2_1-.Ltmp1, $3  }
0x22c: {  	_ =	sdelay $0x1  }
0x22d: {  	s7 =	simm.s32 $0xA400;
	[sflag:s5] =	ssyncset.done $0x0  }
0x22e: {  	s8 =	simm.s32 $0x3400;
	s9 =	simm.s32 $0xB400;
	[sflag:s5] =	ssyncadd.s32 $0xFFFFFE00  }
0x22f: {  	_ =	sfence.sel $0x180000  }
0x230: {  	[bflag:$0x0] =	sbarrier.arrive $0xFFFF  }
0x231: {  	_ =	strace $0x90000047  }
0x232: {  	s0 =	stileid.u32;
	[bflag:$0x2] =	sbarrier.arrive $0xFFFF  }
0x233: {  	p0 =	sne.s32 s0, $0x0;
	s0 =	rddreg [dreg:$0x5]  }
0x234: {  	s0 =	sadd.s32 @!p0 $0x100000, s0  }
0x235: {  	[sflag:s0] =	ssyncadd.tile.s32 @!p0 $0x1;
	_ =	shalt  }
.Lfunc_end2:
_tile_overlayer_lowered:
.L_overlay_start_2:
0x236: {  	(tag) =	ssettag $0x2  }
0x237: {  	s0 =	rddreg [dreg:$0x0];
	s2 =	stileid.u32  }
0x238: {  	s1 =	rddreg [dreg:$0x1];
	p0 =	sne.s32 s2, $0x0  }
0x239: {  	s3 =	rddreg [dreg:$0x2];
	[bflag:$0x3] =	sbarrier.arrive $0xFFFF;
	s2 =	simm.s32 @!p0 $0x1C03  }
0x23a: {  	[timem:s3], [sflag:s2] =	dma.local @!p0 [hbm:s0], s1  }
0x23b: {  	s0 =	simm.s32 @!p0 $0x3  }
0x23c: {  	_ =	swait.ge @!p0 [sflag:s0], s1  }
0x23d: {  	s1 =	ssub.s32 @!p0 $0x0, s1;
	[sflag:s0] =	ssyncset.done @!p0 $0x0  }
0x23e: {  	[sflag:s0] =	ssyncadd.s32 @!p0 s1  }
0x23f: {  	[bflag:$0x3] =	sbarrier.arrive $0xFFFF  }
0x240: {  	_ =	shalt  }

</sc_bundles>
